<compile_context>
chip_gen: v7x
topology: tpu7x:2x2x1
jax: 0.10.2.dev20260603
libtpu: 0.0.44.dev20260713+nightly
codegen_flags: <defaults>
</compile_context>

<pallas_src>
import functools

import jax
import jax.numpy as jnp
import numpy as np
from jax import lax
from jax.experimental import pallas as pl
from jax.experimental.pallas import tpu as pltpu
from jax.experimental.pallas import tpu_sc as plsc

_HIDDEN = 128
_NGAUSS = 50
_NFILT = 128
_NNODES = 10000
_NEDGES = 320000
_CUTOFF = 10.0

_NC = 2
_NS = 16
_NW = _NC * _NS
_CH = 64
_NPH = 2
_EPW = 5120
_NHALF = 2
_EPH = _EPW // _NHALF
_NCHUNK_H = _EPH // _CH
_NPAIR = _NCHUNK_H // 2
_NE_PH = _NW * _EPW
_NE_PAD = _NPH * _NE_PH
_EBLK = 2560
_NEBLK_REAL = _NEDGES // _EBLK
_NEBLK_PAD = _NE_PAD // _EBLK
_ACC_ROWS = 10112
_RPS = 632
_DUMMY = _NNODES


def _edge_mlp(edge_attr, ew2d, w1, b1, w2, b2, nblk_real, nblk_pad):
  last = nblk_real - 1

  def body(ea, ew, w1r, b1r, w2r, b2r, o):
    hmid = jnp.tanh(
        jnp.dot(ea[...].astype(jnp.bfloat16), w1r[...].astype(jnp.bfloat16),
                preferred_element_type=jnp.float32)
        + b1r[...])
    w = jnp.dot(hmid.astype(jnp.bfloat16), w2r[...].astype(jnp.bfloat16),
                preferred_element_type=jnp.float32) + b2r[...]
    d = ew[0, 0, :]
    cut = 0.5 * (jnp.cos(d * (np.pi / _CUTOFF)) + 1.0) * (
        d < _CUTOFF).astype(jnp.float32)
    o[...] = w * cut[:, None]

  return pl.pallas_call(
      body,
      grid=(nblk_pad,),
      in_specs=[
          pl.BlockSpec((_EBLK, _NGAUSS), lambda i: (jnp.minimum(i, last), 0)),
          pl.BlockSpec((1, 1, _EBLK), lambda i: (jnp.minimum(i, last), 0, 0)),
          pl.BlockSpec((_NGAUSS, _NFILT), lambda i: (0, 0)),
          pl.BlockSpec((1, _NFILT), lambda i: (0, 0)),
          pl.BlockSpec((_NFILT, _NFILT), lambda i: (0, 0)),
          pl.BlockSpec((1, _NFILT), lambda i: (0, 0)),
      ],
      out_specs=pl.BlockSpec((_EBLK, _NFILT), lambda i: (i, 0)),
      out_shape=jax.ShapeDtypeStruct((nblk_pad * _EBLK, _NFILT), jnp.float32),
  )(edge_attr, ew2d, w1, b1, w2, b2)


def _node_matmul(x, w):
  def body(xr, wr, o):
    o[...] = jnp.dot(xr[...], wr[...], preferred_element_type=jnp.float32)

  return pl.pallas_call(
      body,
      out_shape=jax.ShapeDtypeStruct((x.shape[0], w.shape[1]), jnp.float32),
  )(x, w)


def _sc_gather_scatter(h_j, w_e, src, dst4):
  mesh = plsc.VectorSubcoreMesh(core_axis_name="c", subcore_axis_name="s")

  @functools.partial(
      pl.kernel,
      mesh=mesh,
      out_type=jax.ShapeDtypeStruct((_NC, _ACC_ROWS, _NFILT), jnp.float32),
      scratch_types=[
          pltpu.VMEM((_EPH,), jnp.int32),
          pltpu.VMEM((_NCHUNK_H, _CH), jnp.int32),
          pltpu.VMEM((_CH, _NFILT), jnp.float32),
          pltpu.VMEM((_CH, _NFILT), jnp.float32),
          pltpu.VMEM((_CH, _NFILT), jnp.float32),
          pltpu.VMEM((_CH, _NFILT), jnp.float32),
          pltpu.VMEM_SHARED((_ACC_ROWS, _NFILT), jnp.float32),
          pltpu.SemaphoreType.DMA,
          pltpu.SemaphoreType.DMA,
          pltpu.SemaphoreType.DMA,
          pltpu.SemaphoreType.DMA,
          pltpu.SemaphoreType.DMA,
          pltpu.SemaphoreType.DMA,
      ],
  )
  def sck(hj_hbm, w_hbm, src_hbm, dst_hbm, out_hbm,
          src_v, dst_v, rows0, rows1, wv0, wv1, acc,
          gsem0, gsem1, wsem0, wsem1, ssem0, ssem1):
    c = lax.axis_index("c")
    s = lax.axis_index("s")
    rows = (rows0, rows1)
    wv = (wv0, wv1)
    gsem = (gsem0, gsem1)
    wsem = (wsem0, wsem1)
    ssem = (ssem0, ssem1)

    def zrow(r, carry):
      for k in range(_NFILT // 16):
        rows0[r, pl.ds(k * 16, 16)] = jnp.zeros((16,), jnp.float32)
      return carry

    lax.fori_loop(0, _CH, zrow, 0)
    nfull = _RPS // _CH
    for t in range(nfull):
      pltpu.sync_copy(rows0, acc.at[pl.ds(s * _RPS + t * _CH, _CH)])
    rem = _RPS - nfull * _CH
    if rem:
      pltpu.sync_copy(rows0.at[pl.ds(0, rem)],
                      acc.at[pl.ds(s * _RPS + nfull * _CH, rem)])
    plsc.subcore_barrier()

    wid = c * _NS + s

    def g_issue(k, b):
      return pltpu.async_copy(
          hj_hbm.at[src_v.at[pl.ds(k * _CH, _CH)]], rows[b], gsem[b])

    def w_issue(hbase, k, b):
      return pltpu.async_copy(
          w_hbm.at[pl.ds(hbase + k * _CH, _CH)], wv[b], wsem[b])

    def s_issue(k, b):
      return pltpu.async_copy(wv[b], acc.at[dst_v.at[k]], ssem[b], add=True)

    def s_wait(k, b):
      pltpu.make_async_copy(wv[b], acc.at[dst_v.at[k]], ssem[b]).wait()

    for h in range(_NHALF):
      hbase = wid * _EPW + h * _EPH
      pltpu.sync_copy(src_hbm.at[pl.ds(hbase, _EPH)], src_v)
      pltpu.sync_copy(dst_hbm.at[wid].at[h], dst_v)
      g_issue(0, 0)
      g_issue(1, 1)
      w_issue(hbase, 0, 0)

      def pair(kk, carry):
        for b in range(2):
          b2 = 1 - b
          k = kk * 2 + b
          pltpu.make_async_copy(
              hj_hbm.at[src_v.at[pl.ds(k * _CH, _CH)]], rows[b],
              gsem[b]).wait()
          pltpu.make_async_copy(
              w_hbm.at[pl.ds(hbase + k * _CH, _CH)], wv[b], wsem[b]).wait()

          def row(r, rc):
            for kk8 in range(_NFILT // 16):
              sl = pl.ds(kk8 * 16, 16)
              wv[b][r, sl] = rows[b][r, sl] * wv[b][r, sl]
            return rc

          lax.fori_loop(0, _CH, row, 0)

          @pl.when(kk < _NPAIR - 1)
          def _():
            g_issue(k + 2, b)

          s_issue(k, b)
          if b == 0:
            @pl.when(kk > 0)
            def _():
              s_wait(k - 1, b2)

            w_issue(hbase, k + 1, b2)
          else:
            s_wait(k - 1, b2)

            @pl.when(kk < _NPAIR - 1)
            def _():
              w_issue(hbase, k + 1, b2)
        return carry

      lax.fori_loop(0, _NPAIR, pair, 0)
      s_wait(2 * _NPAIR - 1, 1)

    plsc.subcore_barrier()
    pltpu.sync_copy(acc.at[pl.ds(s * _RPS, _RPS)],
                    out_hbm.at[c].at[pl.ds(s * _RPS, _RPS)])

  return sck(h_j, w_e, src, dst4)


def _final(part_a, part_b, lout_w, lout_b):
  nblk = 25
  rows = _NNODES // nblk

  def body(p, q, lw, lb, o):
    pp = p[...]
    qq = q[...]
    o[...] = jnp.dot(pp[0] + pp[1] + qq[0] + qq[1], lw[...],
                     preferred_element_type=jnp.float32) + lb[...]

  return pl.pallas_call(
      body,
      grid=(nblk,),
      in_specs=[
          pl.BlockSpec((_NC, rows, _NFILT), lambda i: (0, i, 0)),
          pl.BlockSpec((_NC, rows, _NFILT), lambda i: (0, i, 0)),
          pl.BlockSpec((_NFILT, _HIDDEN), lambda i: (0, 0)),
          pl.BlockSpec((1, _HIDDEN), lambda i: (0, 0)),
      ],
      out_specs=pl.BlockSpec((rows, _HIDDEN), lambda i: (i, 0)),
      out_shape=jax.ShapeDtypeStruct((_NNODES, _HIDDEN), jnp.float32),
  )(part_a, part_b, lout_w, lout_b)


def kernel(h, edge_index, edge_weight, edge_attr,
           mlp_W1, mlp_b1, mlp_W2, mlp_b2, lin_W, lout_W, lout_b):
  src = edge_index[0].astype(jnp.int32)
  dst = edge_index[1].astype(jnp.int32)
  npad = _NE_PAD - _NEDGES
  src_p = jnp.pad(src, (0, npad))
  dst_p = jnp.pad(dst, (0, npad), constant_values=_DUMMY)
  dst5 = dst_p.reshape(_NPH, _NW, _NHALF, _NCHUNK_H, _CH)

  h_j = _node_matmul(h, lin_W)
  b1r = mlp_b1.reshape(1, -1)
  b2r = mlp_b2.reshape(1, -1)
  nblk_pad = _NE_PH // _EBLK
  parts = []
  for p in range(_NPH):
    lo = p * _NE_PH
    hi = min((p + 1) * _NE_PH, _NEDGES)
    nblk_real = (hi - lo) // _EBLK
    ea_p = edge_attr[lo:hi]
    ew_p = edge_weight[lo:hi].reshape(nblk_real, 1, _EBLK)
    w_p = _edge_mlp(ea_p, ew_p, mlp_W1, b1r, mlp_W2, b2r,
                    nblk_real, nblk_pad)
    parts.append(_sc_gather_scatter(
        h_j, w_p, src_p[lo:lo + _NE_PH], dst5[p]))
  return _final(parts[0], parts[1], lout_W, lout_b.reshape(1, -1))

# --- scband reference (transcript-rebuilt; emitter-appended) ---
"""Pipeline reference for scband-sch-net-interaction-42099269435469 (READ-ONLY COPY).

The authoritative reference and input builder live on the scoring server;
editing this copy changes nothing except your own understanding.
"""

import jax, jax.numpy as jnp
import numpy as np

HIDDEN = 128
NUM_GAUSS = 50
NUM_FILTERS = 128
CUTOFF = 10.0
N_NODES = 10000
N_EDGES = 320000


def setup_inputs(seed: int = 0) -> dict:
    key = jax.random.key(seed)
    ks = jax.random.split(key, 12)
    h = jax.random.normal(ks[0], (N_NODES, HIDDEN), dtype=jnp.float32)
    edge_index = jax.random.randint(ks[1], (2, N_EDGES), 0, N_NODES, dtype=jnp.int64)
    edge_weight = jax.random.uniform(ks[2], (N_EDGES,), dtype=jnp.float32)
    edge_attr = jax.random.normal(ks[3], (N_EDGES, NUM_GAUSS), dtype=jnp.float32)
    # mlp: Linear(num_gaussians, num_filters) -> Tanh -> Linear(num_filters, num_filters)
    mlp_W1 = jax.random.normal(ks[4], (NUM_GAUSS, NUM_FILTERS), dtype=jnp.float32) * (1.0 / np.sqrt(NUM_GAUSS))
    mlp_b1 = jnp.zeros((NUM_FILTERS,), dtype=jnp.float32)
    mlp_W2 = jax.random.normal(ks[5], (NUM_FILTERS, NUM_FILTERS), dtype=jnp.float32) * (1.0 / np.sqrt(NUM_FILTERS))
    mlp_b2 = jnp.zeros((NUM_FILTERS,), dtype=jnp.float32)
    # lin: Linear(hidden_channels, num_filters, bias=False)
    lin_W = jax.random.normal(ks[6], (HIDDEN, NUM_FILTERS), dtype=jnp.float32) * (1.0 / np.sqrt(HIDDEN))
    # lin_out: Linear(num_filters, hidden_channels)
    lout_W = jax.random.normal(ks[7], (NUM_FILTERS, HIDDEN), dtype=jnp.float32) * (1.0 / np.sqrt(NUM_FILTERS))
    lout_b = jnp.zeros((HIDDEN,), dtype=jnp.float32)
    return {
        "h": h,
        "edge_index": edge_index,
        "edge_weight": edge_weight,
        "edge_attr": edge_attr,
        "mlp_W1": mlp_W1,
        "mlp_b1": mlp_b1,
        "mlp_W2": mlp_W2,
        "mlp_b2": mlp_b2,
        "lin_W": lin_W,
        "lout_W": lout_W,
        "lout_b": lout_b,
    }


def cutoff_cosine(distances, cutoff):
    return 0.5 * (jnp.cos(distances * np.pi / cutoff) + 1.0) * (distances < cutoff).astype(jnp.float32)


def reference(h, edge_index, edge_weight, edge_attr, mlp_W1, mlp_b1, mlp_W2, mlp_b2, lin_W, lout_W, lout_b):
    # W = mlp(edge_attr) * cutoff_cosine(edge_weight).unsqueeze(-1)
    hidden_mlp = jnp.tanh(edge_attr @ mlp_W1 + mlp_b1)
    W = (hidden_mlp @ mlp_W2 + mlp_b2) * cutoff_cosine(edge_weight, CUTOFF)[:, None]
    # h_j = lin(h)
    h_j = h @ lin_W
    src = edge_index[0]
    dst = edge_index[1]
    messages = h_j[src] * W
    out = jnp.zeros_like(h).at[dst].add(messages)
    return out @ lout_W + lout_b

if __name__ == "__main__":
    import jax
    _d = setup_inputs()
    print(jax.jit(kernel)(*tuple(_d.values())))

</pallas_src>

<mosaic_0001>
#map = affine_map<(d0, d1) -> (0, 0)>
#map1 = affine_map<(d0, d1) -> (0)>
#map2 = affine_map<(d0, d1) -> (0, 0, 0, 0)>
#map3 = affine_map<(d0, d1) -> (0, 0, 0)>
module attributes {stable_mosaic.version = 14 : i64} {
  func.func @sck(%arg0: i32, %arg1: i32, %arg2: memref<10000x128xf32, #tpu.memory_space<hbm>>, %arg3: memref<163840x128xf32, #tpu.memory_space<hbm>>, %arg4: memref<163840xi32, #tpu.memory_space<hbm>>, %arg5: memref<32x2x40x64xi32, #tpu.memory_space<hbm>>, %arg6: memref<2x10112x128xf32, #tpu.memory_space<hbm>>, %arg7: memref<2560xi32, #tpu.memory_space<vmem>>, %arg8: memref<40x64xi32, #tpu.memory_space<vmem>>, %arg9: memref<64x128xf32, #tpu.memory_space<vmem>>, %arg10: memref<64x128xf32, #tpu.memory_space<vmem>>, %arg11: memref<64x128xf32, #tpu.memory_space<vmem>>, %arg12: memref<64x128xf32, #tpu.memory_space<vmem>>, %arg13: memref<10112x128xf32, #tpu.memory_space<vmem_shared>>, %arg14: memref<!tpu.dma_semaphore, #tpu.memory_space<semaphore_mem>>, %arg15: memref<!tpu.dma_semaphore, #tpu.memory_space<semaphore_mem>>, %arg16: memref<!tpu.dma_semaphore, #tpu.memory_space<semaphore_mem>>, %arg17: memref<!tpu.dma_semaphore, #tpu.memory_space<semaphore_mem>>, %arg18: memref<!tpu.dma_semaphore, #tpu.memory_space<semaphore_mem>>, %arg19: memref<!tpu.dma_semaphore, #tpu.memory_space<semaphore_mem>>) attributes {dimension_semantics = [#tpu.dimension_semantics<core_parallel>, #tpu.dimension_semantics<subcore_parallel>], iteration_bounds = array<i64: 2, 16>, scalar_prefetch = 0 : i64, scratch_operands = 13 : i64, tpu.core_type = #tpu.core_type<sc_vector_subcore>, window_params = [{transform_indices = #map}, {transform_indices = #map}, {transform_indices = #map1}, {transform_indices = #map2}, {transform_indices = #map3}]} {
    %scan3A = arith.constant 0 : i32
    %scan3A_0 = arith.constant 0 : i32
    %scan3A_1 = arith.constant 64 : i32
    %scan3A_2 = arith.addi %scan3A_0, %scan3A_1 : i32
    %scan3A_3 = arith.constant 1 : i32
    scf.for %scan3A_116 = %scan3A_0 to %scan3A_2 step %scan3A_3  : i32 {
      %broadcast_in_dim3A = arith.constant 0.000000e+00 : f32
      %broadcast_in_dim3A_117 = vector.broadcast %broadcast_in_dim3A : f32 to vector<16xf32>
      %swap3A = arith.index_cast %scan3A_116 : i32 to index
      %swap3A_118 = arith.constant 0 : index
      %swap3A_119 = tpu.vector_load %arg9[%swap3A, %swap3A_118] {strides = array<i32>} : memref<64x128xf32, #tpu.memory_space<vmem>>, vector<1x16xf32>,
      %swap3A_120 = vector.shape_cast %swap3A_119 : vector<1x16xf32> to vector<16xf32>
      %swap3A_121 = vector.shape_cast %broadcast_in_dim3A_117 : vector<16xf32> to vector<1x16xf32>
      tpu.vector_store %arg9[%swap3A, %swap3A_118], %swap3A_121 {strides = array<i32>} : memref<64x128xf32, #tpu.memory_space<vmem>>, vector<1x16xf32>,
      %broadcast_in_dim3A_122 = arith.constant 0.000000e+00 : f32
      %broadcast_in_dim3A_123 = vector.broadcast %broadcast_in_dim3A_122 : f32 to vector<16xf32>
      %swap3A_124 = arith.index_cast %scan3A_116 : i32 to index
      %swap3A_125 = arith.constant 16 : index
      %swap3A_126 = tpu.vector_load %arg9[%swap3A_124, %swap3A_125] {strides = array<i32>} : memref<64x128xf32, #tpu.memory_space<vmem>>, vector<1x16xf32>,
      %swap3A_127 = vector.shape_cast %swap3A_126 : vector<1x16xf32> to vector<16xf32>
      %swap3A_128 = vector.shape_cast %broadcast_in_dim3A_123 : vector<16xf32> to vector<1x16xf32>
      tpu.vector_store %arg9[%swap3A_124, %swap3A_125], %swap3A_128 {strides = array<i32>} : memref<64x128xf32, #tpu.memory_space<vmem>>, vector<1x16xf32>,
      %broadcast_in_dim3A_129 = arith.constant 0.000000e+00 : f32
      %broadcast_in_dim3A_130 = vector.broadcast %broadcast_in_dim3A_129 : f32 to vector<16xf32>
      %swap3A_131 = arith.index_cast %scan3A_116 : i32 to index
      %swap3A_132 = arith.constant 32 : index
      %swap3A_133 = tpu.vector_load %arg9[%swap3A_131, %swap3A_132] {strides = array<i32>} : memref<64x128xf32, #tpu.memory_space<vmem>>, vector<1x16xf32>,
      %swap3A_134 = vector.shape_cast %swap3A_133 : vector<1x16xf32> to vector<16xf32>
      %swap3A_135 = vector.shape_cast %broadcast_in_dim3A_130 : vector<16xf32> to vector<1x16xf32>
      tpu.vector_store %arg9[%swap3A_131, %swap3A_132], %swap3A_135 {strides = array<i32>} : memref<64x128xf32, #tpu.memory_space<vmem>>, vector<1x16xf32>,
      %broadcast_in_dim3A_136 = arith.constant 0.000000e+00 : f32
      %broadcast_in_dim3A_137 = vector.broadcast %broadcast_in_dim3A_136 : f32 to vector<16xf32>
      %swap3A_138 = arith.index_cast %scan3A_116 : i32 to index
      %swap3A_139 = arith.constant 48 : index
      %swap3A_140 = tpu.vector_load %arg9[%swap3A_138, %swap3A_139] {strides = array<i32>} : memref<64x128xf32, #tpu.memory_space<vmem>>, vector<1x16xf32>,
      %swap3A_141 = vector.shape_cast %swap3A_140 : vector<1x16xf32> to vector<16xf32>
      %swap3A_142 = vector.shape_cast %broadcast_in_dim3A_137 : vector<16xf32> to vector<1x16xf32>
      tpu.vector_store %arg9[%swap3A_138, %swap3A_139], %swap3A_142 {strides = array<i32>} : memref<64x128xf32, #tpu.memory_space<vmem>>, vector<1x16xf32>,
      %broadcast_in_dim3A_143 = arith.constant 0.000000e+00 : f32
      %broadcast_in_dim3A_144 = vector.broadcast %broadcast_in_dim3A_143 : f32 to vector<16xf32>
      %swap3A_145 = arith.index_cast %scan3A_116 : i32 to index
      %swap3A_146 = arith.constant 64 : index
      %swap3A_147 = tpu.vector_load %arg9[%swap3A_145, %swap3A_146] {strides = array<i32>} : memref<64x128xf32, #tpu.memory_space<vmem>>, vector<1x16xf32>,
      %swap3A_148 = vector.shape_cast %swap3A_147 : vector<1x16xf32> to vector<16xf32>
      %swap3A_149 = vector.shape_cast %broadcast_in_dim3A_144 : vector<16xf32> to vector<1x16xf32>
      tpu.vector_store %arg9[%swap3A_145, %swap3A_146], %swap3A_149 {strides = array<i32>} : memref<64x128xf32, #tpu.memory_space<vmem>>, vector<1x16xf32>,
      %broadcast_in_dim3A_150 = arith.constant 0.000000e+00 : f32
      %broadcast_in_dim3A_151 = vector.broadcast %broadcast_in_dim3A_150 : f32 to vector<16xf32>
      %swap3A_152 = arith.index_cast %scan3A_116 : i32 to index
      %swap3A_153 = arith.constant 80 : index
      %swap3A_154 = tpu.vector_load %arg9[%swap3A_152, %swap3A_153] {strides = array<i32>} : memref<64x128xf32, #tpu.memory_space<vmem>>, vector<1x16xf32>,
      %swap3A_155 = vector.shape_cast %swap3A_154 : vector<1x16xf32> to vector<16xf32>
      %swap3A_156 = vector.shape_cast %broadcast_in_dim3A_151 : vector<16xf32> to vector<1x16xf32>
      tpu.vector_store %arg9[%swap3A_152, %swap3A_153], %swap3A_156 {strides = array<i32>} : memref<64x128xf32, #tpu.memory_space<vmem>>, vector<1x16xf32>,
      %broadcast_in_dim3A_157 = arith.constant 0.000000e+00 : f32
      %broadcast_in_dim3A_158 = vector.broadcast %broadcast_in_dim3A_157 : f32 to vector<16xf32>
      %swap3A_159 = arith.index_cast %scan3A_116 : i32 to index
      %swap3A_160 = arith.constant 96 : index
      %swap3A_161 = tpu.vector_load %arg9[%swap3A_159, %swap3A_160] {strides = array<i32>} : memref<64x128xf32, #tpu.memory_space<vmem>>, vector<1x16xf32>,
      %swap3A_162 = vector.shape_cast %swap3A_161 : vector<1x16xf32> to vector<16xf32>
      %swap3A_163 = vector.shape_cast %broadcast_in_dim3A_158 : vector<16xf32> to vector<1x16xf32>
      tpu.vector_store %arg9[%swap3A_159, %swap3A_160], %swap3A_163 {strides = array<i32>} : memref<64x128xf32, #tpu.memory_space<vmem>>, vector<1x16xf32>,
      %broadcast_in_dim3A_164 = arith.constant 0.000000e+00 : f32
      %broadcast_in_dim3A_165 = vector.broadcast %broadcast_in_dim3A_164 : f32 to vector<16xf32>
      %swap3A_166 = arith.index_cast %scan3A_116 : i32 to index
      %swap3A_167 = arith.constant 112 : index
      %swap3A_168 = tpu.vector_load %arg9[%swap3A_166, %swap3A_167] {strides = array<i32>} : memref<64x128xf32, #tpu.memory_space<vmem>>, vector<1x16xf32>,
      %swap3A_169 = vector.shape_cast %swap3A_168 : vector<1x16xf32> to vector<16xf32>
      %swap3A_170 = vector.shape_cast %broadcast_in_dim3A_165 : vector<16xf32> to vector<1x16xf32>
      tpu.vector_store %arg9[%swap3A_166, %swap3A_167], %swap3A_170 {strides = array<i32>} : memref<64x128xf32, #tpu.memory_space<vmem>>, vector<1x16xf32>,
    }
    %scan3A_4 = arith.constant 64 : i32
    %mul3A = arith.constant 632 : i32
    %mul3A_5 = arith.muli %arg1, %mul3A : i32
    %add3A = arith.constant 0 : i32
    %add3A_6 = arith.addi %mul3A_5, %add3A : i32
    "tpu.region"() ({
      %run_scoped3A_116 = tpu.sem_alloc : memref<!tpu.dma_semaphore, #tpu.memory_space<semaphore_mem>>
      %dma_start3A_117 = arith.constant 0 : i32
      %dma_start3A_118 = tpu.memref_slice %arg13[%add3A_6, %dma_start3A_117] : memref<10112x128xf32, #tpu.memory_space<vmem_shared>> -> memref<64x128xf32, #tpu.memory_space<vmem_shared>>
      %dma_start3A_119 = arith.constant 0 : i32
      %dma_start3A_120 = tpu.memref_slice %arg13[%add3A_6, %dma_start3A_119] : memref<10112x128xf32, #tpu.memory_space<vmem_shared>> -> memref<64x128xf32, #tpu.memory_space<vmem_shared>>
      tpu.enqueue_dma source(%arg9 : memref<64x128xf32, #tpu.memory_space<vmem>>) target(%dma_start3A_120 : memref<64x128xf32, #tpu.memory_space<vmem_shared>>) target_semaphore(%run_scoped3A_116 : memref<!tpu.dma_semaphore, #tpu.memory_space<semaphore_mem>>)
      %dma_wait3A_121 = arith.constant 0 : i32
      %dma_wait3A_122 = tpu.memref_slice %arg13[%add3A_6, %dma_wait3A_121] : memref<10112x128xf32, #tpu.memory_space<vmem_shared>> -> memref<64x128xf32, #tpu.memory_space<vmem_shared>>
      %dma_wait3A_123 = arith.constant 0 : i32
      %dma_wait3A_124 = tpu.memref_slice %arg13[%add3A_6, %dma_wait3A_123] : memref<10112x128xf32, #tpu.memory_space<vmem_shared>> -> memref<64x128xf32, #tpu.memory_space<vmem_shared>>
      tpu.wait_dma2 semaphore(%run_scoped3A_116 : memref<!tpu.dma_semaphore, #tpu.memory_space<semaphore_mem>>) src(%arg9 : memref<64x128xf32, #tpu.memory_space<vmem>>) dst(%dma_wait3A_124 : memref<64x128xf32, #tpu.memory_space<vmem_shared>>)
      tpu.yield
    }) : () -> ()
    %mul3A_7 = arith.constant 632 : i32
    %mul3A_8 = arith.muli %arg1, %mul3A_7 : i32
    %add3A_9 = arith.constant 64 : i32
    %add3A_10 = arith.addi %mul3A_8, %add3A_9 : i32
    "tpu.region"() ({
      %run_scoped3A_116 = tpu.sem_alloc : memref<!tpu.dma_semaphore, #tpu.memory_space<semaphore_mem>>
      %dma_start3A_117 = arith.constant 0 : i32
      %dma_start3A_118 = tpu.memref_slice %arg13[%add3A_10, %dma_start3A_117] : memref<10112x128xf32, #tpu.memory_space<vmem_shared>> -> memref<64x128xf32, #tpu.memory_space<vmem_shared>>
      %dma_start3A_119 = arith.constant 0 : i32
      %dma_start3A_120 = tpu.memref_slice %arg13[%add3A_10, %dma_start3A_119] : memref<10112x128xf32, #tpu.memory_space<vmem_shared>> -> memref<64x128xf32, #tpu.memory_space<vmem_shared>>
      tpu.enqueue_dma source(%arg9 : memref<64x128xf32, #tpu.memory_space<vmem>>) target(%dma_start3A_120 : memref<64x128xf32, #tpu.memory_space<vmem_shared>>) target_semaphore(%run_scoped3A_116 : memref<!tpu.dma_semaphore, #tpu.memory_space<semaphore_mem>>)
      %dma_wait3A_121 = arith.constant 0 : i32
      %dma_wait3A_122 = tpu.memref_slice %arg13[%add3A_10, %dma_wait3A_121] : memref<10112x128xf32, #tpu.memory_space<vmem_shared>> -> memref<64x128xf32, #tpu.memory_space<vmem_shared>>
      %dma_wait3A_123 = arith.constant 0 : i32
      %dma_wait3A_124 = tpu.memref_slice %arg13[%add3A_10, %dma_wait3A_123] : memref<10112x128xf32, #tpu.memory_space<vmem_shared>> -> memref<64x128xf32, #tpu.memory_space<vmem_shared>>
      tpu.wait_dma2 semaphore(%run_scoped3A_116 : memref<!tpu.dma_semaphore, #tpu.memory_space<semaphore_mem>>) src(%arg9 : memref<64x128xf32, #tpu.memory_space<vmem>>) dst(%dma_wait3A_124 : memref<64x128xf32, #tpu.memory_space<vmem_shared>>)
      tpu.yield
    }) : () -> ()
    %mul3A_11 = arith.constant 632 : i32
    %mul3A_12 = arith.muli %arg1, %mul3A_11 : i32
    %add3A_13 = arith.constant 128 : i32
    %add3A_14 = arith.addi %mul3A_12, %add3A_13 : i32
    "tpu.region"() ({
      %run_scoped3A_116 = tpu.sem_alloc : memref<!tpu.dma_semaphore, #tpu.memory_space<semaphore_mem>>
      %dma_start3A_117 = arith.constant 0 : i32
      %dma_start3A_118 = tpu.memref_slice %arg13[%add3A_14, %dma_start3A_117] : memref<10112x128xf32, #tpu.memory_space<vmem_shared>> -> memref<64x128xf32, #tpu.memory_space<vmem_shared>>
      %dma_start3A_119 = arith.constant 0 : i32
      %dma_start3A_120 = tpu.memref_slice %arg13[%add3A_14, %dma_start3A_119] : memref<10112x128xf32, #tpu.memory_space<vmem_shared>> -> memref<64x128xf32, #tpu.memory_space<vmem_shared>>
      tpu.enqueue_dma source(%arg9 : memref<64x128xf32, #tpu.memory_space<vmem>>) target(%dma_start3A_120 : memref<64x128xf32, #tpu.memory_space<vmem_shared>>) target_semaphore(%run_scoped3A_116 : memref<!tpu.dma_semaphore, #tpu.memory_space<semaphore_mem>>)
      %dma_wait3A_121 = arith.constant 0 : i32
      %dma_wait3A_122 = tpu.memref_slice %arg13[%add3A_14, %dma_wait3A_121] : memref<10112x128xf32, #tpu.memory_space<vmem_shared>> -> memref<64x128xf32, #tpu.memory_space<vmem_shared>>
      %dma_wait3A_123 = arith.constant 0 : i32
      %dma_wait3A_124 = tpu.memref_slice %arg13[%add3A_14, %dma_wait3A_123] : memref<10112x128xf32, #tpu.memory_space<vmem_shared>> -> memref<64x128xf32, #tpu.memory_space<vmem_shared>>
      tpu.wait_dma2 semaphore(%run_scoped3A_116 : memref<!tpu.dma_semaphore, #tpu.memory_space<semaphore_mem>>) src(%arg9 : memref<64x128xf32, #tpu.memory_space<vmem>>) dst(%dma_wait3A_124 : memref<64x128xf32, #tpu.memory_space<vmem_shared>>)
      tpu.yield
    }) : () -> ()
    %mul3A_15 = arith.constant 632 : i32
    %mul3A_16 = arith.muli %arg1, %mul3A_15 : i32
    %add3A_17 = arith.constant 192 : i32
    %add3A_18 = arith.addi %mul3A_16, %add3A_17 : i32
    "tpu.region"() ({
      %run_scoped3A_116 = tpu.sem_alloc : memref<!tpu.dma_semaphore, #tpu.memory_space<semaphore_mem>>
      %dma_start3A_117 = arith.constant 0 : i32
      %dma_start3A_118 = tpu.memref_slice %arg13[%add3A_18, %dma_start3A_117] : memref<10112x128xf32, #tpu.memory_space<vmem_shared>> -> memref<64x128xf32, #tpu.memory_space<vmem_shared>>
      %dma_start3A_119 = arith.constant 0 : i32
      %dma_start3A_120 = tpu.memref_slice %arg13[%add3A_18, %dma_start3A_119] : memref<10112x128xf32, #tpu.memory_space<vmem_shared>> -> memref<64x128xf32, #tpu.memory_space<vmem_shared>>
      tpu.enqueue_dma source(%arg9 : memref<64x128xf32, #tpu.memory_space<vmem>>) target(%dma_start3A_120 : memref<64x128xf32, #tpu.memory_space<vmem_shared>>) target_semaphore(%run_scoped3A_116 : memref<!tpu.dma_semaphore, #tpu.memory_space<semaphore_mem>>)
      %dma_wait3A_121 = arith.constant 0 : i32
      %dma_wait3A_122 = tpu.memref_slice %arg13[%add3A_18, %dma_wait3A_121] : memref<10112x128xf32, #tpu.memory_space<vmem_shared>> -> memref<64x128xf32, #tpu.memory_space<vmem_shared>>
      %dma_wait3A_123 = arith.constant 0 : i32
      %dma_wait3A_124 = tpu.memref_slice %arg13[%add3A_18, %dma_wait3A_123] : memref<10112x128xf32, #tpu.memory_space<vmem_shared>> -> memref<64x128xf32, #tpu.memory_space<vmem_shared>>
      tpu.wait_dma2 semaphore(%run_scoped3A_116 : memref<!tpu.dma_semaphore, #tpu.memory_space<semaphore_mem>>) src(%arg9 : memref<64x128xf32, #tpu.memory_space<vmem>>) dst(%dma_wait3A_124 : memref<64x128xf32, #tpu.memory_space<vmem_shared>>)
      tpu.yield
    }) : () -> ()
    %mul3A_19 = arith.constant 632 : i32
    %mul3A_20 = arith.muli %arg1, %mul3A_19 : i32
    %add3A_21 = arith.constant 256 : i32
    %add3A_22 = arith.addi %mul3A_20, %add3A_21 : i32
    "tpu.region"() ({
      %run_scoped3A_116 = tpu.sem_alloc : memref<!tpu.dma_semaphore, #tpu.memory_space<semaphore_mem>>
      %dma_start3A_117 = arith.constant 0 : i32
      %dma_start3A_118 = tpu.memref_slice %arg13[%add3A_22, %dma_start3A_117] : memref<10112x128xf32, #tpu.memory_space<vmem_shared>> -> memref<64x128xf32, #tpu.memory_space<vmem_shared>>
      %dma_start3A_119 = arith.constant 0 : i32
      %dma_start3A_120 = tpu.memref_slice %arg13[%add3A_22, %dma_start3A_119] : memref<10112x128xf32, #tpu.memory_space<vmem_shared>> -> memref<64x128xf32, #tpu.memory_space<vmem_shared>>
      tpu.enqueue_dma source(%arg9 : memref<64x128xf32, #tpu.memory_space<vmem>>) target(%dma_start3A_120 : memref<64x128xf32, #tpu.memory_space<vmem_shared>>) target_semaphore(%run_scoped3A_116 : memref<!tpu.dma_semaphore, #tpu.memory_space<semaphore_mem>>)
      %dma_wait3A_121 = arith.constant 0 : i32
      %dma_wait3A_122 = tpu.memref_slice %arg13[%add3A_22, %dma_wait3A_121] : memref<10112x128xf32, #tpu.memory_space<vmem_shared>> -> memref<64x128xf32, #tpu.memory_space<vmem_shared>>
      %dma_wait3A_123 = arith.constant 0 : i32
      %dma_wait3A_124 = tpu.memref_slice %arg13[%add3A_22, %dma_wait3A_123] : memref<10112x128xf32, #tpu.memory_space<vmem_shared>> -> memref<64x128xf32, #tpu.memory_space<vmem_shared>>
      tpu.wait_dma2 semaphore(%run_scoped3A_116 : memref<!tpu.dma_semaphore, #tpu.memory_space<semaphore_mem>>) src(%arg9 : memref<64x128xf32, #tpu.memory_space<vmem>>) dst(%dma_wait3A_124 : memref<64x128xf32, #tpu.memory_space<vmem_shared>>)
      tpu.yield
    }) : () -> ()
    %mul3A_23 = arith.constant 632 : i32
    %mul3A_24 = arith.muli %arg1, %mul3A_23 : i32
    %add3A_25 = arith.constant 320 : i32
    %add3A_26 = arith.addi %mul3A_24, %add3A_25 : i32
    "tpu.region"() ({
      %run_scoped3A_116 = tpu.sem_alloc : memref<!tpu.dma_semaphore, #tpu.memory_space<semaphore_mem>>
      %dma_start3A_117 = arith.constant 0 : i32
      %dma_start3A_118 = tpu.memref_slice %arg13[%add3A_26, %dma_start3A_117] : memref<10112x128xf32, #tpu.memory_space<vmem_shared>> -> memref<64x128xf32, #tpu.memory_space<vmem_shared>>
      %dma_start3A_119 = arith.constant 0 : i32
      %dma_start3A_120 = tpu.memref_slice %arg13[%add3A_26, %dma_start3A_119] : memref<10112x128xf32, #tpu.memory_space<vmem_shared>> -> memref<64x128xf32, #tpu.memory_space<vmem_shared>>
      tpu.enqueue_dma source(%arg9 : memref<64x128xf32, #tpu.memory_space<vmem>>) target(%dma_start3A_120 : memref<64x128xf32, #tpu.memory_space<vmem_shared>>) target_semaphore(%run_scoped3A_116 : memref<!tpu.dma_semaphore, #tpu.memory_space<semaphore_mem>>)
      %dma_wait3A_121 = arith.constant 0 : i32
      %dma_wait3A_122 = tpu.memref_slice %arg13[%add3A_26, %dma_wait3A_121] : memref<10112x128xf32, #tpu.memory_space<vmem_shared>> -> memref<64x128xf32, #tpu.memory_space<vmem_shared>>
      %dma_wait3A_123 = arith.constant 0 : i32
      %dma_wait3A_124 = tpu.memref_slice %arg13[%add3A_26, %dma_wait3A_123] : memref<10112x128xf32, #tpu.memory_space<vmem_shared>> -> memref<64x128xf32, #tpu.memory_space<vmem_shared>>
      tpu.wait_dma2 semaphore(%run_scoped3A_116 : memref<!tpu.dma_semaphore, #tpu.memory_space<semaphore_mem>>) src(%arg9 : memref<64x128xf32, #tpu.memory_space<vmem>>) dst(%dma_wait3A_124 : memref<64x128xf32, #tpu.memory_space<vmem_shared>>)
      tpu.yield
    }) : () -> ()
    %mul3A_27 = arith.constant 632 : i32
    %mul3A_28 = arith.muli %arg1, %mul3A_27 : i32
    %add3A_29 = arith.constant 384 : i32
    %add3A_30 = arith.addi %mul3A_28, %add3A_29 : i32
    "tpu.region"() ({
      %run_scoped3A_116 = tpu.sem_alloc : memref<!tpu.dma_semaphore, #tpu.memory_space<semaphore_mem>>
      %dma_start3A_117 = arith.constant 0 : i32
      %dma_start3A_118 = tpu.memref_slice %arg13[%add3A_30, %dma_start3A_117] : memref<10112x128xf32, #tpu.memory_space<vmem_shared>> -> memref<64x128xf32, #tpu.memory_space<vmem_shared>>
      %dma_start3A_119 = arith.constant 0 : i32
      %dma_start3A_120 = tpu.memref_slice %arg13[%add3A_30, %dma_start3A_119] : memref<10112x128xf32, #tpu.memory_space<vmem_shared>> -> memref<64x128xf32, #tpu.memory_space<vmem_shared>>
      tpu.enqueue_dma source(%arg9 : memref<64x128xf32, #tpu.memory_space<vmem>>) target(%dma_start3A_120 : memref<64x128xf32, #tpu.memory_space<vmem_shared>>) target_semaphore(%run_scoped3A_116 : memref<!tpu.dma_semaphore, #tpu.memory_space<semaphore_mem>>)
      %dma_wait3A_121 = arith.constant 0 : i32
      %dma_wait3A_122 = tpu.memref_slice %arg13[%add3A_30, %dma_wait3A_121] : memref<10112x128xf32, #tpu.memory_space<vmem_shared>> -> memref<64x128xf32, #tpu.memory_space<vmem_shared>>
      %dma_wait3A_123 = arith.constant 0 : i32
      %dma_wait3A_124 = tpu.memref_slice %arg13[%add3A_30, %dma_wait3A_123] : memref<10112x128xf32, #tpu.memory_space<vmem_shared>> -> memref<64x128xf32, #tpu.memory_space<vmem_shared>>
      tpu.wait_dma2 semaphore(%run_scoped3A_116 : memref<!tpu.dma_semaphore, #tpu.memory_space<semaphore_mem>>) src(%arg9 : memref<64x128xf32, #tpu.memory_space<vmem>>) dst(%dma_wait3A_124 : memref<64x128xf32, #tpu.memory_space<vmem_shared>>)
      tpu.yield
    }) : () -> ()
    %mul3A_31 = arith.constant 632 : i32
    %mul3A_32 = arith.muli %arg1, %mul3A_31 : i32
    %add3A_33 = arith.constant 448 : i32
    %add3A_34 = arith.addi %mul3A_32, %add3A_33 : i32
    "tpu.region"() ({
      %run_scoped3A_116 = tpu.sem_alloc : memref<!tpu.dma_semaphore, #tpu.memory_space<semaphore_mem>>
      %dma_start3A_117 = arith.constant 0 : i32
      %dma_start3A_118 = tpu.memref_slice %arg13[%add3A_34, %dma_start3A_117] : memref<10112x128xf32, #tpu.memory_space<vmem_shared>> -> memref<64x128xf32, #tpu.memory_space<vmem_shared>>
      %dma_start3A_119 = arith.constant 0 : i32
      %dma_start3A_120 = tpu.memref_slice %arg13[%add3A_34, %dma_start3A_119] : memref<10112x128xf32, #tpu.memory_space<vmem_shared>> -> memref<64x128xf32, #tpu.memory_space<vmem_shared>>
      tpu.enqueue_dma source(%arg9 : memref<64x128xf32, #tpu.memory_space<vmem>>) target(%dma_start3A_120 : memref<64x128xf32, #tpu.memory_space<vmem_shared>>) target_semaphore(%run_scoped3A_116 : memref<!tpu.dma_semaphore, #tpu.memory_space<semaphore_mem>>)
      %dma_wait3A_121 = arith.constant 0 : i32
      %dma_wait3A_122 = tpu.memref_slice %arg13[%add3A_34, %dma_wait3A_121] : memref<10112x128xf32, #tpu.memory_space<vmem_shared>> -> memref<64x128xf32, #tpu.memory_space<vmem_shared>>
      %dma_wait3A_123 = arith.constant 0 : i32
      %dma_wait3A_124 = tpu.memref_slice %arg13[%add3A_34, %dma_wait3A_123] : memref<10112x128xf32, #tpu.memory_space<vmem_shared>> -> memref<64x128xf32, #tpu.memory_space<vmem_shared>>
      tpu.wait_dma2 semaphore(%run_scoped3A_116 : memref<!tpu.dma_semaphore, #tpu.memory_space<semaphore_mem>>) src(%arg9 : memref<64x128xf32, #tpu.memory_space<vmem>>) dst(%dma_wait3A_124 : memref<64x128xf32, #tpu.memory_space<vmem_shared>>)
      tpu.yield
    }) : () -> ()
    %mul3A_35 = arith.constant 632 : i32
    %mul3A_36 = arith.muli %arg1, %mul3A_35 : i32
    %add3A_37 = arith.constant 512 : i32
    %add3A_38 = arith.addi %mul3A_36, %add3A_37 : i32
    "tpu.region"() ({
      %run_scoped3A_116 = tpu.sem_alloc : memref<!tpu.dma_semaphore, #tpu.memory_space<semaphore_mem>>
      %dma_start3A_117 = arith.constant 0 : i32
      %dma_start3A_118 = tpu.memref_slice %arg13[%add3A_38, %dma_start3A_117] : memref<10112x128xf32, #tpu.memory_space<vmem_shared>> -> memref<64x128xf32, #tpu.memory_space<vmem_shared>>
      %dma_start3A_119 = arith.constant 0 : i32
      %dma_start3A_120 = tpu.memref_slice %arg13[%add3A_38, %dma_start3A_119] : memref<10112x128xf32, #tpu.memory_space<vmem_shared>> -> memref<64x128xf32, #tpu.memory_space<vmem_shared>>
      tpu.enqueue_dma source(%arg9 : memref<64x128xf32, #tpu.memory_space<vmem>>) target(%dma_start3A_120 : memref<64x128xf32, #tpu.memory_space<vmem_shared>>) target_semaphore(%run_scoped3A_116 : memref<!tpu.dma_semaphore, #tpu.memory_space<semaphore_mem>>)
      %dma_wait3A_121 = arith.constant 0 : i32
      %dma_wait3A_122 = tpu.memref_slice %arg13[%add3A_38, %dma_wait3A_121] : memref<10112x128xf32, #tpu.memory_space<vmem_shared>> -> memref<64x128xf32, #tpu.memory_space<vmem_shared>>
      %dma_wait3A_123 = arith.constant 0 : i32
      %dma_wait3A_124 = tpu.memref_slice %arg13[%add3A_38, %dma_wait3A_123] : memref<10112x128xf32, #tpu.memory_space<vmem_shared>> -> memref<64x128xf32, #tpu.memory_space<vmem_shared>>
      tpu.wait_dma2 semaphore(%run_scoped3A_116 : memref<!tpu.dma_semaphore, #tpu.memory_space<semaphore_mem>>) src(%arg9 : memref<64x128xf32, #tpu.memory_space<vmem>>) dst(%dma_wait3A_124 : memref<64x128xf32, #tpu.memory_space<vmem_shared>>)
      tpu.yield
    }) : () -> ()
    %mul3A_39 = arith.constant 632 : i32
    %mul3A_40 = arith.muli %arg1, %mul3A_39 : i32
    %add3A_41 = arith.constant 576 : i32
    %add3A_42 = arith.addi %mul3A_40, %add3A_41 : i32
    "tpu.region"() ({
      %run_scoped3A_116 = tpu.sem_alloc : memref<!tpu.dma_semaphore, #tpu.memory_space<semaphore_mem>>
      %dma_start3A_117 = arith.constant 0 : i32
      %dma_start3A_118 = arith.constant 0 : i32
      %dma_start3A_119 = tpu.memref_slice %arg9[%dma_start3A_117, %dma_start3A_118] : memref<64x128xf32, #tpu.memory_space<vmem>> -> memref<56x128xf32, #tpu.memory_space<vmem>>
      %dma_start3A_120 = arith.constant 0 : i32
      %dma_start3A_121 = tpu.memref_slice %arg13[%add3A_42, %dma_start3A_120] : memref<10112x128xf32, #tpu.memory_space<vmem_shared>> -> memref<56x128xf32, #tpu.memory_space<vmem_shared>>
      %dma_start3A_122 = arith.constant 0 : i32
      %dma_start3A_123 = tpu.memref_slice %arg13[%add3A_42, %dma_start3A_122] : memref<10112x128xf32, #tpu.memory_space<vmem_shared>> -> memref<56x128xf32, #tpu.memory_space<vmem_shared>>
      %dma_start3A_124 = arith.constant 0 : i32
      %dma_start3A_125 = arith.constant 0 : i32
      %dma_start3A_126 = tpu.memref_slice %arg9[%dma_start3A_124, %dma_start3A_125] : memref<64x128xf32, #tpu.memory_space<vmem>> -> memref<56x128xf32, #tpu.memory_space<vmem>>
      tpu.enqueue_dma source(%dma_start3A_126 : memref<56x128xf32, #tpu.memory_space<vmem>>) target(%dma_start3A_123 : memref<56x128xf32, #tpu.memory_space<vmem_shared>>) target_semaphore(%run_scoped3A_116 : memref<!tpu.dma_semaphore, #tpu.memory_space<semaphore_mem>>)
      %dma_wait3A_127 = arith.constant 0 : i32
      %dma_wait3A_128 = arith.constant 0 : i32
      %dma_wait3A_129 = tpu.memref_slice %arg9[%dma_wait3A_127, %dma_wait3A_128] : memref<64x128xf32, #tpu.memory_space<vmem>> -> memref<56x128xf32, #tpu.memory_space<vmem>>
      %dma_wait3A_130 = arith.constant 0 : i32
      %dma_wait3A_131 = tpu.memref_slice %arg13[%add3A_42, %dma_wait3A_130] : memref<10112x128xf32, #tpu.memory_space<vmem_shared>> -> memref<56x128xf32, #tpu.memory_space<vmem_shared>>
      %dma_wait3A_132 = arith.constant 0 : i32
      %dma_wait3A_133 = tpu.memref_slice %arg13[%add3A_42, %dma_wait3A_132] : memref<10112x128xf32, #tpu.memory_space<vmem_shared>> -> memref<56x128xf32, #tpu.memory_space<vmem_shared>>
      %dma_wait3A_134 = arith.constant 0 : i32
      %dma_wait3A_135 = arith.constant 0 : i32
      %dma_wait3A_136 = tpu.memref_slice %arg9[%dma_wait3A_134, %dma_wait3A_135] : memref<64x128xf32, #tpu.memory_space<vmem>> -> memref<56x128xf32, #tpu.memory_space<vmem>>
      tpu.wait_dma2 semaphore(%run_scoped3A_116 : memref<!tpu.dma_semaphore, #tpu.memory_space<semaphore_mem>>) src(%dma_wait3A_136 : memref<56x128xf32, #tpu.memory_space<vmem>>) dst(%dma_wait3A_133 : memref<56x128xf32, #tpu.memory_space<vmem_shared>>)
      tpu.yield
    }) : () -> ()
    %barrier3A = arith.constant 0 : index
    tpu.barrier barrier_id(%barrier3A)
    %mul3A_43 = arith.constant 16 : i32
    %mul3A_44 = arith.muli %arg0, %mul3A_43 : i32
    %add3A_45 = arith.addi %mul3A_44, %arg1 : i32
    %mul3A_46 = arith.constant 5120 : i32
    %mul3A_47 = arith.muli %add3A_45, %mul3A_46 : i32
    %add3A_48 = arith.constant 0 : i32
    %add3A_49 = arith.addi %mul3A_47, %add3A_48 : i32
    "tpu.region"() ({
      %run_scoped3A_116 = tpu.sem_alloc : memref<!tpu.dma_semaphore, #tpu.memory_space<semaphore_mem>>
      %dma_start3A_117 = tpu.memref_slice %arg4[%add3A_49] : memref<163840xi32, #tpu.memory_space<hbm>> -> memref<2560xi32, #tpu.memory_space<hbm>>
      %dma_start3A_118 = tpu.memref_slice %arg4[%add3A_49] : memref<163840xi32, #tpu.memory_space<hbm>> -> memref<2560xi32, #tpu.memory_space<hbm>>
      tpu.enqueue_dma source(%dma_start3A_118 : memref<2560xi32, #tpu.memory_space<hbm>>) target(%arg7 : memref<2560xi32, #tpu.memory_space<vmem>>) target_semaphore(%run_scoped3A_116 : memref<!tpu.dma_semaphore, #tpu.memory_space<semaphore_mem>>)
      %dma_wait3A_119 = tpu.memref_slice %arg4[%add3A_49] : memref<163840xi32, #tpu.memory_space<hbm>> -> memref<2560xi32, #tpu.memory_space<hbm>>
      %dma_wait3A_120 = tpu.memref_slice %arg4[%add3A_49] : memref<163840xi32, #tpu.memory_space<hbm>> -> memref<2560xi32, #tpu.memory_space<hbm>>
      tpu.wait_dma2 semaphore(%run_scoped3A_116 : memref<!tpu.dma_semaphore, #tpu.memory_space<semaphore_mem>>) src(%dma_wait3A_120 : memref<2560xi32, #tpu.memory_space<hbm>>) dst(%arg7 : memref<2560xi32, #tpu.memory_space<vmem>>)
      tpu.yield
    }) : () -> ()
    %run_scoped3A = arith.constant 0 : i32
    "tpu.region"() ({
      %run_scoped3A_116 = tpu.sem_alloc : memref<!tpu.dma_semaphore, #tpu.memory_space<semaphore_mem>>
      %dma_start3A_117 = arith.constant 0 : i32
      %dma_start3A_118 = arith.constant 0 : i32
      %dma_start3A_119 = arith.constant 0 : i32
      %dma_start3A_120 = tpu.memref_slice %arg5[%add3A_45, %dma_start3A_117, %dma_start3A_118, %dma_start3A_119] : memref<32x2x40x64xi32, #tpu.memory_space<hbm>> -> memref<1x2x40x64xi32, #tpu.memory_space<hbm>>
      %dma_start3A_121 = tpu.memref_squeeze %dma_start3A_120 : memref<1x2x40x64xi32, #tpu.memory_space<hbm>> -> memref<2x40x64xi32, #tpu.memory_space<hbm>>
      %dma_start3A_122 = arith.constant 0 : i32
      %dma_start3A_123 = arith.constant 0 : i32
      %dma_start3A_124 = tpu.memref_slice %dma_start3A_121[%run_scoped3A, %dma_start3A_122, %dma_start3A_123] : memref<2x40x64xi32, #tpu.memory_space<hbm>> -> memref<1x40x64xi32, #tpu.memory_space<hbm>>
      %dma_start3A_125 = tpu.memref_squeeze %dma_start3A_124 : memref<1x40x64xi32, #tpu.memory_space<hbm>> -> memref<40x64xi32, #tpu.memory_space<hbm>>
      %dma_start3A_126 = arith.constant 0 : i32
      %dma_start3A_127 = arith.constant 0 : i32
      %dma_start3A_128 = arith.constant 0 : i32
      %dma_start3A_129 = tpu.memref_slice %arg5[%add3A_45, %dma_start3A_126, %dma_start3A_127, %dma_start3A_128] : memref<32x2x40x64xi32, #tpu.memory_space<hbm>> -> memref<1x2x40x64xi32, #tpu.memory_space<hbm>>
      %dma_start3A_130 = tpu.memref_squeeze %dma_start3A_129 : memref<1x2x40x64xi32, #tpu.memory_space<hbm>> -> memref<2x40x64xi32, #tpu.memory_space<hbm>>
      %dma_start3A_131 = arith.constant 0 : i32
      %dma_start3A_132 = arith.constant 0 : i32
      %dma_start3A_133 = tpu.memref_slice %dma_start3A_130[%run_scoped3A, %dma_start3A_131, %dma_start3A_132] : memref<2x40x64xi32, #tpu.memory_space<hbm>> -> memref<1x40x64xi32, #tpu.memory_space<hbm>>
      %dma_start3A_134 = tpu.memref_squeeze %dma_start3A_133 : memref<1x40x64xi32, #tpu.memory_space<hbm>> -> memref<40x64xi32, #tpu.memory_space<hbm>>
      tpu.enqueue_dma source(%dma_start3A_134 : memref<40x64xi32, #tpu.memory_space<hbm>>) target(%arg8 : memref<40x64xi32, #tpu.memory_space<vmem>>) target_semaphore(%run_scoped3A_116 : memref<!tpu.dma_semaphore, #tpu.memory_space<semaphore_mem>>)
      %dma_wait3A_135 = arith.constant 0 : i32
      %dma_wait3A_136 = arith.constant 0 : i32
      %dma_wait3A_137 = arith.constant 0 : i32
      %dma_wait3A_138 = tpu.memref_slice %arg5[%add3A_45, %dma_wait3A_135, %dma_wait3A_136, %dma_wait3A_137] : memref<32x2x40x64xi32, #tpu.memory_space<hbm>> -> memref<1x2x40x64xi32, #tpu.memory_space<hbm>>
      %dma_wait3A_139 = tpu.memref_squeeze %dma_wait3A_138 : memref<1x2x40x64xi32, #tpu.memory_space<hbm>> -> memref<2x40x64xi32, #tpu.memory_space<hbm>>
      %dma_wait3A_140 = arith.constant 0 : i32
      %dma_wait3A_141 = arith.constant 0 : i32
      %dma_wait3A_142 = tpu.memref_slice %dma_wait3A_139[%run_scoped3A, %dma_wait3A_140, %dma_wait3A_141] : memref<2x40x64xi32, #tpu.memory_space<hbm>> -> memref<1x40x64xi32, #tpu.memory_space<hbm>>
      %dma_wait3A_143 = tpu.memref_squeeze %dma_wait3A_142 : memref<1x40x64xi32, #tpu.memory_space<hbm>> -> memref<40x64xi32, #tpu.memory_space<hbm>>
      %dma_wait3A_144 = arith.constant 0 : i32
      %dma_wait3A_145 = arith.constant 0 : i32
      %dma_wait3A_146 = arith.constant 0 : i32
      %dma_wait3A_147 = tpu.memref_slice %arg5[%add3A_45, %dma_wait3A_144, %dma_wait3A_145, %dma_wait3A_146] : memref<32x2x40x64xi32, #tpu.memory_space<hbm>> -> memref<1x2x40x64xi32, #tpu.memory_space<hbm>>
      %dma_wait3A_148 = tpu.memref_squeeze %dma_wait3A_147 : memref<1x2x40x64xi32, #tpu.memory_space<hbm>> -> memref<2x40x64xi32, #tpu.memory_space<hbm>>
      %dma_wait3A_149 = arith.constant 0 : i32
      %dma_wait3A_150 = arith.constant 0 : i32
      %dma_wait3A_151 = tpu.memref_slice %dma_wait3A_148[%run_scoped3A, %dma_wait3A_149, %dma_wait3A_150] : memref<2x40x64xi32, #tpu.memory_space<hbm>> -> memref<1x40x64xi32, #tpu.memory_space<hbm>>
      %dma_wait3A_152 = tpu.memref_squeeze %dma_wait3A_151 : memref<1x40x64xi32, #tpu.memory_space<hbm>> -> memref<40x64xi32, #tpu.memory_space<hbm>>
      tpu.wait_dma2 semaphore(%run_scoped3A_116 : memref<!tpu.dma_semaphore, #tpu.memory_space<semaphore_mem>>) src(%dma_wait3A_152 : memref<40x64xi32, #tpu.memory_space<hbm>>) dst(%arg8 : memref<40x64xi32, #tpu.memory_space<vmem>>)
      tpu.yield
    }) : () -> ()
    %dma_start3A = arith.constant 0 : i32
    %dma_start3A_50 = tpu.memref_slice %arg7[%dma_start3A] : memref<2560xi32, #tpu.memory_space<vmem>> -> memref<64xi32, #tpu.memory_space<vmem>>
    %dma_start3A_51 = arith.constant 0 : i32
    %dma_start3A_52 = arith.constant 0 : i32
    %dma_start3A_53 = tpu.memref_slice %arg2[%dma_start3A_51, %dma_start3A_52] : memref<10000x128xf32, #tpu.memory_space<hbm>> -> memref<10000x128xf32, #tpu.memory_space<hbm>>
    tpu.enqueue_indirect_dma source(%dma_start3A_53 : memref<10000x128xf32, #tpu.memory_space<hbm>>) target(%arg9 : memref<64x128xf32, #tpu.memory_space<vmem>>) offsets(%dma_start3A_50 : memref<64xi32, #tpu.memory_space<vmem>>) semaphore(%arg14 : memref<!tpu.dma_semaphore, #tpu.memory_space<semaphore_mem>>)
    %dma_start3A_54 = arith.constant 64 : i32
    %dma_start3A_55 = tpu.memref_slice %arg7[%dma_start3A_54] : memref<2560xi32, #tpu.memory_space<vmem>> -> memref<64xi32, #tpu.memory_space<vmem>>
    %dma_start3A_56 = arith.constant 0 : i32
    %dma_start3A_57 = arith.constant 0 : i32
    %dma_start3A_58 = tpu.memref_slice %arg2[%dma_start3A_56, %dma_start3A_57] : memref<10000x128xf32, #tpu.memory_space<hbm>> -> memref<10000x128xf32, #tpu.memory_space<hbm>>
    tpu.enqueue_indirect_dma source(%dma_start3A_58 : memref<10000x128xf32, #tpu.memory_space<hbm>>) target(%arg10 : memref<64x128xf32, #tpu.memory_space<vmem>>) offsets(%dma_start3A_55 : memref<64xi32, #tpu.memory_space<vmem>>) semaphore(%arg15 : memref<!tpu.dma_semaphore, #tpu.memory_space<semaphore_mem>>)
    %add3A_59 = arith.constant 0 : i32
    %add3A_60 = arith.addi %add3A_49, %add3A_59 : i32
    %dma_start3A_61 = arith.constant 0 : i32
    %dma_start3A_62 = tpu.memref_slice %arg3[%add3A_60, %dma_start3A_61] : memref<163840x128xf32, #tpu.memory_space<hbm>> -> memref<64x128xf32, #tpu.memory_space<hbm>>
    %dma_start3A_63 = arith.constant 0 : i32
    %dma_start3A_64 = tpu.memref_slice %arg3[%add3A_60, %dma_start3A_63] : memref<163840x128xf32, #tpu.memory_space<hbm>> -> memref<64x128xf32, #tpu.memory_space<hbm>>
    tpu.enqueue_dma source(%dma_start3A_64 : memref<64x128xf32, #tpu.memory_space<hbm>>) target(%arg11 : memref<64x128xf32, #tpu.memory_space<vmem>>) target_semaphore(%arg16 : memref<!tpu.dma_semaphore, #tpu.memory_space<semaphore_mem>>)
    %scan3A_65 = arith.constant 0 : i32
    %scan3A_66 = arith.constant 0 : i32
    %scan3A_67 = arith.constant 20 : i32
    %scan3A_68 = arith.addi %scan3A_66, %scan3A_67 : i32
    %scan3A_69 = arith.constant 1 : i32
    scf.for %scan3A_116 = %scan3A_66 to %scan3A_68 step %scan3A_69  : i32 {
      %mul3A_117 = arith.constant 2 : i32
      %mul3A_118 = arith.muli %scan3A_116, %mul3A_117 : i32
      %add3A_119 = arith.constant 0 : i32
      %add3A_120 = arith.addi %mul3A_118, %add3A_119 : i32
      %mul3A_121 = arith.constant 64 : i32
      %mul3A_122 = arith.muli %add3A_120, %mul3A_121 : i32
      %dma_wait3A_123 = tpu.memref_slice %arg7[%mul3A_122] : memref<2560xi32, #tpu.memory_space<vmem>> -> memref<64xi32, #tpu.memory_space<vmem>>
      %dma_wait3A_124 = arith.constant 0 : i32
      %dma_wait3A_125 = arith.constant 0 : i32
      %dma_wait3A_126 = tpu.memref_slice %arg2[%dma_wait3A_124, %dma_wait3A_125] : memref<10000x128xf32, #tpu.memory_space<hbm>> -> memref<10000x128xf32, #tpu.memory_space<hbm>>
      tpu.wait_indirect_dma semaphore(%arg14 : memref<!tpu.dma_semaphore, #tpu.memory_space<semaphore_mem>>) src(%dma_wait3A_126 : memref<10000x128xf32, #tpu.memory_space<hbm>>) dst(%arg9 : memref<64x128xf32, #tpu.memory_space<vmem>>)
      %mul3A_127 = arith.constant 64 : i32
      %mul3A_128 = arith.muli %add3A_120, %mul3A_127 : i32
      %add3A_129 = arith.addi %add3A_49, %mul3A_128 : i32
      %dma_wait3A_130 = arith.constant 0 : i32
      %dma_wait3A_131 = tpu.memref_slice %arg3[%add3A_129, %dma_wait3A_130] : memref<163840x128xf32, #tpu.memory_space<hbm>> -> memref<64x128xf32, #tpu.memory_space<hbm>>
      %dma_wait3A_132 = arith.constant 0 : i32
      %dma_wait3A_133 = tpu.memref_slice %arg3[%add3A_129, %dma_wait3A_132] : memref<163840x128xf32, #tpu.memory_space<hbm>> -> memref<64x128xf32, #tpu.memory_space<hbm>>
      tpu.wait_dma2 semaphore(%arg16 : memref<!tpu.dma_semaphore, #tpu.memory_space<semaphore_mem>>) src(%dma_wait3A_133 : memref<64x128xf32, #tpu.memory_space<hbm>>) dst(%arg11 : memref<64x128xf32, #tpu.memory_space<vmem>>)
      %scan3A_134 = arith.constant 0 : i32
      %scan3A_135 = arith.constant 0 : i32
      %scan3A_136 = arith.constant 64 : i32
      %scan3A_137 = arith.addi %scan3A_135, %scan3A_136 : i32
      %scan3A_138 = arith.constant 1 : i32
      scf.for %scan3A_207 = %scan3A_135 to %scan3A_137 step %scan3A_138  : i32 {
        %get3A = arith.index_cast %scan3A_207 : i32 to index
        %get3A_208 = arith.constant 0 : index
        %get3A_209 = tpu.vector_load %arg9[%get3A, %get3A_208] {strides = array<i32>} : memref<64x128xf32, #tpu.memory_space<vmem>>, vector<1x16xf32>,
        %get3A_210 = vector.shape_cast %get3A_209 : vector<1x16xf32> to vector<16xf32>
        %get3A_211 = arith.index_cast %scan3A_207 : i32 to index
        %get3A_212 = arith.constant 0 : index
        %get3A_213 = tpu.vector_load %arg11[%get3A_211, %get3A_212] {strides = array<i32>} : memref<64x128xf32, #tpu.memory_space<vmem>>, vector<1x16xf32>,
        %get3A_214 = vector.shape_cast %get3A_213 : vector<1x16xf32> to vector<16xf32>
        %mul3A_215 = arith.mulf %get3A_210, %get3A_214 : vector<16xf32>
        %swap3A = arith.index_cast %scan3A_207 : i32 to index
        %swap3A_216 = arith.constant 0 : index
        %swap3A_217 = tpu.vector_load %arg11[%swap3A, %swap3A_216] {strides = array<i32>} : memref<64x128xf32, #tpu.memory_space<vmem>>, vector<1x16xf32>,
        %swap3A_218 = vector.shape_cast %swap3A_217 : vector<1x16xf32> to vector<16xf32>
        %swap3A_219 = vector.shape_cast %mul3A_215 : vector<16xf32> to vector<1x16xf32>
        tpu.vector_store %arg11[%swap3A, %swap3A_216], %swap3A_219 {strides = array<i32>} : memref<64x128xf32, #tpu.memory_space<vmem>>, vector<1x16xf32>,
        %get3A_220 = arith.index_cast %scan3A_207 : i32 to index
        %get3A_221 = arith.constant 16 : index
        %get3A_222 = tpu.vector_load %arg9[%get3A_220, %get3A_221] {strides = array<i32>} : memref<64x128xf32, #tpu.memory_space<vmem>>, vector<1x16xf32>,
        %get3A_223 = vector.shape_cast %get3A_222 : vector<1x16xf32> to vector<16xf32>
        %get3A_224 = arith.index_cast %scan3A_207 : i32 to index
        %get3A_225 = arith.constant 16 : index
        %get3A_226 = tpu.vector_load %arg11[%get3A_224, %get3A_225] {strides = array<i32>} : memref<64x128xf32, #tpu.memory_space<vmem>>, vector<1x16xf32>,
        %get3A_227 = vector.shape_cast %get3A_226 : vector<1x16xf32> to vector<16xf32>
        %mul3A_228 = arith.mulf %get3A_223, %get3A_227 : vector<16xf32>
        %swap3A_229 = arith.index_cast %scan3A_207 : i32 to index
        %swap3A_230 = arith.constant 16 : index
        %swap3A_231 = tpu.vector_load %arg11[%swap3A_229, %swap3A_230] {strides = array<i32>} : memref<64x128xf32, #tpu.memory_space<vmem>>, vector<1x16xf32>,
        %swap3A_232 = vector.shape_cast %swap3A_231 : vector<1x16xf32> to vector<16xf32>
        %swap3A_233 = vector.shape_cast %mul3A_228 : vector<16xf32> to vector<1x16xf32>
        tpu.vector_store %arg11[%swap3A_229, %swap3A_230], %swap3A_233 {strides = array<i32>} : memref<64x128xf32, #tpu.memory_space<vmem>>, vector<1x16xf32>,
        %get3A_234 = arith.index_cast %scan3A_207 : i32 to index
        %get3A_235 = arith.constant 32 : index
        %get3A_236 = tpu.vector_load %arg9[%get3A_234, %get3A_235] {strides = array<i32>} : memref<64x128xf32, #tpu.memory_space<vmem>>, vector<1x16xf32>,
        %get3A_237 = vector.shape_cast %get3A_236 : vector<1x16xf32> to vector<16xf32>
        %get3A_238 = arith.index_cast %scan3A_207 : i32 to index
        %get3A_239 = arith.constant 32 : index
        %get3A_240 = tpu.vector_load %arg11[%get3A_238, %get3A_239] {strides = array<i32>} : memref<64x128xf32, #tpu.memory_space<vmem>>, vector<1x16xf32>,
        %get3A_241 = vector.shape_cast %get3A_240 : vector<1x16xf32> to vector<16xf32>
        %mul3A_242 = arith.mulf %get3A_237, %get3A_241 : vector<16xf32>
        %swap3A_243 = arith.index_cast %scan3A_207 : i32 to index
        %swap3A_244 = arith.constant 32 : index
        %swap3A_245 = tpu.vector_load %arg11[%swap3A_243, %swap3A_244] {strides = array<i32>} : memref<64x128xf32, #tpu.memory_space<vmem>>, vector<1x16xf32>,
        %swap3A_246 = vector.shape_cast %swap3A_245 : vector<1x16xf32> to vector<16xf32>
        %swap3A_247 = vector.shape_cast %mul3A_242 : vector<16xf32> to vector<1x16xf32>
        tpu.vector_store %arg11[%swap3A_243, %swap3A_244], %swap3A_247 {strides = array<i32>} : memref<64x128xf32, #tpu.memory_space<vmem>>, vector<1x16xf32>,
        %get3A_248 = arith.index_cast %scan3A_207 : i32 to index
        %get3A_249 = arith.constant 48 : index
        %get3A_250 = tpu.vector_load %arg9[%get3A_248, %get3A_249] {strides = array<i32>} : memref<64x128xf32, #tpu.memory_space<vmem>>, vector<1x16xf32>,
        %get3A_251 = vector.shape_cast %get3A_250 : vector<1x16xf32> to vector<16xf32>
        %get3A_252 = arith.index_cast %scan3A_207 : i32 to index
        %get3A_253 = arith.constant 48 : index
        %get3A_254 = tpu.vector_load %arg11[%get3A_252, %get3A_253] {strides = array<i32>} : memref<64x128xf32, #tpu.memory_space<vmem>>, vector<1x16xf32>,
        %get3A_255 = vector.shape_cast %get3A_254 : vector<1x16xf32> to vector<16xf32>
        %mul3A_256 = arith.mulf %get3A_251, %get3A_255 : vector<16xf32>
        %swap3A_257 = arith.index_cast %scan3A_207 : i32 to index
        %swap3A_258 = arith.constant 48 : index
        %swap3A_259 = tpu.vector_load %arg11[%swap3A_257, %swap3A_258] {strides = array<i32>} : memref<64x128xf32, #tpu.memory_space<vmem>>, vector<1x16xf32>,
        %swap3A_260 = vector.shape_cast %swap3A_259 : vector<1x16xf32> to vector<16xf32>
        %swap3A_261 = vector.shape_cast %mul3A_256 : vector<16xf32> to vector<1x16xf32>
        tpu.vector_store %arg11[%swap3A_257, %swap3A_258], %swap3A_261 {strides = array<i32>} : memref<64x128xf32, #tpu.memory_space<vmem>>, vector<1x16xf32>,
        %get3A_262 = arith.index_cast %scan3A_207 : i32 to index
        %get3A_263 = arith.constant 64 : index
        %get3A_264 = tpu.vector_load %arg9[%get3A_262, %get3A_263] {strides = array<i32>} : memref<64x128xf32, #tpu.memory_space<vmem>>, vector<1x16xf32>,
        %get3A_265 = vector.shape_cast %get3A_264 : vector<1x16xf32> to vector<16xf32>
        %get3A_266 = arith.index_cast %scan3A_207 : i32 to index
        %get3A_267 = arith.constant 64 : index
        %get3A_268 = tpu.vector_load %arg11[%get3A_266, %get3A_267] {strides = array<i32>} : memref<64x128xf32, #tpu.memory_space<vmem>>, vector<1x16xf32>,
        %get3A_269 = vector.shape_cast %get3A_268 : vector<1x16xf32> to vector<16xf32>
        %mul3A_270 = arith.mulf %get3A_265, %get3A_269 : vector<16xf32>
        %swap3A_271 = arith.index_cast %scan3A_207 : i32 to index
        %swap3A_272 = arith.constant 64 : index
        %swap3A_273 = tpu.vector_load %arg11[%swap3A_271, %swap3A_272] {strides = array<i32>} : memref<64x128xf32, #tpu.memory_space<vmem>>, vector<1x16xf32>,
        %swap3A_274 = vector.shape_cast %swap3A_273 : vector<1x16xf32> to vector<16xf32>
        %swap3A_275 = vector.shape_cast %mul3A_270 : vector<16xf32> to vector<1x16xf32>
        tpu.vector_store %arg11[%swap3A_271, %swap3A_272], %swap3A_275 {strides = array<i32>} : memref<64x128xf32, #tpu.memory_space<vmem>>, vector<1x16xf32>,
        %get3A_276 = arith.index_cast %scan3A_207 : i32 to index
        %get3A_277 = arith.constant 80 : index
        %get3A_278 = tpu.vector_load %arg9[%get3A_276, %get3A_277] {strides = array<i32>} : memref<64x128xf32, #tpu.memory_space<vmem>>, vector<1x16xf32>,
        %get3A_279 = vector.shape_cast %get3A_278 : vector<1x16xf32> to vector<16xf32>
        %get3A_280 = arith.index_cast %scan3A_207 : i32 to index
        %get3A_281 = arith.constant 80 : index
        %get3A_282 = tpu.vector_load %arg11[%get3A_280, %get3A_281] {strides = array<i32>} : memref<64x128xf32, #tpu.memory_space<vmem>>, vector<1x16xf32>,
        %get3A_283 = vector.shape_cast %get3A_282 : vector<1x16xf32> to vector<16xf32>
        %mul3A_284 = arith.mulf %get3A_279, %get3A_283 : vector<16xf32>
        %swap3A_285 = arith.index_cast %scan3A_207 : i32 to index
        %swap3A_286 = arith.constant 80 : index
        %swap3A_287 = tpu.vector_load %arg11[%swap3A_285, %swap3A_286] {strides = array<i32>} : memref<64x128xf32, #tpu.memory_space<vmem>>, vector<1x16xf32>,
        %swap3A_288 = vector.shape_cast %swap3A_287 : vector<1x16xf32> to vector<16xf32>
        %swap3A_289 = vector.shape_cast %mul3A_284 : vector<16xf32> to vector<1x16xf32>
        tpu.vector_store %arg11[%swap3A_285, %swap3A_286], %swap3A_289 {strides = array<i32>} : memref<64x128xf32, #tpu.memory_space<vmem>>, vector<1x16xf32>,
        %get3A_290 = arith.index_cast %scan3A_207 : i32 to index
        %get3A_291 = arith.constant 96 : index
        %get3A_292 = tpu.vector_load %arg9[%get3A_290, %get3A_291] {strides = array<i32>} : memref<64x128xf32, #tpu.memory_space<vmem>>, vector<1x16xf32>,
        %get3A_293 = vector.shape_cast %get3A_292 : vector<1x16xf32> to vector<16xf32>
        %get3A_294 = arith.index_cast %scan3A_207 : i32 to index
        %get3A_295 = arith.constant 96 : index
        %get3A_296 = tpu.vector_load %arg11[%get3A_294, %get3A_295] {strides = array<i32>} : memref<64x128xf32, #tpu.memory_space<vmem>>, vector<1x16xf32>,
        %get3A_297 = vector.shape_cast %get3A_296 : vector<1x16xf32> to vector<16xf32>
        %mul3A_298 = arith.mulf %get3A_293, %get3A_297 : vector<16xf32>
        %swap3A_299 = arith.index_cast %scan3A_207 : i32 to index
        %swap3A_300 = arith.constant 96 : index
        %swap3A_301 = tpu.vector_load %arg11[%swap3A_299, %swap3A_300] {strides = array<i32>} : memref<64x128xf32, #tpu.memory_space<vmem>>, vector<1x16xf32>,
        %swap3A_302 = vector.shape_cast %swap3A_301 : vector<1x16xf32> to vector<16xf32>
        %swap3A_303 = vector.shape_cast %mul3A_298 : vector<16xf32> to vector<1x16xf32>
        tpu.vector_store %arg11[%swap3A_299, %swap3A_300], %swap3A_303 {strides = array<i32>} : memref<64x128xf32, #tpu.memory_space<vmem>>, vector<1x16xf32>,
        %get3A_304 = arith.index_cast %scan3A_207 : i32 to index
        %get3A_305 = arith.constant 112 : index
        %get3A_306 = tpu.vector_load %arg9[%get3A_304, %get3A_305] {strides = array<i32>} : memref<64x128xf32, #tpu.memory_space<vmem>>, vector<1x16xf32>,
        %get3A_307 = vector.shape_cast %get3A_306 : vector<1x16xf32> to vector<16xf32>
        %get3A_308 = arith.index_cast %scan3A_207 : i32 to index
        %get3A_309 = arith.constant 112 : index
        %get3A_310 = tpu.vector_load %arg11[%get3A_308, %get3A_309] {strides = array<i32>} : memref<64x128xf32, #tpu.memory_space<vmem>>, vector<1x16xf32>,
        %get3A_311 = vector.shape_cast %get3A_310 : vector<1x16xf32> to vector<16xf32>
        %mul3A_312 = arith.mulf %get3A_307, %get3A_311 : vector<16xf32>
        %swap3A_313 = arith.index_cast %scan3A_207 : i32 to index
        %swap3A_314 = arith.constant 112 : index
        %swap3A_315 = tpu.vector_load %arg11[%swap3A_313, %swap3A_314] {strides = array<i32>} : memref<64x128xf32, #tpu.memory_space<vmem>>, vector<1x16xf32>,
        %swap3A_316 = vector.shape_cast %swap3A_315 : vector<1x16xf32> to vector<16xf32>
        %swap3A_317 = vector.shape_cast %mul3A_312 : vector<16xf32> to vector<1x16xf32>
        tpu.vector_store %arg11[%swap3A_313, %swap3A_314], %swap3A_317 {strides = array<i32>} : memref<64x128xf32, #tpu.memory_space<vmem>>, vector<1x16xf32>,
      }
      %scan3A_139 = arith.constant 64 : i32
      %lt3A = arith.constant 19 : i32
      %lt3A_140 = arith.cmpi slt, %scan3A_116, %lt3A : i32
      %convert_element_type3A = arith.extui %lt3A_140 : i1 to i32
      %cond3A = arith.constant 0 : i32
      %cond3A_141 = arith.cmpi ne, %convert_element_type3A, %cond3A : i32
      scf.if %cond3A_141 {
        %add3A_207 = arith.constant 2 : i32
        %add3A_208 = arith.addi %add3A_120, %add3A_207 : i32
        %mul3A_209 = arith.constant 64 : i32
        %mul3A_210 = arith.muli %add3A_208, %mul3A_209 : i32
        %dma_start3A_211 = tpu.memref_slice %arg7[%mul3A_210] : memref<2560xi32, #tpu.memory_space<vmem>> -> memref<64xi32, #tpu.memory_space<vmem>>
        %dma_start3A_212 = arith.constant 0 : i32
        %dma_start3A_213 = arith.constant 0 : i32
        %dma_start3A_214 = tpu.memref_slice %arg2[%dma_start3A_212, %dma_start3A_213] : memref<10000x128xf32, #tpu.memory_space<hbm>> -> memref<10000x128xf32, #tpu.memory_space<hbm>>
        tpu.enqueue_indirect_dma source(%dma_start3A_214 : memref<10000x128xf32, #tpu.memory_space<hbm>>) target(%arg9 : memref<64x128xf32, #tpu.memory_space<vmem>>) offsets(%dma_start3A_211 : memref<64xi32, #tpu.memory_space<vmem>>) semaphore(%arg14 : memref<!tpu.dma_semaphore, #tpu.memory_space<semaphore_mem>>)
      } else {
      }
      %dma_start3A_142 = arith.constant 0 : i32
      %dma_start3A_143 = tpu.memref_slice %arg8[%add3A_120, %dma_start3A_142] : memref<40x64xi32, #tpu.memory_space<vmem>> -> memref<1x64xi32, #tpu.memory_space<vmem>>
      %dma_start3A_144 = tpu.memref_squeeze %dma_start3A_143 : memref<1x64xi32, #tpu.memory_space<vmem>> -> memref<64xi32, #tpu.memory_space<vmem>>
      %dma_start3A_145 = arith.constant 0 : i32
      %dma_start3A_146 = arith.constant 0 : i32
      %dma_start3A_147 = tpu.memref_slice %arg13[%dma_start3A_145, %dma_start3A_146] : memref<10112x128xf32, #tpu.memory_space<vmem_shared>> -> memref<10112x128xf32, #tpu.memory_space<vmem_shared>>
      tpu.enqueue_indirect_dma source(%arg11 : memref<64x128xf32, #tpu.memory_space<vmem>>) target(%dma_start3A_147 : memref<10112x128xf32, #tpu.memory_space<vmem_shared>>) offsets(%dma_start3A_144 : memref<64xi32, #tpu.memory_space<vmem>>) semaphore(%arg18 : memref<!tpu.dma_semaphore, #tpu.memory_space<semaphore_mem>>) {add = true}
      %gt3A = arith.constant 0 : i32
      %gt3A_148 = arith.cmpi sgt, %scan3A_116, %gt3A : i32
      %convert_element_type3A_149 = arith.extui %gt3A_148 : i1 to i32
      %cond3A_150 = arith.constant 0 : i32
      %cond3A_151 = arith.cmpi ne, %convert_element_type3A_149, %cond3A_150 : i32
      scf.if %cond3A_151 {
        %sub3A_207 = arith.constant 1 : i32
        %sub3A_208 = arith.subi %add3A_120, %sub3A_207 : i32
        %dma_wait3A_209 = arith.constant 0 : i32
        %dma_wait3A_210 = tpu.memref_slice %arg8[%sub3A_208, %dma_wait3A_209] : memref<40x64xi32, #tpu.memory_space<vmem>> -> memref<1x64xi32, #tpu.memory_space<vmem>>
        %dma_wait3A_211 = tpu.memref_squeeze %dma_wait3A_210 : memref<1x64xi32, #tpu.memory_space<vmem>> -> memref<64xi32, #tpu.memory_space<vmem>>
        %dma_wait3A_212 = arith.constant 0 : i32
        %dma_wait3A_213 = arith.constant 0 : i32
        %dma_wait3A_214 = tpu.memref_slice %arg13[%dma_wait3A_212, %dma_wait3A_213] : memref<10112x128xf32, #tpu.memory_space<vmem_shared>> -> memref<10112x128xf32, #tpu.memory_space<vmem_shared>>
        tpu.wait_indirect_dma semaphore(%arg19 : memref<!tpu.dma_semaphore, #tpu.memory_space<semaphore_mem>>) src(%arg12 : memref<64x128xf32, #tpu.memory_space<vmem>>) dst(%dma_wait3A_214 : memref<10112x128xf32, #tpu.memory_space<vmem_shared>>)
      } else {
      }
      %add3A_152 = arith.constant 1 : i32
      %add3A_153 = arith.addi %add3A_120, %add3A_152 : i32
      %mul3A_154 = arith.constant 64 : i32
      %mul3A_155 = arith.muli %add3A_153, %mul3A_154 : i32
      %add3A_156 = arith.addi %add3A_49, %mul3A_155 : i32
      %dma_start3A_157 = arith.constant 0 : i32
      %dma_start3A_158 = tpu.memref_slice %arg3[%add3A_156, %dma_start3A_157] : memref<163840x128xf32, #tpu.memory_space<hbm>> -> memref<64x128xf32, #tpu.memory_space<hbm>>
      %dma_start3A_159 = arith.constant 0 : i32
      %dma_start3A_160 = tpu.memref_slice %arg3[%add3A_156, %dma_start3A_159] : memref<163840x128xf32, #tpu.memory_space<hbm>> -> memref<64x128xf32, #tpu.memory_space<hbm>>
      tpu.enqueue_dma source(%dma_start3A_160 : memref<64x128xf32, #tpu.memory_space<hbm>>) target(%arg12 : memref<64x128xf32, #tpu.memory_space<vmem>>) target_semaphore(%arg17 : memref<!tpu.dma_semaphore, #tpu.memory_space<semaphore_mem>>)
      %mul3A_161 = arith.constant 2 : i32
      %mul3A_162 = arith.muli %scan3A_116, %mul3A_161 : i32
      %add3A_163 = arith.constant 1 : i32
      %add3A_164 = arith.addi %mul3A_162, %add3A_163 : i32
      %mul3A_165 = arith.constant 64 : i32
      %mul3A_166 = arith.muli %add3A_164, %mul3A_165 : i32
      %dma_wait3A_167 = tpu.memref_slice %arg7[%mul3A_166] : memref<2560xi32, #tpu.memory_space<vmem>> -> memref<64xi32, #tpu.memory_space<vmem>>
      %dma_wait3A_168 = arith.constant 0 : i32
      %dma_wait3A_169 = arith.constant 0 : i32
      %dma_wait3A_170 = tpu.memref_slice %arg2[%dma_wait3A_168, %dma_wait3A_169] : memref<10000x128xf32, #tpu.memory_space<hbm>> -> memref<10000x128xf32, #tpu.memory_space<hbm>>
      tpu.wait_indirect_dma semaphore(%arg15 : memref<!tpu.dma_semaphore, #tpu.memory_space<semaphore_mem>>) src(%dma_wait3A_170 : memref<10000x128xf32, #tpu.memory_space<hbm>>) dst(%arg10 : memref<64x128xf32, #tpu.memory_space<vmem>>)
      %mul3A_171 = arith.constant 64 : i32
      %mul3A_172 = arith.muli %add3A_164, %mul3A_171 : i32
      %add3A_173 = arith.addi %add3A_49, %mul3A_172 : i32
      %dma_wait3A_174 = arith.constant 0 : i32
      %dma_wait3A_175 = tpu.memref_slice %arg3[%add3A_173, %dma_wait3A_174] : memref<163840x128xf32, #tpu.memory_space<hbm>> -> memref<64x128xf32, #tpu.memory_space<hbm>>
      %dma_wait3A_176 = arith.constant 0 : i32
      %dma_wait3A_177 = tpu.memref_slice %arg3[%add3A_173, %dma_wait3A_176] : memref<163840x128xf32, #tpu.memory_space<hbm>> -> memref<64x128xf32, #tpu.memory_space<hbm>>
      tpu.wait_dma2 semaphore(%arg17 : memref<!tpu.dma_semaphore, #tpu.memory_space<semaphore_mem>>) src(%dma_wait3A_177 : memref<64x128xf32, #tpu.memory_space<hbm>>) dst(%arg12 : memref<64x128xf32, #tpu.memory_space<vmem>>)
      %scan3A_178 = arith.constant 0 : i32
      %scan3A_179 = arith.constant 0 : i32
      %scan3A_180 = arith.constant 64 : i32
      %scan3A_181 = arith.addi %scan3A_179, %scan3A_180 : i32
      %scan3A_182 = arith.constant 1 : i32
      scf.for %scan3A_207 = %scan3A_179 to %scan3A_181 step %scan3A_182  : i32 {
        %get3A = arith.index_cast %scan3A_207 : i32 to index
        %get3A_208 = arith.constant 0 : index
        %get3A_209 = tpu.vector_load %arg10[%get3A, %get3A_208] {strides = array<i32>} : memref<64x128xf32, #tpu.memory_space<vmem>>, vector<1x16xf32>,
        %get3A_210 = vector.shape_cast %get3A_209 : vector<1x16xf32> to vector<16xf32>
        %get3A_211 = arith.index_cast %scan3A_207 : i32 to index
        %get3A_212 = arith.constant 0 : index
        %get3A_213 = tpu.vector_load %arg12[%get3A_211, %get3A_212] {strides = array<i32>} : memref<64x128xf32, #tpu.memory_space<vmem>>, vector<1x16xf32>,
        %get3A_214 = vector.shape_cast %get3A_213 : vector<1x16xf32> to vector<16xf32>
        %mul3A_215 = arith.mulf %get3A_210, %get3A_214 : vector<16xf32>
        %swap3A = arith.index_cast %scan3A_207 : i32 to index
        %swap3A_216 = arith.constant 0 : index
        %swap3A_217 = tpu.vector_load %arg12[%swap3A, %swap3A_216] {strides = array<i32>} : memref<64x128xf32, #tpu.memory_space<vmem>>, vector<1x16xf32>,
        %swap3A_218 = vector.shape_cast %swap3A_217 : vector<1x16xf32> to vector<16xf32>
        %swap3A_219 = vector.shape_cast %mul3A_215 : vector<16xf32> to vector<1x16xf32>
        tpu.vector_store %arg12[%swap3A, %swap3A_216], %swap3A_219 {strides = array<i32>} : memref<64x128xf32, #tpu.memory_space<vmem>>, vector<1x16xf32>,
        %get3A_220 = arith.index_cast %scan3A_207 : i32 to index
        %get3A_221 = arith.constant 16 : index
        %get3A_222 = tpu.vector_load %arg10[%get3A_220, %get3A_221] {strides = array<i32>} : memref<64x128xf32, #tpu.memory_space<vmem>>, vector<1x16xf32>,
        %get3A_223 = vector.shape_cast %get3A_222 : vector<1x16xf32> to vector<16xf32>
        %get3A_224 = arith.index_cast %scan3A_207 : i32 to index
        %get3A_225 = arith.constant 16 : index
        %get3A_226 = tpu.vector_load %arg12[%get3A_224, %get3A_225] {strides = array<i32>} : memref<64x128xf32, #tpu.memory_space<vmem>>, vector<1x16xf32>,
        %get3A_227 = vector.shape_cast %get3A_226 : vector<1x16xf32> to vector<16xf32>
        %mul3A_228 = arith.mulf %get3A_223, %get3A_227 : vector<16xf32>
        %swap3A_229 = arith.index_cast %scan3A_207 : i32 to index
        %swap3A_230 = arith.constant 16 : index
        %swap3A_231 = tpu.vector_load %arg12[%swap3A_229, %swap3A_230] {strides = array<i32>} : memref<64x128xf32, #tpu.memory_space<vmem>>, vector<1x16xf32>,
        %swap3A_232 = vector.shape_cast %swap3A_231 : vector<1x16xf32> to vector<16xf32>
        %swap3A_233 = vector.shape_cast %mul3A_228 : vector<16xf32> to vector<1x16xf32>
        tpu.vector_store %arg12[%swap3A_229, %swap3A_230], %swap3A_233 {strides = array<i32>} : memref<64x128xf32, #tpu.memory_space<vmem>>, vector<1x16xf32>,
        %get3A_234 = arith.index_cast %scan3A_207 : i32 to index
        %get3A_235 = arith.constant 32 : index
        %get3A_236 = tpu.vector_load %arg10[%get3A_234, %get3A_235] {strides = array<i32>} : memref<64x128xf32, #tpu.memory_space<vmem>>, vector<1x16xf32>,
        %get3A_237 = vector.shape_cast %get3A_236 : vector<1x16xf32> to vector<16xf32>
        %get3A_238 = arith.index_cast %scan3A_207 : i32 to index
        %get3A_239 = arith.constant 32 : index
        %get3A_240 = tpu.vector_load %arg12[%get3A_238, %get3A_239] {strides = array<i32>} : memref<64x128xf32, #tpu.memory_space<vmem>>, vector<1x16xf32>,
        %get3A_241 = vector.shape_cast %get3A_240 : vector<1x16xf32> to vector<16xf32>
        %mul3A_242 = arith.mulf %get3A_237, %get3A_241 : vector<16xf32>
        %swap3A_243 = arith.index_cast %scan3A_207 : i32 to index
        %swap3A_244 = arith.constant 32 : index
        %swap3A_245 = tpu.vector_load %arg12[%swap3A_243, %swap3A_244] {strides = array<i32>} : memref<64x128xf32, #tpu.memory_space<vmem>>, vector<1x16xf32>,
        %swap3A_246 = vector.shape_cast %swap3A_245 : vector<1x16xf32> to vector<16xf32>
        %swap3A_247 = vector.shape_cast %mul3A_242 : vector<16xf32> to vector<1x16xf32>
        tpu.vector_store %arg12[%swap3A_243, %swap3A_244], %swap3A_247 {strides = array<i32>} : memref<64x128xf32, #tpu.memory_space<vmem>>, vector<1x16xf32>,
        %get3A_248 = arith.index_cast %scan3A_207 : i32 to index
        %get3A_249 = arith.constant 48 : index
        %get3A_250 = tpu.vector_load %arg10[%get3A_248, %get3A_249] {strides = array<i32>} : memref<64x128xf32, #tpu.memory_space<vmem>>, vector<1x16xf32>,
        %get3A_251 = vector.shape_cast %get3A_250 : vector<1x16xf32> to vector<16xf32>
        %get3A_252 = arith.index_cast %scan3A_207 : i32 to index
        %get3A_253 = arith.constant 48 : index
        %get3A_254 = tpu.vector_load %arg12[%get3A_252, %get3A_253] {strides = array<i32>} : memref<64x128xf32, #tpu.memory_space<vmem>>, vector<1x16xf32>,
        %get3A_255 = vector.shape_cast %get3A_254 : vector<1x16xf32> to vector<16xf32>
        %mul3A_256 = arith.mulf %get3A_251, %get3A_255 : vector<16xf32>
        %swap3A_257 = arith.index_cast %scan3A_207 : i32 to index
        %swap3A_258 = arith.constant 48 : index
        %swap3A_259 = tpu.vector_load %arg12[%swap3A_257, %swap3A_258] {strides = array<i32>} : memref<64x128xf32, #tpu.memory_space<vmem>>, vector<1x16xf32>,
        %swap3A_260 = vector.shape_cast %swap3A_259 : vector<1x16xf32> to vector<16xf32>
        %swap3A_261 = vector.shape_cast %mul3A_256 : vector<16xf32> to vector<1x16xf32>
        tpu.vector_store %arg12[%swap3A_257, %swap3A_258], %swap3A_261 {strides = array<i32>} : memref<64x128xf32, #tpu.memory_space<vmem>>, vector<1x16xf32>,
        %get3A_262 = arith.index_cast %scan3A_207 : i32 to index
        %get3A_263 = arith.constant 64 : index
        %get3A_264 = tpu.vector_load %arg10[%get3A_262, %get3A_263] {strides = array<i32>} : memref<64x128xf32, #tpu.memory_space<vmem>>, vector<1x16xf32>,
        %get3A_265 = vector.shape_cast %get3A_264 : vector<1x16xf32> to vector<16xf32>
        %get3A_266 = arith.index_cast %scan3A_207 : i32 to index
        %get3A_267 = arith.constant 64 : index
        %get3A_268 = tpu.vector_load %arg12[%get3A_266, %get3A_267] {strides = array<i32>} : memref<64x128xf32, #tpu.memory_space<vmem>>, vector<1x16xf32>,
        %get3A_269 = vector.shape_cast %get3A_268 : vector<1x16xf32> to vector<16xf32>
        %mul3A_270 = arith.mulf %get3A_265, %get3A_269 : vector<16xf32>
        %swap3A_271 = arith.index_cast %scan3A_207 : i32 to index
        %swap3A_272 = arith.constant 64 : index
        %swap3A_273 = tpu.vector_load %arg12[%swap3A_271, %swap3A_272] {strides = array<i32>} : memref<64x128xf32, #tpu.memory_space<vmem>>, vector<1x16xf32>,
        %swap3A_274 = vector.shape_cast %swap3A_273 : vector<1x16xf32> to vector<16xf32>
        %swap3A_275 = vector.shape_cast %mul3A_270 : vector<16xf32> to vector<1x16xf32>
        tpu.vector_store %arg12[%swap3A_271, %swap3A_272], %swap3A_275 {strides = array<i32>} : memref<64x128xf32, #tpu.memory_space<vmem>>, vector<1x16xf32>,
        %get3A_276 = arith.index_cast %scan3A_207 : i32 to index
        %get3A_277 = arith.constant 80 : index
        %get3A_278 = tpu.vector_load %arg10[%get3A_276, %get3A_277] {strides = array<i32>} : memref<64x128xf32, #tpu.memory_space<vmem>>, vector<1x16xf32>,
        %get3A_279 = vector.shape_cast %get3A_278 : vector<1x16xf32> to vector<16xf32>
        %get3A_280 = arith.index_cast %scan3A_207 : i32 to index
        %get3A_281 = arith.constant 80 : index
        %get3A_282 = tpu.vector_load %arg12[%get3A_280, %get3A_281] {strides = array<i32>} : memref<64x128xf32, #tpu.memory_space<vmem>>, vector<1x16xf32>,
        %get3A_283 = vector.shape_cast %get3A_282 : vector<1x16xf32> to vector<16xf32>
        %mul3A_284 = arith.mulf %get3A_279, %get3A_283 : vector<16xf32>
        %swap3A_285 = arith.index_cast %scan3A_207 : i32 to index
        %swap3A_286 = arith.constant 80 : index
        %swap3A_287 = tpu.vector_load %arg12[%swap3A_285, %swap3A_286] {strides = array<i32>} : memref<64x128xf32, #tpu.memory_space<vmem>>, vector<1x16xf32>,
        %swap3A_288 = vector.shape_cast %swap3A_287 : vector<1x16xf32> to vector<16xf32>
        %swap3A_289 = vector.shape_cast %mul3A_284 : vector<16xf32> to vector<1x16xf32>
        tpu.vector_store %arg12[%swap3A_285, %swap3A_286], %swap3A_289 {strides = array<i32>} : memref<64x128xf32, #tpu.memory_space<vmem>>, vector<1x16xf32>,
        %get3A_290 = arith.index_cast %scan3A_207 : i32 to index
        %get3A_291 = arith.constant 96 : index
        %get3A_292 = tpu.vector_load %arg10[%get3A_290, %get3A_291] {strides = array<i32>} : memref<64x128xf32, #tpu.memory_space<vmem>>, vector<1x16xf32>,
        %get3A_293 = vector.shape_cast %get3A_292 : vector<1x16xf32> to vector<16xf32>
        %get3A_294 = arith.index_cast %scan3A_207 : i32 to index
        %get3A_295 = arith.constant 96 : index
        %get3A_296 = tpu.vector_load %arg12[%get3A_294, %get3A_295] {strides = array<i32>} : memref<64x128xf32, #tpu.memory_space<vmem>>, vector<1x16xf32>,
        %get3A_297 = vector.shape_cast %get3A_296 : vector<1x16xf32> to vector<16xf32>
        %mul3A_298 = arith.mulf %get3A_293, %get3A_297 : vector<16xf32>
        %swap3A_299 = arith.index_cast %scan3A_207 : i32 to index
        %swap3A_300 = arith.constant 96 : index
        %swap3A_301 = tpu.vector_load %arg12[%swap3A_299, %swap3A_300] {strides = array<i32>} : memref<64x128xf32, #tpu.memory_space<vmem>>, vector<1x16xf32>,
        %swap3A_302 = vector.shape_cast %swap3A_301 : vector<1x16xf32> to vector<16xf32>
        %swap3A_303 = vector.shape_cast %mul3A_298 : vector<16xf32> to vector<1x16xf32>
        tpu.vector_store %arg12[%swap3A_299, %swap3A_300], %swap3A_303 {strides = array<i32>} : memref<64x128xf32, #tpu.memory_space<vmem>>, vector<1x16xf32>,
        %get3A_304 = arith.index_cast %scan3A_207 : i32 to index
        %get3A_305 = arith.constant 112 : index
        %get3A_306 = tpu.vector_load %arg10[%get3A_304, %get3A_305] {strides = array<i32>} : memref<64x128xf32, #tpu.memory_space<vmem>>, vector<1x16xf32>,
        %get3A_307 = vector.shape_cast %get3A_306 : vector<1x16xf32> to vector<16xf32>
        %get3A_308 = arith.index_cast %scan3A_207 : i32 to index
        %get3A_309 = arith.constant 112 : index
        %get3A_310 = tpu.vector_load %arg12[%get3A_308, %get3A_309] {strides = array<i32>} : memref<64x128xf32, #tpu.memory_space<vmem>>, vector<1x16xf32>,
        %get3A_311 = vector.shape_cast %get3A_310 : vector<1x16xf32> to vector<16xf32>
        %mul3A_312 = arith.mulf %get3A_307, %get3A_311 : vector<16xf32>
        %swap3A_313 = arith.index_cast %scan3A_207 : i32 to index
        %swap3A_314 = arith.constant 112 : index
        %swap3A_315 = tpu.vector_load %arg12[%swap3A_313, %swap3A_314] {strides = array<i32>} : memref<64x128xf32, #tpu.memory_space<vmem>>, vector<1x16xf32>,
        %swap3A_316 = vector.shape_cast %swap3A_315 : vector<1x16xf32> to vector<16xf32>
        %swap3A_317 = vector.shape_cast %mul3A_312 : vector<16xf32> to vector<1x16xf32>
        tpu.vector_store %arg12[%swap3A_313, %swap3A_314], %swap3A_317 {strides = array<i32>} : memref<64x128xf32, #tpu.memory_space<vmem>>, vector<1x16xf32>,
      }
      %scan3A_183 = arith.constant 64 : i32
      %lt3A_184 = arith.constant 19 : i32
      %lt3A_185 = arith.cmpi slt, %scan3A_116, %lt3A_184 : i32
      %convert_element_type3A_186 = arith.extui %lt3A_185 : i1 to i32
      %cond3A_187 = arith.constant 0 : i32
      %cond3A_188 = arith.cmpi ne, %convert_element_type3A_186, %cond3A_187 : i32
      scf.if %cond3A_188 {
        %add3A_207 = arith.constant 2 : i32
        %add3A_208 = arith.addi %add3A_164, %add3A_207 : i32
        %mul3A_209 = arith.constant 64 : i32
        %mul3A_210 = arith.muli %add3A_208, %mul3A_209 : i32
        %dma_start3A_211 = tpu.memref_slice %arg7[%mul3A_210] : memref<2560xi32, #tpu.memory_space<vmem>> -> memref<64xi32, #tpu.memory_space<vmem>>
        %dma_start3A_212 = arith.constant 0 : i32
        %dma_start3A_213 = arith.constant 0 : i32
        %dma_start3A_214 = tpu.memref_slice %arg2[%dma_start3A_212, %dma_start3A_213] : memref<10000x128xf32, #tpu.memory_space<hbm>> -> memref<10000x128xf32, #tpu.memory_space<hbm>>
        tpu.enqueue_indirect_dma source(%dma_start3A_214 : memref<10000x128xf32, #tpu.memory_space<hbm>>) target(%arg10 : memref<64x128xf32, #tpu.memory_space<vmem>>) offsets(%dma_start3A_211 : memref<64xi32, #tpu.memory_space<vmem>>) semaphore(%arg15 : memref<!tpu.dma_semaphore, #tpu.memory_space<semaphore_mem>>)
      } else {
      }
      %dma_start3A_189 = arith.constant 0 : i32
      %dma_start3A_190 = tpu.memref_slice %arg8[%add3A_164, %dma_start3A_189] : memref<40x64xi32, #tpu.memory_space<vmem>> -> memref<1x64xi32, #tpu.memory_space<vmem>>
      %dma_start3A_191 = tpu.memref_squeeze %dma_start3A_190 : memref<1x64xi32, #tpu.memory_space<vmem>> -> memref<64xi32, #tpu.memory_space<vmem>>
      %dma_start3A_192 = arith.constant 0 : i32
      %dma_start3A_193 = arith.constant 0 : i32
      %dma_start3A_194 = tpu.memref_slice %arg13[%dma_start3A_192, %dma_start3A_193] : memref<10112x128xf32, #tpu.memory_space<vmem_shared>> -> memref<10112x128xf32, #tpu.memory_space<vmem_shared>>
      tpu.enqueue_indirect_dma source(%arg12 : memref<64x128xf32, #tpu.memory_space<vmem>>) target(%dma_start3A_194 : memref<10112x128xf32, #tpu.memory_space<vmem_shared>>) offsets(%dma_start3A_191 : memref<64xi32, #tpu.memory_space<vmem>>) semaphore(%arg19 : memref<!tpu.dma_semaphore, #tpu.memory_space<semaphore_mem>>) {add = true}
      %sub3A = arith.constant 1 : i32
      %sub3A_195 = arith.subi %add3A_164, %sub3A : i32
      %dma_wait3A_196 = arith.constant 0 : i32
      %dma_wait3A_197 = tpu.memref_slice %arg8[%sub3A_195, %dma_wait3A_196] : memref<40x64xi32, #tpu.memory_space<vmem>> -> memref<1x64xi32, #tpu.memory_space<vmem>>
      %dma_wait3A_198 = tpu.memref_squeeze %dma_wait3A_197 : memref<1x64xi32, #tpu.memory_space<vmem>> -> memref<64xi32, #tpu.memory_space<vmem>>
      %dma_wait3A_199 = arith.constant 0 : i32
      %dma_wait3A_200 = arith.constant 0 : i32
      %dma_wait3A_201 = tpu.memref_slice %arg13[%dma_wait3A_199, %dma_wait3A_200] : memref<10112x128xf32, #tpu.memory_space<vmem_shared>> -> memref<10112x128xf32, #tpu.memory_space<vmem_shared>>
      tpu.wait_indirect_dma semaphore(%arg18 : memref<!tpu.dma_semaphore, #tpu.memory_space<semaphore_mem>>) src(%arg11 : memref<64x128xf32, #tpu.memory_space<vmem>>) dst(%dma_wait3A_201 : memref<10112x128xf32, #tpu.memory_space<vmem_shared>>)
      %lt3A_202 = arith.constant 19 : i32
      %lt3A_203 = arith.cmpi slt, %scan3A_116, %lt3A_202 : i32
      %convert_element_type3A_204 = arith.extui %lt3A_203 : i1 to i32
      %cond3A_205 = arith.constant 0 : i32
      %cond3A_206 = arith.cmpi ne, %convert_element_type3A_204, %cond3A_205 : i32
      scf.if %cond3A_206 {
        %add3A_207 = arith.constant 1 : i32
        %add3A_208 = arith.addi %add3A_164, %add3A_207 : i32
        %mul3A_209 = arith.constant 64 : i32
        %mul3A_210 = arith.muli %add3A_208, %mul3A_209 : i32
        %add3A_211 = arith.addi %add3A_49, %mul3A_210 : i32
        %dma_start3A_212 = arith.constant 0 : i32
        %dma_start3A_213 = tpu.memref_slice %arg3[%add3A_211, %dma_start3A_212] : memref<163840x128xf32, #tpu.memory_space<hbm>> -> memref<64x128xf32, #tpu.memory_space<hbm>>
        %dma_start3A_214 = arith.constant 0 : i32
        %dma_start3A_215 = tpu.memref_slice %arg3[%add3A_211, %dma_start3A_214] : memref<163840x128xf32, #tpu.memory_space<hbm>> -> memref<64x128xf32, #tpu.memory_space<hbm>>
        tpu.enqueue_dma source(%dma_start3A_215 : memref<64x128xf32, #tpu.memory_space<hbm>>) target(%arg11 : memref<64x128xf32, #tpu.memory_space<vmem>>) target_semaphore(%arg16 : memref<!tpu.dma_semaphore, #tpu.memory_space<semaphore_mem>>)
      } else {
      }
    }
    %scan3A_70 = arith.constant 20 : i32
    %dma_wait3A = arith.constant 39 : i32
    %dma_wait3A_71 = arith.constant 0 : i32
    %dma_wait3A_72 = tpu.memref_slice %arg8[%dma_wait3A, %dma_wait3A_71] : memref<40x64xi32, #tpu.memory_space<vmem>> -> memref<1x64xi32, #tpu.memory_space<vmem>>
    %dma_wait3A_73 = tpu.memref_squeeze %dma_wait3A_72 : memref<1x64xi32, #tpu.memory_space<vmem>> -> memref<64xi32, #tpu.memory_space<vmem>>
    %dma_wait3A_74 = arith.constant 0 : i32
    %dma_wait3A_75 = arith.constant 0 : i32
    %dma_wait3A_76 = tpu.memref_slice %arg13[%dma_wait3A_74, %dma_wait3A_75] : memref<10112x128xf32, #tpu.memory_space<vmem_shared>> -> memref<10112x128xf32, #tpu.memory_space<vmem_shared>>
    tpu.wait_indirect_dma semaphore(%arg19 : memref<!tpu.dma_semaphore, #tpu.memory_space<semaphore_mem>>) src(%arg12 : memref<64x128xf32, #tpu.memory_space<vmem>>) dst(%dma_wait3A_76 : memref<10112x128xf32, #tpu.memory_space<vmem_shared>>)
    %mul3A_77 = arith.constant 5120 : i32
    %mul3A_78 = arith.muli %add3A_45, %mul3A_77 : i32
    %add3A_79 = arith.constant 2560 : i32
    %add3A_80 = arith.addi %mul3A_78, %add3A_79 : i32
    "tpu.region"() ({
      %run_scoped3A_116 = tpu.sem_alloc : memref<!tpu.dma_semaphore, #tpu.memory_space<semaphore_mem>>
      %dma_start3A_117 = tpu.memref_slice %arg4[%add3A_80] : memref<163840xi32, #tpu.memory_space<hbm>> -> memref<2560xi32, #tpu.memory_space<hbm>>
      %dma_start3A_118 = tpu.memref_slice %arg4[%add3A_80] : memref<163840xi32, #tpu.memory_space<hbm>> -> memref<2560xi32, #tpu.memory_space<hbm>>
      tpu.enqueue_dma source(%dma_start3A_118 : memref<2560xi32, #tpu.memory_space<hbm>>) target(%arg7 : memref<2560xi32, #tpu.memory_space<vmem>>) target_semaphore(%run_scoped3A_116 : memref<!tpu.dma_semaphore, #tpu.memory_space<semaphore_mem>>)
      %dma_wait3A_119 = tpu.memref_slice %arg4[%add3A_80] : memref<163840xi32, #tpu.memory_space<hbm>> -> memref<2560xi32, #tpu.memory_space<hbm>>
      %dma_wait3A_120 = tpu.memref_slice %arg4[%add3A_80] : memref<163840xi32, #tpu.memory_space<hbm>> -> memref<2560xi32, #tpu.memory_space<hbm>>
      tpu.wait_dma2 semaphore(%run_scoped3A_116 : memref<!tpu.dma_semaphore, #tpu.memory_space<semaphore_mem>>) src(%dma_wait3A_120 : memref<2560xi32, #tpu.memory_space<hbm>>) dst(%arg7 : memref<2560xi32, #tpu.memory_space<vmem>>)
      tpu.yield
    }) : () -> ()
    %run_scoped3A_81 = arith.constant 1 : i32
    "tpu.region"() ({
      %run_scoped3A_116 = tpu.sem_alloc : memref<!tpu.dma_semaphore, #tpu.memory_space<semaphore_mem>>
      %dma_start3A_117 = arith.constant 0 : i32
      %dma_start3A_118 = arith.constant 0 : i32
      %dma_start3A_119 = arith.constant 0 : i32
      %dma_start3A_120 = tpu.memref_slice %arg5[%add3A_45, %dma_start3A_117, %dma_start3A_118, %dma_start3A_119] : memref<32x2x40x64xi32, #tpu.memory_space<hbm>> -> memref<1x2x40x64xi32, #tpu.memory_space<hbm>>
      %dma_start3A_121 = tpu.memref_squeeze %dma_start3A_120 : memref<1x2x40x64xi32, #tpu.memory_space<hbm>> -> memref<2x40x64xi32, #tpu.memory_space<hbm>>
      %dma_start3A_122 = arith.constant 0 : i32
      %dma_start3A_123 = arith.constant 0 : i32
      %dma_start3A_124 = tpu.memref_slice %dma_start3A_121[%run_scoped3A_81, %dma_start3A_122, %dma_start3A_123] : memref<2x40x64xi32, #tpu.memory_space<hbm>> -> memref<1x40x64xi32, #tpu.memory_space<hbm>>
      %dma_start3A_125 = tpu.memref_squeeze %dma_start3A_124 : memref<1x40x64xi32, #tpu.memory_space<hbm>> -> memref<40x64xi32, #tpu.memory_space<hbm>>
      %dma_start3A_126 = arith.constant 0 : i32
      %dma_start3A_127 = arith.constant 0 : i32
      %dma_start3A_128 = arith.constant 0 : i32
      %dma_start3A_129 = tpu.memref_slice %arg5[%add3A_45, %dma_start3A_126, %dma_start3A_127, %dma_start3A_128] : memref<32x2x40x64xi32, #tpu.memory_space<hbm>> -> memref<1x2x40x64xi32, #tpu.memory_space<hbm>>
      %dma_start3A_130 = tpu.memref_squeeze %dma_start3A_129 : memref<1x2x40x64xi32, #tpu.memory_space<hbm>> -> memref<2x40x64xi32, #tpu.memory_space<hbm>>
      %dma_start3A_131 = arith.constant 0 : i32
      %dma_start3A_132 = arith.constant 0 : i32
      %dma_start3A_133 = tpu.memref_slice %dma_start3A_130[%run_scoped3A_81, %dma_start3A_131, %dma_start3A_132] : memref<2x40x64xi32, #tpu.memory_space<hbm>> -> memref<1x40x64xi32, #tpu.memory_space<hbm>>
      %dma_start3A_134 = tpu.memref_squeeze %dma_start3A_133 : memref<1x40x64xi32, #tpu.memory_space<hbm>> -> memref<40x64xi32, #tpu.memory_space<hbm>>
      tpu.enqueue_dma source(%dma_start3A_134 : memref<40x64xi32, #tpu.memory_space<hbm>>) target(%arg8 : memref<40x64xi32, #tpu.memory_space<vmem>>) target_semaphore(%run_scoped3A_116 : memref<!tpu.dma_semaphore, #tpu.memory_space<semaphore_mem>>)
      %dma_wait3A_135 = arith.constant 0 : i32
      %dma_wait3A_136 = arith.constant 0 : i32
      %dma_wait3A_137 = arith.constant 0 : i32
      %dma_wait3A_138 = tpu.memref_slice %arg5[%add3A_45, %dma_wait3A_135, %dma_wait3A_136, %dma_wait3A_137] : memref<32x2x40x64xi32, #tpu.memory_space<hbm>> -> memref<1x2x40x64xi32, #tpu.memory_space<hbm>>
      %dma_wait3A_139 = tpu.memref_squeeze %dma_wait3A_138 : memref<1x2x40x64xi32, #tpu.memory_space<hbm>> -> memref<2x40x64xi32, #tpu.memory_space<hbm>>
      %dma_wait3A_140 = arith.constant 0 : i32
      %dma_wait3A_141 = arith.constant 0 : i32
      %dma_wait3A_142 = tpu.memref_slice %dma_wait3A_139[%run_scoped3A_81, %dma_wait3A_140, %dma_wait3A_141] : memref<2x40x64xi32, #tpu.memory_space<hbm>> -> memref<1x40x64xi32, #tpu.memory_space<hbm>>
      %dma_wait3A_143 = tpu.memref_squeeze %dma_wait3A_142 : memref<1x40x64xi32, #tpu.memory_space<hbm>> -> memref<40x64xi32, #tpu.memory_space<hbm>>
      %dma_wait3A_144 = arith.constant 0 : i32
      %dma_wait3A_145 = arith.constant 0 : i32
      %dma_wait3A_146 = arith.constant 0 : i32
      %dma_wait3A_147 = tpu.memref_slice %arg5[%add3A_45, %dma_wait3A_144, %dma_wait3A_145, %dma_wait3A_146] : memref<32x2x40x64xi32, #tpu.memory_space<hbm>> -> memref<1x2x40x64xi32, #tpu.memory_space<hbm>>
      %dma_wait3A_148 = tpu.memref_squeeze %dma_wait3A_147 : memref<1x2x40x64xi32, #tpu.memory_space<hbm>> -> memref<2x40x64xi32, #tpu.memory_space<hbm>>
      %dma_wait3A_149 = arith.constant 0 : i32
      %dma_wait3A_150 = arith.constant 0 : i32
      %dma_wait3A_151 = tpu.memref_slice %dma_wait3A_148[%run_scoped3A_81, %dma_wait3A_149, %dma_wait3A_150] : memref<2x40x64xi32, #tpu.memory_space<hbm>> -> memref<1x40x64xi32, #tpu.memory_space<hbm>>
      %dma_wait3A_152 = tpu.memref_squeeze %dma_wait3A_151 : memref<1x40x64xi32, #tpu.memory_space<hbm>> -> memref<40x64xi32, #tpu.memory_space<hbm>>
      tpu.wait_dma2 semaphore(%run_scoped3A_116 : memref<!tpu.dma_semaphore, #tpu.memory_space<semaphore_mem>>) src(%dma_wait3A_152 : memref<40x64xi32, #tpu.memory_space<hbm>>) dst(%arg8 : memref<40x64xi32, #tpu.memory_space<vmem>>)
      tpu.yield
    }) : () -> ()
    %dma_start3A_82 = arith.constant 0 : i32
    %dma_start3A_83 = tpu.memref_slice %arg7[%dma_start3A_82] : memref<2560xi32, #tpu.memory_space<vmem>> -> memref<64xi32, #tpu.memory_space<vmem>>
    %dma_start3A_84 = arith.constant 0 : i32
    %dma_start3A_85 = arith.constant 0 : i32
    %dma_start3A_86 = tpu.memref_slice %arg2[%dma_start3A_84, %dma_start3A_85] : memref<10000x128xf32, #tpu.memory_space<hbm>> -> memref<10000x128xf32, #tpu.memory_space<hbm>>
    tpu.enqueue_indirect_dma source(%dma_start3A_86 : memref<10000x128xf32, #tpu.memory_space<hbm>>) target(%arg9 : memref<64x128xf32, #tpu.memory_space<vmem>>) offsets(%dma_start3A_83 : memref<64xi32, #tpu.memory_space<vmem>>) semaphore(%arg14 : memref<!tpu.dma_semaphore, #tpu.memory_space<semaphore_mem>>)
    %dma_start3A_87 = arith.constant 64 : i32
    %dma_start3A_88 = tpu.memref_slice %arg7[%dma_start3A_87] : memref<2560xi32, #tpu.memory_space<vmem>> -> memref<64xi32, #tpu.memory_space<vmem>>
    %dma_start3A_89 = arith.constant 0 : i32
    %dma_start3A_90 = arith.constant 0 : i32
    %dma_start3A_91 = tpu.memref_slice %arg2[%dma_start3A_89, %dma_start3A_90] : memref<10000x128xf32, #tpu.memory_space<hbm>> -> memref<10000x128xf32, #tpu.memory_space<hbm>>
    tpu.enqueue_indirect_dma source(%dma_start3A_91 : memref<10000x128xf32, #tpu.memory_space<hbm>>) target(%arg10 : memref<64x128xf32, #tpu.memory_space<vmem>>) offsets(%dma_start3A_88 : memref<64xi32, #tpu.memory_space<vmem>>) semaphore(%arg15 : memref<!tpu.dma_semaphore, #tpu.memory_space<semaphore_mem>>)
    %add3A_92 = arith.constant 0 : i32
    %add3A_93 = arith.addi %add3A_80, %add3A_92 : i32
    %dma_start3A_94 = arith.constant 0 : i32
    %dma_start3A_95 = tpu.memref_slice %arg3[%add3A_93, %dma_start3A_94] : memref<163840x128xf32, #tpu.memory_space<hbm>> -> memref<64x128xf32, #tpu.memory_space<hbm>>
    %dma_start3A_96 = arith.constant 0 : i32
    %dma_start3A_97 = tpu.memref_slice %arg3[%add3A_93, %dma_start3A_96] : memref<163840x128xf32, #tpu.memory_space<hbm>> -> memref<64x128xf32, #tpu.memory_space<hbm>>
    tpu.enqueue_dma source(%dma_start3A_97 : memref<64x128xf32, #tpu.memory_space<hbm>>) target(%arg11 : memref<64x128xf32, #tpu.memory_space<vmem>>) target_semaphore(%arg16 : memref<!tpu.dma_semaphore, #tpu.memory_space<semaphore_mem>>)
    %scan3A_98 = arith.constant 0 : i32
    %scan3A_99 = arith.constant 0 : i32
    %scan3A_100 = arith.constant 20 : i32
    %scan3A_101 = arith.addi %scan3A_99, %scan3A_100 : i32
    %scan3A_102 = arith.constant 1 : i32
    scf.for %scan3A_116 = %scan3A_99 to %scan3A_101 step %scan3A_102  : i32 {
      %mul3A_117 = arith.constant 2 : i32
      %mul3A_118 = arith.muli %scan3A_116, %mul3A_117 : i32
      %add3A_119 = arith.constant 0 : i32
      %add3A_120 = arith.addi %mul3A_118, %add3A_119 : i32
      %mul3A_121 = arith.constant 64 : i32
      %mul3A_122 = arith.muli %add3A_120, %mul3A_121 : i32
      %dma_wait3A_123 = tpu.memref_slice %arg7[%mul3A_122] : memref<2560xi32, #tpu.memory_space<vmem>> -> memref<64xi32, #tpu.memory_space<vmem>>
      %dma_wait3A_124 = arith.constant 0 : i32
      %dma_wait3A_125 = arith.constant 0 : i32
      %dma_wait3A_126 = tpu.memref_slice %arg2[%dma_wait3A_124, %dma_wait3A_125] : memref<10000x128xf32, #tpu.memory_space<hbm>> -> memref<10000x128xf32, #tpu.memory_space<hbm>>
      tpu.wait_indirect_dma semaphore(%arg14 : memref<!tpu.dma_semaphore, #tpu.memory_space<semaphore_mem>>) src(%dma_wait3A_126 : memref<10000x128xf32, #tpu.memory_space<hbm>>) dst(%arg9 : memref<64x128xf32, #tpu.memory_space<vmem>>)
      %mul3A_127 = arith.constant 64 : i32
      %mul3A_128 = arith.muli %add3A_120, %mul3A_127 : i32
      %add3A_129 = arith.addi %add3A_80, %mul3A_128 : i32
      %dma_wait3A_130 = arith.constant 0 : i32
      %dma_wait3A_131 = tpu.memref_slice %arg3[%add3A_129, %dma_wait3A_130] : memref<163840x128xf32, #tpu.memory_space<hbm>> -> memref<64x128xf32, #tpu.memory_space<hbm>>
      %dma_wait3A_132 = arith.constant 0 : i32
      %dma_wait3A_133 = tpu.memref_slice %arg3[%add3A_129, %dma_wait3A_132] : memref<163840x128xf32, #tpu.memory_space<hbm>> -> memref<64x128xf32, #tpu.memory_space<hbm>>
      tpu.wait_dma2 semaphore(%arg16 : memref<!tpu.dma_semaphore, #tpu.memory_space<semaphore_mem>>) src(%dma_wait3A_133 : memref<64x128xf32, #tpu.memory_space<hbm>>) dst(%arg11 : memref<64x128xf32, #tpu.memory_space<vmem>>)
      %scan3A_134 = arith.constant 0 : i32
      %scan3A_135 = arith.constant 0 : i32
      %scan3A_136 = arith.constant 64 : i32
      %scan3A_137 = arith.addi %scan3A_135, %scan3A_136 : i32
      %scan3A_138 = arith.constant 1 : i32
      scf.for %scan3A_207 = %scan3A_135 to %scan3A_137 step %scan3A_138  : i32 {
        %get3A = arith.index_cast %scan3A_207 : i32 to index
        %get3A_208 = arith.constant 0 : index
        %get3A_209 = tpu.vector_load %arg9[%get3A, %get3A_208] {strides = array<i32>} : memref<64x128xf32, #tpu.memory_space<vmem>>, vector<1x16xf32>,
        %get3A_210 = vector.shape_cast %get3A_209 : vector<1x16xf32> to vector<16xf32>
        %get3A_211 = arith.index_cast %scan3A_207 : i32 to index
        %get3A_212 = arith.constant 0 : index
        %get3A_213 = tpu.vector_load %arg11[%get3A_211, %get3A_212] {strides = array<i32>} : memref<64x128xf32, #tpu.memory_space<vmem>>, vector<1x16xf32>,
        %get3A_214 = vector.shape_cast %get3A_213 : vector<1x16xf32> to vector<16xf32>
        %mul3A_215 = arith.mulf %get3A_210, %get3A_214 : vector<16xf32>
        %swap3A = arith.index_cast %scan3A_207 : i32 to index
        %swap3A_216 = arith.constant 0 : index
        %swap3A_217 = tpu.vector_load %arg11[%swap3A, %swap3A_216] {strides = array<i32>} : memref<64x128xf32, #tpu.memory_space<vmem>>, vector<1x16xf32>,
        %swap3A_218 = vector.shape_cast %swap3A_217 : vector<1x16xf32> to vector<16xf32>
        %swap3A_219 = vector.shape_cast %mul3A_215 : vector<16xf32> to vector<1x16xf32>
        tpu.vector_store %arg11[%swap3A, %swap3A_216], %swap3A_219 {strides = array<i32>} : memref<64x128xf32, #tpu.memory_space<vmem>>, vector<1x16xf32>,
        %get3A_220 = arith.index_cast %scan3A_207 : i32 to index
        %get3A_221 = arith.constant 16 : index
        %get3A_222 = tpu.vector_load %arg9[%get3A_220, %get3A_221] {strides = array<i32>} : memref<64x128xf32, #tpu.memory_space<vmem>>, vector<1x16xf32>,
        %get3A_223 = vector.shape_cast %get3A_222 : vector<1x16xf32> to vector<16xf32>
        %get3A_224 = arith.index_cast %scan3A_207 : i32 to index
        %get3A_225 = arith.constant 16 : index
        %get3A_226 = tpu.vector_load %arg11[%get3A_224, %get3A_225] {strides = array<i32>} : memref<64x128xf32, #tpu.memory_space<vmem>>, vector<1x16xf32>,
        %get3A_227 = vector.shape_cast %get3A_226 : vector<1x16xf32> to vector<16xf32>
        %mul3A_228 = arith.mulf %get3A_223, %get3A_227 : vector<16xf32>
        %swap3A_229 = arith.index_cast %scan3A_207 : i32 to index
        %swap3A_230 = arith.constant 16 : index
        %swap3A_231 = tpu.vector_load %arg11[%swap3A_229, %swap3A_230] {strides = array<i32>} : memref<64x128xf32, #tpu.memory_space<vmem>>, vector<1x16xf32>,
        %swap3A_232 = vector.shape_cast %swap3A_231 : vector<1x16xf32> to vector<16xf32>
        %swap3A_233 = vector.shape_cast %mul3A_228 : vector<16xf32> to vector<1x16xf32>
        tpu.vector_store %arg11[%swap3A_229, %swap3A_230], %swap3A_233 {strides = array<i32>} : memref<64x128xf32, #tpu.memory_space<vmem>>, vector<1x16xf32>,
        %get3A_234 = arith.index_cast %scan3A_207 : i32 to index
        %get3A_235 = arith.constant 32 : index
        %get3A_236 = tpu.vector_load %arg9[%get3A_234, %get3A_235] {strides = array<i32>} : memref<64x128xf32, #tpu.memory_space<vmem>>, vector<1x16xf32>,
        %get3A_237 = vector.shape_cast %get3A_236 : vector<1x16xf32> to vector<16xf32>
        %get3A_238 = arith.index_cast %scan3A_207 : i32 to index
        %get3A_239 = arith.constant 32 : index
        %get3A_240 = tpu.vector_load %arg11[%get3A_238, %get3A_239] {strides = array<i32>} : memref<64x128xf32, #tpu.memory_space<vmem>>, vector<1x16xf32>,
        %get3A_241 = vector.shape_cast %get3A_240 : vector<1x16xf32> to vector<16xf32>
        %mul3A_242 = arith.mulf %get3A_237, %get3A_241 : vector<16xf32>
        %swap3A_243 = arith.index_cast %scan3A_207 : i32 to index
        %swap3A_244 = arith.constant 32 : index
        %swap3A_245 = tpu.vector_load %arg11[%swap3A_243, %swap3A_244] {strides = array<i32>} : memref<64x128xf32, #tpu.memory_space<vmem>>, vector<1x16xf32>,
        %swap3A_246 = vector.shape_cast %swap3A_245 : vector<1x16xf32> to vector<16xf32>
        %swap3A_247 = vector.shape_cast %mul3A_242 : vector<16xf32> to vector<1x16xf32>
        tpu.vector_store %arg11[%swap3A_243, %swap3A_244], %swap3A_247 {strides = array<i32>} : memref<64x128xf32, #tpu.memory_space<vmem>>, vector<1x16xf32>,
        %get3A_248 = arith.index_cast %scan3A_207 : i32 to index
        %get3A_249 = arith.constant 48 : index
        %get3A_250 = tpu.vector_load %arg9[%get3A_248, %get3A_249] {strides = array<i32>} : memref<64x128xf32, #tpu.memory_space<vmem>>, vector<1x16xf32>,
        %get3A_251 = vector.shape_cast %get3A_250 : vector<1x16xf32> to vector<16xf32>
        %get3A_252 = arith.index_cast %scan3A_207 : i32 to index
        %get3A_253 = arith.constant 48 : index
        %get3A_254 = tpu.vector_load %arg11[%get3A_252, %get3A_253] {strides = array<i32>} : memref<64x128xf32, #tpu.memory_space<vmem>>, vector<1x16xf32>,
        %get3A_255 = vector.shape_cast %get3A_254 : vector<1x16xf32> to vector<16xf32>
        %mul3A_256 = arith.mulf %get3A_251, %get3A_255 : vector<16xf32>
        %swap3A_257 = arith.index_cast %scan3A_207 : i32 to index
        %swap3A_258 = arith.constant 48 : index
        %swap3A_259 = tpu.vector_load %arg11[%swap3A_257, %swap3A_258] {strides = array<i32>} : memref<64x128xf32, #tpu.memory_space<vmem>>, vector<1x16xf32>,
        %swap3A_260 = vector.shape_cast %swap3A_259 : vector<1x16xf32> to vector<16xf32>
        %swap3A_261 = vector.shape_cast %mul3A_256 : vector<16xf32> to vector<1x16xf32>
        tpu.vector_store %arg11[%swap3A_257, %swap3A_258], %swap3A_261 {strides = array<i32>} : memref<64x128xf32, #tpu.memory_space<vmem>>, vector<1x16xf32>,
        %get3A_262 = arith.index_cast %scan3A_207 : i32 to index
        %get3A_263 = arith.constant 64 : index
        %get3A_264 = tpu.vector_load %arg9[%get3A_262, %get3A_263] {strides = array<i32>} : memref<64x128xf32, #tpu.memory_space<vmem>>, vector<1x16xf32>,
        %get3A_265 = vector.shape_cast %get3A_264 : vector<1x16xf32> to vector<16xf32>
        %get3A_266 = arith.index_cast %scan3A_207 : i32 to index
        %get3A_267 = arith.constant 64 : index
        %get3A_268 = tpu.vector_load %arg11[%get3A_266, %get3A_267] {strides = array<i32>} : memref<64x128xf32, #tpu.memory_space<vmem>>, vector<1x16xf32>,
        %get3A_269 = vector.shape_cast %get3A_268 : vector<1x16xf32> to vector<16xf32>
        %mul3A_270 = arith.mulf %get3A_265, %get3A_269 : vector<16xf32>
        %swap3A_271 = arith.index_cast %scan3A_207 : i32 to index
        %swap3A_272 = arith.constant 64 : index
        %swap3A_273 = tpu.vector_load %arg11[%swap3A_271, %swap3A_272] {strides = array<i32>} : memref<64x128xf32, #tpu.memory_space<vmem>>, vector<1x16xf32>,
        %swap3A_274 = vector.shape_cast %swap3A_273 : vector<1x16xf32> to vector<16xf32>
        %swap3A_275 = vector.shape_cast %mul3A_270 : vector<16xf32> to vector<1x16xf32>
        tpu.vector_store %arg11[%swap3A_271, %swap3A_272], %swap3A_275 {strides = array<i32>} : memref<64x128xf32, #tpu.memory_space<vmem>>, vector<1x16xf32>,
        %get3A_276 = arith.index_cast %scan3A_207 : i32 to index
        %get3A_277 = arith.constant 80 : index
        %get3A_278 = tpu.vector_load %arg9[%get3A_276, %get3A_277] {strides = array<i32>} : memref<64x128xf32, #tpu.memory_space<vmem>>, vector<1x16xf32>,
        %get3A_279 = vector.shape_cast %get3A_278 : vector<1x16xf32> to vector<16xf32>
        %get3A_280 = arith.index_cast %scan3A_207 : i32 to index
        %get3A_281 = arith.constant 80 : index
        %get3A_282 = tpu.vector_load %arg11[%get3A_280, %get3A_281] {strides = array<i32>} : memref<64x128xf32, #tpu.memory_space<vmem>>, vector<1x16xf32>,
        %get3A_283 = vector.shape_cast %get3A_282 : vector<1x16xf32> to vector<16xf32>
        %mul3A_284 = arith.mulf %get3A_279, %get3A_283 : vector<16xf32>
        %swap3A_285 = arith.index_cast %scan3A_207 : i32 to index
        %swap3A_286 = arith.constant 80 : index
        %swap3A_287 = tpu.vector_load %arg11[%swap3A_285, %swap3A_286] {strides = array<i32>} : memref<64x128xf32, #tpu.memory_space<vmem>>, vector<1x16xf32>,
        %swap3A_288 = vector.shape_cast %swap3A_287 : vector<1x16xf32> to vector<16xf32>
        %swap3A_289 = vector.shape_cast %mul3A_284 : vector<16xf32> to vector<1x16xf32>
        tpu.vector_store %arg11[%swap3A_285, %swap3A_286], %swap3A_289 {strides = array<i32>} : memref<64x128xf32, #tpu.memory_space<vmem>>, vector<1x16xf32>,
        %get3A_290 = arith.index_cast %scan3A_207 : i32 to index
        %get3A_291 = arith.constant 96 : index
        %get3A_292 = tpu.vector_load %arg9[%get3A_290, %get3A_291] {strides = array<i32>} : memref<64x128xf32, #tpu.memory_space<vmem>>, vector<1x16xf32>,
        %get3A_293 = vector.shape_cast %get3A_292 : vector<1x16xf32> to vector<16xf32>
        %get3A_294 = arith.index_cast %scan3A_207 : i32 to index
        %get3A_295 = arith.constant 96 : index
        %get3A_296 = tpu.vector_load %arg11[%get3A_294, %get3A_295] {strides = array<i32>} : memref<64x128xf32, #tpu.memory_space<vmem>>, vector<1x16xf32>,
        %get3A_297 = vector.shape_cast %get3A_296 : vector<1x16xf32> to vector<16xf32>
        %mul3A_298 = arith.mulf %get3A_293, %get3A_297 : vector<16xf32>
        %swap3A_299 = arith.index_cast %scan3A_207 : i32 to index
        %swap3A_300 = arith.constant 96 : index
        %swap3A_301 = tpu.vector_load %arg11[%swap3A_299, %swap3A_300] {strides = array<i32>} : memref<64x128xf32, #tpu.memory_space<vmem>>, vector<1x16xf32>,
        %swap3A_302 = vector.shape_cast %swap3A_301 : vector<1x16xf32> to vector<16xf32>
        %swap3A_303 = vector.shape_cast %mul3A_298 : vector<16xf32> to vector<1x16xf32>
        tpu.vector_store %arg11[%swap3A_299, %swap3A_300], %swap3A_303 {strides = array<i32>} : memref<64x128xf32, #tpu.memory_space<vmem>>, vector<1x16xf32>,
        %get3A_304 = arith.index_cast %scan3A_207 : i32 to index
        %get3A_305 = arith.constant 112 : index
        %get3A_306 = tpu.vector_load %arg9[%get3A_304, %get3A_305] {strides = array<i32>} : memref<64x128xf32, #tpu.memory_space<vmem>>, vector<1x16xf32>,
        %get3A_307 = vector.shape_cast %get3A_306 : vector<1x16xf32> to vector<16xf32>
        %get3A_308 = arith.index_cast %scan3A_207 : i32 to index
        %get3A_309 = arith.constant 112 : index
        %get3A_310 = tpu.vector_load %arg11[%get3A_308, %get3A_309] {strides = array<i32>} : memref<64x128xf32, #tpu.memory_space<vmem>>, vector<1x16xf32>,
        %get3A_311 = vector.shape_cast %get3A_310 : vector<1x16xf32> to vector<16xf32>
        %mul3A_312 = arith.mulf %get3A_307, %get3A_311 : vector<16xf32>
        %swap3A_313 = arith.index_cast %scan3A_207 : i32 to index
        %swap3A_314 = arith.constant 112 : index
        %swap3A_315 = tpu.vector_load %arg11[%swap3A_313, %swap3A_314] {strides = array<i32>} : memref<64x128xf32, #tpu.memory_space<vmem>>, vector<1x16xf32>,
        %swap3A_316 = vector.shape_cast %swap3A_315 : vector<1x16xf32> to vector<16xf32>
        %swap3A_317 = vector.shape_cast %mul3A_312 : vector<16xf32> to vector<1x16xf32>
        tpu.vector_store %arg11[%swap3A_313, %swap3A_314], %swap3A_317 {strides = array<i32>} : memref<64x128xf32, #tpu.memory_space<vmem>>, vector<1x16xf32>,
      }
      %scan3A_139 = arith.constant 64 : i32
      %lt3A = arith.constant 19 : i32
      %lt3A_140 = arith.cmpi slt, %scan3A_116, %lt3A : i32
      %convert_element_type3A = arith.extui %lt3A_140 : i1 to i32
      %cond3A = arith.constant 0 : i32
      %cond3A_141 = arith.cmpi ne, %convert_element_type3A, %cond3A : i32
      scf.if %cond3A_141 {
        %add3A_207 = arith.constant 2 : i32
        %add3A_208 = arith.addi %add3A_120, %add3A_207 : i32
        %mul3A_209 = arith.constant 64 : i32
        %mul3A_210 = arith.muli %add3A_208, %mul3A_209 : i32
        %dma_start3A_211 = tpu.memref_slice %arg7[%mul3A_210] : memref<2560xi32, #tpu.memory_space<vmem>> -> memref<64xi32, #tpu.memory_space<vmem>>
        %dma_start3A_212 = arith.constant 0 : i32
        %dma_start3A_213 = arith.constant 0 : i32
        %dma_start3A_214 = tpu.memref_slice %arg2[%dma_start3A_212, %dma_start3A_213] : memref<10000x128xf32, #tpu.memory_space<hbm>> -> memref<10000x128xf32, #tpu.memory_space<hbm>>
        tpu.enqueue_indirect_dma source(%dma_start3A_214 : memref<10000x128xf32, #tpu.memory_space<hbm>>) target(%arg9 : memref<64x128xf32, #tpu.memory_space<vmem>>) offsets(%dma_start3A_211 : memref<64xi32, #tpu.memory_space<vmem>>) semaphore(%arg14 : memref<!tpu.dma_semaphore, #tpu.memory_space<semaphore_mem>>)
      } else {
      }
      %dma_start3A_142 = arith.constant 0 : i32
      %dma_start3A_143 = tpu.memref_slice %arg8[%add3A_120, %dma_start3A_142] : memref<40x64xi32, #tpu.memory_space<vmem>> -> memref<1x64xi32, #tpu.memory_space<vmem>>
      %dma_start3A_144 = tpu.memref_squeeze %dma_start3A_143 : memref<1x64xi32, #tpu.memory_space<vmem>> -> memref<64xi32, #tpu.memory_space<vmem>>
      %dma_start3A_145 = arith.constant 0 : i32
      %dma_start3A_146 = arith.constant 0 : i32
      %dma_start3A_147 = tpu.memref_slice %arg13[%dma_start3A_145, %dma_start3A_146] : memref<10112x128xf32, #tpu.memory_space<vmem_shared>> -> memref<10112x128xf32, #tpu.memory_space<vmem_shared>>
      tpu.enqueue_indirect_dma source(%arg11 : memref<64x128xf32, #tpu.memory_space<vmem>>) target(%dma_start3A_147 : memref<10112x128xf32, #tpu.memory_space<vmem_shared>>) offsets(%dma_start3A_144 : memref<64xi32, #tpu.memory_space<vmem>>) semaphore(%arg18 : memref<!tpu.dma_semaphore, #tpu.memory_space<semaphore_mem>>) {add = true}
      %gt3A = arith.constant 0 : i32
      %gt3A_148 = arith.cmpi sgt, %scan3A_116, %gt3A : i32
      %convert_element_type3A_149 = arith.extui %gt3A_148 : i1 to i32
      %cond3A_150 = arith.constant 0 : i32
      %cond3A_151 = arith.cmpi ne, %convert_element_type3A_149, %cond3A_150 : i32
      scf.if %cond3A_151 {
        %sub3A_207 = arith.constant 1 : i32
        %sub3A_208 = arith.subi %add3A_120, %sub3A_207 : i32
        %dma_wait3A_209 = arith.constant 0 : i32
        %dma_wait3A_210 = tpu.memref_slice %arg8[%sub3A_208, %dma_wait3A_209] : memref<40x64xi32, #tpu.memory_space<vmem>> -> memref<1x64xi32, #tpu.memory_space<vmem>>
        %dma_wait3A_211 = tpu.memref_squeeze %dma_wait3A_210 : memref<1x64xi32, #tpu.memory_space<vmem>> -> memref<64xi32, #tpu.memory_space<vmem>>
        %dma_wait3A_212 = arith.constant 0 : i32
        %dma_wait3A_213 = arith.constant 0 : i32
        %dma_wait3A_214 = tpu.memref_slice %arg13[%dma_wait3A_212, %dma_wait3A_213] : memref<10112x128xf32, #tpu.memory_space<vmem_shared>> -> memref<10112x128xf32, #tpu.memory_space<vmem_shared>>
        tpu.wait_indirect_dma semaphore(%arg19 : memref<!tpu.dma_semaphore, #tpu.memory_space<semaphore_mem>>) src(%arg12 : memref<64x128xf32, #tpu.memory_space<vmem>>) dst(%dma_wait3A_214 : memref<10112x128xf32, #tpu.memory_space<vmem_shared>>)
      } else {
      }
      %add3A_152 = arith.constant 1 : i32
      %add3A_153 = arith.addi %add3A_120, %add3A_152 : i32
      %mul3A_154 = arith.constant 64 : i32
      %mul3A_155 = arith.muli %add3A_153, %mul3A_154 : i32
      %add3A_156 = arith.addi %add3A_80, %mul3A_155 : i32
      %dma_start3A_157 = arith.constant 0 : i32
      %dma_start3A_158 = tpu.memref_slice %arg3[%add3A_156, %dma_start3A_157] : memref<163840x128xf32, #tpu.memory_space<hbm>> -> memref<64x128xf32, #tpu.memory_space<hbm>>
      %dma_start3A_159 = arith.constant 0 : i32
      %dma_start3A_160 = tpu.memref_slice %arg3[%add3A_156, %dma_start3A_159] : memref<163840x128xf32, #tpu.memory_space<hbm>> -> memref<64x128xf32, #tpu.memory_space<hbm>>
      tpu.enqueue_dma source(%dma_start3A_160 : memref<64x128xf32, #tpu.memory_space<hbm>>) target(%arg12 : memref<64x128xf32, #tpu.memory_space<vmem>>) target_semaphore(%arg17 : memref<!tpu.dma_semaphore, #tpu.memory_space<semaphore_mem>>)
      %mul3A_161 = arith.constant 2 : i32
      %mul3A_162 = arith.muli %scan3A_116, %mul3A_161 : i32
      %add3A_163 = arith.constant 1 : i32
      %add3A_164 = arith.addi %mul3A_162, %add3A_163 : i32
      %mul3A_165 = arith.constant 64 : i32
      %mul3A_166 = arith.muli %add3A_164, %mul3A_165 : i32
      %dma_wait3A_167 = tpu.memref_slice %arg7[%mul3A_166] : memref<2560xi32, #tpu.memory_space<vmem>> -> memref<64xi32, #tpu.memory_space<vmem>>
      %dma_wait3A_168 = arith.constant 0 : i32
      %dma_wait3A_169 = arith.constant 0 : i32
      %dma_wait3A_170 = tpu.memref_slice %arg2[%dma_wait3A_168, %dma_wait3A_169] : memref<10000x128xf32, #tpu.memory_space<hbm>> -> memref<10000x128xf32, #tpu.memory_space<hbm>>
      tpu.wait_indirect_dma semaphore(%arg15 : memref<!tpu.dma_semaphore, #tpu.memory_space<semaphore_mem>>) src(%dma_wait3A_170 : memref<10000x128xf32, #tpu.memory_space<hbm>>) dst(%arg10 : memref<64x128xf32, #tpu.memory_space<vmem>>)
      %mul3A_171 = arith.constant 64 : i32
      %mul3A_172 = arith.muli %add3A_164, %mul3A_171 : i32
      %add3A_173 = arith.addi %add3A_80, %mul3A_172 : i32
      %dma_wait3A_174 = arith.constant 0 : i32
      %dma_wait3A_175 = tpu.memref_slice %arg3[%add3A_173, %dma_wait3A_174] : memref<163840x128xf32, #tpu.memory_space<hbm>> -> memref<64x128xf32, #tpu.memory_space<hbm>>
      %dma_wait3A_176 = arith.constant 0 : i32
      %dma_wait3A_177 = tpu.memref_slice %arg3[%add3A_173, %dma_wait3A_176] : memref<163840x128xf32, #tpu.memory_space<hbm>> -> memref<64x128xf32, #tpu.memory_space<hbm>>
      tpu.wait_dma2 semaphore(%arg17 : memref<!tpu.dma_semaphore, #tpu.memory_space<semaphore_mem>>) src(%dma_wait3A_177 : memref<64x128xf32, #tpu.memory_space<hbm>>) dst(%arg12 : memref<64x128xf32, #tpu.memory_space<vmem>>)
      %scan3A_178 = arith.constant 0 : i32
      %scan3A_179 = arith.constant 0 : i32
      %scan3A_180 = arith.constant 64 : i32
      %scan3A_181 = arith.addi %scan3A_179, %scan3A_180 : i32
      %scan3A_182 = arith.constant 1 : i32
      scf.for %scan3A_207 = %scan3A_179 to %scan3A_181 step %scan3A_182  : i32 {
        %get3A = arith.index_cast %scan3A_207 : i32 to index
        %get3A_208 = arith.constant 0 : index
        %get3A_209 = tpu.vector_load %arg10[%get3A, %get3A_208] {strides = array<i32>} : memref<64x128xf32, #tpu.memory_space<vmem>>, vector<1x16xf32>,
        %get3A_210 = vector.shape_cast %get3A_209 : vector<1x16xf32> to vector<16xf32>
        %get3A_211 = arith.index_cast %scan3A_207 : i32 to index
        %get3A_212 = arith.constant 0 : index
        %get3A_213 = tpu.vector_load %arg12[%get3A_211, %get3A_212] {strides = array<i32>} : memref<64x128xf32, #tpu.memory_space<vmem>>, vector<1x16xf32>,
        %get3A_214 = vector.shape_cast %get3A_213 : vector<1x16xf32> to vector<16xf32>
        %mul3A_215 = arith.mulf %get3A_210, %get3A_214 : vector<16xf32>
        %swap3A = arith.index_cast %scan3A_207 : i32 to index
        %swap3A_216 = arith.constant 0 : index
        %swap3A_217 = tpu.vector_load %arg12[%swap3A, %swap3A_216] {strides = array<i32>} : memref<64x128xf32, #tpu.memory_space<vmem>>, vector<1x16xf32>,
        %swap3A_218 = vector.shape_cast %swap3A_217 : vector<1x16xf32> to vector<16xf32>
        %swap3A_219 = vector.shape_cast %mul3A_215 : vector<16xf32> to vector<1x16xf32>
        tpu.vector_store %arg12[%swap3A, %swap3A_216], %swap3A_219 {strides = array<i32>} : memref<64x128xf32, #tpu.memory_space<vmem>>, vector<1x16xf32>,
        %get3A_220 = arith.index_cast %scan3A_207 : i32 to index
        %get3A_221 = arith.constant 16 : index
        %get3A_222 = tpu.vector_load %arg10[%get3A_220, %get3A_221] {strides = array<i32>} : memref<64x128xf32, #tpu.memory_space<vmem>>, vector<1x16xf32>,
        %get3A_223 = vector.shape_cast %get3A_222 : vector<1x16xf32> to vector<16xf32>
        %get3A_224 = arith.index_cast %scan3A_207 : i32 to index
        %get3A_225 = arith.constant 16 : index
        %get3A_226 = tpu.vector_load %arg12[%get3A_224, %get3A_225] {strides = array<i32>} : memref<64x128xf32, #tpu.memory_space<vmem>>, vector<1x16xf32>,
        %get3A_227 = vector.shape_cast %get3A_226 : vector<1x16xf32> to vector<16xf32>
        %mul3A_228 = arith.mulf %get3A_223, %get3A_227 : vector<16xf32>
        %swap3A_229 = arith.index_cast %scan3A_207 : i32 to index
        %swap3A_230 = arith.constant 16 : index
        %swap3A_231 = tpu.vector_load %arg12[%swap3A_229, %swap3A_230] {strides = array<i32>} : memref<64x128xf32, #tpu.memory_space<vmem>>, vector<1x16xf32>,
        %swap3A_232 = vector.shape_cast %swap3A_231 : vector<1x16xf32> to vector<16xf32>
        %swap3A_233 = vector.shape_cast %mul3A_228 : vector<16xf32> to vector<1x16xf32>
        tpu.vector_store %arg12[%swap3A_229, %swap3A_230], %swap3A_233 {strides = array<i32>} : memref<64x128xf32, #tpu.memory_space<vmem>>, vector<1x16xf32>,
        %get3A_234 = arith.index_cast %scan3A_207 : i32 to index
        %get3A_235 = arith.constant 32 : index
        %get3A_236 = tpu.vector_load %arg10[%get3A_234, %get3A_235] {strides = array<i32>} : memref<64x128xf32, #tpu.memory_space<vmem>>, vector<1x16xf32>,
        %get3A_237 = vector.shape_cast %get3A_236 : vector<1x16xf32> to vector<16xf32>
        %get3A_238 = arith.index_cast %scan3A_207 : i32 to index
        %get3A_239 = arith.constant 32 : index
        %get3A_240 = tpu.vector_load %arg12[%get3A_238, %get3A_239] {strides = array<i32>} : memref<64x128xf32, #tpu.memory_space<vmem>>, vector<1x16xf32>,
        %get3A_241 = vector.shape_cast %get3A_240 : vector<1x16xf32> to vector<16xf32>
        %mul3A_242 = arith.mulf %get3A_237, %get3A_241 : vector<16xf32>
        %swap3A_243 = arith.index_cast %scan3A_207 : i32 to index
        %swap3A_244 = arith.constant 32 : index
        %swap3A_245 = tpu.vector_load %arg12[%swap3A_243, %swap3A_244] {strides = array<i32>} : memref<64x128xf32, #tpu.memory_space<vmem>>, vector<1x16xf32>,
        %swap3A_246 = vector.shape_cast %swap3A_245 : vector<1x16xf32> to vector<16xf32>
        %swap3A_247 = vector.shape_cast %mul3A_242 : vector<16xf32> to vector<1x16xf32>
        tpu.vector_store %arg12[%swap3A_243, %swap3A_244], %swap3A_247 {strides = array<i32>} : memref<64x128xf32, #tpu.memory_space<vmem>>, vector<1x16xf32>,
        %get3A_248 = arith.index_cast %scan3A_207 : i32 to index
        %get3A_249 = arith.constant 48 : index
        %get3A_250 = tpu.vector_load %arg10[%get3A_248, %get3A_249] {strides = array<i32>} : memref<64x128xf32, #tpu.memory_space<vmem>>, vector<1x16xf32>,
        %get3A_251 = vector.shape_cast %get3A_250 : vector<1x16xf32> to vector<16xf32>
        %get3A_252 = arith.index_cast %scan3A_207 : i32 to index
        %get3A_253 = arith.constant 48 : index
        %get3A_254 = tpu.vector_load %arg12[%get3A_252, %get3A_253] {strides = array<i32>} : memref<64x128xf32, #tpu.memory_space<vmem>>, vector<1x16xf32>,
        %get3A_255 = vector.shape_cast %get3A_254 : vector<1x16xf32> to vector<16xf32>
        %mul3A_256 = arith.mulf %get3A_251, %get3A_255 : vector<16xf32>
        %swap3A_257 = arith.index_cast %scan3A_207 : i32 to index
        %swap3A_258 = arith.constant 48 : index
        %swap3A_259 = tpu.vector_load %arg12[%swap3A_257, %swap3A_258] {strides = array<i32>} : memref<64x128xf32, #tpu.memory_space<vmem>>, vector<1x16xf32>,
        %swap3A_260 = vector.shape_cast %swap3A_259 : vector<1x16xf32> to vector<16xf32>
        %swap3A_261 = vector.shape_cast %mul3A_256 : vector<16xf32> to vector<1x16xf32>
        tpu.vector_store %arg12[%swap3A_257, %swap3A_258], %swap3A_261 {strides = array<i32>} : memref<64x128xf32, #tpu.memory_space<vmem>>, vector<1x16xf32>,
        %get3A_262 = arith.index_cast %scan3A_207 : i32 to index
        %get3A_263 = arith.constant 64 : index
        %get3A_264 = tpu.vector_load %arg10[%get3A_262, %get3A_263] {strides = array<i32>} : memref<64x128xf32, #tpu.memory_space<vmem>>, vector<1x16xf32>,
        %get3A_265 = vector.shape_cast %get3A_264 : vector<1x16xf32> to vector<16xf32>
        %get3A_266 = arith.index_cast %scan3A_207 : i32 to index
        %get3A_267 = arith.constant 64 : index
        %get3A_268 = tpu.vector_load %arg12[%get3A_266, %get3A_267] {strides = array<i32>} : memref<64x128xf32, #tpu.memory_space<vmem>>, vector<1x16xf32>,
        %get3A_269 = vector.shape_cast %get3A_268 : vector<1x16xf32> to vector<16xf32>
        %mul3A_270 = arith.mulf %get3A_265, %get3A_269 : vector<16xf32>
        %swap3A_271 = arith.index_cast %scan3A_207 : i32 to index
        %swap3A_272 = arith.constant 64 : index
        %swap3A_273 = tpu.vector_load %arg12[%swap3A_271, %swap3A_272] {strides = array<i32>} : memref<64x128xf32, #tpu.memory_space<vmem>>, vector<1x16xf32>,
        %swap3A_274 = vector.shape_cast %swap3A_273 : vector<1x16xf32> to vector<16xf32>
        %swap3A_275 = vector.shape_cast %mul3A_270 : vector<16xf32> to vector<1x16xf32>
        tpu.vector_store %arg12[%swap3A_271, %swap3A_272], %swap3A_275 {strides = array<i32>} : memref<64x128xf32, #tpu.memory_space<vmem>>, vector<1x16xf32>,
        %get3A_276 = arith.index_cast %scan3A_207 : i32 to index
        %get3A_277 = arith.constant 80 : index
        %get3A_278 = tpu.vector_load %arg10[%get3A_276, %get3A_277] {strides = array<i32>} : memref<64x128xf32, #tpu.memory_space<vmem>>, vector<1x16xf32>,
        %get3A_279 = vector.shape_cast %get3A_278 : vector<1x16xf32> to vector<16xf32>
        %get3A_280 = arith.index_cast %scan3A_207 : i32 to index
        %get3A_281 = arith.constant 80 : index
        %get3A_282 = tpu.vector_load %arg12[%get3A_280, %get3A_281] {strides = array<i32>} : memref<64x128xf32, #tpu.memory_space<vmem>>, vector<1x16xf32>,
        %get3A_283 = vector.shape_cast %get3A_282 : vector<1x16xf32> to vector<16xf32>
        %mul3A_284 = arith.mulf %get3A_279, %get3A_283 : vector<16xf32>
        %swap3A_285 = arith.index_cast %scan3A_207 : i32 to index
        %swap3A_286 = arith.constant 80 : index
        %swap3A_287 = tpu.vector_load %arg12[%swap3A_285, %swap3A_286] {strides = array<i32>} : memref<64x128xf32, #tpu.memory_space<vmem>>, vector<1x16xf32>,
        %swap3A_288 = vector.shape_cast %swap3A_287 : vector<1x16xf32> to vector<16xf32>
        %swap3A_289 = vector.shape_cast %mul3A_284 : vector<16xf32> to vector<1x16xf32>
        tpu.vector_store %arg12[%swap3A_285, %swap3A_286], %swap3A_289 {strides = array<i32>} : memref<64x128xf32, #tpu.memory_space<vmem>>, vector<1x16xf32>,
        %get3A_290 = arith.index_cast %scan3A_207 : i32 to index
        %get3A_291 = arith.constant 96 : index
        %get3A_292 = tpu.vector_load %arg10[%get3A_290, %get3A_291] {strides = array<i32>} : memref<64x128xf32, #tpu.memory_space<vmem>>, vector<1x16xf32>,
        %get3A_293 = vector.shape_cast %get3A_292 : vector<1x16xf32> to vector<16xf32>
        %get3A_294 = arith.index_cast %scan3A_207 : i32 to index
        %get3A_295 = arith.constant 96 : index
        %get3A_296 = tpu.vector_load %arg12[%get3A_294, %get3A_295] {strides = array<i32>} : memref<64x128xf32, #tpu.memory_space<vmem>>, vector<1x16xf32>,
        %get3A_297 = vector.shape_cast %get3A_296 : vector<1x16xf32> to vector<16xf32>
        %mul3A_298 = arith.mulf %get3A_293, %get3A_297 : vector<16xf32>
        %swap3A_299 = arith.index_cast %scan3A_207 : i32 to index
        %swap3A_300 = arith.constant 96 : index
        %swap3A_301 = tpu.vector_load %arg12[%swap3A_299, %swap3A_300] {strides = array<i32>} : memref<64x128xf32, #tpu.memory_space<vmem>>, vector<1x16xf32>,
        %swap3A_302 = vector.shape_cast %swap3A_301 : vector<1x16xf32> to vector<16xf32>
        %swap3A_303 = vector.shape_cast %mul3A_298 : vector<16xf32> to vector<1x16xf32>
        tpu.vector_store %arg12[%swap3A_299, %swap3A_300], %swap3A_303 {strides = array<i32>} : memref<64x128xf32, #tpu.memory_space<vmem>>, vector<1x16xf32>,
        %get3A_304 = arith.index_cast %scan3A_207 : i32 to index
        %get3A_305 = arith.constant 112 : index
        %get3A_306 = tpu.vector_load %arg10[%get3A_304, %get3A_305] {strides = array<i32>} : memref<64x128xf32, #tpu.memory_space<vmem>>, vector<1x16xf32>,
        %get3A_307 = vector.shape_cast %get3A_306 : vector<1x16xf32> to vector<16xf32>
        %get3A_308 = arith.index_cast %scan3A_207 : i32 to index
        %get3A_309 = arith.constant 112 : index
        %get3A_310 = tpu.vector_load %arg12[%get3A_308, %get3A_309] {strides = array<i32>} : memref<64x128xf32, #tpu.memory_space<vmem>>, vector<1x16xf32>,
        %get3A_311 = vector.shape_cast %get3A_310 : vector<1x16xf32> to vector<16xf32>
        %mul3A_312 = arith.mulf %get3A_307, %get3A_311 : vector<16xf32>
        %swap3A_313 = arith.index_cast %scan3A_207 : i32 to index
        %swap3A_314 = arith.constant 112 : index
        %swap3A_315 = tpu.vector_load %arg12[%swap3A_313, %swap3A_314] {strides = array<i32>} : memref<64x128xf32, #tpu.memory_space<vmem>>, vector<1x16xf32>,
        %swap3A_316 = vector.shape_cast %swap3A_315 : vector<1x16xf32> to vector<16xf32>
        %swap3A_317 = vector.shape_cast %mul3A_312 : vector<16xf32> to vector<1x16xf32>
        tpu.vector_store %arg12[%swap3A_313, %swap3A_314], %swap3A_317 {strides = array<i32>} : memref<64x128xf32, #tpu.memory_space<vmem>>, vector<1x16xf32>,
      }
      %scan3A_183 = arith.constant 64 : i32
      %lt3A_184 = arith.constant 19 : i32
      %lt3A_185 = arith.cmpi slt, %scan3A_116, %lt3A_184 : i32
      %convert_element_type3A_186 = arith.extui %lt3A_185 : i1 to i32
      %cond3A_187 = arith.constant 0 : i32
      %cond3A_188 = arith.cmpi ne, %convert_element_type3A_186, %cond3A_187 : i32
      scf.if %cond3A_188 {
        %add3A_207 = arith.constant 2 : i32
        %add3A_208 = arith.addi %add3A_164, %add3A_207 : i32
        %mul3A_209 = arith.constant 64 : i32
        %mul3A_210 = arith.muli %add3A_208, %mul3A_209 : i32
        %dma_start3A_211 = tpu.memref_slice %arg7[%mul3A_210] : memref<2560xi32, #tpu.memory_space<vmem>> -> memref<64xi32, #tpu.memory_space<vmem>>
        %dma_start3A_212 = arith.constant 0 : i32
        %dma_start3A_213 = arith.constant 0 : i32
        %dma_start3A_214 = tpu.memref_slice %arg2[%dma_start3A_212, %dma_start3A_213] : memref<10000x128xf32, #tpu.memory_space<hbm>> -> memref<10000x128xf32, #tpu.memory_space<hbm>>
        tpu.enqueue_indirect_dma source(%dma_start3A_214 : memref<10000x128xf32, #tpu.memory_space<hbm>>) target(%arg10 : memref<64x128xf32, #tpu.memory_space<vmem>>) offsets(%dma_start3A_211 : memref<64xi32, #tpu.memory_space<vmem>>) semaphore(%arg15 : memref<!tpu.dma_semaphore, #tpu.memory_space<semaphore_mem>>)
      } else {
      }
      %dma_start3A_189 = arith.constant 0 : i32
      %dma_start3A_190 = tpu.memref_slice %arg8[%add3A_164, %dma_start3A_189] : memref<40x64xi32, #tpu.memory_space<vmem>> -> memref<1x64xi32, #tpu.memory_space<vmem>>
      %dma_start3A_191 = tpu.memref_squeeze %dma_start3A_190 : memref<1x64xi32, #tpu.memory_space<vmem>> -> memref<64xi32, #tpu.memory_space<vmem>>
      %dma_start3A_192 = arith.constant 0 : i32
      %dma_start3A_193 = arith.constant 0 : i32
      %dma_start3A_194 = tpu.memref_slice %arg13[%dma_start3A_192, %dma_start3A_193] : memref<10112x128xf32, #tpu.memory_space<vmem_shared>> -> memref<10112x128xf32, #tpu.memory_space<vmem_shared>>
      tpu.enqueue_indirect_dma source(%arg12 : memref<64x128xf32, #tpu.memory_space<vmem>>) target(%dma_start3A_194 : memref<10112x128xf32, #tpu.memory_space<vmem_shared>>) offsets(%dma_start3A_191 : memref<64xi32, #tpu.memory_space<vmem>>) semaphore(%arg19 : memref<!tpu.dma_semaphore, #tpu.memory_space<semaphore_mem>>) {add = true}
      %sub3A = arith.constant 1 : i32
      %sub3A_195 = arith.subi %add3A_164, %sub3A : i32
      %dma_wait3A_196 = arith.constant 0 : i32
      %dma_wait3A_197 = tpu.memref_slice %arg8[%sub3A_195, %dma_wait3A_196] : memref<40x64xi32, #tpu.memory_space<vmem>> -> memref<1x64xi32, #tpu.memory_space<vmem>>
      %dma_wait3A_198 = tpu.memref_squeeze %dma_wait3A_197 : memref<1x64xi32, #tpu.memory_space<vmem>> -> memref<64xi32, #tpu.memory_space<vmem>>
      %dma_wait3A_199 = arith.constant 0 : i32
      %dma_wait3A_200 = arith.constant 0 : i32
      %dma_wait3A_201 = tpu.memref_slice %arg13[%dma_wait3A_199, %dma_wait3A_200] : memref<10112x128xf32, #tpu.memory_space<vmem_shared>> -> memref<10112x128xf32, #tpu.memory_space<vmem_shared>>
      tpu.wait_indirect_dma semaphore(%arg18 : memref<!tpu.dma_semaphore, #tpu.memory_space<semaphore_mem>>) src(%arg11 : memref<64x128xf32, #tpu.memory_space<vmem>>) dst(%dma_wait3A_201 : memref<10112x128xf32, #tpu.memory_space<vmem_shared>>)
      %lt3A_202 = arith.constant 19 : i32
      %lt3A_203 = arith.cmpi slt, %scan3A_116, %lt3A_202 : i32
      %convert_element_type3A_204 = arith.extui %lt3A_203 : i1 to i32
      %cond3A_205 = arith.constant 0 : i32
      %cond3A_206 = arith.cmpi ne, %convert_element_type3A_204, %cond3A_205 : i32
      scf.if %cond3A_206 {
        %add3A_207 = arith.constant 1 : i32
        %add3A_208 = arith.addi %add3A_164, %add3A_207 : i32
        %mul3A_209 = arith.constant 64 : i32
        %mul3A_210 = arith.muli %add3A_208, %mul3A_209 : i32
        %add3A_211 = arith.addi %add3A_80, %mul3A_210 : i32
        %dma_start3A_212 = arith.constant 0 : i32
        %dma_start3A_213 = tpu.memref_slice %arg3[%add3A_211, %dma_start3A_212] : memref<163840x128xf32, #tpu.memory_space<hbm>> -> memref<64x128xf32, #tpu.memory_space<hbm>>
        %dma_start3A_214 = arith.constant 0 : i32
        %dma_start3A_215 = tpu.memref_slice %arg3[%add3A_211, %dma_start3A_214] : memref<163840x128xf32, #tpu.memory_space<hbm>> -> memref<64x128xf32, #tpu.memory_space<hbm>>
        tpu.enqueue_dma source(%dma_start3A_215 : memref<64x128xf32, #tpu.memory_space<hbm>>) target(%arg11 : memref<64x128xf32, #tpu.memory_space<vmem>>) target_semaphore(%arg16 : memref<!tpu.dma_semaphore, #tpu.memory_space<semaphore_mem>>)
      } else {
      }
    }
    %scan3A_103 = arith.constant 20 : i32
    %dma_wait3A_104 = arith.constant 39 : i32
    %dma_wait3A_105 = arith.constant 0 : i32
    %dma_wait3A_106 = tpu.memref_slice %arg8[%dma_wait3A_104, %dma_wait3A_105] : memref<40x64xi32, #tpu.memory_space<vmem>> -> memref<1x64xi32, #tpu.memory_space<vmem>>
    %dma_wait3A_107 = tpu.memref_squeeze %dma_wait3A_106 : memref<1x64xi32, #tpu.memory_space<vmem>> -> memref<64xi32, #tpu.memory_space<vmem>>
    %dma_wait3A_108 = arith.constant 0 : i32
    %dma_wait3A_109 = arith.constant 0 : i32
    %dma_wait3A_110 = tpu.memref_slice %arg13[%dma_wait3A_108, %dma_wait3A_109] : memref<10112x128xf32, #tpu.memory_space<vmem_shared>> -> memref<10112x128xf32, #tpu.memory_space<vmem_shared>>
    tpu.wait_indirect_dma semaphore(%arg19 : memref<!tpu.dma_semaphore, #tpu.memory_space<semaphore_mem>>) src(%arg12 : memref<64x128xf32, #tpu.memory_space<vmem>>) dst(%dma_wait3A_110 : memref<10112x128xf32, #tpu.memory_space<vmem_shared>>)
    %barrier3A_111 = arith.constant 0 : index
    tpu.barrier barrier_id(%barrier3A_111)
    %mul3A_112 = arith.constant 632 : i32
    %mul3A_113 = arith.muli %arg1, %mul3A_112 : i32
    %mul3A_114 = arith.constant 632 : i32
    %mul3A_115 = arith.muli %arg1, %mul3A_114 : i32
    "tpu.region"() ({
      %run_scoped3A_116 = tpu.sem_alloc : memref<!tpu.dma_semaphore, #tpu.memory_space<semaphore_mem>>
      %dma_start3A_117 = arith.constant 0 : i32
      %dma_start3A_118 = arith.constant 0 : i32
      %dma_start3A_119 = tpu.memref_slice %arg6[%arg0, %dma_start3A_117, %dma_start3A_118] : memref<2x10112x128xf32, #tpu.memory_space<hbm>> -> memref<1x10112x128xf32, #tpu.memory_space<hbm>>
      %dma_start3A_120 = tpu.memref_squeeze %dma_start3A_119 : memref<1x10112x128xf32, #tpu.memory_space<hbm>> -> memref<10112x128xf32, #tpu.memory_space<hbm>>
      %dma_start3A_121 = arith.constant 0 : i32
      %dma_start3A_122 = tpu.memref_slice %dma_start3A_120[%mul3A_115, %dma_start3A_121] : memref<10112x128xf32, #tpu.memory_space<hbm>> -> memref<632x128xf32, #tpu.memory_space<hbm>>
      %dma_start3A_123 = arith.constant 0 : i32
      %dma_start3A_124 = tpu.memref_slice %arg13[%mul3A_113, %dma_start3A_123] : memref<10112x128xf32, #tpu.memory_space<vmem_shared>> -> memref<632x128xf32, #tpu.memory_space<vmem_shared>>
      tpu.enqueue_dma source(%dma_start3A_124 : memref<632x128xf32, #tpu.memory_space<vmem_shared>>) target(%dma_start3A_122 : memref<632x128xf32, #tpu.memory_space<hbm>>) target_semaphore(%run_scoped3A_116 : memref<!tpu.dma_semaphore, #tpu.memory_space<semaphore_mem>>)
      %dma_wait3A_125 = arith.constant 0 : i32
      %dma_wait3A_126 = arith.constant 0 : i32
      %dma_wait3A_127 = tpu.memref_slice %arg6[%arg0, %dma_wait3A_125, %dma_wait3A_126] : memref<2x10112x128xf32, #tpu.memory_space<hbm>> -> memref<1x10112x128xf32, #tpu.memory_space<hbm>>
      %dma_wait3A_128 = tpu.memref_squeeze %dma_wait3A_127 : memref<1x10112x128xf32, #tpu.memory_space<hbm>> -> memref<10112x128xf32, #tpu.memory_space<hbm>>
      %dma_wait3A_129 = arith.constant 0 : i32
      %dma_wait3A_130 = tpu.memref_slice %dma_wait3A_128[%mul3A_115, %dma_wait3A_129] : memref<10112x128xf32, #tpu.memory_space<hbm>> -> memref<632x128xf32, #tpu.memory_space<hbm>>
      %dma_wait3A_131 = arith.constant 0 : i32
      %dma_wait3A_132 = tpu.memref_slice %arg13[%mul3A_113, %dma_wait3A_131] : memref<10112x128xf32, #tpu.memory_space<vmem_shared>> -> memref<632x128xf32, #tpu.memory_space<vmem_shared>>
      tpu.wait_dma2 semaphore(%run_scoped3A_116 : memref<!tpu.dma_semaphore, #tpu.memory_space<semaphore_mem>>) src(%dma_wait3A_132 : memref<632x128xf32, #tpu.memory_space<vmem_shared>>) dst(%dma_wait3A_130 : memref<632x128xf32, #tpu.memory_space<hbm>>)
      tpu.yield
    }) : () -> ()
    return
  }
}

#map = affine_map<(d0, d1) -> (0, 0)>
#map1 = affine_map<(d0, d1) -> (0)>
#map2 = affine_map<(d0, d1) -> (0, 0, 0, 0)>
#map3 = affine_map<(d0, d1) -> (0, 0, 0)>
module attributes {stable_mosaic.version = 14 : i64} {
  func.func @sck(%arg0: i32, %arg1: i32, %arg2: memref<10000x128xf32, #tpu.memory_space<hbm>>, %arg3: memref<163840x128xf32, #tpu.memory_space<hbm>>, %arg4: memref<163840xi32, #tpu.memory_space<hbm>>, %arg5: memref<32x2x40x64xi32, #tpu.memory_space<hbm>>, %arg6: memref<2x10112x128xf32, #tpu.memory_space<hbm>>, %arg7: memref<2560xi32, #tpu.memory_space<vmem>>, %arg8: memref<40x64xi32, #tpu.memory_space<vmem>>, %arg9: memref<64x128xf32, #tpu.memory_space<vmem>>, %arg10: memref<64x128xf32, #tpu.memory_space<vmem>>, %arg11: memref<64x128xf32, #tpu.memory_space<vmem>>, %arg12: memref<64x128xf32, #tpu.memory_space<vmem>>, %arg13: memref<10112x128xf32, #tpu.memory_space<vmem_shared>>, %arg14: memref<!tpu.dma_semaphore, #tpu.memory_space<semaphore_mem>>, %arg15: memref<!tpu.dma_semaphore, #tpu.memory_space<semaphore_mem>>, %arg16: memref<!tpu.dma_semaphore, #tpu.memory_space<semaphore_mem>>, %arg17: memref<!tpu.dma_semaphore, #tpu.memory_space<semaphore_mem>>, %arg18: memref<!tpu.dma_semaphore, #tpu.memory_space<semaphore_mem>>, %arg19: memref<!tpu.dma_semaphore, #tpu.memory_space<semaphore_mem>>) attributes {dimension_semantics = [#tpu.dimension_semantics<core_parallel>, #tpu.dimension_semantics<subcore_parallel>], iteration_bounds = array<i64: 2, 16>, scalar_prefetch = 0 : i64, scratch_operands = 13 : i64, tpu.core_type = #tpu.core_type<sc_vector_subcore>, window_params = [{transform_indices = #map}, {transform_indices = #map}, {transform_indices = #map1}, {transform_indices = #map2}, {transform_indices = #map3}]} {
    %scan3A = arith.constant 0 : i32
    %scan3A_0 = arith.constant 0 : i32
    %scan3A_1 = arith.constant 64 : i32
    %scan3A_2 = arith.addi %scan3A_0, %scan3A_1 : i32
    %scan3A_3 = arith.constant 1 : i32
    scf.for %scan3A_116 = %scan3A_0 to %scan3A_2 step %scan3A_3  : i32 {
      %broadcast_in_dim3A = arith.constant 0.000000e+00 : f32
      %broadcast_in_dim3A_117 = vector.broadcast %broadcast_in_dim3A : f32 to vector<16xf32>
      %swap3A = arith.index_cast %scan3A_116 : i32 to index
      %swap3A_118 = arith.constant 0 : index
      %swap3A_119 = tpu.vector_load %arg9[%swap3A, %swap3A_118] {strides = array<i32>} : memref<64x128xf32, #tpu.memory_space<vmem>>, vector<1x16xf32>,
      %swap3A_120 = vector.shape_cast %swap3A_119 : vector<1x16xf32> to vector<16xf32>
      %swap3A_121 = vector.shape_cast %broadcast_in_dim3A_117 : vector<16xf32> to vector<1x16xf32>
      tpu.vector_store %arg9[%swap3A, %swap3A_118], %swap3A_121 {strides = array<i32>} : memref<64x128xf32, #tpu.memory_space<vmem>>, vector<1x16xf32>,
      %broadcast_in_dim3A_122 = arith.constant 0.000000e+00 : f32
      %broadcast_in_dim3A_123 = vector.broadcast %broadcast_in_dim3A_122 : f32 to vector<16xf32>
      %swap3A_124 = arith.index_cast %scan3A_116 : i32 to index
      %swap3A_125 = arith.constant 16 : index
      %swap3A_126 = tpu.vector_load %arg9[%swap3A_124, %swap3A_125] {strides = array<i32>} : memref<64x128xf32, #tpu.memory_space<vmem>>, vector<1x16xf32>,
      %swap3A_127 = vector.shape_cast %swap3A_126 : vector<1x16xf32> to vector<16xf32>
      %swap3A_128 = vector.shape_cast %broadcast_in_dim3A_123 : vector<16xf32> to vector<1x16xf32>
      tpu.vector_store %arg9[%swap3A_124, %swap3A_125], %swap3A_128 {strides = array<i32>} : memref<64x128xf32, #tpu.memory_space<vmem>>, vector<1x16xf32>,
      %broadcast_in_dim3A_129 = arith.constant 0.000000e+00 : f32
      %broadcast_in_dim3A_130 = vector.broadcast %broadcast_in_dim3A_129 : f32 to vector<16xf32>
      %swap3A_131 = arith.index_cast %scan3A_116 : i32 to index
      %swap3A_132 = arith.constant 32 : index
      %swap3A_133 = tpu.vector_load %arg9[%swap3A_131, %swap3A_132] {strides = array<i32>} : memref<64x128xf32, #tpu.memory_space<vmem>>, vector<1x16xf32>,
      %swap3A_134 = vector.shape_cast %swap3A_133 : vector<1x16xf32> to vector<16xf32>
      %swap3A_135 = vector.shape_cast %broadcast_in_dim3A_130 : vector<16xf32> to vector<1x16xf32>
      tpu.vector_store %arg9[%swap3A_131, %swap3A_132], %swap3A_135 {strides = array<i32>} : memref<64x128xf32, #tpu.memory_space<vmem>>, vector<1x16xf32>,
      %broadcast_in_dim3A_136 = arith.constant 0.000000e+00 : f32
      %broadcast_in_dim3A_137 = vector.broadcast %broadcast_in_dim3A_136 : f32 to vector<16xf32>
      %swap3A_138 = arith.index_cast %scan3A_116 : i32 to index
      %swap3A_139 = arith.constant 48 : index
      %swap3A_140 = tpu.vector_load %arg9[%swap3A_138, %swap3A_139] {strides = array<i32>} : memref<64x128xf32, #tpu.memory_space<vmem>>, vector<1x16xf32>,
      %swap3A_141 = vector.shape_cast %swap3A_140 : vector<1x16xf32> to vector<16xf32>
      %swap3A_142 = vector.shape_cast %broadcast_in_dim3A_137 : vector<16xf32> to vector<1x16xf32>
      tpu.vector_store %arg9[%swap3A_138, %swap3A_139], %swap3A_142 {strides = array<i32>} : memref<64x128xf32, #tpu.memory_space<vmem>>, vector<1x16xf32>,
      %broadcast_in_dim3A_143 = arith.constant 0.000000e+00 : f32
      %broadcast_in_dim3A_144 = vector.broadcast %broadcast_in_dim3A_143 : f32 to vector<16xf32>
      %swap3A_145 = arith.index_cast %scan3A_116 : i32 to index
      %swap3A_146 = arith.constant 64 : index
      %swap3A_147 = tpu.vector_load %arg9[%swap3A_145, %swap3A_146] {strides = array<i32>} : memref<64x128xf32, #tpu.memory_space<vmem>>, vector<1x16xf32>,
      %swap3A_148 = vector.shape_cast %swap3A_147 : vector<1x16xf32> to vector<16xf32>
      %swap3A_149 = vector.shape_cast %broadcast_in_dim3A_144 : vector<16xf32> to vector<1x16xf32>
      tpu.vector_store %arg9[%swap3A_145, %swap3A_146], %swap3A_149 {strides = array<i32>} : memref<64x128xf32, #tpu.memory_space<vmem>>, vector<1x16xf32>,
      %broadcast_in_dim3A_150 = arith.constant 0.000000e+00 : f32
      %broadcast_in_dim3A_151 = vector.broadcast %broadcast_in_dim3A_150 : f32 to vector<16xf32>
      %swap3A_152 = arith.index_cast %scan3A_116 : i32 to index
      %swap3A_153 = arith.constant 80 : index
      %swap3A_154 = tpu.vector_load %arg9[%swap3A_152, %swap3A_153] {strides = array<i32>} : memref<64x128xf32, #tpu.memory_space<vmem>>, vector<1x16xf32>,
      %swap3A_155 = vector.shape_cast %swap3A_154 : vector<1x16xf32> to vector<16xf32>
      %swap3A_156 = vector.shape_cast %broadcast_in_dim3A_151 : vector<16xf32> to vector<1x16xf32>
      tpu.vector_store %arg9[%swap3A_152, %swap3A_153], %swap3A_156 {strides = array<i32>} : memref<64x128xf32, #tpu.memory_space<vmem>>, vector<1x16xf32>,
      %broadcast_in_dim3A_157 = arith.constant 0.000000e+00 : f32
      %broadcast_in_dim3A_158 = vector.broadcast %broadcast_in_dim3A_157 : f32 to vector<16xf32>
      %swap3A_159 = arith.index_cast %scan3A_116 : i32 to index
      %swap3A_160 = arith.constant 96 : index
      %swap3A_161 = tpu.vector_load %arg9[%swap3A_159, %swap3A_160] {strides = array<i32>} : memref<64x128xf32, #tpu.memory_space<vmem>>, vector<1x16xf32>,
      %swap3A_162 = vector.shape_cast %swap3A_161 : vector<1x16xf32> to vector<16xf32>
      %swap3A_163 = vector.shape_cast %broadcast_in_dim3A_158 : vector<16xf32> to vector<1x16xf32>
      tpu.vector_store %arg9[%swap3A_159, %swap3A_160], %swap3A_163 {strides = array<i32>} : memref<64x128xf32, #tpu.memory_space<vmem>>, vector<1x16xf32>,
      %broadcast_in_dim3A_164 = arith.constant 0.000000e+00 : f32
      %broadcast_in_dim3A_165 = vector.broadcast %broadcast_in_dim3A_164 : f32 to vector<16xf32>
      %swap3A_166 = arith.index_cast %scan3A_116 : i32 to index
      %swap3A_167 = arith.constant 112 : index
      %swap3A_168 = tpu.vector_load %arg9[%swap3A_166, %swap3A_167] {strides = array<i32>} : memref<64x128xf32, #tpu.memory_space<vmem>>, vector<1x16xf32>,
      %swap3A_169 = vector.shape_cast %swap3A_168 : vector<1x16xf32> to vector<16xf32>
      %swap3A_170 = vector.shape_cast %broadcast_in_dim3A_165 : vector<16xf32> to vector<1x16xf32>
      tpu.vector_store %arg9[%swap3A_166, %swap3A_167], %swap3A_170 {strides = array<i32>} : memref<64x128xf32, #tpu.memory_space<vmem>>, vector<1x16xf32>,
    }
    %scan3A_4 = arith.constant 64 : i32
    %mul3A = arith.constant 632 : i32
    %mul3A_5 = arith.muli %arg1, %mul3A : i32
    %add3A = arith.constant 0 : i32
    %add3A_6 = arith.addi %mul3A_5, %add3A : i32
    "tpu.region"() ({
      %run_scoped3A_116 = tpu.sem_alloc : memref<!tpu.dma_semaphore, #tpu.memory_space<semaphore_mem>>
      %dma_start3A_117 = arith.constant 0 : i32
      %dma_start3A_118 = tpu.memref_slice %arg13[%add3A_6, %dma_start3A_117] : memref<10112x128xf32, #tpu.memory_space<vmem_shared>> -> memref<64x128xf32, #tpu.memory_space<vmem_shared>>
      %dma_start3A_119 = arith.constant 0 : i32
      %dma_start3A_120 = tpu.memref_slice %arg13[%add3A_6, %dma_start3A_119] : memref<10112x128xf32, #tpu.memory_space<vmem_shared>> -> memref<64x128xf32, #tpu.memory_space<vmem_shared>>
      tpu.enqueue_dma source(%arg9 : memref<64x128xf32, #tpu.memory_space<vmem>>) target(%dma_start3A_120 : memref<64x128xf32, #tpu.memory_space<vmem_shared>>) target_semaphore(%run_scoped3A_116 : memref<!tpu.dma_semaphore, #tpu.memory_space<semaphore_mem>>)
      %dma_wait3A_121 = arith.constant 0 : i32
      %dma_wait3A_122 = tpu.memref_slice %arg13[%add3A_6, %dma_wait3A_121] : memref<10112x128xf32, #tpu.memory_space<vmem_shared>> -> memref<64x128xf32, #tpu.memory_space<vmem_shared>>
      %dma_wait3A_123 = arith.constant 0 : i32
      %dma_wait3A_124 = tpu.memref_slice %arg13[%add3A_6, %dma_wait3A_123] : memref<10112x128xf32, #tpu.memory_space<vmem_shared>> -> memref<64x128xf32, #tpu.memory_space<vmem_shared>>
      tpu.wait_dma2 semaphore(%run_scoped3A_116 : memref<!tpu.dma_semaphore, #tpu.memory_space<semaphore_mem>>) src(%arg9 : memref<64x128xf32, #tpu.memory_space<vmem>>) dst(%dma_wait3A_124 : memref<64x128xf32, #tpu.memory_space<vmem_shared>>)
      tpu.yield
    }) : () -> ()
    %mul3A_7 = arith.constant 632 : i32
    %mul3A_8 = arith.muli %arg1, %mul3A_7 : i32
    %add3A_9 = arith.constant 64 : i32
    %add3A_10 = arith.addi %mul3A_8, %add3A_9 : i32
    "tpu.region"() ({
      %run_scoped3A_116 = tpu.sem_alloc : memref<!tpu.dma_semaphore, #tpu.memory_space<semaphore_mem>>
      %dma_start3A_117 = arith.constant 0 : i32
      %dma_start3A_118 = tpu.memref_slice %arg13[%add3A_10, %dma_start3A_117] : memref<10112x128xf32, #tpu.memory_space<vmem_shared>> -> memref<64x128xf32, #tpu.memory_space<vmem_shared>>
      %dma_start3A_119 = arith.constant 0 : i32
      %dma_start3A_120 = tpu.memref_slice %arg13[%add3A_10, %dma_start3A_119] : memref<10112x128xf32, #tpu.memory_space<vmem_shared>> -> memref<64x128xf32, #tpu.memory_space<vmem_shared>>
      tpu.enqueue_dma source(%arg9 : memref<64x128xf32, #tpu.memory_space<vmem>>) target(%dma_start3A_120 : memref<64x128xf32, #tpu.memory_space<vmem_shared>>) target_semaphore(%run_scoped3A_116 : memref<!tpu.dma_semaphore, #tpu.memory_space<semaphore_mem>>)
      %dma_wait3A_121 = arith.constant 0 : i32
      %dma_wait3A_122 = tpu.memref_slice %arg13[%add3A_10, %dma_wait3A_121] : memref<10112x128xf32, #tpu.memory_space<vmem_shared>> -> memref<64x128xf32, #tpu.memory_space<vmem_shared>>
      %dma_wait3A_123 = arith.constant 0 : i32
      %dma_wait3A_124 = tpu.memref_slice %arg13[%add3A_10, %dma_wait3A_123] : memref<10112x128xf32, #tpu.memory_space<vmem_shared>> -> memref<64x128xf32, #tpu.memory_space<vmem_shared>>
      tpu.wait_dma2 semaphore(%run_scoped3A_116 : memref<!tpu.dma_semaphore, #tpu.memory_space<semaphore_mem>>) src(%arg9 : memref<64x128xf32, #tpu.memory_space<vmem>>) dst(%dma_wait3A_124 : memref<64x128xf32, #tpu.memory_space<vmem_shared>>)
      tpu.yield
    }) : () -> ()
    %mul3A_11 = arith.constant 632 : i32
    %mul3A_12 = arith.muli %arg1, %mul3A_11 : i32
    %add3A_13 = arith.constant 128 : i32
    %add3A_14 = arith.addi %mul3A_12, %add3A_13 : i32
    "tpu.region"() ({
      %run_scoped3A_116 = tpu.sem_alloc : memref<!tpu.dma_semaphore, #tpu.memory_space<semaphore_mem>>
      %dma_start3A_117 = arith.constant 0 : i32
      %dma_start3A_118 = tpu.memref_slice %arg13[%add3A_14, %dma_start3A_117] : memref<10112x128xf32, #tpu.memory_space<vmem_shared>> -> memref<64x128xf32, #tpu.memory_space<vmem_shared>>
      %dma_start3A_119 = arith.constant 0 : i32
      %dma_start3A_120 = tpu.memref_slice %arg13[%add3A_14, %dma_start3A_119] : memref<10112x128xf32, #tpu.memory_space<vmem_shared>> -> memref<64x128xf32, #tpu.memory_space<vmem_shared>>
      tpu.enqueue_dma source(%arg9 : memref<64x128xf32, #tpu.memory_space<vmem>>) target(%dma_start3A_120 : memref<64x128xf32, #tpu.memory_space<vmem_shared>>) target_semaphore(%run_scoped3A_116 : memref<!tpu.dma_semaphore, #tpu.memory_space<semaphore_mem>>)
      %dma_wait3A_121 = arith.constant 0 : i32
      %dma_wait3A_122 = tpu.memref_slice %arg13[%add3A_14, %dma_wait3A_121] : memref<10112x128xf32, #tpu.memory_space<vmem_shared>> -> memref<64x128xf32, #tpu.memory_space<vmem_shared>>
      %dma_wait3A_123 = arith.constant 0 : i32
      %dma_wait3A_124 = tpu.memref_slice %arg13[%add3A_14, %dma_wait3A_123] : memref<10112x128xf32, #tpu.memory_space<vmem_shared>> -> memref<64x128xf32, #tpu.memory_space<vmem_shared>>
      tpu.wait_dma2 semaphore(%run_scoped3A_116 : memref<!tpu.dma_semaphore, #tpu.memory_space<semaphore_mem>>) src(%arg9 : memref<64x128xf32, #tpu.memory_space<vmem>>) dst(%dma_wait3A_124 : memref<64x128xf32, #tpu.memory_space<vmem_shared>>)
      tpu.yield
    }) : () -> ()
    %mul3A_15 = arith.constant 632 : i32
    %mul3A_16 = arith.muli %arg1, %mul3A_15 : i32
    %add3A_17 = arith.constant 192 : i32
    %add3A_18 = arith.addi %mul3A_16, %add3A_17 : i32
    "tpu.region"() ({
      %run_scoped3A_116 = tpu.sem_alloc : memref<!tpu.dma_semaphore, #tpu.memory_space<semaphore_mem>>
      %dma_start3A_117 = arith.constant 0 : i32
      %dma_start3A_118 = tpu.memref_slice %arg13[%add3A_18, %dma_start3A_117] : memref<10112x128xf32, #tpu.memory_space<vmem_shared>> -> memref<64x128xf32, #tpu.memory_space<vmem_shared>>
      %dma_start3A_119 = arith.constant 0 : i32
      %dma_start3A_120 = tpu.memref_slice %arg13[%add3A_18, %dma_start3A_119] : memref<10112x128xf32, #tpu.memory_space<vmem_shared>> -> memref<64x128xf32, #tpu.memory_space<vmem_shared>>
      tpu.enqueue_dma source(%arg9 : memref<64x128xf32, #tpu.memory_space<vmem>>) target(%dma_start3A_120 : memref<64x128xf32, #tpu.memory_space<vmem_shared>>) target_semaphore(%run_scoped3A_116 : memref<!tpu.dma_semaphore, #tpu.memory_space<semaphore_mem>>)
      %dma_wait3A_121 = arith.constant 0 : i32
      %dma_wait3A_122 = tpu.memref_slice %arg13[%add3A_18, %dma_wait3A_121] : memref<10112x128xf32, #tpu.memory_space<vmem_shared>> -> memref<64x128xf32, #tpu.memory_space<vmem_shared>>
      %dma_wait3A_123 = arith.constant 0 : i32
      %dma_wait3A_124 = tpu.memref_slice %arg13[%add3A_18, %dma_wait3A_123] : memref<10112x128xf32, #tpu.memory_space<vmem_shared>> -> memref<64x128xf32, #tpu.memory_space<vmem_shared>>
      tpu.wait_dma2 semaphore(%run_scoped3A_116 : memref<!tpu.dma_semaphore, #tpu.memory_space<semaphore_mem>>) src(%arg9 : memref<64x128xf32, #tpu.memory_space<vmem>>) dst(%dma_wait3A_124 : memref<64x128xf32, #tpu.memory_space<vmem_shared>>)
      tpu.yield
    }) : () -> ()
    %mul3A_19 = arith.constant 632 : i32
    %mul3A_20 = arith.muli %arg1, %mul3A_19 : i32
    %add3A_21 = arith.constant 256 : i32
    %add3A_22 = arith.addi %mul3A_20, %add3A_21 : i32
    "tpu.region"() ({
      %run_scoped3A_116 = tpu.sem_alloc : memref<!tpu.dma_semaphore, #tpu.memory_space<semaphore_mem>>
      %dma_start3A_117 = arith.constant 0 : i32
      %dma_start3A_118 = tpu.memref_slice %arg13[%add3A_22, %dma_start3A_117] : memref<10112x128xf32, #tpu.memory_space<vmem_shared>> -> memref<64x128xf32, #tpu.memory_space<vmem_shared>>
      %dma_start3A_119 = arith.constant 0 : i32
      %dma_start3A_120 = tpu.memref_slice %arg13[%add3A_22, %dma_start3A_119] : memref<10112x128xf32, #tpu.memory_space<vmem_shared>> -> memref<64x128xf32, #tpu.memory_space<vmem_shared>>
      tpu.enqueue_dma source(%arg9 : memref<64x128xf32, #tpu.memory_space<vmem>>) target(%dma_start3A_120 : memref<64x128xf32, #tpu.memory_space<vmem_shared>>) target_semaphore(%run_scoped3A_116 : memref<!tpu.dma_semaphore, #tpu.memory_space<semaphore_mem>>)
      %dma_wait3A_121 = arith.constant 0 : i32
      %dma_wait3A_122 = tpu.memref_slice %arg13[%add3A_22, %dma_wait3A_121] : memref<10112x128xf32, #tpu.memory_space<vmem_shared>> -> memref<64x128xf32, #tpu.memory_space<vmem_shared>>
      %dma_wait3A_123 = arith.constant 0 : i32
      %dma_wait3A_124 = tpu.memref_slice %arg13[%add3A_22, %dma_wait3A_123] : memref<10112x128xf32, #tpu.memory_space<vmem_shared>> -> memref<64x128xf32, #tpu.memory_space<vmem_shared>>
      tpu.wait_dma2 semaphore(%run_scoped3A_116 : memref<!tpu.dma_semaphore, #tpu.memory_space<semaphore_mem>>) src(%arg9 : memref<64x128xf32, #tpu.memory_space<vmem>>) dst(%dma_wait3A_124 : memref<64x128xf32, #tpu.memory_space<vmem_shared>>)
      tpu.yield
    }) : () -> ()
    %mul3A_23 = arith.constant 632 : i32
    %mul3A_24 = arith.muli %arg1, %mul3A_23 : i32
    %add3A_25 = arith.constant 320 : i32
    %add3A_26 = arith.addi %mul3A_24, %add3A_25 : i32
    "tpu.region"() ({
      %run_scoped3A_116 = tpu.sem_alloc : memref<!tpu.dma_semaphore, #tpu.memory_space<semaphore_mem>>
      %dma_start3A_117 = arith.constant 0 : i32
      %dma_start3A_118 = tpu.memref_slice %arg13[%add3A_26, %dma_start3A_117] : memref<10112x128xf32, #tpu.memory_space<vmem_shared>> -> memref<64x128xf32, #tpu.memory_space<vmem_shared>>
      %dma_start3A_119 = arith.constant 0 : i32
      %dma_start3A_120 = tpu.memref_slice %arg13[%add3A_26, %dma_start3A_119] : memref<10112x128xf32, #tpu.memory_space<vmem_shared>> -> memref<64x128xf32, #tpu.memory_space<vmem_shared>>
      tpu.enqueue_dma source(%arg9 : memref<64x128xf32, #tpu.memory_space<vmem>>) target(%dma_start3A_120 : memref<64x128xf32, #tpu.memory_space<vmem_shared>>) target_semaphore(%run_scoped3A_116 : memref<!tpu.dma_semaphore, #tpu.memory_space<semaphore_mem>>)
      %dma_wait3A_121 = arith.constant 0 : i32
      %dma_wait3A_122 = tpu.memref_slice %arg13[%add3A_26, %dma_wait3A_121] : memref<10112x128xf32, #tpu.memory_space<vmem_shared>> -> memref<64x128xf32, #tpu.memory_space<vmem_shared>>
      %dma_wait3A_123 = arith.constant 0 : i32
      %dma_wait3A_124 = tpu.memref_slice %arg13[%add3A_26, %dma_wait3A_123] : memref<10112x128xf32, #tpu.memory_space<vmem_shared>> -> memref<64x128xf32, #tpu.memory_space<vmem_shared>>
      tpu.wait_dma2 semaphore(%run_scoped3A_116 : memref<!tpu.dma_semaphore, #tpu.memory_space<semaphore_mem>>) src(%arg9 : memref<64x128xf32, #tpu.memory_space<vmem>>) dst(%dma_wait3A_124 : memref<64x128xf32, #tpu.memory_space<vmem_shared>>)
      tpu.yield
    }) : () -> ()
    %mul3A_27 = arith.constant 632 : i32
    %mul3A_28 = arith.muli %arg1, %mul3A_27 : i32
    %add3A_29 = arith.constant 384 : i32
    %add3A_30 = arith.addi %mul3A_28, %add3A_29 : i32
    "tpu.region"() ({
      %run_scoped3A_116 = tpu.sem_alloc : memref<!tpu.dma_semaphore, #tpu.memory_space<semaphore_mem>>
      %dma_start3A_117 = arith.constant 0 : i32
      %dma_start3A_118 = tpu.memref_slice %arg13[%add3A_30, %dma_start3A_117] : memref<10112x128xf32, #tpu.memory_space<vmem_shared>> -> memref<64x128xf32, #tpu.memory_space<vmem_shared>>
      %dma_start3A_119 = arith.constant 0 : i32
      %dma_start3A_120 = tpu.memref_slice %arg13[%add3A_30, %dma_start3A_119] : memref<10112x128xf32, #tpu.memory_space<vmem_shared>> -> memref<64x128xf32, #tpu.memory_space<vmem_shared>>
      tpu.enqueue_dma source(%arg9 : memref<64x128xf32, #tpu.memory_space<vmem>>) target(%dma_start3A_120 : memref<64x128xf32, #tpu.memory_space<vmem_shared>>) target_semaphore(%run_scoped3A_116 : memref<!tpu.dma_semaphore, #tpu.memory_space<semaphore_mem>>)
      %dma_wait3A_121 = arith.constant 0 : i32
      %dma_wait3A_122 = tpu.memref_slice %arg13[%add3A_30, %dma_wait3A_121] : memref<10112x128xf32, #tpu.memory_space<vmem_shared>> -> memref<64x128xf32, #tpu.memory_space<vmem_shared>>
      %dma_wait3A_123 = arith.constant 0 : i32
      %dma_wait3A_124 = tpu.memref_slice %arg13[%add3A_30, %dma_wait3A_123] : memref<10112x128xf32, #tpu.memory_space<vmem_shared>> -> memref<64x128xf32, #tpu.memory_space<vmem_shared>>
      tpu.wait_dma2 semaphore(%run_scoped3A_116 : memref<!tpu.dma_semaphore, #tpu.memory_space<semaphore_mem>>) src(%arg9 : memref<64x128xf32, #tpu.memory_space<vmem>>) dst(%dma_wait3A_124 : memref<64x128xf32, #tpu.memory_space<vmem_shared>>)
      tpu.yield
    }) : () -> ()
    %mul3A_31 = arith.constant 632 : i32
    %mul3A_32 = arith.muli %arg1, %mul3A_31 : i32
    %add3A_33 = arith.constant 448 : i32
    %add3A_34 = arith.addi %mul3A_32, %add3A_33 : i32
    "tpu.region"() ({
      %run_scoped3A_116 = tpu.sem_alloc : memref<!tpu.dma_semaphore, #tpu.memory_space<semaphore_mem>>
      %dma_start3A_117 = arith.constant 0 : i32
      %dma_start3A_118 = tpu.memref_slice %arg13[%add3A_34, %dma_start3A_117] : memref<10112x128xf32, #tpu.memory_space<vmem_shared>> -> memref<64x128xf32, #tpu.memory_space<vmem_shared>>
      %dma_start3A_119 = arith.constant 0 : i32
      %dma_start3A_120 = tpu.memref_slice %arg13[%add3A_34, %dma_start3A_119] : memref<10112x128xf32, #tpu.memory_space<vmem_shared>> -> memref<64x128xf32, #tpu.memory_space<vmem_shared>>
      tpu.enqueue_dma source(%arg9 : memref<64x128xf32, #tpu.memory_space<vmem>>) target(%dma_start3A_120 : memref<64x128xf32, #tpu.memory_space<vmem_shared>>) target_semaphore(%run_scoped3A_116 : memref<!tpu.dma_semaphore, #tpu.memory_space<semaphore_mem>>)
      %dma_wait3A_121 = arith.constant 0 : i32
      %dma_wait3A_122 = tpu.memref_slice %arg13[%add3A_34, %dma_wait3A_121] : memref<10112x128xf32, #tpu.memory_space<vmem_shared>> -> memref<64x128xf32, #tpu.memory_space<vmem_shared>>
      %dma_wait3A_123 = arith.constant 0 : i32
      %dma_wait3A_124 = tpu.memref_slice %arg13[%add3A_34, %dma_wait3A_123] : memref<10112x128xf32, #tpu.memory_space<vmem_shared>> -> memref<64x128xf32, #tpu.memory_space<vmem_shared>>
      tpu.wait_dma2 semaphore(%run_scoped3A_116 : memref<!tpu.dma_semaphore, #tpu.memory_space<semaphore_mem>>) src(%arg9 : memref<64x128xf32, #tpu.memory_space<vmem>>) dst(%dma_wait3A_124 : memref<64x128xf32, #tpu.memory_space<vmem_shared>>)
      tpu.yield
    }) : () -> ()
    %mul3A_35 = arith.constant 632 : i32
    %mul3A_36 = arith.muli %arg1, %mul3A_35 : i32
    %add3A_37 = arith.constant 512 : i32
    %add3A_38 = arith.addi %mul3A_36, %add3A_37 : i32
    "tpu.region"() ({
      %run_scoped3A_116 = tpu.sem_alloc : memref<!tpu.dma_semaphore, #tpu.memory_space<semaphore_mem>>
      %dma_start3A_117 = arith.constant 0 : i32
      %dma_start3A_118 = tpu.memref_slice %arg13[%add3A_38, %dma_start3A_117] : memref<10112x128xf32, #tpu.memory_space<vmem_shared>> -> memref<64x128xf32, #tpu.memory_space<vmem_shared>>
      %dma_start3A_119 = arith.constant 0 : i32
      %dma_start3A_120 = tpu.memref_slice %arg13[%add3A_38, %dma_start3A_119] : memref<10112x128xf32, #tpu.memory_space<vmem_shared>> -> memref<64x128xf32, #tpu.memory_space<vmem_shared>>
      tpu.enqueue_dma source(%arg9 : memref<64x128xf32, #tpu.memory_space<vmem>>) target(%dma_start3A_120 : memref<64x128xf32, #tpu.memory_space<vmem_shared>>) target_semaphore(%run_scoped3A_116 : memref<!tpu.dma_semaphore, #tpu.memory_space<semaphore_mem>>)
      %dma_wait3A_121 = arith.constant 0 : i32
      %dma_wait3A_122 = tpu.memref_slice %arg13[%add3A_38, %dma_wait3A_121] : memref<10112x128xf32, #tpu.memory_space<vmem_shared>> -> memref<64x128xf32, #tpu.memory_space<vmem_shared>>
      %dma_wait3A_123 = arith.constant 0 : i32
      %dma_wait3A_124 = tpu.memref_slice %arg13[%add3A_38, %dma_wait3A_123] : memref<10112x128xf32, #tpu.memory_space<vmem_shared>> -> memref<64x128xf32, #tpu.memory_space<vmem_shared>>
      tpu.wait_dma2 semaphore(%run_scoped3A_116 : memref<!tpu.dma_semaphore, #tpu.memory_space<semaphore_mem>>) src(%arg9 : memref<64x128xf32, #tpu.memory_space<vmem>>) dst(%dma_wait3A_124 : memref<64x128xf32, #tpu.memory_space<vmem_shared>>)
      tpu.yield
    }) : () -> ()
    %mul3A_39 = arith.constant 632 : i32
    %mul3A_40 = arith.muli %arg1, %mul3A_39 : i32
    %add3A_41 = arith.constant 576 : i32
    %add3A_42 = arith.addi %mul3A_40, %add3A_41 : i32
    "tpu.region"() ({
      %run_scoped3A_116 = tpu.sem_alloc : memref<!tpu.dma_semaphore, #tpu.memory_space<semaphore_mem>>
      %dma_start3A_117 = arith.constant 0 : i32
      %dma_start3A_118 = arith.constant 0 : i32
      %dma_start3A_119 = tpu.memref_slice %arg9[%dma_start3A_117, %dma_start3A_118] : memref<64x128xf32, #tpu.memory_space<vmem>> -> memref<56x128xf32, #tpu.memory_space<vmem>>
      %dma_start3A_120 = arith.constant 0 : i32
      %dma_start3A_121 = tpu.memref_slice %arg13[%add3A_42, %dma_start3A_120] : memref<10112x128xf32, #tpu.memory_space<vmem_shared>> -> memref<56x128xf32, #tpu.memory_space<vmem_shared>>
      %dma_start3A_122 = arith.constant 0 : i32
      %dma_start3A_123 = tpu.memref_slice %arg13[%add3A_42, %dma_start3A_122] : memref<10112x128xf32, #tpu.memory_space<vmem_shared>> -> memref<56x128xf32, #tpu.memory_space<vmem_shared>>
      %dma_start3A_124 = arith.constant 0 : i32
      %dma_start3A_125 = arith.constant 0 : i32
      %dma_start3A_126 = tpu.memref_slice %arg9[%dma_start3A_124, %dma_start3A_125] : memref<64x128xf32, #tpu.memory_space<vmem>> -> memref<56x128xf32, #tpu.memory_space<vmem>>
      tpu.enqueue_dma source(%dma_start3A_126 : memref<56x128xf32, #tpu.memory_space<vmem>>) target(%dma_start3A_123 : memref<56x128xf32, #tpu.memory_space<vmem_shared>>) target_semaphore(%run_scoped3A_116 : memref<!tpu.dma_semaphore, #tpu.memory_space<semaphore_mem>>)
      %dma_wait3A_127 = arith.constant 0 : i32
      %dma_wait3A_128 = arith.constant 0 : i32
      %dma_wait3A_129 = tpu.memref_slice %arg9[%dma_wait3A_127, %dma_wait3A_128] : memref<64x128xf32, #tpu.memory_space<vmem>> -> memref<56x128xf32, #tpu.memory_space<vmem>>
      %dma_wait3A_130 = arith.constant 0 : i32
      %dma_wait3A_131 = tpu.memref_slice %arg13[%add3A_42, %dma_wait3A_130] : memref<10112x128xf32, #tpu.memory_space<vmem_shared>> -> memref<56x128xf32, #tpu.memory_space<vmem_shared>>
      %dma_wait3A_132 = arith.constant 0 : i32
      %dma_wait3A_133 = tpu.memref_slice %arg13[%add3A_42, %dma_wait3A_132] : memref<10112x128xf32, #tpu.memory_space<vmem_shared>> -> memref<56x128xf32, #tpu.memory_space<vmem_shared>>
      %dma_wait3A_134 = arith.constant 0 : i32
      %dma_wait3A_135 = arith.constant 0 : i32
      %dma_wait3A_136 = tpu.memref_slice %arg9[%dma_wait3A_134, %dma_wait3A_135] : memref<64x128xf32, #tpu.memory_space<vmem>> -> memref<56x128xf32, #tpu.memory_space<vmem>>
      tpu.wait_dma2 semaphore(%run_scoped3A_116 : memref<!tpu.dma_semaphore, #tpu.memory_space<semaphore_mem>>) src(%dma_wait3A_136 : memref<56x128xf32, #tpu.memory_space<vmem>>) dst(%dma_wait3A_133 : memref<56x128xf32, #tpu.memory_space<vmem_shared>>)
      tpu.yield
    }) : () -> ()
    %barrier3A = arith.constant 0 : index
    tpu.barrier barrier_id(%barrier3A)
    %mul3A_43 = arith.constant 16 : i32
    %mul3A_44 = arith.muli %arg0, %mul3A_43 : i32
    %add3A_45 = arith.addi %mul3A_44, %arg1 : i32
    %mul3A_46 = arith.constant 5120 : i32
    %mul3A_47 = arith.muli %add3A_45, %mul3A_46 : i32
    %add3A_48 = arith.constant 0 : i32
    %add3A_49 = arith.addi %mul3A_47, %add3A_48 : i32
    "tpu.region"() ({
      %run_scoped3A_116 = tpu.sem_alloc : memref<!tpu.dma_semaphore, #tpu.memory_space<semaphore_mem>>
      %dma_start3A_117 = tpu.memref_slice %arg4[%add3A_49] : memref<163840xi32, #tpu.memory_space<hbm>> -> memref<2560xi32, #tpu.memory_space<hbm>>
      %dma_start3A_118 = tpu.memref_slice %arg4[%add3A_49] : memref<163840xi32, #tpu.memory_space<hbm>> -> memref<2560xi32, #tpu.memory_space<hbm>>
      tpu.enqueue_dma source(%dma_start3A_118 : memref<2560xi32, #tpu.memory_space<hbm>>) target(%arg7 : memref<2560xi32, #tpu.memory_space<vmem>>) target_semaphore(%run_scoped3A_116 : memref<!tpu.dma_semaphore, #tpu.memory_space<semaphore_mem>>)
      %dma_wait3A_119 = tpu.memref_slice %arg4[%add3A_49] : memref<163840xi32, #tpu.memory_space<hbm>> -> memref<2560xi32, #tpu.memory_space<hbm>>
      %dma_wait3A_120 = tpu.memref_slice %arg4[%add3A_49] : memref<163840xi32, #tpu.memory_space<hbm>> -> memref<2560xi32, #tpu.memory_space<hbm>>
      tpu.wait_dma2 semaphore(%run_scoped3A_116 : memref<!tpu.dma_semaphore, #tpu.memory_space<semaphore_mem>>) src(%dma_wait3A_120 : memref<2560xi32, #tpu.memory_space<hbm>>) dst(%arg7 : memref<2560xi32, #tpu.memory_space<vmem>>)
      tpu.yield
    }) : () -> ()
    %run_scoped3A = arith.constant 0 : i32
    "tpu.region"() ({
      %run_scoped3A_116 = tpu.sem_alloc : memref<!tpu.dma_semaphore, #tpu.memory_space<semaphore_mem>>
      %dma_start3A_117 = arith.constant 0 : i32
      %dma_start3A_118 = arith.constant 0 : i32
      %dma_start3A_119 = arith.constant 0 : i32
      %dma_start3A_120 = tpu.memref_slice %arg5[%add3A_45, %dma_start3A_117, %dma_start3A_118, %dma_start3A_119] : memref<32x2x40x64xi32, #tpu.memory_space<hbm>> -> memref<1x2x40x64xi32, #tpu.memory_space<hbm>>
      %dma_start3A_121 = tpu.memref_squeeze %dma_start3A_120 : memref<1x2x40x64xi32, #tpu.memory_space<hbm>> -> memref<2x40x64xi32, #tpu.memory_space<hbm>>
      %dma_start3A_122 = arith.constant 0 : i32
      %dma_start3A_123 = arith.constant 0 : i32
      %dma_start3A_124 = tpu.memref_slice %dma_start3A_121[%run_scoped3A, %dma_start3A_122, %dma_start3A_123] : memref<2x40x64xi32, #tpu.memory_space<hbm>> -> memref<1x40x64xi32, #tpu.memory_space<hbm>>
      %dma_start3A_125 = tpu.memref_squeeze %dma_start3A_124 : memref<1x40x64xi32, #tpu.memory_space<hbm>> -> memref<40x64xi32, #tpu.memory_space<hbm>>
      %dma_start3A_126 = arith.constant 0 : i32
      %dma_start3A_127 = arith.constant 0 : i32
      %dma_start3A_128 = arith.constant 0 : i32
      %dma_start3A_129 = tpu.memref_slice %arg5[%add3A_45, %dma_start3A_126, %dma_start3A_127, %dma_start3A_128] : memref<32x2x40x64xi32, #tpu.memory_space<hbm>> -> memref<1x2x40x64xi32, #tpu.memory_space<hbm>>
      %dma_start3A_130 = tpu.memref_squeeze %dma_start3A_129 : memref<1x2x40x64xi32, #tpu.memory_space<hbm>> -> memref<2x40x64xi32, #tpu.memory_space<hbm>>
      %dma_start3A_131 = arith.constant 0 : i32
      %dma_start3A_132 = arith.constant 0 : i32
      %dma_start3A_133 = tpu.memref_slice %dma_start3A_130[%run_scoped3A, %dma_start3A_131, %dma_start3A_132] : memref<2x40x64xi32, #tpu.memory_space<hbm>> -> memref<1x40x64xi32, #tpu.memory_space<hbm>>
      %dma_start3A_134 = tpu.memref_squeeze %dma_start3A_133 : memref<1x40x64xi32, #tpu.memory_space<hbm>> -> memref<40x64xi32, #tpu.memory_space<hbm>>
      tpu.enqueue_dma source(%dma_start3A_134 : memref<40x64xi32, #tpu.memory_space<hbm>>) target(%arg8 : memref<40x64xi32, #tpu.memory_space<vmem>>) target_semaphore(%run_scoped3A_116 : memref<!tpu.dma_semaphore, #tpu.memory_space<semaphore_mem>>)
      %dma_wait3A_135 = arith.constant 0 : i32
      %dma_wait3A_136 = arith.constant 0 : i32
      %dma_wait3A_137 = arith.constant 0 : i32
      %dma_wait3A_138 = tpu.memref_slice %arg5[%add3A_45, %dma_wait3A_135, %dma_wait3A_136, %dma_wait3A_137] : memref<32x2x40x64xi32, #tpu.memory_space<hbm>> -> memref<1x2x40x64xi32, #tpu.memory_space<hbm>>
      %dma_wait3A_139 = tpu.memref_squeeze %dma_wait3A_138 : memref<1x2x40x64xi32, #tpu.memory_space<hbm>> -> memref<2x40x64xi32, #tpu.memory_space<hbm>>
      %dma_wait3A_140 = arith.constant 0 : i32
      %dma_wait3A_141 = arith.constant 0 : i32
      %dma_wait3A_142 = tpu.memref_slice %dma_wait3A_139[%run_scoped3A, %dma_wait3A_140, %dma_wait3A_141] : memref<2x40x64xi32, #tpu.memory_space<hbm>> -> memref<1x40x64xi32, #tpu.memory_space<hbm>>
      %dma_wait3A_143 = tpu.memref_squeeze %dma_wait3A_142 : memref<1x40x64xi32, #tpu.memory_space<hbm>> -> memref<40x64xi32, #tpu.memory_space<hbm>>
      %dma_wait3A_144 = arith.constant 0 : i32
      %dma_wait3A_145 = arith.constant 0 : i32
      %dma_wait3A_146 = arith.constant 0 : i32
      %dma_wait3A_147 = tpu.memref_slice %arg5[%add3A_45, %dma_wait3A_144, %dma_wait3A_145, %dma_wait3A_146] : memref<32x2x40x64xi32, #tpu.memory_space<hbm>> -> memref<1x2x40x64xi32, #tpu.memory_space<hbm>>
      %dma_wait3A_148 = tpu.memref_squeeze %dma_wait3A_147 : memref<1x2x40x64xi32, #tpu.memory_space<hbm>> -> memref<2x40x64xi32, #tpu.memory_space<hbm>>
      %dma_wait3A_149 = arith.constant 0 : i32
      %dma_wait3A_150 = arith.constant 0 : i32
      %dma_wait3A_151 = tpu.memref_slice %dma_wait3A_148[%run_scoped3A, %dma_wait3A_149, %dma_wait3A_150] : memref<2x40x64xi32, #tpu.memory_space<hbm>> -> memref<1x40x64xi32, #tpu.memory_space<hbm>>
      %dma_wait3A_152 = tpu.memref_squeeze %dma_wait3A_151 : memref<1x40x64xi32, #tpu.memory_space<hbm>> -> memref<40x64xi32, #tpu.memory_space<hbm>>
      tpu.wait_dma2 semaphore(%run_scoped3A_116 : memref<!tpu.dma_semaphore, #tpu.memory_space<semaphore_mem>>) src(%dma_wait3A_152 : memref<40x64xi32, #tpu.memory_space<hbm>>) dst(%arg8 : memref<40x64xi32, #tpu.memory_space<vmem>>)
      tpu.yield
    }) : () -> ()
    %dma_start3A = arith.constant 0 : i32
    %dma_start3A_50 = tpu.memref_slice %arg7[%dma_start3A] : memref<2560xi32, #tpu.memory_space<vmem>> -> memref<64xi32, #tpu.memory_space<vmem>>
    %dma_start3A_51 = arith.constant 0 : i32
    %dma_start3A_52 = arith.constant 0 : i32
    %dma_start3A_53 = tpu.memref_slice %arg2[%dma_start3A_51, %dma_start3A_52] : memref<10000x128xf32, #tpu.memory_space<hbm>> -> memref<10000x128xf32, #tpu.memory_space<hbm>>
    tpu.enqueue_indirect_dma source(%dma_start3A_53 : memref<10000x128xf32, #tpu.memory_space<hbm>>) target(%arg9 : memref<64x128xf32, #tpu.memory_space<vmem>>) offsets(%dma_start3A_50 : memref<64xi32, #tpu.memory_space<vmem>>) semaphore(%arg14 : memref<!tpu.dma_semaphore, #tpu.memory_space<semaphore_mem>>)
    %dma_start3A_54 = arith.constant 64 : i32
    %dma_start3A_55 = tpu.memref_slice %arg7[%dma_start3A_54] : memref<2560xi32, #tpu.memory_space<vmem>> -> memref<64xi32, #tpu.memory_space<vmem>>
    %dma_start3A_56 = arith.constant 0 : i32
    %dma_start3A_57 = arith.constant 0 : i32
    %dma_start3A_58 = tpu.memref_slice %arg2[%dma_start3A_56, %dma_start3A_57] : memref<10000x128xf32, #tpu.memory_space<hbm>> -> memref<10000x128xf32, #tpu.memory_space<hbm>>
    tpu.enqueue_indirect_dma source(%dma_start3A_58 : memref<10000x128xf32, #tpu.memory_space<hbm>>) target(%arg10 : memref<64x128xf32, #tpu.memory_space<vmem>>) offsets(%dma_start3A_55 : memref<64xi32, #tpu.memory_space<vmem>>) semaphore(%arg15 : memref<!tpu.dma_semaphore, #tpu.memory_space<semaphore_mem>>)
    %add3A_59 = arith.constant 0 : i32
    %add3A_60 = arith.addi %add3A_49, %add3A_59 : i32
    %dma_start3A_61 = arith.constant 0 : i32
    %dma_start3A_62 = tpu.memref_slice %arg3[%add3A_60, %dma_start3A_61] : memref<163840x128xf32, #tpu.memory_space<hbm>> -> memref<64x128xf32, #tpu.memory_space<hbm>>
    %dma_start3A_63 = arith.constant 0 : i32
    %dma_start3A_64 = tpu.memref_slice %arg3[%add3A_60, %dma_start3A_63] : memref<163840x128xf32, #tpu.memory_space<hbm>> -> memref<64x128xf32, #tpu.memory_space<hbm>>
    tpu.enqueue_dma source(%dma_start3A_64 : memref<64x128xf32, #tpu.memory_space<hbm>>) target(%arg11 : memref<64x128xf32, #tpu.memory_space<vmem>>) target_semaphore(%arg16 : memref<!tpu.dma_semaphore, #tpu.memory_space<semaphore_mem>>)
    %scan3A_65 = arith.constant 0 : i32
    %scan3A_66 = arith.constant 0 : i32
    %scan3A_67 = arith.constant 20 : i32
    %scan3A_68 = arith.addi %scan3A_66, %scan3A_67 : i32
    %scan3A_69 = arith.constant 1 : i32
    scf.for %scan3A_116 = %scan3A_66 to %scan3A_68 step %scan3A_69  : i32 {
      %mul3A_117 = arith.constant 2 : i32
      %mul3A_118 = arith.muli %scan3A_116, %mul3A_117 : i32
      %add3A_119 = arith.constant 0 : i32
      %add3A_120 = arith.addi %mul3A_118, %add3A_119 : i32
      %mul3A_121 = arith.constant 64 : i32
      %mul3A_122 = arith.muli %add3A_120, %mul3A_121 : i32
      %dma_wait3A_123 = tpu.memref_slice %arg7[%mul3A_122] : memref<2560xi32, #tpu.memory_space<vmem>> -> memref<64xi32, #tpu.memory_space<vmem>>
      %dma_wait3A_124 = arith.constant 0 : i32
      %dma_wait3A_125 = arith.constant 0 : i32
      %dma_wait3A_126 = tpu.memref_slice %arg2[%dma_wait3A_124, %dma_wait3A_125] : memref<10000x128xf32, #tpu.memory_space<hbm>> -> memref<10000x128xf32, #tpu.memory_space<hbm>>
      tpu.wait_indirect_dma semaphore(%arg14 : memref<!tpu.dma_semaphore, #tpu.memory_space<semaphore_mem>>) src(%dma_wait3A_126 : memref<10000x128xf32, #tpu.memory_space<hbm>>) dst(%arg9 : memref<64x128xf32, #tpu.memory_space<vmem>>)
      %mul3A_127 = arith.constant 64 : i32
      %mul3A_128 = arith.muli %add3A_120, %mul3A_127 : i32
      %add3A_129 = arith.addi %add3A_49, %mul3A_128 : i32
      %dma_wait3A_130 = arith.constant 0 : i32
      %dma_wait3A_131 = tpu.memref_slice %arg3[%add3A_129, %dma_wait3A_130] : memref<163840x128xf32, #tpu.memory_space<hbm>> -> memref<64x128xf32, #tpu.memory_space<hbm>>
      %dma_wait3A_132 = arith.constant 0 : i32
      %dma_wait3A_133 = tpu.memref_slice %arg3[%add3A_129, %dma_wait3A_132] : memref<163840x128xf32, #tpu.memory_space<hbm>> -> memref<64x128xf32, #tpu.memory_space<hbm>>
      tpu.wait_dma2 semaphore(%arg16 : memref<!tpu.dma_semaphore, #tpu.memory_space<semaphore_mem>>) src(%dma_wait3A_133 : memref<64x128xf32, #tpu.memory_space<hbm>>) dst(%arg11 : memref<64x128xf32, #tpu.memory_space<vmem>>)
      %scan3A_134 = arith.constant 0 : i32
      %scan3A_135 = arith.constant 0 : i32
      %scan3A_136 = arith.constant 64 : i32
      %scan3A_137 = arith.addi %scan3A_135, %scan3A_136 : i32
      %scan3A_138 = arith.constant 1 : i32
      scf.for %scan3A_207 = %scan3A_135 to %scan3A_137 step %scan3A_138  : i32 {
        %get3A = arith.index_cast %scan3A_207 : i32 to index
        %get3A_208 = arith.constant 0 : index
        %get3A_209 = tpu.vector_load %arg9[%get3A, %get3A_208] {strides = array<i32>} : memref<64x128xf32, #tpu.memory_space<vmem>>, vector<1x16xf32>,
        %get3A_210 = vector.shape_cast %get3A_209 : vector<1x16xf32> to vector<16xf32>
        %get3A_211 = arith.index_cast %scan3A_207 : i32 to index
        %get3A_212 = arith.constant 0 : index
        %get3A_213 = tpu.vector_load %arg11[%get3A_211, %get3A_212] {strides = array<i32>} : memref<64x128xf32, #tpu.memory_space<vmem>>, vector<1x16xf32>,
        %get3A_214 = vector.shape_cast %get3A_213 : vector<1x16xf32> to vector<16xf32>
        %mul3A_215 = arith.mulf %get3A_210, %get3A_214 : vector<16xf32>
        %swap3A = arith.index_cast %scan3A_207 : i32 to index
        %swap3A_216 = arith.constant 0 : index
        %swap3A_217 = tpu.vector_load %arg11[%swap3A, %swap3A_216] {strides = array<i32>} : memref<64x128xf32, #tpu.memory_space<vmem>>, vector<1x16xf32>,
        %swap3A_218 = vector.shape_cast %swap3A_217 : vector<1x16xf32> to vector<16xf32>
        %swap3A_219 = vector.shape_cast %mul3A_215 : vector<16xf32> to vector<1x16xf32>
        tpu.vector_store %arg11[%swap3A, %swap3A_216], %swap3A_219 {strides = array<i32>} : memref<64x128xf32, #tpu.memory_space<vmem>>, vector<1x16xf32>,
        %get3A_220 = arith.index_cast %scan3A_207 : i32 to index
        %get3A_221 = arith.constant 16 : index
        %get3A_222 = tpu.vector_load %arg9[%get3A_220, %get3A_221] {strides = array<i32>} : memref<64x128xf32, #tpu.memory_space<vmem>>, vector<1x16xf32>,
        %get3A_223 = vector.shape_cast %get3A_222 : vector<1x16xf32> to vector<16xf32>
        %get3A_224 = arith.index_cast %scan3A_207 : i32 to index
        %get3A_225 = arith.constant 16 : index
        %get3A_226 = tpu.vector_load %arg11[%get3A_224, %get3A_225] {strides = array<i32>} : memref<64x128xf32, #tpu.memory_space<vmem>>, vector<1x16xf32>,
        %get3A_227 = vector.shape_cast %get3A_226 : vector<1x16xf32> to vector<16xf32>
        %mul3A_228 = arith.mulf %get3A_223, %get3A_227 : vector<16xf32>
        %swap3A_229 = arith.index_cast %scan3A_207 : i32 to index
        %swap3A_230 = arith.constant 16 : index
        %swap3A_231 = tpu.vector_load %arg11[%swap3A_229, %swap3A_230] {strides = array<i32>} : memref<64x128xf32, #tpu.memory_space<vmem>>, vector<1x16xf32>,
        %swap3A_232 = vector.shape_cast %swap3A_231 : vector<1x16xf32> to vector<16xf32>
        %swap3A_233 = vector.shape_cast %mul3A_228 : vector<16xf32> to vector<1x16xf32>
        tpu.vector_store %arg11[%swap3A_229, %swap3A_230], %swap3A_233 {strides = array<i32>} : memref<64x128xf32, #tpu.memory_space<vmem>>, vector<1x16xf32>,
        %get3A_234 = arith.index_cast %scan3A_207 : i32 to index
        %get3A_235 = arith.constant 32 : index
        %get3A_236 = tpu.vector_load %arg9[%get3A_234, %get3A_235] {strides = array<i32>} : memref<64x128xf32, #tpu.memory_space<vmem>>, vector<1x16xf32>,
        %get3A_237 = vector.shape_cast %get3A_236 : vector<1x16xf32> to vector<16xf32>
        %get3A_238 = arith.index_cast %scan3A_207 : i32 to index
        %get3A_239 = arith.constant 32 : index
        %get3A_240 = tpu.vector_load %arg11[%get3A_238, %get3A_239] {strides = array<i32>} : memref<64x128xf32, #tpu.memory_space<vmem>>, vector<1x16xf32>,
        %get3A_241 = vector.shape_cast %get3A_240 : vector<1x16xf32> to vector<16xf32>
        %mul3A_242 = arith.mulf %get3A_237, %get3A_241 : vector<16xf32>
        %swap3A_243 = arith.index_cast %scan3A_207 : i32 to index
        %swap3A_244 = arith.constant 32 : index
        %swap3A_245 = tpu.vector_load %arg11[%swap3A_243, %swap3A_244] {strides = array<i32>} : memref<64x128xf32, #tpu.memory_space<vmem>>, vector<1x16xf32>,
        %swap3A_246 = vector.shape_cast %swap3A_245 : vector<1x16xf32> to vector<16xf32>
        %swap3A_247 = vector.shape_cast %mul3A_242 : vector<16xf32> to vector<1x16xf32>
        tpu.vector_store %arg11[%swap3A_243, %swap3A_244], %swap3A_247 {strides = array<i32>} : memref<64x128xf32, #tpu.memory_space<vmem>>, vector<1x16xf32>,
        %get3A_248 = arith.index_cast %scan3A_207 : i32 to index
        %get3A_249 = arith.constant 48 : index
        %get3A_250 = tpu.vector_load %arg9[%get3A_248, %get3A_249] {strides = array<i32>} : memref<64x128xf32, #tpu.memory_space<vmem>>, vector<1x16xf32>,
        %get3A_251 = vector.shape_cast %get3A_250 : vector<1x16xf32> to vector<16xf32>
        %get3A_252 = arith.index_cast %scan3A_207 : i32 to index
        %get3A_253 = arith.constant 48 : index
        %get3A_254 = tpu.vector_load %arg11[%get3A_252, %get3A_253] {strides = array<i32>} : memref<64x128xf32, #tpu.memory_space<vmem>>, vector<1x16xf32>,
        %get3A_255 = vector.shape_cast %get3A_254 : vector<1x16xf32> to vector<16xf32>
        %mul3A_256 = arith.mulf %get3A_251, %get3A_255 : vector<16xf32>
        %swap3A_257 = arith.index_cast %scan3A_207 : i32 to index
        %swap3A_258 = arith.constant 48 : index
        %swap3A_259 = tpu.vector_load %arg11[%swap3A_257, %swap3A_258] {strides = array<i32>} : memref<64x128xf32, #tpu.memory_space<vmem>>, vector<1x16xf32>,
        %swap3A_260 = vector.shape_cast %swap3A_259 : vector<1x16xf32> to vector<16xf32>
        %swap3A_261 = vector.shape_cast %mul3A_256 : vector<16xf32> to vector<1x16xf32>
        tpu.vector_store %arg11[%swap3A_257, %swap3A_258], %swap3A_261 {strides = array<i32>} : memref<64x128xf32, #tpu.memory_space<vmem>>, vector<1x16xf32>,
        %get3A_262 = arith.index_cast %scan3A_207 : i32 to index
        %get3A_263 = arith.constant 64 : index
        %get3A_264 = tpu.vector_load %arg9[%get3A_262, %get3A_263] {strides = array<i32>} : memref<64x128xf32, #tpu.memory_space<vmem>>, vector<1x16xf32>,
        %get3A_265 = vector.shape_cast %get3A_264 : vector<1x16xf32> to vector<16xf32>
        %get3A_266 = arith.index_cast %scan3A_207 : i32 to index
        %get3A_267 = arith.constant 64 : index
        %get3A_268 = tpu.vector_load %arg11[%get3A_266, %get3A_267] {strides = array<i32>} : memref<64x128xf32, #tpu.memory_space<vmem>>, vector<1x16xf32>,
        %get3A_269 = vector.shape_cast %get3A_268 : vector<1x16xf32> to vector<16xf32>
        %mul3A_270 = arith.mulf %get3A_265, %get3A_269 : vector<16xf32>
        %swap3A_271 = arith.index_cast %scan3A_207 : i32 to index
        %swap3A_272 = arith.constant 64 : index
        %swap3A_273 = tpu.vector_load %arg11[%swap3A_271, %swap3A_272] {strides = array<i32>} : memref<64x128xf32, #tpu.memory_space<vmem>>, vector<1x16xf32>,
        %swap3A_274 = vector.shape_cast %swap3A_273 : vector<1x16xf32> to vector<16xf32>
        %swap3A_275 = vector.shape_cast %mul3A_270 : vector<16xf32> to vector<1x16xf32>
        tpu.vector_store %arg11[%swap3A_271, %swap3A_272], %swap3A_275 {strides = array<i32>} : memref<64x128xf32, #tpu.memory_space<vmem>>, vector<1x16xf32>,
        %get3A_276 = arith.index_cast %scan3A_207 : i32 to index
        %get3A_277 = arith.constant 80 : index
        %get3A_278 = tpu.vector_load %arg9[%get3A_276, %get3A_277] {strides = array<i32>} : memref<64x128xf32, #tpu.memory_space<vmem>>, vector<1x16xf32>,
        %get3A_279 = vector.shape_cast %get3A_278 : vector<1x16xf32> to vector<16xf32>
        %get3A_280 = arith.index_cast %scan3A_207 : i32 to index
        %get3A_281 = arith.constant 80 : index
        %get3A_282 = tpu.vector_load %arg11[%get3A_280, %get3A_281] {strides = array<i32>} : memref<64x128xf32, #tpu.memory_space<vmem>>, vector<1x16xf32>,
        %get3A_283 = vector.shape_cast %get3A_282 : vector<1x16xf32> to vector<16xf32>
        %mul3A_284 = arith.mulf %get3A_279, %get3A_283 : vector<16xf32>
        %swap3A_285 = arith.index_cast %scan3A_207 : i32 to index
        %swap3A_286 = arith.constant 80 : index
        %swap3A_287 = tpu.vector_load %arg11[%swap3A_285, %swap3A_286] {strides = array<i32>} : memref<64x128xf32, #tpu.memory_space<vmem>>, vector<1x16xf32>,
        %swap3A_288 = vector.shape_cast %swap3A_287 : vector<1x16xf32> to vector<16xf32>
        %swap3A_289 = vector.shape_cast %mul3A_284 : vector<16xf32> to vector<1x16xf32>
        tpu.vector_store %arg11[%swap3A_285, %swap3A_286], %swap3A_289 {strides = array<i32>} : memref<64x128xf32, #tpu.memory_space<vmem>>, vector<1x16xf32>,
        %get3A_290 = arith.index_cast %scan3A_207 : i32 to index
        %get3A_291 = arith.constant 96 : index
        %get3A_292 = tpu.vector_load %arg9[%get3A_290, %get3A_291] {strides = array<i32>} : memref<64x128xf32, #tpu.memory_space<vmem>>, vector<1x16xf32>,
        %get3A_293 = vector.shape_cast %get3A_292 : vector<1x16xf32> to vector<16xf32>
        %get3A_294 = arith.index_cast %scan3A_207 : i32 to index
        %get3A_295 = arith.constant 96 : index
        %get3A_296 = tpu.vector_load %arg11[%get3A_294, %get3A_295] {strides = array<i32>} : memref<64x128xf32, #tpu.memory_space<vmem>>, vector<1x16xf32>,
        %get3A_297 = vector.shape_cast %get3A_296 : vector<1x16xf32> to vector<16xf32>
        %mul3A_298 = arith.mulf %get3A_293, %get3A_297 : vector<16xf32>
        %swap3A_299 = arith.index_cast %scan3A_207 : i32 to index
        %swap3A_300 = arith.constant 96 : index
        %swap3A_301 = tpu.vector_load %arg11[%swap3A_299, %swap3A_300] {strides = array<i32>} : memref<64x128xf32, #tpu.memory_space<vmem>>, vector<1x16xf32>,
        %swap3A_302 = vector.shape_cast %swap3A_301 : vector<1x16xf32> to vector<16xf32>
        %swap3A_303 = vector.shape_cast %mul3A_298 : vector<16xf32> to vector<1x16xf32>
        tpu.vector_store %arg11[%swap3A_299, %swap3A_300], %swap3A_303 {strides = array<i32>} : memref<64x128xf32, #tpu.memory_space<vmem>>, vector<1x16xf32>,
        %get3A_304 = arith.index_cast %scan3A_207 : i32 to index
        %get3A_305 = arith.constant 112 : index
        %get3A_306 = tpu.vector_load %arg9[%get3A_304, %get3A_305] {strides = array<i32>} : memref<64x128xf32, #tpu.memory_space<vmem>>, vector<1x16xf32>,
        %get3A_307 = vector.shape_cast %get3A_306 : vector<1x16xf32> to vector<16xf32>
        %get3A_308 = arith.index_cast %scan3A_207 : i32 to index
        %get3A_309 = arith.constant 112 : index
        %get3A_310 = tpu.vector_load %arg11[%get3A_308, %get3A_309] {strides = array<i32>} : memref<64x128xf32, #tpu.memory_space<vmem>>, vector<1x16xf32>,
        %get3A_311 = vector.shape_cast %get3A_310 : vector<1x16xf32> to vector<16xf32>
        %mul3A_312 = arith.mulf %get3A_307, %get3A_311 : vector<16xf32>
        %swap3A_313 = arith.index_cast %scan3A_207 : i32 to index
        %swap3A_314 = arith.constant 112 : index
        %swap3A_315 = tpu.vector_load %arg11[%swap3A_313, %swap3A_314] {strides = array<i32>} : memref<64x128xf32, #tpu.memory_space<vmem>>, vector<1x16xf32>,
        %swap3A_316 = vector.shape_cast %swap3A_315 : vector<1x16xf32> to vector<16xf32>
        %swap3A_317 = vector.shape_cast %mul3A_312 : vector<16xf32> to vector<1x16xf32>
        tpu.vector_store %arg11[%swap3A_313, %swap3A_314], %swap3A_317 {strides = array<i32>} : memref<64x128xf32, #tpu.memory_space<vmem>>, vector<1x16xf32>,
      }
      %scan3A_139 = arith.constant 64 : i32
      %lt3A = arith.constant 19 : i32
      %lt3A_140 = arith.cmpi slt, %scan3A_116, %lt3A : i32
      %convert_element_type3A = arith.extui %lt3A_140 : i1 to i32
      %cond3A = arith.constant 0 : i32
      %cond3A_141 = arith.cmpi ne, %convert_element_type3A, %cond3A : i32
      scf.if %cond3A_141 {
        %add3A_207 = arith.constant 2 : i32
        %add3A_208 = arith.addi %add3A_120, %add3A_207 : i32
        %mul3A_209 = arith.constant 64 : i32
        %mul3A_210 = arith.muli %add3A_208, %mul3A_209 : i32
        %dma_start3A_211 = tpu.memref_slice %arg7[%mul3A_210] : memref<2560xi32, #tpu.memory_space<vmem>> -> memref<64xi32, #tpu.memory_space<vmem>>
        %dma_start3A_212 = arith.constant 0 : i32
        %dma_start3A_213 = arith.constant 0 : i32
        %dma_start3A_214 = tpu.memref_slice %arg2[%dma_start3A_212, %dma_start3A_213] : memref<10000x128xf32, #tpu.memory_space<hbm>> -> memref<10000x128xf32, #tpu.memory_space<hbm>>
        tpu.enqueue_indirect_dma source(%dma_start3A_214 : memref<10000x128xf32, #tpu.memory_space<hbm>>) target(%arg9 : memref<64x128xf32, #tpu.memory_space<vmem>>) offsets(%dma_start3A_211 : memref<64xi32, #tpu.memory_space<vmem>>) semaphore(%arg14 : memref<!tpu.dma_semaphore, #tpu.memory_space<semaphore_mem>>)
      } else {
      }
      %dma_start3A_142 = arith.constant 0 : i32
      %dma_start3A_143 = tpu.memref_slice %arg8[%add3A_120, %dma_start3A_142] : memref<40x64xi32, #tpu.memory_space<vmem>> -> memref<1x64xi32, #tpu.memory_space<vmem>>
      %dma_start3A_144 = tpu.memref_squeeze %dma_start3A_143 : memref<1x64xi32, #tpu.memory_space<vmem>> -> memref<64xi32, #tpu.memory_space<vmem>>
      %dma_start3A_145 = arith.constant 0 : i32
      %dma_start3A_146 = arith.constant 0 : i32
      %dma_start3A_147 = tpu.memref_slice %arg13[%dma_start3A_145, %dma_start3A_146] : memref<10112x128xf32, #tpu.memory_space<vmem_shared>> -> memref<10112x128xf32, #tpu.memory_space<vmem_shared>>
      tpu.enqueue_indirect_dma source(%arg11 : memref<64x128xf32, #tpu.memory_space<vmem>>) target(%dma_start3A_147 : memref<10112x128xf32, #tpu.memory_space<vmem_shared>>) offsets(%dma_start3A_144 : memref<64xi32, #tpu.memory_space<vmem>>) semaphore(%arg18 : memref<!tpu.dma_semaphore, #tpu.memory_space<semaphore_mem>>) {add = true}
      %gt3A = arith.constant 0 : i32
      %gt3A_148 = arith.cmpi sgt, %scan3A_116, %gt3A : i32
      %convert_element_type3A_149 = arith.extui %gt3A_148 : i1 to i32
      %cond3A_150 = arith.constant 0 : i32
      %cond3A_151 = arith.cmpi ne, %convert_element_type3A_149, %cond3A_150 : i32
      scf.if %cond3A_151 {
        %sub3A_207 = arith.constant 1 : i32
        %sub3A_208 = arith.subi %add3A_120, %sub3A_207 : i32
        %dma_wait3A_209 = arith.constant 0 : i32
        %dma_wait3A_210 = tpu.memref_slice %arg8[%sub3A_208, %dma_wait3A_209] : memref<40x64xi32, #tpu.memory_space<vmem>> -> memref<1x64xi32, #tpu.memory_space<vmem>>
        %dma_wait3A_211 = tpu.memref_squeeze %dma_wait3A_210 : memref<1x64xi32, #tpu.memory_space<vmem>> -> memref<64xi32, #tpu.memory_space<vmem>>
        %dma_wait3A_212 = arith.constant 0 : i32
        %dma_wait3A_213 = arith.constant 0 : i32
        %dma_wait3A_214 = tpu.memref_slice %arg13[%dma_wait3A_212, %dma_wait3A_213] : memref<10112x128xf32, #tpu.memory_space<vmem_shared>> -> memref<10112x128xf32, #tpu.memory_space<vmem_shared>>
        tpu.wait_indirect_dma semaphore(%arg19 : memref<!tpu.dma_semaphore, #tpu.memory_space<semaphore_mem>>) src(%arg12 : memref<64x128xf32, #tpu.memory_space<vmem>>) dst(%dma_wait3A_214 : memref<10112x128xf32, #tpu.memory_space<vmem_shared>>)
      } else {
      }
      %add3A_152 = arith.constant 1 : i32
      %add3A_153 = arith.addi %add3A_120, %add3A_152 : i32
      %mul3A_154 = arith.constant 64 : i32
      %mul3A_155 = arith.muli %add3A_153, %mul3A_154 : i32
      %add3A_156 = arith.addi %add3A_49, %mul3A_155 : i32
      %dma_start3A_157 = arith.constant 0 : i32
      %dma_start3A_158 = tpu.memref_slice %arg3[%add3A_156, %dma_start3A_157] : memref<163840x128xf32, #tpu.memory_space<hbm>> -> memref<64x128xf32, #tpu.memory_space<hbm>>
      %dma_start3A_159 = arith.constant 0 : i32
      %dma_start3A_160 = tpu.memref_slice %arg3[%add3A_156, %dma_start3A_159] : memref<163840x128xf32, #tpu.memory_space<hbm>> -> memref<64x128xf32, #tpu.memory_space<hbm>>
      tpu.enqueue_dma source(%dma_start3A_160 : memref<64x128xf32, #tpu.memory_space<hbm>>) target(%arg12 : memref<64x128xf32, #tpu.memory_space<vmem>>) target_semaphore(%arg17 : memref<!tpu.dma_semaphore, #tpu.memory_space<semaphore_mem>>)
      %mul3A_161 = arith.constant 2 : i32
      %mul3A_162 = arith.muli %scan3A_116, %mul3A_161 : i32
      %add3A_163 = arith.constant 1 : i32
      %add3A_164 = arith.addi %mul3A_162, %add3A_163 : i32
      %mul3A_165 = arith.constant 64 : i32
      %mul3A_166 = arith.muli %add3A_164, %mul3A_165 : i32
      %dma_wait3A_167 = tpu.memref_slice %arg7[%mul3A_166] : memref<2560xi32, #tpu.memory_space<vmem>> -> memref<64xi32, #tpu.memory_space<vmem>>
      %dma_wait3A_168 = arith.constant 0 : i32
      %dma_wait3A_169 = arith.constant 0 : i32
      %dma_wait3A_170 = tpu.memref_slice %arg2[%dma_wait3A_168, %dma_wait3A_169] : memref<10000x128xf32, #tpu.memory_space<hbm>> -> memref<10000x128xf32, #tpu.memory_space<hbm>>
      tpu.wait_indirect_dma semaphore(%arg15 : memref<!tpu.dma_semaphore, #tpu.memory_space<semaphore_mem>>) src(%dma_wait3A_170 : memref<10000x128xf32, #tpu.memory_space<hbm>>) dst(%arg10 : memref<64x128xf32, #tpu.memory_space<vmem>>)
      %mul3A_171 = arith.constant 64 : i32
      %mul3A_172 = arith.muli %add3A_164, %mul3A_171 : i32
      %add3A_173 = arith.addi %add3A_49, %mul3A_172 : i32
      %dma_wait3A_174 = arith.constant 0 : i32
      %dma_wait3A_175 = tpu.memref_slice %arg3[%add3A_173, %dma_wait3A_174] : memref<163840x128xf32, #tpu.memory_space<hbm>> -> memref<64x128xf32, #tpu.memory_space<hbm>>
      %dma_wait3A_176 = arith.constant 0 : i32
      %dma_wait3A_177 = tpu.memref_slice %arg3[%add3A_173, %dma_wait3A_176] : memref<163840x128xf32, #tpu.memory_space<hbm>> -> memref<64x128xf32, #tpu.memory_space<hbm>>
      tpu.wait_dma2 semaphore(%arg17 : memref<!tpu.dma_semaphore, #tpu.memory_space<semaphore_mem>>) src(%dma_wait3A_177 : memref<64x128xf32, #tpu.memory_space<hbm>>) dst(%arg12 : memref<64x128xf32, #tpu.memory_space<vmem>>)
      %scan3A_178 = arith.constant 0 : i32
      %scan3A_179 = arith.constant 0 : i32
      %scan3A_180 = arith.constant 64 : i32
      %scan3A_181 = arith.addi %scan3A_179, %scan3A_180 : i32
      %scan3A_182 = arith.constant 1 : i32
      scf.for %scan3A_207 = %scan3A_179 to %scan3A_181 step %scan3A_182  : i32 {
        %get3A = arith.index_cast %scan3A_207 : i32 to index
        %get3A_208 = arith.constant 0 : index
        %get3A_209 = tpu.vector_load %arg10[%get3A, %get3A_208] {strides = array<i32>} : memref<64x128xf32, #tpu.memory_space<vmem>>, vector<1x16xf32>,
        %get3A_210 = vector.shape_cast %get3A_209 : vector<1x16xf32> to vector<16xf32>
        %get3A_211 = arith.index_cast %scan3A_207 : i32 to index
        %get3A_212 = arith.constant 0 : index
        %get3A_213 = tpu.vector_load %arg12[%get3A_211, %get3A_212] {strides = array<i32>} : memref<64x128xf32, #tpu.memory_space<vmem>>, vector<1x16xf32>,
        %get3A_214 = vector.shape_cast %get3A_213 : vector<1x16xf32> to vector<16xf32>
        %mul3A_215 = arith.mulf %get3A_210, %get3A_214 : vector<16xf32>
        %swap3A = arith.index_cast %scan3A_207 : i32 to index
        %swap3A_216 = arith.constant 0 : index
        %swap3A_217 = tpu.vector_load %arg12[%swap3A, %swap3A_216] {strides = array<i32>} : memref<64x128xf32, #tpu.memory_space<vmem>>, vector<1x16xf32>,
        %swap3A_218 = vector.shape_cast %swap3A_217 : vector<1x16xf32> to vector<16xf32>
        %swap3A_219 = vector.shape_cast %mul3A_215 : vector<16xf32> to vector<1x16xf32>
        tpu.vector_store %arg12[%swap3A, %swap3A_216], %swap3A_219 {strides = array<i32>} : memref<64x128xf32, #tpu.memory_space<vmem>>, vector<1x16xf32>,
        %get3A_220 = arith.index_cast %scan3A_207 : i32 to index
        %get3A_221 = arith.constant 16 : index
        %get3A_222 = tpu.vector_load %arg10[%get3A_220, %get3A_221] {strides = array<i32>} : memref<64x128xf32, #tpu.memory_space<vmem>>, vector<1x16xf32>,
        %get3A_223 = vector.shape_cast %get3A_222 : vector<1x16xf32> to vector<16xf32>
        %get3A_224 = arith.index_cast %scan3A_207 : i32 to index
        %get3A_225 = arith.constant 16 : index
        %get3A_226 = tpu.vector_load %arg12[%get3A_224, %get3A_225] {strides = array<i32>} : memref<64x128xf32, #tpu.memory_space<vmem>>, vector<1x16xf32>,
        %get3A_227 = vector.shape_cast %get3A_226 : vector<1x16xf32> to vector<16xf32>
        %mul3A_228 = arith.mulf %get3A_223, %get3A_227 : vector<16xf32>
        %swap3A_229 = arith.index_cast %scan3A_207 : i32 to index
        %swap3A_230 = arith.constant 16 : index
        %swap3A_231 = tpu.vector_load %arg12[%swap3A_229, %swap3A_230] {strides = array<i32>} : memref<64x128xf32, #tpu.memory_space<vmem>>, vector<1x16xf32>,
        %swap3A_232 = vector.shape_cast %swap3A_231 : vector<1x16xf32> to vector<16xf32>
        %swap3A_233 = vector.shape_cast %mul3A_228 : vector<16xf32> to vector<1x16xf32>
        tpu.vector_store %arg12[%swap3A_229, %swap3A_230], %swap3A_233 {strides = array<i32>} : memref<64x128xf32, #tpu.memory_space<vmem>>, vector<1x16xf32>,
        %get3A_234 = arith.index_cast %scan3A_207 : i32 to index
        %get3A_235 = arith.constant 32 : index
        %get3A_236 = tpu.vector_load %arg10[%get3A_234, %get3A_235] {strides = array<i32>} : memref<64x128xf32, #tpu.memory_space<vmem>>, vector<1x16xf32>,
        %get3A_237 = vector.shape_cast %get3A_236 : vector<1x16xf32> to vector<16xf32>
        %get3A_238 = arith.index_cast %scan3A_207 : i32 to index
        %get3A_239 = arith.constant 32 : index
        %get3A_240 = tpu.vector_load %arg12[%get3A_238, %get3A_239] {strides = array<i32>} : memref<64x128xf32, #tpu.memory_space<vmem>>, vector<1x16xf32>,
        %get3A_241 = vector.shape_cast %get3A_240 : vector<1x16xf32> to vector<16xf32>
        %mul3A_242 = arith.mulf %get3A_237, %get3A_241 : vector<16xf32>
        %swap3A_243 = arith.index_cast %scan3A_207 : i32 to index
        %swap3A_244 = arith.constant 32 : index
        %swap3A_245 = tpu.vector_load %arg12[%swap3A_243, %swap3A_244] {strides = array<i32>} : memref<64x128xf32, #tpu.memory_space<vmem>>, vector<1x16xf32>,
        %swap3A_246 = vector.shape_cast %swap3A_245 : vector<1x16xf32> to vector<16xf32>
        %swap3A_247 = vector.shape_cast %mul3A_242 : vector<16xf32> to vector<1x16xf32>
        tpu.vector_store %arg12[%swap3A_243, %swap3A_244], %swap3A_247 {strides = array<i32>} : memref<64x128xf32, #tpu.memory_space<vmem>>, vector<1x16xf32>,
        %get3A_248 = arith.index_cast %scan3A_207 : i32 to index
        %get3A_249 = arith.constant 48 : index
        %get3A_250 = tpu.vector_load %arg10[%get3A_248, %get3A_249] {strides = array<i32>} : memref<64x128xf32, #tpu.memory_space<vmem>>, vector<1x16xf32>,
        %get3A_251 = vector.shape_cast %get3A_250 : vector<1x16xf32> to vector<16xf32>
        %get3A_252 = arith.index_cast %scan3A_207 : i32 to index
        %get3A_253 = arith.constant 48 : index
        %get3A_254 = tpu.vector_load %arg12[%get3A_252, %get3A_253] {strides = array<i32>} : memref<64x128xf32, #tpu.memory_space<vmem>>, vector<1x16xf32>,
        %get3A_255 = vector.shape_cast %get3A_254 : vector<1x16xf32> to vector<16xf32>
        %mul3A_256 = arith.mulf %get3A_251, %get3A_255 : vector<16xf32>
        %swap3A_257 = arith.index_cast %scan3A_207 : i32 to index
        %swap3A_258 = arith.constant 48 : index
        %swap3A_259 = tpu.vector_load %arg12[%swap3A_257, %swap3A_258] {strides = array<i32>} : memref<64x128xf32, #tpu.memory_space<vmem>>, vector<1x16xf32>,
        %swap3A_260 = vector.shape_cast %swap3A_259 : vector<1x16xf32> to vector<16xf32>
        %swap3A_261 = vector.shape_cast %mul3A_256 : vector<16xf32> to vector<1x16xf32>
        tpu.vector_store %arg12[%swap3A_257, %swap3A_258], %swap3A_261 {strides = array<i32>} : memref<64x128xf32, #tpu.memory_space<vmem>>, vector<1x16xf32>,
        %get3A_262 = arith.index_cast %scan3A_207 : i32 to index
        %get3A_263 = arith.constant 64 : index
        %get3A_264 = tpu.vector_load %arg10[%get3A_262, %get3A_263] {strides = array<i32>} : memref<64x128xf32, #tpu.memory_space<vmem>>, vector<1x16xf32>,
        %get3A_265 = vector.shape_cast %get3A_264 : vector<1x16xf32> to vector<16xf32>
        %get3A_266 = arith.index_cast %scan3A_207 : i32 to index
        %get3A_267 = arith.constant 64 : index
        %get3A_268 = tpu.vector_load %arg12[%get3A_266, %get3A_267] {strides = array<i32>} : memref<64x128xf32, #tpu.memory_space<vmem>>, vector<1x16xf32>,
        %get3A_269 = vector.shape_cast %get3A_268 : vector<1x16xf32> to vector<16xf32>
        %mul3A_270 = arith.mulf %get3A_265, %get3A_269 : vector<16xf32>
        %swap3A_271 = arith.index_cast %scan3A_207 : i32 to index
        %swap3A_272 = arith.constant 64 : index
        %swap3A_273 = tpu.vector_load %arg12[%swap3A_271, %swap3A_272] {strides = array<i32>} : memref<64x128xf32, #tpu.memory_space<vmem>>, vector<1x16xf32>,
        %swap3A_274 = vector.shape_cast %swap3A_273 : vector<1x16xf32> to vector<16xf32>
        %swap3A_275 = vector.shape_cast %mul3A_270 : vector<16xf32> to vector<1x16xf32>
        tpu.vector_store %arg12[%swap3A_271, %swap3A_272], %swap3A_275 {strides = array<i32>} : memref<64x128xf32, #tpu.memory_space<vmem>>, vector<1x16xf32>,
        %get3A_276 = arith.index_cast %scan3A_207 : i32 to index
        %get3A_277 = arith.constant 80 : index
        %get3A_278 = tpu.vector_load %arg10[%get3A_276, %get3A_277] {strides = array<i32>} : memref<64x128xf32, #tpu.memory_space<vmem>>, vector<1x16xf32>,
        %get3A_279 = vector.shape_cast %get3A_278 : vector<1x16xf32> to vector<16xf32>
        %get3A_280 = arith.index_cast %scan3A_207 : i32 to index
        %get3A_281 = arith.constant 80 : index
        %get3A_282 = tpu.vector_load %arg12[%get3A_280, %get3A_281] {strides = array<i32>} : memref<64x128xf32, #tpu.memory_space<vmem>>, vector<1x16xf32>,
        %get3A_283 = vector.shape_cast %get3A_282 : vector<1x16xf32> to vector<16xf32>
        %mul3A_284 = arith.mulf %get3A_279, %get3A_283 : vector<16xf32>
        %swap3A_285 = arith.index_cast %scan3A_207 : i32 to index
        %swap3A_286 = arith.constant 80 : index
        %swap3A_287 = tpu.vector_load %arg12[%swap3A_285, %swap3A_286] {strides = array<i32>} : memref<64x128xf32, #tpu.memory_space<vmem>>, vector<1x16xf32>,
        %swap3A_288 = vector.shape_cast %swap3A_287 : vector<1x16xf32> to vector<16xf32>
        %swap3A_289 = vector.shape_cast %mul3A_284 : vector<16xf32> to vector<1x16xf32>
        tpu.vector_store %arg12[%swap3A_285, %swap3A_286], %swap3A_289 {strides = array<i32>} : memref<64x128xf32, #tpu.memory_space<vmem>>, vector<1x16xf32>,
        %get3A_290 = arith.index_cast %scan3A_207 : i32 to index
        %get3A_291 = arith.constant 96 : index
        %get3A_292 = tpu.vector_load %arg10[%get3A_290, %get3A_291] {strides = array<i32>} : memref<64x128xf32, #tpu.memory_space<vmem>>, vector<1x16xf32>,
        %get3A_293 = vector.shape_cast %get3A_292 : vector<1x16xf32> to vector<16xf32>
        %get3A_294 = arith.index_cast %scan3A_207 : i32 to index
        %get3A_295 = arith.constant 96 : index
        %get3A_296 = tpu.vector_load %arg12[%get3A_294, %get3A_295] {strides = array<i32>} : memref<64x128xf32, #tpu.memory_space<vmem>>, vector<1x16xf32>,
        %get3A_297 = vector.shape_cast %get3A_296 : vector<1x16xf32> to vector<16xf32>
        %mul3A_298 = arith.mulf %get3A_293, %get3A_297 : vector<16xf32>
        %swap3A_299 = arith.index_cast %scan3A_207 : i32 to index
        %swap3A_300 = arith.constant 96 : index
        %swap3A_301 = tpu.vector_load %arg12[%swap3A_299, %swap3A_300] {strides = array<i32>} : memref<64x128xf32, #tpu.memory_space<vmem>>, vector<1x16xf32>,
        %swap3A_302 = vector.shape_cast %swap3A_301 : vector<1x16xf32> to vector<16xf32>
        %swap3A_303 = vector.shape_cast %mul3A_298 : vector<16xf32> to vector<1x16xf32>
        tpu.vector_store %arg12[%swap3A_299, %swap3A_300], %swap3A_303 {strides = array<i32>} : memref<64x128xf32, #tpu.memory_space<vmem>>, vector<1x16xf32>,
        %get3A_304 = arith.index_cast %scan3A_207 : i32 to index
        %get3A_305 = arith.constant 112 : index
        %get3A_306 = tpu.vector_load %arg10[%get3A_304, %get3A_305] {strides = array<i32>} : memref<64x128xf32, #tpu.memory_space<vmem>>, vector<1x16xf32>,
        %get3A_307 = vector.shape_cast %get3A_306 : vector<1x16xf32> to vector<16xf32>
        %get3A_308 = arith.index_cast %scan3A_207 : i32 to index
        %get3A_309 = arith.constant 112 : index
        %get3A_310 = tpu.vector_load %arg12[%get3A_308, %get3A_309] {strides = array<i32>} : memref<64x128xf32, #tpu.memory_space<vmem>>, vector<1x16xf32>,
        %get3A_311 = vector.shape_cast %get3A_310 : vector<1x16xf32> to vector<16xf32>
        %mul3A_312 = arith.mulf %get3A_307, %get3A_311 : vector<16xf32>
        %swap3A_313 = arith.index_cast %scan3A_207 : i32 to index
        %swap3A_314 = arith.constant 112 : index
        %swap3A_315 = tpu.vector_load %arg12[%swap3A_313, %swap3A_314] {strides = array<i32>} : memref<64x128xf32, #tpu.memory_space<vmem>>, vector<1x16xf32>,
        %swap3A_316 = vector.shape_cast %swap3A_315 : vector<1x16xf32> to vector<16xf32>
        %swap3A_317 = vector.shape_cast %mul3A_312 : vector<16xf32> to vector<1x16xf32>
        tpu.vector_store %arg12[%swap3A_313, %swap3A_314], %swap3A_317 {strides = array<i32>} : memref<64x128xf32, #tpu.memory_space<vmem>>, vector<1x16xf32>,
      }
      %scan3A_183 = arith.constant 64 : i32
      %lt3A_184 = arith.constant 19 : i32
      %lt3A_185 = arith.cmpi slt, %scan3A_116, %lt3A_184 : i32
      %convert_element_type3A_186 = arith.extui %lt3A_185 : i1 to i32
      %cond3A_187 = arith.constant 0 : i32
      %cond3A_188 = arith.cmpi ne, %convert_element_type3A_186, %cond3A_187 : i32
      scf.if %cond3A_188 {
        %add3A_207 = arith.constant 2 : i32
        %add3A_208 = arith.addi %add3A_164, %add3A_207 : i32
        %mul3A_209 = arith.constant 64 : i32
        %mul3A_210 = arith.muli %add3A_208, %mul3A_209 : i32
        %dma_start3A_211 = tpu.memref_slice %arg7[%mul3A_210] : memref<2560xi32, #tpu.memory_space<vmem>> -> memref<64xi32, #tpu.memory_space<vmem>>
        %dma_start3A_212 = arith.constant 0 : i32
        %dma_start3A_213 = arith.constant 0 : i32
        %dma_start3A_214 = tpu.memref_slice %arg2[%dma_start3A_212, %dma_start3A_213] : memref<10000x128xf32, #tpu.memory_space<hbm>> -> memref<10000x128xf32, #tpu.memory_space<hbm>>
        tpu.enqueue_indirect_dma source(%dma_start3A_214 : memref<10000x128xf32, #tpu.memory_space<hbm>>) target(%arg10 : memref<64x128xf32, #tpu.memory_space<vmem>>) offsets(%dma_start3A_211 : memref<64xi32, #tpu.memory_space<vmem>>) semaphore(%arg15 : memref<!tpu.dma_semaphore, #tpu.memory_space<semaphore_mem>>)
      } else {
      }
      %dma_start3A_189 = arith.constant 0 : i32
      %dma_start3A_190 = tpu.memref_slice %arg8[%add3A_164, %dma_start3A_189] : memref<40x64xi32, #tpu.memory_space<vmem>> -> memref<1x64xi32, #tpu.memory_space<vmem>>
      %dma_start3A_191 = tpu.memref_squeeze %dma_start3A_190 : memref<1x64xi32, #tpu.memory_space<vmem>> -> memref<64xi32, #tpu.memory_space<vmem>>
      %dma_start3A_192 = arith.constant 0 : i32
      %dma_start3A_193 = arith.constant 0 : i32
      %dma_start3A_194 = tpu.memref_slice %arg13[%dma_start3A_192, %dma_start3A_193] : memref<10112x128xf32, #tpu.memory_space<vmem_shared>> -> memref<10112x128xf32, #tpu.memory_space<vmem_shared>>
      tpu.enqueue_indirect_dma source(%arg12 : memref<64x128xf32, #tpu.memory_space<vmem>>) target(%dma_start3A_194 : memref<10112x128xf32, #tpu.memory_space<vmem_shared>>) offsets(%dma_start3A_191 : memref<64xi32, #tpu.memory_space<vmem>>) semaphore(%arg19 : memref<!tpu.dma_semaphore, #tpu.memory_space<semaphore_mem>>) {add = true}
      %sub3A = arith.constant 1 : i32
      %sub3A_195 = arith.subi %add3A_164, %sub3A : i32
      %dma_wait3A_196 = arith.constant 0 : i32
      %dma_wait3A_197 = tpu.memref_slice %arg8[%sub3A_195, %dma_wait3A_196] : memref<40x64xi32, #tpu.memory_space<vmem>> -> memref<1x64xi32, #tpu.memory_space<vmem>>
      %dma_wait3A_198 = tpu.memref_squeeze %dma_wait3A_197 : memref<1x64xi32, #tpu.memory_space<vmem>> -> memref<64xi32, #tpu.memory_space<vmem>>
      %dma_wait3A_199 = arith.constant 0 : i32
      %dma_wait3A_200 = arith.constant 0 : i32
      %dma_wait3A_201 = tpu.memref_slice %arg13[%dma_wait3A_199, %dma_wait3A_200] : memref<10112x128xf32, #tpu.memory_space<vmem_shared>> -> memref<10112x128xf32, #tpu.memory_space<vmem_shared>>
      tpu.wait_indirect_dma semaphore(%arg18 : memref<!tpu.dma_semaphore, #tpu.memory_space<semaphore_mem>>) src(%arg11 : memref<64x128xf32, #tpu.memory_space<vmem>>) dst(%dma_wait3A_201 : memref<10112x128xf32, #tpu.memory_space<vmem_shared>>)
      %lt3A_202 = arith.constant 19 : i32
      %lt3A_203 = arith.cmpi slt, %scan3A_116, %lt3A_202 : i32
      %convert_element_type3A_204 = arith.extui %lt3A_203 : i1 to i32
      %cond3A_205 = arith.constant 0 : i32
      %cond3A_206 = arith.cmpi ne, %convert_element_type3A_204, %cond3A_205 : i32
      scf.if %cond3A_206 {
        %add3A_207 = arith.constant 1 : i32
        %add3A_208 = arith.addi %add3A_164, %add3A_207 : i32
        %mul3A_209 = arith.constant 64 : i32
        %mul3A_210 = arith.muli %add3A_208, %mul3A_209 : i32
        %add3A_211 = arith.addi %add3A_49, %mul3A_210 : i32
        %dma_start3A_212 = arith.constant 0 : i32
        %dma_start3A_213 = tpu.memref_slice %arg3[%add3A_211, %dma_start3A_212] : memref<163840x128xf32, #tpu.memory_space<hbm>> -> memref<64x128xf32, #tpu.memory_space<hbm>>
        %dma_start3A_214 = arith.constant 0 : i32
        %dma_start3A_215 = tpu.memref_slice %arg3[%add3A_211, %dma_start3A_214] : memref<163840x128xf32, #tpu.memory_space<hbm>> -> memref<64x128xf32, #tpu.memory_space<hbm>>
        tpu.enqueue_dma source(%dma_start3A_215 : memref<64x128xf32, #tpu.memory_space<hbm>>) target(%arg11 : memref<64x128xf32, #tpu.memory_space<vmem>>) target_semaphore(%arg16 : memref<!tpu.dma_semaphore, #tpu.memory_space<semaphore_mem>>)
      } else {
      }
    }
    %scan3A_70 = arith.constant 20 : i32
    %dma_wait3A = arith.constant 39 : i32
    %dma_wait3A_71 = arith.constant 0 : i32
    %dma_wait3A_72 = tpu.memref_slice %arg8[%dma_wait3A, %dma_wait3A_71] : memref<40x64xi32, #tpu.memory_space<vmem>> -> memref<1x64xi32, #tpu.memory_space<vmem>>
    %dma_wait3A_73 = tpu.memref_squeeze %dma_wait3A_72 : memref<1x64xi32, #tpu.memory_space<vmem>> -> memref<64xi32, #tpu.memory_space<vmem>>
    %dma_wait3A_74 = arith.constant 0 : i32
    %dma_wait3A_75 = arith.constant 0 : i32
    %dma_wait3A_76 = tpu.memref_slice %arg13[%dma_wait3A_74, %dma_wait3A_75] : memref<10112x128xf32, #tpu.memory_space<vmem_shared>> -> memref<10112x128xf32, #tpu.memory_space<vmem_shared>>
    tpu.wait_indirect_dma semaphore(%arg19 : memref<!tpu.dma_semaphore, #tpu.memory_space<semaphore_mem>>) src(%arg12 : memref<64x128xf32, #tpu.memory_space<vmem>>) dst(%dma_wait3A_76 : memref<10112x128xf32, #tpu.memory_space<vmem_shared>>)
    %mul3A_77 = arith.constant 5120 : i32
    %mul3A_78 = arith.muli %add3A_45, %mul3A_77 : i32
    %add3A_79 = arith.constant 2560 : i32
    %add3A_80 = arith.addi %mul3A_78, %add3A_79 : i32
    "tpu.region"() ({
      %run_scoped3A_116 = tpu.sem_alloc : memref<!tpu.dma_semaphore, #tpu.memory_space<semaphore_mem>>
      %dma_start3A_117 = tpu.memref_slice %arg4[%add3A_80] : memref<163840xi32, #tpu.memory_space<hbm>> -> memref<2560xi32, #tpu.memory_space<hbm>>
      %dma_start3A_118 = tpu.memref_slice %arg4[%add3A_80] : memref<163840xi32, #tpu.memory_space<hbm>> -> memref<2560xi32, #tpu.memory_space<hbm>>
      tpu.enqueue_dma source(%dma_start3A_118 : memref<2560xi32, #tpu.memory_space<hbm>>) target(%arg7 : memref<2560xi32, #tpu.memory_space<vmem>>) target_semaphore(%run_scoped3A_116 : memref<!tpu.dma_semaphore, #tpu.memory_space<semaphore_mem>>)
      %dma_wait3A_119 = tpu.memref_slice %arg4[%add3A_80] : memref<163840xi32, #tpu.memory_space<hbm>> -> memref<2560xi32, #tpu.memory_space<hbm>>
      %dma_wait3A_120 = tpu.memref_slice %arg4[%add3A_80] : memref<163840xi32, #tpu.memory_space<hbm>> -> memref<2560xi32, #tpu.memory_space<hbm>>
      tpu.wait_dma2 semaphore(%run_scoped3A_116 : memref<!tpu.dma_semaphore, #tpu.memory_space<semaphore_mem>>) src(%dma_wait3A_120 : memref<2560xi32, #tpu.memory_space<hbm>>) dst(%arg7 : memref<2560xi32, #tpu.memory_space<vmem>>)
      tpu.yield
    }) : () -> ()
    %run_scoped3A_81 = arith.constant 1 : i32
    "tpu.region"() ({
      %run_scoped3A_116 = tpu.sem_alloc : memref<!tpu.dma_semaphore, #tpu.memory_space<semaphore_mem>>
      %dma_start3A_117 = arith.constant 0 : i32
      %dma_start3A_118 = arith.constant 0 : i32
      %dma_start3A_119 = arith.constant 0 : i32
      %dma_start3A_120 = tpu.memref_slice %arg5[%add3A_45, %dma_start3A_117, %dma_start3A_118, %dma_start3A_119] : memref<32x2x40x64xi32, #tpu.memory_space<hbm>> -> memref<1x2x40x64xi32, #tpu.memory_space<hbm>>
      %dma_start3A_121 = tpu.memref_squeeze %dma_start3A_120 : memref<1x2x40x64xi32, #tpu.memory_space<hbm>> -> memref<2x40x64xi32, #tpu.memory_space<hbm>>
      %dma_start3A_122 = arith.constant 0 : i32
      %dma_start3A_123 = arith.constant 0 : i32
      %dma_start3A_124 = tpu.memref_slice %dma_start3A_121[%run_scoped3A_81, %dma_start3A_122, %dma_start3A_123] : memref<2x40x64xi32, #tpu.memory_space<hbm>> -> memref<1x40x64xi32, #tpu.memory_space<hbm>>
      %dma_start3A_125 = tpu.memref_squeeze %dma_start3A_124 : memref<1x40x64xi32, #tpu.memory_space<hbm>> -> memref<40x64xi32, #tpu.memory_space<hbm>>
      %dma_start3A_126 = arith.constant 0 : i32
      %dma_start3A_127 = arith.constant 0 : i32
      %dma_start3A_128 = arith.constant 0 : i32
      %dma_start3A_129 = tpu.memref_slice %arg5[%add3A_45, %dma_start3A_126, %dma_start3A_127, %dma_start3A_128] : memref<32x2x40x64xi32, #tpu.memory_space<hbm>> -> memref<1x2x40x64xi32, #tpu.memory_space<hbm>>
      %dma_start3A_130 = tpu.memref_squeeze %dma_start3A_129 : memref<1x2x40x64xi32, #tpu.memory_space<hbm>> -> memref<2x40x64xi32, #tpu.memory_space<hbm>>
      %dma_start3A_131 = arith.constant 0 : i32
      %dma_start3A_132 = arith.constant 0 : i32
      %dma_start3A_133 = tpu.memref_slice %dma_start3A_130[%run_scoped3A_81, %dma_start3A_131, %dma_start3A_132] : memref<2x40x64xi32, #tpu.memory_space<hbm>> -> memref<1x40x64xi32, #tpu.memory_space<hbm>>
      %dma_start3A_134 = tpu.memref_squeeze %dma_start3A_133 : memref<1x40x64xi32, #tpu.memory_space<hbm>> -> memref<40x64xi32, #tpu.memory_space<hbm>>
      tpu.enqueue_dma source(%dma_start3A_134 : memref<40x64xi32, #tpu.memory_space<hbm>>) target(%arg8 : memref<40x64xi32, #tpu.memory_space<vmem>>) target_semaphore(%run_scoped3A_116 : memref<!tpu.dma_semaphore, #tpu.memory_space<semaphore_mem>>)
      %dma_wait3A_135 = arith.constant 0 : i32
      %dma_wait3A_136 = arith.constant 0 : i32
      %dma_wait3A_137 = arith.constant 0 : i32
      %dma_wait3A_138 = tpu.memref_slice %arg5[%add3A_45, %dma_wait3A_135, %dma_wait3A_136, %dma_wait3A_137] : memref<32x2x40x64xi32, #tpu.memory_space<hbm>> -> memref<1x2x40x64xi32, #tpu.memory_space<hbm>>
      %dma_wait3A_139 = tpu.memref_squeeze %dma_wait3A_138 : memref<1x2x40x64xi32, #tpu.memory_space<hbm>> -> memref<2x40x64xi32, #tpu.memory_space<hbm>>
      %dma_wait3A_140 = arith.constant 0 : i32
      %dma_wait3A_141 = arith.constant 0 : i32
      %dma_wait3A_142 = tpu.memref_slice %dma_wait3A_139[%run_scoped3A_81, %dma_wait3A_140, %dma_wait3A_141] : memref<2x40x64xi32, #tpu.memory_space<hbm>> -> memref<1x40x64xi32, #tpu.memory_space<hbm>>
      %dma_wait3A_143 = tpu.memref_squeeze %dma_wait3A_142 : memref<1x40x64xi32, #tpu.memory_space<hbm>> -> memref<40x64xi32, #tpu.memory_space<hbm>>
      %dma_wait3A_144 = arith.constant 0 : i32
      %dma_wait3A_145 = arith.constant 0 : i32
      %dma_wait3A_146 = arith.constant 0 : i32
      %dma_wait3A_147 = tpu.memref_slice %arg5[%add3A_45, %dma_wait3A_144, %dma_wait3A_145, %dma_wait3A_146] : memref<32x2x40x64xi32, #tpu.memory_space<hbm>> -> memref<1x2x40x64xi32, #tpu.memory_space<hbm>>
      %dma_wait3A_148 = tpu.memref_squeeze %dma_wait3A_147 : memref<1x2x40x64xi32, #tpu.memory_space<hbm>> -> memref<2x40x64xi32, #tpu.memory_space<hbm>>
      %dma_wait3A_149 = arith.constant 0 : i32
      %dma_wait3A_150 = arith.constant 0 : i32
      %dma_wait3A_151 = tpu.memref_slice %dma_wait3A_148[%run_scoped3A_81, %dma_wait3A_149, %dma_wait3A_150] : memref<2x40x64xi32, #tpu.memory_space<hbm>> -> memref<1x40x64xi32, #tpu.memory_space<hbm>>
      %dma_wait3A_152 = tpu.memref_squeeze %dma_wait3A_151 : memref<1x40x64xi32, #tpu.memory_space<hbm>> -> memref<40x64xi32, #tpu.memory_space<hbm>>
      tpu.wait_dma2 semaphore(%run_scoped3A_116 : memref<!tpu.dma_semaphore, #tpu.memory_space<semaphore_mem>>) src(%dma_wait3A_152 : memref<40x64xi32, #tpu.memory_space<hbm>>) dst(%arg8 : memref<40x64xi32, #tpu.memory_space<vmem>>)
      tpu.yield
    }) : () -> ()
    %dma_start3A_82 = arith.constant 0 : i32
    %dma_start3A_83 = tpu.memref_slice %arg7[%dma_start3A_82] : memref<2560xi32, #tpu.memory_space<vmem>> -> memref<64xi32, #tpu.memory_space<vmem>>
    %dma_start3A_84 = arith.constant 0 : i32
    %dma_start3A_85 = arith.constant 0 : i32
    %dma_start3A_86 = tpu.memref_slice %arg2[%dma_start3A_84, %dma_start3A_85] : memref<10000x128xf32, #tpu.memory_space<hbm>> -> memref<10000x128xf32, #tpu.memory_space<hbm>>
    tpu.enqueue_indirect_dma source(%dma_start3A_86 : memref<10000x128xf32, #tpu.memory_space<hbm>>) target(%arg9 : memref<64x128xf32, #tpu.memory_space<vmem>>) offsets(%dma_start3A_83 : memref<64xi32, #tpu.memory_space<vmem>>) semaphore(%arg14 : memref<!tpu.dma_semaphore, #tpu.memory_space<semaphore_mem>>)
    %dma_start3A_87 = arith.constant 64 : i32
    %dma_start3A_88 = tpu.memref_slice %arg7[%dma_start3A_87] : memref<2560xi32, #tpu.memory_space<vmem>> -> memref<64xi32, #tpu.memory_space<vmem>>
    %dma_start3A_89 = arith.constant 0 : i32
    %dma_start3A_90 = arith.constant 0 : i32
    %dma_start3A_91 = tpu.memref_slice %arg2[%dma_start3A_89, %dma_start3A_90] : memref<10000x128xf32, #tpu.memory_space<hbm>> -> memref<10000x128xf32, #tpu.memory_space<hbm>>
    tpu.enqueue_indirect_dma source(%dma_start3A_91 : memref<10000x128xf32, #tpu.memory_space<hbm>>) target(%arg10 : memref<64x128xf32, #tpu.memory_space<vmem>>) offsets(%dma_start3A_88 : memref<64xi32, #tpu.memory_space<vmem>>) semaphore(%arg15 : memref<!tpu.dma_semaphore, #tpu.memory_space<semaphore_mem>>)
    %add3A_92 = arith.constant 0 : i32
    %add3A_93 = arith.addi %add3A_80, %add3A_92 : i32
    %dma_start3A_94 = arith.constant 0 : i32
    %dma_start3A_95 = tpu.memref_slice %arg3[%add3A_93, %dma_start3A_94] : memref<163840x128xf32, #tpu.memory_space<hbm>> -> memref<64x128xf32, #tpu.memory_space<hbm>>
    %dma_start3A_96 = arith.constant 0 : i32
    %dma_start3A_97 = tpu.memref_slice %arg3[%add3A_93, %dma_start3A_96] : memref<163840x128xf32, #tpu.memory_space<hbm>> -> memref<64x128xf32, #tpu.memory_space<hbm>>
    tpu.enqueue_dma source(%dma_start3A_97 : memref<64x128xf32, #tpu.memory_space<hbm>>) target(%arg11 : memref<64x128xf32, #tpu.memory_space<vmem>>) target_semaphore(%arg16 : memref<!tpu.dma_semaphore, #tpu.memory_space<semaphore_mem>>)
    %scan3A_98 = arith.constant 0 : i32
    %scan3A_99 = arith.constant 0 : i32
    %scan3A_100 = arith.constant 20 : i32
    %scan3A_101 = arith.addi %scan3A_99, %scan3A_100 : i32
    %scan3A_102 = arith.constant 1 : i32
    scf.for %scan3A_116 = %scan3A_99 to %scan3A_101 step %scan3A_102  : i32 {
      %mul3A_117 = arith.constant 2 : i32
      %mul3A_118 = arith.muli %scan3A_116, %mul3A_117 : i32
      %add3A_119 = arith.constant 0 : i32
      %add3A_120 = arith.addi %mul3A_118, %add3A_119 : i32
      %mul3A_121 = arith.constant 64 : i32
      %mul3A_122 = arith.muli %add3A_120, %mul3A_121 : i32
      %dma_wait3A_123 = tpu.memref_slice %arg7[%mul3A_122] : memref<2560xi32, #tpu.memory_space<vmem>> -> memref<64xi32, #tpu.memory_space<vmem>>
      %dma_wait3A_124 = arith.constant 0 : i32
      %dma_wait3A_125 = arith.constant 0 : i32
      %dma_wait3A_126 = tpu.memref_slice %arg2[%dma_wait3A_124, %dma_wait3A_125] : memref<10000x128xf32, #tpu.memory_space<hbm>> -> memref<10000x128xf32, #tpu.memory_space<hbm>>
      tpu.wait_indirect_dma semaphore(%arg14 : memref<!tpu.dma_semaphore, #tpu.memory_space<semaphore_mem>>) src(%dma_wait3A_126 : memref<10000x128xf32, #tpu.memory_space<hbm>>) dst(%arg9 : memref<64x128xf32, #tpu.memory_space<vmem>>)
      %mul3A_127 = arith.constant 64 : i32
      %mul3A_128 = arith.muli %add3A_120, %mul3A_127 : i32
      %add3A_129 = arith.addi %add3A_80, %mul3A_128 : i32
      %dma_wait3A_130 = arith.constant 0 : i32
      %dma_wait3A_131 = tpu.memref_slice %arg3[%add3A_129, %dma_wait3A_130] : memref<163840x128xf32, #tpu.memory_space<hbm>> -> memref<64x128xf32, #tpu.memory_space<hbm>>
      %dma_wait3A_132 = arith.constant 0 : i32
      %dma_wait3A_133 = tpu.memref_slice %arg3[%add3A_129, %dma_wait3A_132] : memref<163840x128xf32, #tpu.memory_space<hbm>> -> memref<64x128xf32, #tpu.memory_space<hbm>>
      tpu.wait_dma2 semaphore(%arg16 : memref<!tpu.dma_semaphore, #tpu.memory_space<semaphore_mem>>) src(%dma_wait3A_133 : memref<64x128xf32, #tpu.memory_space<hbm>>) dst(%arg11 : memref<64x128xf32, #tpu.memory_space<vmem>>)
      %scan3A_134 = arith.constant 0 : i32
      %scan3A_135 = arith.constant 0 : i32
      %scan3A_136 = arith.constant 64 : i32
      %scan3A_137 = arith.addi %scan3A_135, %scan3A_136 : i32
      %scan3A_138 = arith.constant 1 : i32
      scf.for %scan3A_207 = %scan3A_135 to %scan3A_137 step %scan3A_138  : i32 {
        %get3A = arith.index_cast %scan3A_207 : i32 to index
        %get3A_208 = arith.constant 0 : index
        %get3A_209 = tpu.vector_load %arg9[%get3A, %get3A_208] {strides = array<i32>} : memref<64x128xf32, #tpu.memory_space<vmem>>, vector<1x16xf32>,
        %get3A_210 = vector.shape_cast %get3A_209 : vector<1x16xf32> to vector<16xf32>
        %get3A_211 = arith.index_cast %scan3A_207 : i32 to index
        %get3A_212 = arith.constant 0 : index
        %get3A_213 = tpu.vector_load %arg11[%get3A_211, %get3A_212] {strides = array<i32>} : memref<64x128xf32, #tpu.memory_space<vmem>>, vector<1x16xf32>,
        %get3A_214 = vector.shape_cast %get3A_213 : vector<1x16xf32> to vector<16xf32>
        %mul3A_215 = arith.mulf %get3A_210, %get3A_214 : vector<16xf32>
        %swap3A = arith.index_cast %scan3A_207 : i32 to index
        %swap3A_216 = arith.constant 0 : index
        %swap3A_217 = tpu.vector_load %arg11[%swap3A, %swap3A_216] {strides = array<i32>} : memref<64x128xf32, #tpu.memory_space<vmem>>, vector<1x16xf32>,
        %swap3A_218 = vector.shape_cast %swap3A_217 : vector<1x16xf32> to vector<16xf32>
        %swap3A_219 = vector.shape_cast %mul3A_215 : vector<16xf32> to vector<1x16xf32>
        tpu.vector_store %arg11[%swap3A, %swap3A_216], %swap3A_219 {strides = array<i32>} : memref<64x128xf32, #tpu.memory_space<vmem>>, vector<1x16xf32>,
        %get3A_220 = arith.index_cast %scan3A_207 : i32 to index
        %get3A_221 = arith.constant 16 : index
        %get3A_222 = tpu.vector_load %arg9[%get3A_220, %get3A_221] {strides = array<i32>} : memref<64x128xf32, #tpu.memory_space<vmem>>, vector<1x16xf32>,
        %get3A_223 = vector.shape_cast %get3A_222 : vector<1x16xf32> to vector<16xf32>
        %get3A_224 = arith.index_cast %scan3A_207 : i32 to index
        %get3A_225 = arith.constant 16 : index
        %get3A_226 = tpu.vector_load %arg11[%get3A_224, %get3A_225] {strides = array<i32>} : memref<64x128xf32, #tpu.memory_space<vmem>>, vector<1x16xf32>,
        %get3A_227 = vector.shape_cast %get3A_226 : vector<1x16xf32> to vector<16xf32>
        %mul3A_228 = arith.mulf %get3A_223, %get3A_227 : vector<16xf32>
        %swap3A_229 = arith.index_cast %scan3A_207 : i32 to index
        %swap3A_230 = arith.constant 16 : index
        %swap3A_231 = tpu.vector_load %arg11[%swap3A_229, %swap3A_230] {strides = array<i32>} : memref<64x128xf32, #tpu.memory_space<vmem>>, vector<1x16xf32>,
        %swap3A_232 = vector.shape_cast %swap3A_231 : vector<1x16xf32> to vector<16xf32>
        %swap3A_233 = vector.shape_cast %mul3A_228 : vector<16xf32> to vector<1x16xf32>
        tpu.vector_store %arg11[%swap3A_229, %swap3A_230], %swap3A_233 {strides = array<i32>} : memref<64x128xf32, #tpu.memory_space<vmem>>, vector<1x16xf32>,
        %get3A_234 = arith.index_cast %scan3A_207 : i32 to index
        %get3A_235 = arith.constant 32 : index
        %get3A_236 = tpu.vector_load %arg9[%get3A_234, %get3A_235] {strides = array<i32>} : memref<64x128xf32, #tpu.memory_space<vmem>>, vector<1x16xf32>,
        %get3A_237 = vector.shape_cast %get3A_236 : vector<1x16xf32> to vector<16xf32>
        %get3A_238 = arith.index_cast %scan3A_207 : i32 to index
        %get3A_239 = arith.constant 32 : index
        %get3A_240 = tpu.vector_load %arg11[%get3A_238, %get3A_239] {strides = array<i32>} : memref<64x128xf32, #tpu.memory_space<vmem>>, vector<1x16xf32>,
        %get3A_241 = vector.shape_cast %get3A_240 : vector<1x16xf32> to vector<16xf32>
        %mul3A_242 = arith.mulf %get3A_237, %get3A_241 : vector<16xf32>
        %swap3A_243 = arith.index_cast %scan3A_207 : i32 to index
        %swap3A_244 = arith.constant 32 : index
        %swap3A_245 = tpu.vector_load %arg11[%swap3A_243, %swap3A_244] {strides = array<i32>} : memref<64x128xf32, #tpu.memory_space<vmem>>, vector<1x16xf32>,
        %swap3A_246 = vector.shape_cast %swap3A_245 : vector<1x16xf32> to vector<16xf32>
        %swap3A_247 = vector.shape_cast %mul3A_242 : vector<16xf32> to vector<1x16xf32>
        tpu.vector_store %arg11[%swap3A_243, %swap3A_244], %swap3A_247 {strides = array<i32>} : memref<64x128xf32, #tpu.memory_space<vmem>>, vector<1x16xf32>,
        %get3A_248 = arith.index_cast %scan3A_207 : i32 to index
        %get3A_249 = arith.constant 48 : index
        %get3A_250 = tpu.vector_load %arg9[%get3A_248, %get3A_249] {strides = array<i32>} : memref<64x128xf32, #tpu.memory_space<vmem>>, vector<1x16xf32>,
        %get3A_251 = vector.shape_cast %get3A_250 : vector<1x16xf32> to vector<16xf32>
        %get3A_252 = arith.index_cast %scan3A_207 : i32 to index
        %get3A_253 = arith.constant 48 : index
        %get3A_254 = tpu.vector_load %arg11[%get3A_252, %get3A_253] {strides = array<i32>} : memref<64x128xf32, #tpu.memory_space<vmem>>, vector<1x16xf32>,
        %get3A_255 = vector.shape_cast %get3A_254 : vector<1x16xf32> to vector<16xf32>
        %mul3A_256 = arith.mulf %get3A_251, %get3A_255 : vector<16xf32>
        %swap3A_257 = arith.index_cast %scan3A_207 : i32 to index
        %swap3A_258 = arith.constant 48 : index
        %swap3A_259 = tpu.vector_load %arg11[%swap3A_257, %swap3A_258] {strides = array<i32>} : memref<64x128xf32, #tpu.memory_space<vmem>>, vector<1x16xf32>,
        %swap3A_260 = vector.shape_cast %swap3A_259 : vector<1x16xf32> to vector<16xf32>
        %swap3A_261 = vector.shape_cast %mul3A_256 : vector<16xf32> to vector<1x16xf32>
        tpu.vector_store %arg11[%swap3A_257, %swap3A_258], %swap3A_261 {strides = array<i32>} : memref<64x128xf32, #tpu.memory_space<vmem>>, vector<1x16xf32>,
        %get3A_262 = arith.index_cast %scan3A_207 : i32 to index
        %get3A_263 = arith.constant 64 : index
        %get3A_264 = tpu.vector_load %arg9[%get3A_262, %get3A_263] {strides = array<i32>} : memref<64x128xf32, #tpu.memory_space<vmem>>, vector<1x16xf32>,
        %get3A_265 = vector.shape_cast %get3A_264 : vector<1x16xf32> to vector<16xf32>
        %get3A_266 = arith.index_cast %scan3A_207 : i32 to index
        %get3A_267 = arith.constant 64 : index
        %get3A_268 = tpu.vector_load %arg11[%get3A_266, %get3A_267] {strides = array<i32>} : memref<64x128xf32, #tpu.memory_space<vmem>>, vector<1x16xf32>,
        %get3A_269 = vector.shape_cast %get3A_268 : vector<1x16xf32> to vector<16xf32>
        %mul3A_270 = arith.mulf %get3A_265, %get3A_269 : vector<16xf32>
        %swap3A_271 = arith.index_cast %scan3A_207 : i32 to index
        %swap3A_272 = arith.constant 64 : index
        %swap3A_273 = tpu.vector_load %arg11[%swap3A_271, %swap3A_272] {strides = array<i32>} : memref<64x128xf32, #tpu.memory_space<vmem>>, vector<1x16xf32>,
        %swap3A_274 = vector.shape_cast %swap3A_273 : vector<1x16xf32> to vector<16xf32>
        %swap3A_275 = vector.shape_cast %mul3A_270 : vector<16xf32> to vector<1x16xf32>
        tpu.vector_store %arg11[%swap3A_271, %swap3A_272], %swap3A_275 {strides = array<i32>} : memref<64x128xf32, #tpu.memory_space<vmem>>, vector<1x16xf32>,
        %get3A_276 = arith.index_cast %scan3A_207 : i32 to index
        %get3A_277 = arith.constant 80 : index
        %get3A_278 = tpu.vector_load %arg9[%get3A_276, %get3A_277] {strides = array<i32>} : memref<64x128xf32, #tpu.memory_space<vmem>>, vector<1x16xf32>,
        %get3A_279 = vector.shape_cast %get3A_278 : vector<1x16xf32> to vector<16xf32>
        %get3A_280 = arith.index_cast %scan3A_207 : i32 to index
        %get3A_281 = arith.constant 80 : index
        %get3A_282 = tpu.vector_load %arg11[%get3A_280, %get3A_281] {strides = array<i32>} : memref<64x128xf32, #tpu.memory_space<vmem>>, vector<1x16xf32>,
        %get3A_283 = vector.shape_cast %get3A_282 : vector<1x16xf32> to vector<16xf32>
        %mul3A_284 = arith.mulf %get3A_279, %get3A_283 : vector<16xf32>
        %swap3A_285 = arith.index_cast %scan3A_207 : i32 to index
        %swap3A_286 = arith.constant 80 : index
        %swap3A_287 = tpu.vector_load %arg11[%swap3A_285, %swap3A_286] {strides = array<i32>} : memref<64x128xf32, #tpu.memory_space<vmem>>, vector<1x16xf32>,
        %swap3A_288 = vector.shape_cast %swap3A_287 : vector<1x16xf32> to vector<16xf32>
        %swap3A_289 = vector.shape_cast %mul3A_284 : vector<16xf32> to vector<1x16xf32>
        tpu.vector_store %arg11[%swap3A_285, %swap3A_286], %swap3A_289 {strides = array<i32>} : memref<64x128xf32, #tpu.memory_space<vmem>>, vector<1x16xf32>,
        %get3A_290 = arith.index_cast %scan3A_207 : i32 to index
        %get3A_291 = arith.constant 96 : index
        %get3A_292 = tpu.vector_load %arg9[%get3A_290, %get3A_291] {strides = array<i32>} : memref<64x128xf32, #tpu.memory_space<vmem>>, vector<1x16xf32>,
        %get3A_293 = vector.shape_cast %get3A_292 : vector<1x16xf32> to vector<16xf32>
        %get3A_294 = arith.index_cast %scan3A_207 : i32 to index
        %get3A_295 = arith.constant 96 : index
        %get3A_296 = tpu.vector_load %arg11[%get3A_294, %get3A_295] {strides = array<i32>} : memref<64x128xf32, #tpu.memory_space<vmem>>, vector<1x16xf32>,
        %get3A_297 = vector.shape_cast %get3A_296 : vector<1x16xf32> to vector<16xf32>
        %mul3A_298 = arith.mulf %get3A_293, %get3A_297 : vector<16xf32>
        %swap3A_299 = arith.index_cast %scan3A_207 : i32 to index
        %swap3A_300 = arith.constant 96 : index
        %swap3A_301 = tpu.vector_load %arg11[%swap3A_299, %swap3A_300] {strides = array<i32>} : memref<64x128xf32, #tpu.memory_space<vmem>>, vector<1x16xf32>,
        %swap3A_302 = vector.shape_cast %swap3A_301 : vector<1x16xf32> to vector<16xf32>
        %swap3A_303 = vector.shape_cast %mul3A_298 : vector<16xf32> to vector<1x16xf32>
        tpu.vector_store %arg11[%swap3A_299, %swap3A_300], %swap3A_303 {strides = array<i32>} : memref<64x128xf32, #tpu.memory_space<vmem>>, vector<1x16xf32>,
        %get3A_304 = arith.index_cast %scan3A_207 : i32 to index
        %get3A_305 = arith.constant 112 : index
        %get3A_306 = tpu.vector_load %arg9[%get3A_304, %get3A_305] {strides = array<i32>} : memref<64x128xf32, #tpu.memory_space<vmem>>, vector<1x16xf32>,
        %get3A_307 = vector.shape_cast %get3A_306 : vector<1x16xf32> to vector<16xf32>
        %get3A_308 = arith.index_cast %scan3A_207 : i32 to index
        %get3A_309 = arith.constant 112 : index
        %get3A_310 = tpu.vector_load %arg11[%get3A_308, %get3A_309] {strides = array<i32>} : memref<64x128xf32, #tpu.memory_space<vmem>>, vector<1x16xf32>,
        %get3A_311 = vector.shape_cast %get3A_310 : vector<1x16xf32> to vector<16xf32>
        %mul3A_312 = arith.mulf %get3A_307, %get3A_311 : vector<16xf32>
        %swap3A_313 = arith.index_cast %scan3A_207 : i32 to index
        %swap3A_314 = arith.constant 112 : index
        %swap3A_315 = tpu.vector_load %arg11[%swap3A_313, %swap3A_314] {strides = array<i32>} : memref<64x128xf32, #tpu.memory_space<vmem>>, vector<1x16xf32>,
        %swap3A_316 = vector.shape_cast %swap3A_315 : vector<1x16xf32> to vector<16xf32>
        %swap3A_317 = vector.shape_cast %mul3A_312 : vector<16xf32> to vector<1x16xf32>
        tpu.vector_store %arg11[%swap3A_313, %swap3A_314], %swap3A_317 {strides = array<i32>} : memref<64x128xf32, #tpu.memory_space<vmem>>, vector<1x16xf32>,
      }
      %scan3A_139 = arith.constant 64 : i32
      %lt3A = arith.constant 19 : i32
      %lt3A_140 = arith.cmpi slt, %scan3A_116, %lt3A : i32
      %convert_element_type3A = arith.extui %lt3A_140 : i1 to i32
      %cond3A = arith.constant 0 : i32
      %cond3A_141 = arith.cmpi ne, %convert_element_type3A, %cond3A : i32
      scf.if %cond3A_141 {
        %add3A_207 = arith.constant 2 : i32
        %add3A_208 = arith.addi %add3A_120, %add3A_207 : i32
        %mul3A_209 = arith.constant 64 : i32
        %mul3A_210 = arith.muli %add3A_208, %mul3A_209 : i32
        %dma_start3A_211 = tpu.memref_slice %arg7[%mul3A_210] : memref<2560xi32, #tpu.memory_space<vmem>> -> memref<64xi32, #tpu.memory_space<vmem>>
        %dma_start3A_212 = arith.constant 0 : i32
        %dma_start3A_213 = arith.constant 0 : i32
        %dma_start3A_214 = tpu.memref_slice %arg2[%dma_start3A_212, %dma_start3A_213] : memref<10000x128xf32, #tpu.memory_space<hbm>> -> memref<10000x128xf32, #tpu.memory_space<hbm>>
        tpu.enqueue_indirect_dma source(%dma_start3A_214 : memref<10000x128xf32, #tpu.memory_space<hbm>>) target(%arg9 : memref<64x128xf32, #tpu.memory_space<vmem>>) offsets(%dma_start3A_211 : memref<64xi32, #tpu.memory_space<vmem>>) semaphore(%arg14 : memref<!tpu.dma_semaphore, #tpu.memory_space<semaphore_mem>>)
      } else {
      }
      %dma_start3A_142 = arith.constant 0 : i32
      %dma_start3A_143 = tpu.memref_slice %arg8[%add3A_120, %dma_start3A_142] : memref<40x64xi32, #tpu.memory_space<vmem>> -> memref<1x64xi32, #tpu.memory_space<vmem>>
      %dma_start3A_144 = tpu.memref_squeeze %dma_start3A_143 : memref<1x64xi32, #tpu.memory_space<vmem>> -> memref<64xi32, #tpu.memory_space<vmem>>
      %dma_start3A_145 = arith.constant 0 : i32
      %dma_start3A_146 = arith.constant 0 : i32
      %dma_start3A_147 = tpu.memref_slice %arg13[%dma_start3A_145, %dma_start3A_146] : memref<10112x128xf32, #tpu.memory_space<vmem_shared>> -> memref<10112x128xf32, #tpu.memory_space<vmem_shared>>
      tpu.enqueue_indirect_dma source(%arg11 : memref<64x128xf32, #tpu.memory_space<vmem>>) target(%dma_start3A_147 : memref<10112x128xf32, #tpu.memory_space<vmem_shared>>) offsets(%dma_start3A_144 : memref<64xi32, #tpu.memory_space<vmem>>) semaphore(%arg18 : memref<!tpu.dma_semaphore, #tpu.memory_space<semaphore_mem>>) {add = true}
      %gt3A = arith.constant 0 : i32
      %gt3A_148 = arith.cmpi sgt, %scan3A_116, %gt3A : i32
      %convert_element_type3A_149 = arith.extui %gt3A_148 : i1 to i32
      %cond3A_150 = arith.constant 0 : i32
      %cond3A_151 = arith.cmpi ne, %convert_element_type3A_149, %cond3A_150 : i32
      scf.if %cond3A_151 {
        %sub3A_207 = arith.constant 1 : i32
        %sub3A_208 = arith.subi %add3A_120, %sub3A_207 : i32
        %dma_wait3A_209 = arith.constant 0 : i32
        %dma_wait3A_210 = tpu.memref_slice %arg8[%sub3A_208, %dma_wait3A_209] : memref<40x64xi32, #tpu.memory_space<vmem>> -> memref<1x64xi32, #tpu.memory_space<vmem>>
        %dma_wait3A_211 = tpu.memref_squeeze %dma_wait3A_210 : memref<1x64xi32, #tpu.memory_space<vmem>> -> memref<64xi32, #tpu.memory_space<vmem>>
        %dma_wait3A_212 = arith.constant 0 : i32
        %dma_wait3A_213 = arith.constant 0 : i32
        %dma_wait3A_214 = tpu.memref_slice %arg13[%dma_wait3A_212, %dma_wait3A_213] : memref<10112x128xf32, #tpu.memory_space<vmem_shared>> -> memref<10112x128xf32, #tpu.memory_space<vmem_shared>>
        tpu.wait_indirect_dma semaphore(%arg19 : memref<!tpu.dma_semaphore, #tpu.memory_space<semaphore_mem>>) src(%arg12 : memref<64x128xf32, #tpu.memory_space<vmem>>) dst(%dma_wait3A_214 : memref<10112x128xf32, #tpu.memory_space<vmem_shared>>)
      } else {
      }
      %add3A_152 = arith.constant 1 : i32
      %add3A_153 = arith.addi %add3A_120, %add3A_152 : i32
      %mul3A_154 = arith.constant 64 : i32
      %mul3A_155 = arith.muli %add3A_153, %mul3A_154 : i32
      %add3A_156 = arith.addi %add3A_80, %mul3A_155 : i32
      %dma_start3A_157 = arith.constant 0 : i32
      %dma_start3A_158 = tpu.memref_slice %arg3[%add3A_156, %dma_start3A_157] : memref<163840x128xf32, #tpu.memory_space<hbm>> -> memref<64x128xf32, #tpu.memory_space<hbm>>
      %dma_start3A_159 = arith.constant 0 : i32
      %dma_start3A_160 = tpu.memref_slice %arg3[%add3A_156, %dma_start3A_159] : memref<163840x128xf32, #tpu.memory_space<hbm>> -> memref<64x128xf32, #tpu.memory_space<hbm>>
      tpu.enqueue_dma source(%dma_start3A_160 : memref<64x128xf32, #tpu.memory_space<hbm>>) target(%arg12 : memref<64x128xf32, #tpu.memory_space<vmem>>) target_semaphore(%arg17 : memref<!tpu.dma_semaphore, #tpu.memory_space<semaphore_mem>>)
      %mul3A_161 = arith.constant 2 : i32
      %mul3A_162 = arith.muli %scan3A_116, %mul3A_161 : i32
      %add3A_163 = arith.constant 1 : i32
      %add3A_164 = arith.addi %mul3A_162, %add3A_163 : i32
      %mul3A_165 = arith.constant 64 : i32
      %mul3A_166 = arith.muli %add3A_164, %mul3A_165 : i32
      %dma_wait3A_167 = tpu.memref_slice %arg7[%mul3A_166] : memref<2560xi32, #tpu.memory_space<vmem>> -> memref<64xi32, #tpu.memory_space<vmem>>
      %dma_wait3A_168 = arith.constant 0 : i32
      %dma_wait3A_169 = arith.constant 0 : i32
      %dma_wait3A_170 = tpu.memref_slice %arg2[%dma_wait3A_168, %dma_wait3A_169] : memref<10000x128xf32, #tpu.memory_space<hbm>> -> memref<10000x128xf32, #tpu.memory_space<hbm>>
      tpu.wait_indirect_dma semaphore(%arg15 : memref<!tpu.dma_semaphore, #tpu.memory_space<semaphore_mem>>) src(%dma_wait3A_170 : memref<10000x128xf32, #tpu.memory_space<hbm>>) dst(%arg10 : memref<64x128xf32, #tpu.memory_space<vmem>>)
      %mul3A_171 = arith.constant 64 : i32
      %mul3A_172 = arith.muli %add3A_164, %mul3A_171 : i32
      %add3A_173 = arith.addi %add3A_80, %mul3A_172 : i32
      %dma_wait3A_174 = arith.constant 0 : i32
      %dma_wait3A_175 = tpu.memref_slice %arg3[%add3A_173, %dma_wait3A_174] : memref<163840x128xf32, #tpu.memory_space<hbm>> -> memref<64x128xf32, #tpu.memory_space<hbm>>
      %dma_wait3A_176 = arith.constant 0 : i32
      %dma_wait3A_177 = tpu.memref_slice %arg3[%add3A_173, %dma_wait3A_176] : memref<163840x128xf32, #tpu.memory_space<hbm>> -> memref<64x128xf32, #tpu.memory_space<hbm>>
      tpu.wait_dma2 semaphore(%arg17 : memref<!tpu.dma_semaphore, #tpu.memory_space<semaphore_mem>>) src(%dma_wait3A_177 : memref<64x128xf32, #tpu.memory_space<hbm>>) dst(%arg12 : memref<64x128xf32, #tpu.memory_space<vmem>>)
      %scan3A_178 = arith.constant 0 : i32
      %scan3A_179 = arith.constant 0 : i32
      %scan3A_180 = arith.constant 64 : i32
      %scan3A_181 = arith.addi %scan3A_179, %scan3A_180 : i32
      %scan3A_182 = arith.constant 1 : i32
      scf.for %scan3A_207 = %scan3A_179 to %scan3A_181 step %scan3A_182  : i32 {
        %get3A = arith.index_cast %scan3A_207 : i32 to index
        %get3A_208 = arith.constant 0 : index
        %get3A_209 = tpu.vector_load %arg10[%get3A, %get3A_208] {strides = array<i32>} : memref<64x128xf32, #tpu.memory_space<vmem>>, vector<1x16xf32>,
        %get3A_210 = vector.shape_cast %get3A_209 : vector<1x16xf32> to vector<16xf32>
        %get3A_211 = arith.index_cast %scan3A_207 : i32 to index
        %get3A_212 = arith.constant 0 : index
        %get3A_213 = tpu.vector_load %arg12[%get3A_211, %get3A_212] {strides = array<i32>} : memref<64x128xf32, #tpu.memory_space<vmem>>, vector<1x16xf32>,
        %get3A_214 = vector.shape_cast %get3A_213 : vector<1x16xf32> to vector<16xf32>
        %mul3A_215 = arith.mulf %get3A_210, %get3A_214 : vector<16xf32>
        %swap3A = arith.index_cast %scan3A_207 : i32 to index
        %swap3A_216 = arith.constant 0 : index
        %swap3A_217 = tpu.vector_load %arg12[%swap3A, %swap3A_216] {strides = array<i32>} : memref<64x128xf32, #tpu.memory_space<vmem>>, vector<1x16xf32>,
        %swap3A_218 = vector.shape_cast %swap3A_217 : vector<1x16xf32> to vector<16xf32>
        %swap3A_219 = vector.shape_cast %mul3A_215 : vector<16xf32> to vector<1x16xf32>
        tpu.vector_store %arg12[%swap3A, %swap3A_216], %swap3A_219 {strides = array<i32>} : memref<64x128xf32, #tpu.memory_space<vmem>>, vector<1x16xf32>,
        %get3A_220 = arith.index_cast %scan3A_207 : i32 to index
        %get3A_221 = arith.constant 16 : index
        %get3A_222 = tpu.vector_load %arg10[%get3A_220, %get3A_221] {strides = array<i32>} : memref<64x128xf32, #tpu.memory_space<vmem>>, vector<1x16xf32>,
        %get3A_223 = vector.shape_cast %get3A_222 : vector<1x16xf32> to vector<16xf32>
        %get3A_224 = arith.index_cast %scan3A_207 : i32 to index
        %get3A_225 = arith.constant 16 : index
        %get3A_226 = tpu.vector_load %arg12[%get3A_224, %get3A_225] {strides = array<i32>} : memref<64x128xf32, #tpu.memory_space<vmem>>, vector<1x16xf32>,
        %get3A_227 = vector.shape_cast %get3A_226 : vector<1x16xf32> to vector<16xf32>
        %mul3A_228 = arith.mulf %get3A_223, %get3A_227 : vector<16xf32>
        %swap3A_229 = arith.index_cast %scan3A_207 : i32 to index
        %swap3A_230 = arith.constant 16 : index
        %swap3A_231 = tpu.vector_load %arg12[%swap3A_229, %swap3A_230] {strides = array<i32>} : memref<64x128xf32, #tpu.memory_space<vmem>>, vector<1x16xf32>,
        %swap3A_232 = vector.shape_cast %swap3A_231 : vector<1x16xf32> to vector<16xf32>
        %swap3A_233 = vector.shape_cast %mul3A_228 : vector<16xf32> to vector<1x16xf32>
        tpu.vector_store %arg12[%swap3A_229, %swap3A_230], %swap3A_233 {strides = array<i32>} : memref<64x128xf32, #tpu.memory_space<vmem>>, vector<1x16xf32>,
        %get3A_234 = arith.index_cast %scan3A_207 : i32 to index
        %get3A_235 = arith.constant 32 : index
        %get3A_236 = tpu.vector_load %arg10[%get3A_234, %get3A_235] {strides = array<i32>} : memref<64x128xf32, #tpu.memory_space<vmem>>, vector<1x16xf32>,
        %get3A_237 = vector.shape_cast %get3A_236 : vector<1x16xf32> to vector<16xf32>
        %get3A_238 = arith.index_cast %scan3A_207 : i32 to index
        %get3A_239 = arith.constant 32 : index
        %get3A_240 = tpu.vector_load %arg12[%get3A_238, %get3A_239] {strides = array<i32>} : memref<64x128xf32, #tpu.memory_space<vmem>>, vector<1x16xf32>,
        %get3A_241 = vector.shape_cast %get3A_240 : vector<1x16xf32> to vector<16xf32>
        %mul3A_242 = arith.mulf %get3A_237, %get3A_241 : vector<16xf32>
        %swap3A_243 = arith.index_cast %scan3A_207 : i32 to index
        %swap3A_244 = arith.constant 32 : index
        %swap3A_245 = tpu.vector_load %arg12[%swap3A_243, %swap3A_244] {strides = array<i32>} : memref<64x128xf32, #tpu.memory_space<vmem>>, vector<1x16xf32>,
        %swap3A_246 = vector.shape_cast %swap3A_245 : vector<1x16xf32> to vector<16xf32>
        %swap3A_247 = vector.shape_cast %mul3A_242 : vector<16xf32> to vector<1x16xf32>
        tpu.vector_store %arg12[%swap3A_243, %swap3A_244], %swap3A_247 {strides = array<i32>} : memref<64x128xf32, #tpu.memory_space<vmem>>, vector<1x16xf32>,
        %get3A_248 = arith.index_cast %scan3A_207 : i32 to index
        %get3A_249 = arith.constant 48 : index
        %get3A_250 = tpu.vector_load %arg10[%get3A_248, %get3A_249] {strides = array<i32>} : memref<64x128xf32, #tpu.memory_space<vmem>>, vector<1x16xf32>,
        %get3A_251 = vector.shape_cast %get3A_250 : vector<1x16xf32> to vector<16xf32>
        %get3A_252 = arith.index_cast %scan3A_207 : i32 to index
        %get3A_253 = arith.constant 48 : index
        %get3A_254 = tpu.vector_load %arg12[%get3A_252, %get3A_253] {strides = array<i32>} : memref<64x128xf32, #tpu.memory_space<vmem>>, vector<1x16xf32>,
        %get3A_255 = vector.shape_cast %get3A_254 : vector<1x16xf32> to vector<16xf32>
        %mul3A_256 = arith.mulf %get3A_251, %get3A_255 : vector<16xf32>
        %swap3A_257 = arith.index_cast %scan3A_207 : i32 to index
        %swap3A_258 = arith.constant 48 : index
        %swap3A_259 = tpu.vector_load %arg12[%swap3A_257, %swap3A_258] {strides = array<i32>} : memref<64x128xf32, #tpu.memory_space<vmem>>, vector<1x16xf32>,
        %swap3A_260 = vector.shape_cast %swap3A_259 : vector<1x16xf32> to vector<16xf32>
        %swap3A_261 = vector.shape_cast %mul3A_256 : vector<16xf32> to vector<1x16xf32>
        tpu.vector_store %arg12[%swap3A_257, %swap3A_258], %swap3A_261 {strides = array<i32>} : memref<64x128xf32, #tpu.memory_space<vmem>>, vector<1x16xf32>,
        %get3A_262 = arith.index_cast %scan3A_207 : i32 to index
        %get3A_263 = arith.constant 64 : index
        %get3A_264 = tpu.vector_load %arg10[%get3A_262, %get3A_263] {strides = array<i32>} : memref<64x128xf32, #tpu.memory_space<vmem>>, vector<1x16xf32>,
        %get3A_265 = vector.shape_cast %get3A_264 : vector<1x16xf32> to vector<16xf32>
        %get3A_266 = arith.index_cast %scan3A_207 : i32 to index
        %get3A_267 = arith.constant 64 : index
        %get3A_268 = tpu.vector_load %arg12[%get3A_266, %get3A_267] {strides = array<i32>} : memref<64x128xf32, #tpu.memory_space<vmem>>, vector<1x16xf32>,
        %get3A_269 = vector.shape_cast %get3A_268 : vector<1x16xf32> to vector<16xf32>
        %mul3A_270 = arith.mulf %get3A_265, %get3A_269 : vector<16xf32>
        %swap3A_271 = arith.index_cast %scan3A_207 : i32 to index
        %swap3A_272 = arith.constant 64 : index
        %swap3A_273 = tpu.vector_load %arg12[%swap3A_271, %swap3A_272] {strides = array<i32>} : memref<64x128xf32, #tpu.memory_space<vmem>>, vector<1x16xf32>,
        %swap3A_274 = vector.shape_cast %swap3A_273 : vector<1x16xf32> to vector<16xf32>
        %swap3A_275 = vector.shape_cast %mul3A_270 : vector<16xf32> to vector<1x16xf32>
        tpu.vector_store %arg12[%swap3A_271, %swap3A_272], %swap3A_275 {strides = array<i32>} : memref<64x128xf32, #tpu.memory_space<vmem>>, vector<1x16xf32>,
        %get3A_276 = arith.index_cast %scan3A_207 : i32 to index
        %get3A_277 = arith.constant 80 : index
        %get3A_278 = tpu.vector_load %arg10[%get3A_276, %get3A_277] {strides = array<i32>} : memref<64x128xf32, #tpu.memory_space<vmem>>, vector<1x16xf32>,
        %get3A_279 = vector.shape_cast %get3A_278 : vector<1x16xf32> to vector<16xf32>
        %get3A_280 = arith.index_cast %scan3A_207 : i32 to index
        %get3A_281 = arith.constant 80 : index
        %get3A_282 = tpu.vector_load %arg12[%get3A_280, %get3A_281] {strides = array<i32>} : memref<64x128xf32, #tpu.memory_space<vmem>>, vector<1x16xf32>,
        %get3A_283 = vector.shape_cast %get3A_282 : vector<1x16xf32> to vector<16xf32>
        %mul3A_284 = arith.mulf %get3A_279, %get3A_283 : vector<16xf32>
        %swap3A_285 = arith.index_cast %scan3A_207 : i32 to index
        %swap3A_286 = arith.constant 80 : index
        %swap3A_287 = tpu.vector_load %arg12[%swap3A_285, %swap3A_286] {strides = array<i32>} : memref<64x128xf32, #tpu.memory_space<vmem>>, vector<1x16xf32>,
        %swap3A_288 = vector.shape_cast %swap3A_287 : vector<1x16xf32> to vector<16xf32>
        %swap3A_289 = vector.shape_cast %mul3A_284 : vector<16xf32> to vector<1x16xf32>
        tpu.vector_store %arg12[%swap3A_285, %swap3A_286], %swap3A_289 {strides = array<i32>} : memref<64x128xf32, #tpu.memory_space<vmem>>, vector<1x16xf32>,
        %get3A_290 = arith.index_cast %scan3A_207 : i32 to index
        %get3A_291 = arith.constant 96 : index
        %get3A_292 = tpu.vector_load %arg10[%get3A_290, %get3A_291] {strides = array<i32>} : memref<64x128xf32, #tpu.memory_space<vmem>>, vector<1x16xf32>,
        %get3A_293 = vector.shape_cast %get3A_292 : vector<1x16xf32> to vector<16xf32>
        %get3A_294 = arith.index_cast %scan3A_207 : i32 to index
        %get3A_295 = arith.constant 96 : index
        %get3A_296 = tpu.vector_load %arg12[%get3A_294, %get3A_295] {strides = array<i32>} : memref<64x128xf32, #tpu.memory_space<vmem>>, vector<1x16xf32>,
        %get3A_297 = vector.shape_cast %get3A_296 : vector<1x16xf32> to vector<16xf32>
        %mul3A_298 = arith.mulf %get3A_293, %get3A_297 : vector<16xf32>
        %swap3A_299 = arith.index_cast %scan3A_207 : i32 to index
        %swap3A_300 = arith.constant 96 : index
        %swap3A_301 = tpu.vector_load %arg12[%swap3A_299, %swap3A_300] {strides = array<i32>} : memref<64x128xf32, #tpu.memory_space<vmem>>, vector<1x16xf32>,
        %swap3A_302 = vector.shape_cast %swap3A_301 : vector<1x16xf32> to vector<16xf32>
        %swap3A_303 = vector.shape_cast %mul3A_298 : vector<16xf32> to vector<1x16xf32>
        tpu.vector_store %arg12[%swap3A_299, %swap3A_300], %swap3A_303 {strides = array<i32>} : memref<64x128xf32, #tpu.memory_space<vmem>>, vector<1x16xf32>,
        %get3A_304 = arith.index_cast %scan3A_207 : i32 to index
        %get3A_305 = arith.constant 112 : index
        %get3A_306 = tpu.vector_load %arg10[%get3A_304, %get3A_305] {strides = array<i32>} : memref<64x128xf32, #tpu.memory_space<vmem>>, vector<1x16xf32>,
        %get3A_307 = vector.shape_cast %get3A_306 : vector<1x16xf32> to vector<16xf32>
        %get3A_308 = arith.index_cast %scan3A_207 : i32 to index
        %get3A_309 = arith.constant 112 : index
        %get3A_310 = tpu.vector_load %arg12[%get3A_308, %get3A_309] {strides = array<i32>} : memref<64x128xf32, #tpu.memory_space<vmem>>, vector<1x16xf32>,
        %get3A_311 = vector.shape_cast %get3A_310 : vector<1x16xf32> to vector<16xf32>
        %mul3A_312 = arith.mulf %get3A_307, %get3A_311 : vector<16xf32>
        %swap3A_313 = arith.index_cast %scan3A_207 : i32 to index
        %swap3A_314 = arith.constant 112 : index
        %swap3A_315 = tpu.vector_load %arg12[%swap3A_313, %swap3A_314] {strides = array<i32>} : memref<64x128xf32, #tpu.memory_space<vmem>>, vector<1x16xf32>,
        %swap3A_316 = vector.shape_cast %swap3A_315 : vector<1x16xf32> to vector<16xf32>
        %swap3A_317 = vector.shape_cast %mul3A_312 : vector<16xf32> to vector<1x16xf32>
        tpu.vector_store %arg12[%swap3A_313, %swap3A_314], %swap3A_317 {strides = array<i32>} : memref<64x128xf32, #tpu.memory_space<vmem>>, vector<1x16xf32>,
      }
      %scan3A_183 = arith.constant 64 : i32
      %lt3A_184 = arith.constant 19 : i32
      %lt3A_185 = arith.cmpi slt, %scan3A_116, %lt3A_184 : i32
      %convert_element_type3A_186 = arith.extui %lt3A_185 : i1 to i32
      %cond3A_187 = arith.constant 0 : i32
      %cond3A_188 = arith.cmpi ne, %convert_element_type3A_186, %cond3A_187 : i32
      scf.if %cond3A_188 {
        %add3A_207 = arith.constant 2 : i32
        %add3A_208 = arith.addi %add3A_164, %add3A_207 : i32
        %mul3A_209 = arith.constant 64 : i32
        %mul3A_210 = arith.muli %add3A_208, %mul3A_209 : i32
        %dma_start3A_211 = tpu.memref_slice %arg7[%mul3A_210] : memref<2560xi32, #tpu.memory_space<vmem>> -> memref<64xi32, #tpu.memory_space<vmem>>
        %dma_start3A_212 = arith.constant 0 : i32
        %dma_start3A_213 = arith.constant 0 : i32
        %dma_start3A_214 = tpu.memref_slice %arg2[%dma_start3A_212, %dma_start3A_213] : memref<10000x128xf32, #tpu.memory_space<hbm>> -> memref<10000x128xf32, #tpu.memory_space<hbm>>
        tpu.enqueue_indirect_dma source(%dma_start3A_214 : memref<10000x128xf32, #tpu.memory_space<hbm>>) target(%arg10 : memref<64x128xf32, #tpu.memory_space<vmem>>) offsets(%dma_start3A_211 : memref<64xi32, #tpu.memory_space<vmem>>) semaphore(%arg15 : memref<!tpu.dma_semaphore, #tpu.memory_space<semaphore_mem>>)
      } else {
      }
      %dma_start3A_189 = arith.constant 0 : i32
      %dma_start3A_190 = tpu.memref_slice %arg8[%add3A_164, %dma_start3A_189] : memref<40x64xi32, #tpu.memory_space<vmem>> -> memref<1x64xi32, #tpu.memory_space<vmem>>
      %dma_start3A_191 = tpu.memref_squeeze %dma_start3A_190 : memref<1x64xi32, #tpu.memory_space<vmem>> -> memref<64xi32, #tpu.memory_space<vmem>>
      %dma_start3A_192 = arith.constant 0 : i32
      %dma_start3A_193 = arith.constant 0 : i32
      %dma_start3A_194 = tpu.memref_slice %arg13[%dma_start3A_192, %dma_start3A_193] : memref<10112x128xf32, #tpu.memory_space<vmem_shared>> -> memref<10112x128xf32, #tpu.memory_space<vmem_shared>>
      tpu.enqueue_indirect_dma source(%arg12 : memref<64x128xf32, #tpu.memory_space<vmem>>) target(%dma_start3A_194 : memref<10112x128xf32, #tpu.memory_space<vmem_shared>>) offsets(%dma_start3A_191 : memref<64xi32, #tpu.memory_space<vmem>>) semaphore(%arg19 : memref<!tpu.dma_semaphore, #tpu.memory_space<semaphore_mem>>) {add = true}
      %sub3A = arith.constant 1 : i32
      %sub3A_195 = arith.subi %add3A_164, %sub3A : i32
      %dma_wait3A_196 = arith.constant 0 : i32
      %dma_wait3A_197 = tpu.memref_slice %arg8[%sub3A_195, %dma_wait3A_196] : memref<40x64xi32, #tpu.memory_space<vmem>> -> memref<1x64xi32, #tpu.memory_space<vmem>>
      %dma_wait3A_198 = tpu.memref_squeeze %dma_wait3A_197 : memref<1x64xi32, #tpu.memory_space<vmem>> -> memref<64xi32, #tpu.memory_space<vmem>>
      %dma_wait3A_199 = arith.constant 0 : i32
      %dma_wait3A_200 = arith.constant 0 : i32
      %dma_wait3A_201 = tpu.memref_slice %arg13[%dma_wait3A_199, %dma_wait3A_200] : memref<10112x128xf32, #tpu.memory_space<vmem_shared>> -> memref<10112x128xf32, #tpu.memory_space<vmem_shared>>
      tpu.wait_indirect_dma semaphore(%arg18 : memref<!tpu.dma_semaphore, #tpu.memory_space<semaphore_mem>>) src(%arg11 : memref<64x128xf32, #tpu.memory_space<vmem>>) dst(%dma_wait3A_201 : memref<10112x128xf32, #tpu.memory_space<vmem_shared>>)
      %lt3A_202 = arith.constant 19 : i32
      %lt3A_203 = arith.cmpi slt, %scan3A_116, %lt3A_202 : i32
      %convert_element_type3A_204 = arith.extui %lt3A_203 : i1 to i32
      %cond3A_205 = arith.constant 0 : i32
      %cond3A_206 = arith.cmpi ne, %convert_element_type3A_204, %cond3A_205 : i32
      scf.if %cond3A_206 {
        %add3A_207 = arith.constant 1 : i32
        %add3A_208 = arith.addi %add3A_164, %add3A_207 : i32
        %mul3A_209 = arith.constant 64 : i32
        %mul3A_210 = arith.muli %add3A_208, %mul3A_209 : i32
        %add3A_211 = arith.addi %add3A_80, %mul3A_210 : i32
        %dma_start3A_212 = arith.constant 0 : i32
        %dma_start3A_213 = tpu.memref_slice %arg3[%add3A_211, %dma_start3A_212] : memref<163840x128xf32, #tpu.memory_space<hbm>> -> memref<64x128xf32, #tpu.memory_space<hbm>>
        %dma_start3A_214 = arith.constant 0 : i32
        %dma_start3A_215 = tpu.memref_slice %arg3[%add3A_211, %dma_start3A_214] : memref<163840x128xf32, #tpu.memory_space<hbm>> -> memref<64x128xf32, #tpu.memory_space<hbm>>
        tpu.enqueue_dma source(%dma_start3A_215 : memref<64x128xf32, #tpu.memory_space<hbm>>) target(%arg11 : memref<64x128xf32, #tpu.memory_space<vmem>>) target_semaphore(%arg16 : memref<!tpu.dma_semaphore, #tpu.memory_space<semaphore_mem>>)
      } else {
      }
    }
    %scan3A_103 = arith.constant 20 : i32
    %dma_wait3A_104 = arith.constant 39 : i32
    %dma_wait3A_105 = arith.constant 0 : i32
    %dma_wait3A_106 = tpu.memref_slice %arg8[%dma_wait3A_104, %dma_wait3A_105] : memref<40x64xi32, #tpu.memory_space<vmem>> -> memref<1x64xi32, #tpu.memory_space<vmem>>
    %dma_wait3A_107 = tpu.memref_squeeze %dma_wait3A_106 : memref<1x64xi32, #tpu.memory_space<vmem>> -> memref<64xi32, #tpu.memory_space<vmem>>
    %dma_wait3A_108 = arith.constant 0 : i32
    %dma_wait3A_109 = arith.constant 0 : i32
    %dma_wait3A_110 = tpu.memref_slice %arg13[%dma_wait3A_108, %dma_wait3A_109] : memref<10112x128xf32, #tpu.memory_space<vmem_shared>> -> memref<10112x128xf32, #tpu.memory_space<vmem_shared>>
    tpu.wait_indirect_dma semaphore(%arg19 : memref<!tpu.dma_semaphore, #tpu.memory_space<semaphore_mem>>) src(%arg12 : memref<64x128xf32, #tpu.memory_space<vmem>>) dst(%dma_wait3A_110 : memref<10112x128xf32, #tpu.memory_space<vmem_shared>>)
    %barrier3A_111 = arith.constant 0 : index
    tpu.barrier barrier_id(%barrier3A_111)
    %mul3A_112 = arith.constant 632 : i32
    %mul3A_113 = arith.muli %arg1, %mul3A_112 : i32
    %mul3A_114 = arith.constant 632 : i32
    %mul3A_115 = arith.muli %arg1, %mul3A_114 : i32
    "tpu.region"() ({
      %run_scoped3A_116 = tpu.sem_alloc : memref<!tpu.dma_semaphore, #tpu.memory_space<semaphore_mem>>
      %dma_start3A_117 = arith.constant 0 : i32
      %dma_start3A_118 = arith.constant 0 : i32
      %dma_start3A_119 = tpu.memref_slice %arg6[%arg0, %dma_start3A_117, %dma_start3A_118] : memref<2x10112x128xf32, #tpu.memory_space<hbm>> -> memref<1x10112x128xf32, #tpu.memory_space<hbm>>
      %dma_start3A_120 = tpu.memref_squeeze %dma_start3A_119 : memref<1x10112x128xf32, #tpu.memory_space<hbm>> -> memref<10112x128xf32, #tpu.memory_space<hbm>>
      %dma_start3A_121 = arith.constant 0 : i32
      %dma_start3A_122 = tpu.memref_slice %dma_start3A_120[%mul3A_115, %dma_start3A_121] : memref<10112x128xf32, #tpu.memory_space<hbm>> -> memref<632x128xf32, #tpu.memory_space<hbm>>
      %dma_start3A_123 = arith.constant 0 : i32
      %dma_start3A_124 = tpu.memref_slice %arg13[%mul3A_113, %dma_start3A_123] : memref<10112x128xf32, #tpu.memory_space<vmem_shared>> -> memref<632x128xf32, #tpu.memory_space<vmem_shared>>
      tpu.enqueue_dma source(%dma_start3A_124 : memref<632x128xf32, #tpu.memory_space<vmem_shared>>) target(%dma_start3A_122 : memref<632x128xf32, #tpu.memory_space<hbm>>) target_semaphore(%run_scoped3A_116 : memref<!tpu.dma_semaphore, #tpu.memory_space<semaphore_mem>>)
      %dma_wait3A_125 = arith.constant 0 : i32
      %dma_wait3A_126 = arith.constant 0 : i32
      %dma_wait3A_127 = tpu.memref_slice %arg6[%arg0, %dma_wait3A_125, %dma_wait3A_126] : memref<2x10112x128xf32, #tpu.memory_space<hbm>> -> memref<1x10112x128xf32, #tpu.memory_space<hbm>>
      %dma_wait3A_128 = tpu.memref_squeeze %dma_wait3A_127 : memref<1x10112x128xf32, #tpu.memory_space<hbm>> -> memref<10112x128xf32, #tpu.memory_space<hbm>>
      %dma_wait3A_129 = arith.constant 0 : i32
      %dma_wait3A_130 = tpu.memref_slice %dma_wait3A_128[%mul3A_115, %dma_wait3A_129] : memref<10112x128xf32, #tpu.memory_space<hbm>> -> memref<632x128xf32, #tpu.memory_space<hbm>>
      %dma_wait3A_131 = arith.constant 0 : i32
      %dma_wait3A_132 = tpu.memref_slice %arg13[%mul3A_113, %dma_wait3A_131] : memref<10112x128xf32, #tpu.memory_space<vmem_shared>> -> memref<632x128xf32, #tpu.memory_space<vmem_shared>>
      tpu.wait_dma2 semaphore(%run_scoped3A_116 : memref<!tpu.dma_semaphore, #tpu.memory_space<semaphore_mem>>) src(%dma_wait3A_132 : memref<632x128xf32, #tpu.memory_space<vmem_shared>>) dst(%dma_wait3A_130 : memref<632x128xf32, #tpu.memory_space<hbm>>)
      tpu.yield
    }) : () -> ()
    return
  }
}

module attributes {stable_mosaic.version = 14 : i64} {
  func.func @body(%arg0: memref<10000x128xf32, #tpu.memory_space<vmem>>, %arg1: memref<128x128xf32, #tpu.memory_space<vmem>>, %arg2: memref<10000x128xf32, #tpu.memory_space<vmem>>) attributes {dimension_semantics = [], scalar_prefetch = 0 : i64, scratch_operands = 0 : i64, tpu.core_type = #tpu.core_type<tc>} {
    %get3A = arith.constant 0 : index
    %get3A_0 = arith.constant 0 : index
    %get3A_1 = vector.load %arg0[%get3A, %get3A_0] : memref<10000x128xf32, #tpu.memory_space<vmem>>, vector<10000x128xf32>
    %get3A_2 = arith.constant 0 : index
    %get3A_3 = arith.constant 0 : index
    %get3A_4 = vector.load %arg1[%get3A_2, %get3A_3] : memref<128x128xf32, #tpu.memory_space<vmem>>, vector<128x128xf32>
    %dot_general3A = arith.constant dense<0.000000e+00> : vector<10000x128xf32>
    %dot_general3A_5 = tpu.matmul %get3A_1, %get3A_4, %dot_general3A {dimension_numbers = #tpu.dot_dimension_numbers<[1], [0], [0], [1], [0, 0, 1, 1], [], []>, transpose_lhs_hint = false} : vector<10000x128xf32>, vector<128x128xf32>, vector<10000x128xf32> -> vector<10000x128xf32>
    %swap3A = arith.constant 0 : index
    %swap3A_6 = arith.constant 0 : index
    %swap3A_7 = vector.load %arg2[%swap3A, %swap3A_6] : memref<10000x128xf32, #tpu.memory_space<vmem>>, vector<10000x128xf32>
    tpu.vector_store %arg2[%swap3A, %swap3A_6], %dot_general3A_5 {strides = array<i32>} : memref<10000x128xf32, #tpu.memory_space<vmem>>, vector<10000x128xf32>,
    return
  }
}

module attributes {stable_mosaic.version = 14 : i64} {
  func.func @body(%arg0: i32, %arg1: memref<2560x50xf32, #tpu.memory_space<vmem>>, %arg2: memref<1x1x2560xf32, #tpu.memory_space<vmem>>, %arg3: memref<50x128xf32, #tpu.memory_space<vmem>>, %arg4: memref<1x128xf32, #tpu.memory_space<vmem>>, %arg5: memref<128x128xf32, #tpu.memory_space<vmem>>, %arg6: memref<1x128xf32, #tpu.memory_space<vmem>>, %arg7: memref<2560x128xf32, #tpu.memory_space<vmem>>) attributes {dimension_semantics = [#tpu.dimension_semantics<arbitrary>], iteration_bounds = array<i64: 64>, scalar_prefetch = 0 : i64, scratch_operands = 0 : i64, tpu.core_type = #tpu.core_type<tc>, window_params = [{transform_indices = @transform_0, window_bounds = array<i64: 2560, 50>}, {transform_indices = @transform_1, window_bounds = array<i64: 1, 1, 2560>}, {pipeline_mode = #tpu.pipeline_mode<synchronous>, transform_indices = @transform_2, window_bounds = array<i64: 50, 128>}, {pipeline_mode = #tpu.pipeline_mode<synchronous>, transform_indices = @transform_3, window_bounds = array<i64: 1, 128>}, {pipeline_mode = #tpu.pipeline_mode<synchronous>, transform_indices = @transform_4, window_bounds = array<i64: 128, 128>}, {pipeline_mode = #tpu.pipeline_mode<synchronous>, transform_indices = @transform_5, window_bounds = array<i64: 1, 128>}, {transform_indices = @transform_6, window_bounds = array<i64: 2560, 128>}]} {
    %get3A = arith.constant 0 : index
    %get3A_0 = arith.constant 0 : index
    %get3A_1 = vector.load %arg1[%get3A, %get3A_0] : memref<2560x50xf32, #tpu.memory_space<vmem>>, vector<2560x50xf32>
    %convert_element_type3A = arith.truncf %get3A_1 : vector<2560x50xf32> to vector<2560x50xbf16>
    %get3A_2 = arith.constant 0 : index
    %get3A_3 = arith.constant 0 : index
    %get3A_4 = vector.load %arg3[%get3A_2, %get3A_3] : memref<50x128xf32, #tpu.memory_space<vmem>>, vector<50x128xf32>
    %convert_element_type3A_5 = arith.truncf %get3A_4 : vector<50x128xf32> to vector<50x128xbf16>
    %dot_general3A = arith.constant dense<0.000000e+00> : vector<2560x128xf32>
    %dot_general3A_6 = tpu.matmul %convert_element_type3A, %convert_element_type3A_5, %dot_general3A {dimension_numbers = #tpu.dot_dimension_numbers<[1], [0], [0], [1], [0, 0, 1, 1], [], []>, transpose_lhs_hint = false} : vector<2560x50xbf16>, vector<50x128xbf16>, vector<2560x128xf32> -> vector<2560x128xf32>
    %get3A_7 = arith.constant 0 : index
    %get3A_8 = arith.constant 0 : index
    %get3A_9 = vector.load %arg4[%get3A_7, %get3A_8] : memref<1x128xf32, #tpu.memory_space<vmem>>, vector<1x128xf32>
    %add3A = vector.broadcast %get3A_9 : vector<1x128xf32> to vector<2560x128xf32>
    %add3A_10 = arith.addf %dot_general3A_6, %add3A : vector<2560x128xf32>
    %tanh3A = math.tanh %add3A_10 : vector<2560x128xf32>
    %convert_element_type3A_11 = arith.truncf %tanh3A : vector<2560x128xf32> to vector<2560x128xbf16>
    %get3A_12 = arith.constant 0 : index
    %get3A_13 = arith.constant 0 : index
    %get3A_14 = vector.load %arg5[%get3A_12, %get3A_13] : memref<128x128xf32, #tpu.memory_space<vmem>>, vector<128x128xf32>
    %convert_element_type3A_15 = arith.truncf %get3A_14 : vector<128x128xf32> to vector<128x128xbf16>
    %dot_general3A_16 = arith.constant dense<0.000000e+00> : vector<2560x128xf32>
    %dot_general3A_17 = tpu.matmul %convert_element_type3A_11, %convert_element_type3A_15, %dot_general3A_16 {dimension_numbers = #tpu.dot_dimension_numbers<[1], [0], [0], [1], [0, 0, 1, 1], [], []>, transpose_lhs_hint = false} : vector<2560x128xbf16>, vector<128x128xbf16>, vector<2560x128xf32> -> vector<2560x128xf32>
    %get3A_18 = arith.constant 0 : index
    %get3A_19 = arith.constant 0 : index
    %get3A_20 = vector.load %arg6[%get3A_18, %get3A_19] : memref<1x128xf32, #tpu.memory_space<vmem>>, vector<1x128xf32>
    %add3A_21 = vector.broadcast %get3A_20 : vector<1x128xf32> to vector<2560x128xf32>
    %add3A_22 = arith.addf %dot_general3A_17, %add3A_21 : vector<2560x128xf32>
    %get3A_23 = arith.constant 0 : index
    %get3A_24 = arith.constant 0 : index
    %get3A_25 = arith.constant 0 : index
    %get3A_26 = vector.load %arg2[%get3A_23, %get3A_24, %get3A_25] : memref<1x1x2560xf32, #tpu.memory_space<vmem>>, vector<1x1x2560xf32>
    %get3A_27 = vector.shape_cast %get3A_26 : vector<1x1x2560xf32> to vector<2560xf32>
    %mul3A = arith.constant 0.314159274 : f32
    %mul3A_28 = vector.broadcast %mul3A : f32 to vector<2560xf32>
    %mul3A_29 = arith.mulf %get3A_27, %mul3A_28 : vector<2560xf32>
    %cos3A = math.cos %mul3A_29 : vector<2560xf32>
    %add3A_30 = arith.constant 1.000000e+00 : f32
    %add3A_31 = vector.broadcast %add3A_30 : f32 to vector<2560xf32>
    %add3A_32 = arith.addf %cos3A, %add3A_31 : vector<2560xf32>
    %mul3A_33 = arith.constant 5.000000e-01 : f32
    %mul3A_34 = vector.broadcast %mul3A_33 : f32 to vector<2560xf32>
    %mul3A_35 = arith.mulf %mul3A_34, %add3A_32 : vector<2560xf32>
    %lt3A = arith.constant 1.000000e+01 : f32
    %lt3A_36 = vector.broadcast %lt3A : f32 to vector<2560xf32>
    %lt3A_37 = arith.cmpf olt, %get3A_27, %lt3A_36 : vector<2560xf32>
    %convert_element_type3A_38 = arith.extui %lt3A_37 : vector<2560xi1> to vector<2560xi32>
    %convert_element_type3A_39 = arith.sitofp %convert_element_type3A_38 : vector<2560xi32> to vector<2560xf32>
    %mul3A_40 = arith.mulf %mul3A_35, %convert_element_type3A_39 : vector<2560xf32>
    %broadcast_in_dim3A = vector.shape_cast %mul3A_40 : vector<2560xf32> to vector<2560x1xf32>
    %mul3A_41 = vector.broadcast %broadcast_in_dim3A : vector<2560x1xf32> to vector<2560x128xf32>
    %mul3A_42 = arith.mulf %add3A_22, %mul3A_41 : vector<2560x128xf32>
    %swap3A = arith.constant 0 : index
    %swap3A_43 = arith.constant 0 : index
    %swap3A_44 = vector.load %arg7[%swap3A, %swap3A_43] : memref<2560x128xf32, #tpu.memory_space<vmem>>, vector<2560x128xf32>
    tpu.vector_store %arg7[%swap3A, %swap3A_43], %mul3A_42 {strides = array<i32>} : memref<2560x128xf32, #tpu.memory_space<vmem>>, vector<2560x128xf32>,
    return
  }
  func.func @transform_0(%arg0: i32) -> (i32, i32) {
    %min3A = arith.constant 63 : i32
    %min3A_0 = arith.minsi %arg0, %min3A : i32
    %c0_i32 = arith.constant 0 : i32
    %c0_i32_1 = arith.constant 0 : i32
    return %min3A_0, %c0_i32 : i32, i32
  }
  func.func @transform_1(%arg0: i32) -> (i32, i32, i32) {
    %min3A = arith.constant 63 : i32
    %min3A_0 = arith.minsi %arg0, %min3A : i32
    %c0_i32 = arith.constant 0 : i32
    %c0_i32_1 = arith.constant 0 : i32
    %c0_i32_2 = arith.constant 0 : i32
    return %min3A_0, %c0_i32, %c0_i32_1 : i32, i32, i32
  }
  func.func @transform_2(%arg0: i32) -> (i32, i32) {
    %c0_i32 = arith.constant 0 : i32
    %c0_i32_0 = arith.constant 0 : i32
    %c0_i32_1 = arith.constant 0 : i32
    return %c0_i32, %c0_i32_0 : i32, i32
  }
  func.func @transform_3(%arg0: i32) -> (i32, i32) {
    %c0_i32 = arith.constant 0 : i32
    %c0_i32_0 = arith.constant 0 : i32
    %c0_i32_1 = arith.constant 0 : i32
    return %c0_i32, %c0_i32_0 : i32, i32
  }
  func.func @transform_4(%arg0: i32) -> (i32, i32) {
    %c0_i32 = arith.constant 0 : i32
    %c0_i32_0 = arith.constant 0 : i32
    %c0_i32_1 = arith.constant 0 : i32
    return %c0_i32, %c0_i32_0 : i32, i32
  }
  func.func @transform_5(%arg0: i32) -> (i32, i32) {
    %c0_i32 = arith.constant 0 : i32
    %c0_i32_0 = arith.constant 0 : i32
    %c0_i32_1 = arith.constant 0 : i32
    return %c0_i32, %c0_i32_0 : i32, i32
  }
  func.func @transform_6(%arg0: i32) -> (i32, i32) {
    %c0_i32 = arith.constant 0 : i32
    %c0_i32_0 = arith.constant 0 : i32
    return %arg0, %c0_i32 : i32, i32
  }
}

module attributes {stable_mosaic.version = 14 : i64} {
  func.func @body(%arg0: i32, %arg1: memref<2560x50xf32, #tpu.memory_space<vmem>>, %arg2: memref<1x1x2560xf32, #tpu.memory_space<vmem>>, %arg3: memref<50x128xf32, #tpu.memory_space<vmem>>, %arg4: memref<1x128xf32, #tpu.memory_space<vmem>>, %arg5: memref<128x128xf32, #tpu.memory_space<vmem>>, %arg6: memref<1x128xf32, #tpu.memory_space<vmem>>, %arg7: memref<2560x128xf32, #tpu.memory_space<vmem>>) attributes {dimension_semantics = [#tpu.dimension_semantics<arbitrary>], iteration_bounds = array<i64: 64>, scalar_prefetch = 0 : i64, scratch_operands = 0 : i64, tpu.core_type = #tpu.core_type<tc>, window_params = [{transform_indices = @transform_0, window_bounds = array<i64: 2560, 50>}, {transform_indices = @transform_1, window_bounds = array<i64: 1, 1, 2560>}, {pipeline_mode = #tpu.pipeline_mode<synchronous>, transform_indices = @transform_2, window_bounds = array<i64: 50, 128>}, {pipeline_mode = #tpu.pipeline_mode<synchronous>, transform_indices = @transform_3, window_bounds = array<i64: 1, 128>}, {pipeline_mode = #tpu.pipeline_mode<synchronous>, transform_indices = @transform_4, window_bounds = array<i64: 128, 128>}, {pipeline_mode = #tpu.pipeline_mode<synchronous>, transform_indices = @transform_5, window_bounds = array<i64: 1, 128>}, {transform_indices = @transform_6, window_bounds = array<i64: 2560, 128>}]} {
    %get3A = arith.constant 0 : index
    %get3A_0 = arith.constant 0 : index
    %get3A_1 = vector.load %arg1[%get3A, %get3A_0] : memref<2560x50xf32, #tpu.memory_space<vmem>>, vector<2560x50xf32>
    %convert_element_type3A = arith.truncf %get3A_1 : vector<2560x50xf32> to vector<2560x50xbf16>
    %get3A_2 = arith.constant 0 : index
    %get3A_3 = arith.constant 0 : index
    %get3A_4 = vector.load %arg3[%get3A_2, %get3A_3] : memref<50x128xf32, #tpu.memory_space<vmem>>, vector<50x128xf32>
    %convert_element_type3A_5 = arith.truncf %get3A_4 : vector<50x128xf32> to vector<50x128xbf16>
    %dot_general3A = arith.constant dense<0.000000e+00> : vector<2560x128xf32>
    %dot_general3A_6 = tpu.matmul %convert_element_type3A, %convert_element_type3A_5, %dot_general3A {dimension_numbers = #tpu.dot_dimension_numbers<[1], [0], [0], [1], [0, 0, 1, 1], [], []>, transpose_lhs_hint = false} : vector<2560x50xbf16>, vector<50x128xbf16>, vector<2560x128xf32> -> vector<2560x128xf32>
    %get3A_7 = arith.constant 0 : index
    %get3A_8 = arith.constant 0 : index
    %get3A_9 = vector.load %arg4[%get3A_7, %get3A_8] : memref<1x128xf32, #tpu.memory_space<vmem>>, vector<1x128xf32>
    %add3A = vector.broadcast %get3A_9 : vector<1x128xf32> to vector<2560x128xf32>
    %add3A_10 = arith.addf %dot_general3A_6, %add3A : vector<2560x128xf32>
    %tanh3A = math.tanh %add3A_10 : vector<2560x128xf32>
    %convert_element_type3A_11 = arith.truncf %tanh3A : vector<2560x128xf32> to vector<2560x128xbf16>
    %get3A_12 = arith.constant 0 : index
    %get3A_13 = arith.constant 0 : index
    %get3A_14 = vector.load %arg5[%get3A_12, %get3A_13] : memref<128x128xf32, #tpu.memory_space<vmem>>, vector<128x128xf32>
    %convert_element_type3A_15 = arith.truncf %get3A_14 : vector<128x128xf32> to vector<128x128xbf16>
    %dot_general3A_16 = arith.constant dense<0.000000e+00> : vector<2560x128xf32>
    %dot_general3A_17 = tpu.matmul %convert_element_type3A_11, %convert_element_type3A_15, %dot_general3A_16 {dimension_numbers = #tpu.dot_dimension_numbers<[1], [0], [0], [1], [0, 0, 1, 1], [], []>, transpose_lhs_hint = false} : vector<2560x128xbf16>, vector<128x128xbf16>, vector<2560x128xf32> -> vector<2560x128xf32>
    %get3A_18 = arith.constant 0 : index
    %get3A_19 = arith.constant 0 : index
    %get3A_20 = vector.load %arg6[%get3A_18, %get3A_19] : memref<1x128xf32, #tpu.memory_space<vmem>>, vector<1x128xf32>
    %add3A_21 = vector.broadcast %get3A_20 : vector<1x128xf32> to vector<2560x128xf32>
    %add3A_22 = arith.addf %dot_general3A_17, %add3A_21 : vector<2560x128xf32>
    %get3A_23 = arith.constant 0 : index
    %get3A_24 = arith.constant 0 : index
    %get3A_25 = arith.constant 0 : index
    %get3A_26 = vector.load %arg2[%get3A_23, %get3A_24, %get3A_25] : memref<1x1x2560xf32, #tpu.memory_space<vmem>>, vector<1x1x2560xf32>
    %get3A_27 = vector.shape_cast %get3A_26 : vector<1x1x2560xf32> to vector<2560xf32>
    %mul3A = arith.constant 0.314159274 : f32
    %mul3A_28 = vector.broadcast %mul3A : f32 to vector<2560xf32>
    %mul3A_29 = arith.mulf %get3A_27, %mul3A_28 : vector<2560xf32>
    %cos3A = math.cos %mul3A_29 : vector<2560xf32>
    %add3A_30 = arith.constant 1.000000e+00 : f32
    %add3A_31 = vector.broadcast %add3A_30 : f32 to vector<2560xf32>
    %add3A_32 = arith.addf %cos3A, %add3A_31 : vector<2560xf32>
    %mul3A_33 = arith.constant 5.000000e-01 : f32
    %mul3A_34 = vector.broadcast %mul3A_33 : f32 to vector<2560xf32>
    %mul3A_35 = arith.mulf %mul3A_34, %add3A_32 : vector<2560xf32>
    %lt3A = arith.constant 1.000000e+01 : f32
    %lt3A_36 = vector.broadcast %lt3A : f32 to vector<2560xf32>
    %lt3A_37 = arith.cmpf olt, %get3A_27, %lt3A_36 : vector<2560xf32>
    %convert_element_type3A_38 = arith.extui %lt3A_37 : vector<2560xi1> to vector<2560xi32>
    %convert_element_type3A_39 = arith.sitofp %convert_element_type3A_38 : vector<2560xi32> to vector<2560xf32>
    %mul3A_40 = arith.mulf %mul3A_35, %convert_element_type3A_39 : vector<2560xf32>
    %broadcast_in_dim3A = vector.shape_cast %mul3A_40 : vector<2560xf32> to vector<2560x1xf32>
    %mul3A_41 = vector.broadcast %broadcast_in_dim3A : vector<2560x1xf32> to vector<2560x128xf32>
    %mul3A_42 = arith.mulf %add3A_22, %mul3A_41 : vector<2560x128xf32>
    %swap3A = arith.constant 0 : index
    %swap3A_43 = arith.constant 0 : index
    %swap3A_44 = vector.load %arg7[%swap3A, %swap3A_43] : memref<2560x128xf32, #tpu.memory_space<vmem>>, vector<2560x128xf32>
    tpu.vector_store %arg7[%swap3A, %swap3A_43], %mul3A_42 {strides = array<i32>} : memref<2560x128xf32, #tpu.memory_space<vmem>>, vector<2560x128xf32>,
    return
  }
  func.func @transform_0(%arg0: i32) -> (i32, i32) {
    %min3A = arith.constant 60 : i32
    %min3A_0 = arith.minsi %arg0, %min3A : i32
    %c0_i32 = arith.constant 0 : i32
    %c0_i32_1 = arith.constant 0 : i32
    return %min3A_0, %c0_i32 : i32, i32
  }
  func.func @transform_1(%arg0: i32) -> (i32, i32, i32) {
    %min3A = arith.constant 60 : i32
    %min3A_0 = arith.minsi %arg0, %min3A : i32
    %c0_i32 = arith.constant 0 : i32
    %c0_i32_1 = arith.constant 0 : i32
    %c0_i32_2 = arith.constant 0 : i32
    return %min3A_0, %c0_i32, %c0_i32_1 : i32, i32, i32
  }
  func.func @transform_2(%arg0: i32) -> (i32, i32) {
    %c0_i32 = arith.constant 0 : i32
    %c0_i32_0 = arith.constant 0 : i32
    %c0_i32_1 = arith.constant 0 : i32
    return %c0_i32, %c0_i32_0 : i32, i32
  }
  func.func @transform_3(%arg0: i32) -> (i32, i32) {
    %c0_i32 = arith.constant 0 : i32
    %c0_i32_0 = arith.constant 0 : i32
    %c0_i32_1 = arith.constant 0 : i32
    return %c0_i32, %c0_i32_0 : i32, i32
  }
  func.func @transform_4(%arg0: i32) -> (i32, i32) {
    %c0_i32 = arith.constant 0 : i32
    %c0_i32_0 = arith.constant 0 : i32
    %c0_i32_1 = arith.constant 0 : i32
    return %c0_i32, %c0_i32_0 : i32, i32
  }
  func.func @transform_5(%arg0: i32) -> (i32, i32) {
    %c0_i32 = arith.constant 0 : i32
    %c0_i32_0 = arith.constant 0 : i32
    %c0_i32_1 = arith.constant 0 : i32
    return %c0_i32, %c0_i32_0 : i32, i32
  }
  func.func @transform_6(%arg0: i32) -> (i32, i32) {
    %c0_i32 = arith.constant 0 : i32
    %c0_i32_0 = arith.constant 0 : i32
    return %arg0, %c0_i32 : i32, i32
  }
}

module attributes {stable_mosaic.version = 14 : i64} {
  func.func @body(%arg0: i32, %arg1: memref<2x400x128xf32, #tpu.memory_space<vmem>>, %arg2: memref<2x400x128xf32, #tpu.memory_space<vmem>>, %arg3: memref<128x128xf32, #tpu.memory_space<vmem>>, %arg4: memref<1x128xf32, #tpu.memory_space<vmem>>, %arg5: memref<400x128xf32, #tpu.memory_space<vmem>>) attributes {dimension_semantics = [#tpu.dimension_semantics<arbitrary>], iteration_bounds = array<i64: 25>, scalar_prefetch = 0 : i64, scratch_operands = 0 : i64, tpu.core_type = #tpu.core_type<tc>, window_params = [{transform_indices = @transform_0, window_bounds = array<i64: 2, 400, 128>}, {transform_indices = @transform_1, window_bounds = array<i64: 2, 400, 128>}, {pipeline_mode = #tpu.pipeline_mode<synchronous>, transform_indices = @transform_2, window_bounds = array<i64: 128, 128>}, {pipeline_mode = #tpu.pipeline_mode<synchronous>, transform_indices = @transform_3, window_bounds = array<i64: 1, 128>}, {transform_indices = @transform_4, window_bounds = array<i64: 400, 128>}]} {
    %get3A = arith.constant 0 : index
    %get3A_0 = arith.constant 0 : index
    %get3A_1 = arith.constant 0 : index
    %get3A_2 = vector.load %arg1[%get3A, %get3A_0, %get3A_1] : memref<2x400x128xf32, #tpu.memory_space<vmem>>, vector<2x400x128xf32>
    %get3A_3 = arith.constant 0 : index
    %get3A_4 = arith.constant 0 : index
    %get3A_5 = arith.constant 0 : index
    %get3A_6 = vector.load %arg2[%get3A_3, %get3A_4, %get3A_5] : memref<2x400x128xf32, #tpu.memory_space<vmem>>, vector<2x400x128xf32>
    %slice3A = vector.extract_strided_slice %get3A_2 {offsets = [0, 0, 0], sizes = [1, 400, 128], strides = [1, 1, 1]} : vector<2x400x128xf32> to vector<1x400x128xf32>
    %squeeze3A = vector.shape_cast %slice3A : vector<1x400x128xf32> to vector<400x128xf32>
    %slice3A_7 = vector.extract_strided_slice %get3A_2 {offsets = [1, 0, 0], sizes = [1, 400, 128], strides = [1, 1, 1]} : vector<2x400x128xf32> to vector<1x400x128xf32>
    %squeeze3A_8 = vector.shape_cast %slice3A_7 : vector<1x400x128xf32> to vector<400x128xf32>
    %add3A = arith.addf %squeeze3A, %squeeze3A_8 : vector<400x128xf32>
    %slice3A_9 = vector.extract_strided_slice %get3A_6 {offsets = [0, 0, 0], sizes = [1, 400, 128], strides = [1, 1, 1]} : vector<2x400x128xf32> to vector<1x400x128xf32>
    %squeeze3A_10 = vector.shape_cast %slice3A_9 : vector<1x400x128xf32> to vector<400x128xf32>
    %add3A_11 = arith.addf %add3A, %squeeze3A_10 : vector<400x128xf32>
    %slice3A_12 = vector.extract_strided_slice %get3A_6 {offsets = [1, 0, 0], sizes = [1, 400, 128], strides = [1, 1, 1]} : vector<2x400x128xf32> to vector<1x400x128xf32>
    %squeeze3A_13 = vector.shape_cast %slice3A_12 : vector<1x400x128xf32> to vector<400x128xf32>
    %add3A_14 = arith.addf %add3A_11, %squeeze3A_13 : vector<400x128xf32>
    %get3A_15 = arith.constant 0 : index
    %get3A_16 = arith.constant 0 : index
    %get3A_17 = vector.load %arg3[%get3A_15, %get3A_16] : memref<128x128xf32, #tpu.memory_space<vmem>>, vector<128x128xf32>
    %dot_general3A = arith.constant dense<0.000000e+00> : vector<400x128xf32>
    %dot_general3A_18 = tpu.matmul %add3A_14, %get3A_17, %dot_general3A {dimension_numbers = #tpu.dot_dimension_numbers<[1], [0], [0], [1], [0, 0, 1, 1], [], []>, transpose_lhs_hint = false} : vector<400x128xf32>, vector<128x128xf32>, vector<400x128xf32> -> vector<400x128xf32>
    %get3A_19 = arith.constant 0 : index
    %get3A_20 = arith.constant 0 : index
    %get3A_21 = vector.load %arg4[%get3A_19, %get3A_20] : memref<1x128xf32, #tpu.memory_space<vmem>>, vector<1x128xf32>
    %add3A_22 = vector.broadcast %get3A_21 : vector<1x128xf32> to vector<400x128xf32>
    %add3A_23 = arith.addf %dot_general3A_18, %add3A_22 : vector<400x128xf32>
    %swap3A = arith.constant 0 : index
    %swap3A_24 = arith.constant 0 : index
    %swap3A_25 = vector.load %arg5[%swap3A, %swap3A_24] : memref<400x128xf32, #tpu.memory_space<vmem>>, vector<400x128xf32>
    tpu.vector_store %arg5[%swap3A, %swap3A_24], %add3A_23 {strides = array<i32>} : memref<400x128xf32, #tpu.memory_space<vmem>>, vector<400x128xf32>,
    return
  }
  func.func @transform_0(%arg0: i32) -> (i32, i32, i32) {
    %c0_i32 = arith.constant 0 : i32
    %c0_i32_0 = arith.constant 0 : i32
    %c0_i32_1 = arith.constant 0 : i32
    return %c0_i32, %arg0, %c0_i32_0 : i32, i32, i32
  }
  func.func @transform_1(%arg0: i32) -> (i32, i32, i32) {
    %c0_i32 = arith.constant 0 : i32
    %c0_i32_0 = arith.constant 0 : i32
    %c0_i32_1 = arith.constant 0 : i32
    return %c0_i32, %arg0, %c0_i32_0 : i32, i32, i32
  }
  func.func @transform_2(%arg0: i32) -> (i32, i32) {
    %c0_i32 = arith.constant 0 : i32
    %c0_i32_0 = arith.constant 0 : i32
    %c0_i32_1 = arith.constant 0 : i32
    return %c0_i32, %c0_i32_0 : i32, i32
  }
  func.func @transform_3(%arg0: i32) -> (i32, i32) {
    %c0_i32 = arith.constant 0 : i32
    %c0_i32_0 = arith.constant 0 : i32
    %c0_i32_1 = arith.constant 0 : i32
    return %c0_i32, %c0_i32_0 : i32, i32
  }
  func.func @transform_4(%arg0: i32) -> (i32, i32) {
    %c0_i32 = arith.constant 0 : i32
    %c0_i32_0 = arith.constant 0 : i32
    return %arg0, %c0_i32 : i32, i32
  }
}

</mosaic_0001>

<sc_bundles>
// kernel: kernel.11.cloned.1.call-start
scs
__scs_entry_jumppad:
0x0: {  	(pc) =	sbr.rel $0x88, $3  }
0x1: {  	(tag) =	ssettag $0x0;
	lr =	simm.s32 $0x1  }
0x2: {  	[smem:$0x3F96] =	sst lr;
	_ =	strace $0xD0000000  }
0x3: {  	_ = 	snop  }
0x4: {  	_ = 	snop  }
0x5: {  	_ = 	snop  }
0x6: {  	_ = 	snop  }
0x7: {  	_ = 	snop  }
__scs_overlays_trampoline_lowered:
0x8: {  	[smem:$0x3FA5] =	sst s0  }
0x9: {  	[smem:$0x3FA6] =	sst s1  }
0xa: {  	[smem:$0x3FA7] =	sst s2  }
0xb: {  	[smem:$0x3FA8] =	sst s3  }
0xc: {  	[smem:$0x3FA9] =	sst s4  }
0xd: {  	[smem:$0x3FAA] =	sst s5  }
0xe: {  	[smem:$0x3FAB] =	sst s6  }
0xf: {  	[smem:$0x3FAC] =	sst s7  }
0x10: {  	[smem:$0x3FAD] =	sst s8  }
0x11: {  	[smem:$0x3FAE] =	sst s9;
	s0 =	simm.s32 @!p0 $0x0  }
0x12: {  	s1 =	sld [smem:$0x3F94];
	s0 =	simm.s32 @p0 $0x1  }
0x13: {  	[smem:$0x3FAF] =	sst s0;
	s0 =	simm.s32 @!p1 $0x0  }
0x14: {  	s2 =	sld [smem:$0x3F93];
	s0 =	simm.s32 @p1 $0x1  }
0x15: {  	[smem:$0x3FB0] =	sst s0;
	s0 =	simm.s32 @!p2 $0x0  }
0x16: {  	s3 =	sld [smem:$0x3FDB];
	s0 =	simm.s32 @p2 $0x1  }
0x17: {  	s4 =	simm.s32 $0x1BF5;
	[smem:$0x3FB2] =	sst s0  }
0x18: {  	s0 =	sld [smem:$0x3F95];
	_ =	swait.ge [sflag:s4], $0x0  }
0x19: {  	s7 =	sld [smem:$0x3F96]  }
0x1a: {  	s8 =	sadd.s32 $0xFFFFE003, lr  }
0x1b: {  	s9 =	sadd.s32 $0xFFFFFEF7, lr;
	s5 =	simm.s32 $0xFFFFFFFF;
	p2 =	slt.u32 s8, $0xFFFFF086  }
0x1c: {  	p1 =	slt.u32 s9, $0xF7A;
	s5 =	simm.s32 @!p2 $0x0  }
0x1d: {  	s5 =	simm.s32 @p1 $0x1;
	p0 =	seq.s32 s7, s2  }
0x1e: {  	s7 =	smul.u32 @!p0 $0xF7A, s2;
	p2 =	seq.s32 @!p0 s5, $0x0  }
0x1f: {  	s9 =	smul.u32 $0xF7A, s1;
	s8 =	simm.s32 @!p0 $0x1BF5;
	p2 =	por !p2, p0  }
0x20: {  	[sflag:s8] =	ssyncset.s32 @!p0 $0xFFFFF086;
	s6 =	sadd.s32 @!p0 s3, s7;
	s7 =	simm.s32 @!p0 $0x108  }
0x21: {  	s3 =	sadd.s32 s3, s9;
	s6 =	sadd.s32 @!p0 $0x88, s6;
	s7 =	simm.s32 @p2 $0x1082  }
0x22: {  	[simem:s7], [sflag:s8] =	dma.local @!p0 [hbm:s6], $0xF7A  }
0x23: {  	s9 =	sor.u32 $0xD0000000, s2;
	s6 =	simm.s32 $0x108;
	_ =	swait.ge @!p0 [sflag:s8], $0x0  }
0x24: {  	s3 =	sadd.s32 $0x88, s3;
	s6 =	simm.s32 @!p1 $0x1082;
	[sflag:s4] =	ssyncset.s32 $0xFFFFF086  }
0x25: {  	[simem:s6], [sflag:s4] =	dma.local [hbm:s3], $0xF7A  }
0x26: {  	[smem:$0x3F96] =	sst s1;
	(tag) =	ssettag s2;
	_ =	strace s9  }
0x27: {  	s1 =	sld [smem:$0x3FA6]  }
0x28: {  	s2 =	sld [smem:$0x3FA7]  }
0x29: {  	s4 =	sld [smem:$0x3FA9]  }
0x2a: {  	p0 =	seq.s32 s5, $0x0;
	s5 =	sld [smem:$0x3FAA]  }
0x2b: {  	s6 =	sld [smem:$0x3FAB]  }
0x2c: {  	s7 =	sld [smem:$0x3FAC]  }
0x2d: {  	s3 =	simm.s32 $0x108;
	s8 =	sld [smem:$0x3FAD]  }
0x2e: {  	s3 =	simm.s32 @!p0 $0x1082;
	s9 =	sld [smem:$0x3FAE]  }
0x2f: {  	lr =	sadd.s32 s0, s3;
	s0 =	sld [smem:$0x3FA5]  }
0x30: {  	s3 =	sld [smem:$0x3FA8]  }
0x31: {  	[smem:$0x3FB1] =	sst s10  }
0x32: {  	s10 =	sld [smem:$0x3FAF];
	_ =	sdelay $0x3  }
0x33: {  	p0 =	seq.s32 s10, $0x1;
	s10 =	sld [smem:$0x3FB1];
	_ =	sdelay $0x3  }
0x34: {  	[smem:$0x3FB1] =	sst s10  }
0x35: {  	s10 =	sld [smem:$0x3FB0];
	_ =	sdelay $0x3  }
0x36: {  	p1 =	seq.s32 s10, $0x1;
	s10 =	sld [smem:$0x3FB1];
	_ =	sdelay $0x3  }
0x37: {  	[smem:$0x3FB1] =	sst s10  }
0x38: {  	s10 =	sld [smem:$0x3FB2]  }
0x39: {  	_ = 	snop;
	(pc) =	sbr.ind lr, $3  }
0x3a: {  	_ = 	snop  }
0x3b: {  	_ = 	snop  }
0x3c: {  	p2 =	seq.s32 s10, $0x1;
	s10 =	sld [smem:$0x3FB1]  }
0x3d: {  	_ =	shalt  }
0x3e: {  	_ =	shalt  }
0x3f: {  	_ =	shalt  }
0x40: {  	_ =	shalt  }
0x41: {  	_ =	shalt  }
0x42: {  	_ =	shalt  }
0x43: {  	_ =	shalt  }
0x44: {  	_ =	shalt  }
0x45: {  	_ =	shalt  }
0x46: {  	_ =	shalt  }
0x47: {  	_ =	shalt  }
0x48: {  	_ =	shalt  }
0x49: {  	_ =	shalt  }
0x4a: {  	_ =	shalt  }
0x4b: {  	_ =	shalt  }
0x4c: {  	_ =	shalt  }
0x4d: {  	_ =	shalt  }
0x4e: {  	_ =	shalt  }
0x4f: {  	_ =	shalt  }
0x50: {  	_ =	shalt  }
0x51: {  	_ =	shalt  }
0x52: {  	_ =	shalt  }
0x53: {  	_ =	shalt  }
0x54: {  	_ =	shalt  }
0x55: {  	_ =	shalt  }
0x56: {  	_ =	shalt  }
0x57: {  	_ =	shalt  }
0x58: {  	_ =	shalt  }
0x59: {  	_ =	shalt  }
0x5a: {  	_ =	shalt  }
0x5b: {  	_ =	shalt  }
0x5c: {  	_ =	shalt  }
0x5d: {  	_ =	shalt  }
0x5e: {  	_ =	shalt  }
0x5f: {  	_ =	shalt  }
0x60: {  	_ =	shalt  }
0x61: {  	_ =	shalt  }
0x62: {  	_ =	shalt  }
0x63: {  	_ =	shalt  }
0x64: {  	_ =	shalt  }
0x65: {  	_ =	shalt  }
0x66: {  	_ =	shalt  }
0x67: {  	_ =	shalt  }
0x68: {  	_ =	shalt  }
0x69: {  	_ =	shalt  }
0x6a: {  	_ =	shalt  }
0x6b: {  	_ =	shalt  }
0x6c: {  	_ =	shalt  }
0x6d: {  	_ =	shalt  }
0x6e: {  	_ =	shalt  }
0x6f: {  	_ =	shalt  }
0x70: {  	_ =	shalt  }
0x71: {  	_ =	shalt  }
0x72: {  	_ =	shalt  }
0x73: {  	_ =	shalt  }
0x74: {  	_ =	shalt  }
0x75: {  	_ =	shalt  }
0x76: {  	_ =	shalt  }
0x77: {  	_ =	shalt  }
0x78: {  	_ =	shalt  }
0x79: {  	_ =	shalt  }
0x7a: {  	_ =	shalt  }
0x7b: {  	_ =	shalt  }
0x7c: {  	_ =	shalt  }
0x7d: {  	_ =	shalt  }
0x7e: {  	_ =	shalt  }
0x7f: {  	_ =	shalt  }
0x80: {  	_ =	shalt  }
0x81: {  	_ =	shalt  }
0x82: {  	_ =	shalt  }
0x83: {  	_ =	shalt  }
0x84: {  	_ =	shalt  }
0x85: {  	_ =	shalt  }
0x86: {  	_ =	shalt  }
0x87: {  	_ =	shalt  }
.Lfunc_end0:
.L_simem_size_0:
called_computation.1_lowered:
.L_overlay_start_0:
0x88: {  	s2 =	sld [smem:$0x3FD9]  }
0x89: {  	s3 =	sld [smem:$0x3FFE];
	_ =	sdelay $0x1  }
0x8a: {  	s1 =	srdreg.scid  }
0x8b: {  	s0 =	sand.u32 $0x1, s1  }
0x8c: {  	s17 =	sshll.u32 s0, $0xA;
	s2 =	sadd.s32 s3, s2  }
0x8d: {  	s2 =	sadd.s32 s2, s17  }
0x8e: {  	[smem:$0x3FBD] =	sst s2  }
0x8f: {  	_ = 	snop  }
0x90: {  	s18 =	sld [smem:$0x3FD0];
	(tm) =	ssettm $0x1  }
0x91: {  	s19 =	sld [smem:$0x3FFB];
	_ =	sdelay $0x3  }
0x92: {  	_ =	strace s19  }
0x93: {  	s2 =	sld [smem:$0x3FFC];
	_ =	sdelay $0x3  }
0x94: {  	_ =	strace s2  }
0x95: {  	s2 =	sld [smem:$0x3FFD];
	_ =	sdelay $0x3  }
0x96: {  	_ =	strace s2  }
0x97: {  	_ =	strace $0x8FFFFFFF  }
0x98: {  	s20 =	sld [smem:$0x3FDB];
	_ =	sdelay $0x1  }
0x99: {  	s4 =	simm.s32 $_scs_section_size  }
0x9a: {  	s5 =	simm.s32 $_size__tile_overlayer_lowered;
	s6 =	simm.s32 $_tile_overlayer_lowered  }
0x9b: {  	s7 =	simm.s32 $0x1BFF;
	s21 =	sshll.u32 s6, $0x1;
	s4 =	sadd.s32 s4, s20  }
0x9c: {  	s22 =	simm.s32 $0x0;
	s5 =	sshll.u32 s5, $0x1;
	s6 =	sadd.s32 s21, s4  }
0x9d: {  	[timem:s22], [sflag:s7] =	dma.local [hbm:s6], s5  }
0x9e: {  	_ =	swait.ge [sflag:s7], s5  }
0x9f: {  	s5 =	ssub.s32 $0x0, s5;
	[sflag:s7] =	ssyncset.done $0x0  }
0xa0: {  	[sflag:s7] =	ssyncadd.s32 s5;
	_ =	sdelay $0x1  }
0xa1: {  	s23 =	simm.s32 $0x1B8B  }
0xa2: {  	_ =	swait.ge [sflag:s23], $0x1  }
0xa3: {  	[sflag:s23] =	ssyncset.done $0x0  }
0xa4: {  	[sflag:s23] =	ssyncadd.s32 $0xFFFFFFFF  }
0xa5: {  	s5 =	sld [smem:$0x0]  }
0xa6: {  	s6 =	sand.u32 $0xFFFFFFFE, s1  }
0xa7: {  	p0 =	sne.s32 s1, s6  }
0xa8: {  	s6 =	sshll.u32 @p0 s6, $0xE  }
0xa9: {  	s6 =	sadd.s32 @p0 $0x11B8D, s6;
	s7 =	sshll.u32 @p0 s5, $0x11  }
0xaa: {  	s6 =	sor.u32 @p0 s7, s6  }
0xab: {  	[sflag:s6] =	ssyncadd.remote.s32 @p0 $0x1;
	_ =	sdelay $0x1  }
0xac: {  	s6 =	simm.s32 @p0 $0x1B8D  }
0xad: {  	_ =	swait.eq @p0 [sflag:s6], $0x1  }
0xae: {  	[sflag:s6] =	ssyncadd.s32 @p0 $0xFFFFFFFF  }
0xaf: {  	s7 =	sshll.u32 @!p0 s1, $0xE  }
0xb0: {  	s7 =	sor.u32 @!p0 $0x4000, s7;
	s6 =	simm.s32 @!p0 $0x1B8D  }
0xb1: {  	s5 =	sshll.u32 @!p0 s5, $0x11;
	s7 =	sadd.s32 @!p0 $0x11B8D, s7;
	_ =	swait.eq @!p0 [sflag:s6], $0x1  }
0xb2: {  	s5 =	sor.u32 @!p0 s5, s7;
	[sflag:s6] =	ssyncadd.s32 @!p0 $0xFFFFFFFF  }
0xb3: {  	s25 =	simm.s32 $0x1B8E;
	s24 =	sld [smem:$0x3FFE];
	[sflag:s5] =	ssyncadd.remote.s32 @!p0 $0x1  }
0xb4: {  	s26 =	simm.s32 $execute0_lowered;
	[smem:$0x3FD2] =	sst s25  }
0xb5: {  	s6 =	sshll.u32 s26, $0x1;
	_ =	strace $0x80000049;
	[dreg:$0x1] =	wrdreg $0xFFFFFFFF  }
0xb6: {  	s28 =	simm.s32 $_size_execute0_lowered;
	s4 =	sadd.s32 s4, s6;
	[dreg:$0x0] =	wrdreg $0x0  }
0xb7: {  	s6 =	sshll.u32 s28, $0x1;
	[dreg:$0x2] =	wrdreg s4  }
0xb8: {  	[dreg:$0x3] =	wrdreg s6  }
0xb9: {  	[dreg:$0x4] =	wrdreg $0xC0  }
0xba: {  	_ =	task [dreg:s22], $0x5FFFF  }
0xbb: {  	[dreg:$0x1] =	wrdreg $0xFFFFFFFF  }
0xbc: {  	[dreg:$0x0] =	wrdreg $0x60  }
0xbd: {  	[dreg:$0x2] =	wrdreg s18  }
0xbe: {  	[dreg:$0x3] =	wrdreg s24  }
0xbf: {  	[dreg:$0x4] =	wrdreg $0x9E000  }
0xc0: {  	[dreg:$0x5] =	wrdreg $0xA  }
0xc1: {  	_ =	task.clear_ibuf [dreg:s22], $0x6FFFF;
	_ =	strace $0x90000049  }
0xc2: {  	s29 =	simm.s32 $0xA;
	_ =	strace $0x8000004B  }
0xc3: {  	_ =	swait.ge [sflag:s29], $0x1  }
0xc4: {  	[sflag:s29] =	ssyncadd.s32 $0xFFFFFFFF  }
0xc5: {  	_ =	strace $0x9000004B  }
0xc6: {  	_ =	sfence  }
0xc7: {  	s30 =	sld [smem:$0x0];
	_ =	sdelay $0x2  }
0xc8: {  	s31 =	sshll.u32 s1, $0xD;
	s1 =	sshrl.u32 s1, $0x2  }
0xc9: {  	s4 =	sand.u32 $0x4000, s31;
	s1 =	sadd.s32 s1, s30  }
0xca: {  	s0 =	sor.u32 s4, s0;
	s1 =	sshll.u32 s1, $0x11  }
0xcb: {  	s0 =	sor.u32 s1, s0  }
0xcc: {  	s0 =	sadd.s32 $0x8F2B, s0  }
0xcd: {  	[sflag:s0] =	ssyncadd.remote.s32 $0x1  }
0xce: {  	_ =	sfence.sel $0xFFFF  }
0xcf: {  	[dreg:$0x0] =	wrdreg $0xFFFFFFFF;
	(pc) =	sbr.abs _section_cstart, $3  }
0xd0: {  	[dreg:$0x1] =	wrdreg $0xFFFFFFFF  }
0xd1: {  	_ =	task.clear_ibuf [dreg:s22], $0x2FFFF;
	_ =	strace $0x9FFFFFFF  }
0xd2: {  	(tm) =	ssettm $0x7FFFFFFF  }
0xd3: {  	_ =	shalt  }
tec
execute0_lowered:
.L_overlay_start_1:
0x0: {  	(tag) =	ssettag $0x1  }
0x1: {  	s1 =	rddreg [dreg:$0x0]  }
0x2: {  	s0 =	rddreg [dreg:$0x1]  }
0x3: {  	s2 =	rddreg [dreg:$0x2];
	s3 =	srdreg.scid  }
0x4: {  	s4 =	simm.s32 $0x0;
	s13 =	stileid.u32;
	s28 =	simm.s32 $0x7  }
0x5: {  	s30 =	simm.s32 $0x40;
	s31 =	simm.s32 $0x3E00;
	s3 =	sand.u32 $0x1, s3  }
0x6: {  	[smem:$0x7FF] =	sst s4;
	s6 =	smul.u32 $0x4F000, s13;
	s8 =	sadd.s32 $0x2EA000, s0  }
0x7: {  	s29 =	smul.u32 $0x2780, s13;
	s5 =	sshll.u32 s3, $0x4;
	_ =	strace $0x8000004A  }
0x8: {  	s10 =	smul.u32 $0x27800, s3;
	s3 =	ssub.s32 $0x2, s3;
	s6 =	sshrl.u32 s6, $0x2  }
0x9: {  	s7 =	sor.u32 s13, s5;
	s5 =	sadd.s32 $0x60000, s0;
	s6 =	sadd.s32 s6, s2  }
0xa: {  	s11 =	sshrl.u32 s3, $0x1;
	s13 =	simm.s32 $0x1D80;
	s12 =	sadd.s32 $0x2000, s6  }
0xb: {  	s9 =	smul.u32 $0x500, s7;
	s14 =	sadd.s32 $0x4000, s6;
	[dreg:$0x4] =	wrdreg s12  }
0xc: {  	s3 =	ssub.s32 s3, s11;
	s15 =	sadd.s32 $0x6000, s6;
	[dreg:$0x5] =	wrdreg s14  }
0xd: {  	s16 =	smul.u32 $0x1400, s7;
	s19 =	sadd.s32 $0x8000, s6;
	[dreg:$0x6] =	wrdreg s15  }
0xe: {  	s20 =	sadd.s32 $0xA000, s6;
	s21 =	sadd.s32 $0xC000, s6;
	[dreg:$0x7] =	wrdreg s19  }
0xf: {  	s22 =	sadd.s32 $0xE000, s6;
	s24 =	sadd.s32 $0x12000, s6;
	[dreg:$0x8] =	wrdreg s20  }
0x10: {  	s3 =	smax.u32 s3, $0x1;
	s9 =	sadd.s32 s9, s0;
	[dreg:$0x9] =	wrdreg s21  }
0x11: {  	s0 =	sadd.s32 s10, s0;
	[dreg:$0xa] =	wrdreg s22;
	s23 =	sshrl.u32 s16, $0x3  }
0x12: {  	s12 =	smul.u32 $0x14000, s7;
	s14 =	sadd.s32 $0x10000, s6;
	[dreg:$0xc] =	wrdreg s24  }
0x13: {  	s25 =	sadd.s32 $0xA00, s16;
	s19 =	smul.u32 $0xA0000, s7;
	[dreg:$0xf] =	wrdreg s3  }
0x14: {  	s3 =	simm.s32 $0x1;
	s10 =	simm.s32 $0x7E00;
	s15 =	simm.s32 $0x0  }
0x15: {  	[dreg:$0xb] =	wrdreg s14;
	s11 =	sadd.s32 s8, s23;
	s17 =	sadd.s32 $0x2E0000, s9  }
0x16: {  	s26 =	sshrl.u32 s25, $0x3;
	s9 =	sshll.u32 s25, $0x4;
	s0 =	sadd.s32 $0x2EF000, s0  }
0x17: {  	s14 =	simm.s32 $0x5;
	[dreg:$0xd] =	wrdreg s11;
	s18 =	sadd.s32 s5, s12  }
.Ltmp0:
0x18: {  	s7 =	sadd.s32 s8, s26;
	s21 =	sadd.s32 s5, s9;
	(pc) =	sbr.rel .LBB2_1-.Ltmp0, $4  }
0x19: {  	s0 =	sadd.s32 s29, s0;
	s26 =	simm.s32 $0x1E00;
	s8 =	simm.s32 $0x1D00  }
0x1a: {  	s9 =	simm.s32 $0x6;
	s11 =	simm.s32 $0x2;
	[dreg:$0xe] =	wrdreg s7  }
0x1b: {  	s12 =	simm.s32 $0x4;
	s23 =	sadd.s32 $0x800, s18;
	[dreg:$0x10] =	wrdreg s0  }
0x1c: {  	v0 =	vimm.f32 $0.0e+00;
	s25 =	sadd.s32 $0xA800, s18;
	s0 =	simm.s32 $0x5E00;
	s7 =	simm.s32 $0x3  }
.LBB2_25:
0x1d: {  	[spmem:s2] =	stream.indirect.scatter.add.f32 [tilespmem:s10], [sflag:$0x6], $0x80, s13, s30, $0xb8;
	[tilespmem:$0x1DA00] =	vst v63  }
0x1e: {  	_ =	swait.ge [sflag:s14], $0x2000  }
0x1f: {  	[sflag:s14] =	ssyncset.done $0x0  }
0x20: {  	[sflag:s14] =	ssyncadd.s32 $0xFFFFE000  }
0x21: {  	_ =	swait.ge [sflag:s9], $0x2000  }
0x22: {  	[sflag:s9] =	ssyncset.done $0x0  }
0x23: {  	s16 =	stileid.u32;
	[sflag:s9] =	ssyncadd.s32 $0xFFFFE000  }
0x24: {  	s16 =	sshll.u32 s16, $0x6;
	[bflag:$0x0] =	sbarrier.arrive $0xFFFF  }
0x25: {  	s20 =	sshrl.u32 s6, $0x3;
	s16 =	sor.u32 $0x1C07, s16;
	s22 =	rddreg [dreg:$0x10]  }
0x26: {  	[hbm:s22], [sflag:s16] =	dma.local [spmem:s20], $0x2780  }
0x27: {  	_ =	swait.ge [sflag:s28], $0x2780  }
0x28: {  	s15 =	sadd.s32 $0x1, s15;
	s29 =	rddreg [dreg:$0xf]  }
0x29: {  	p0 =	sne.s32 s15, s29  }
.Ltmp1:
0x2a: {  	_ = 	snop;
	(pc) =	sbr.rel @!p0 .LBB2_26-.Ltmp1, $3  }
0x2b: {  	_ =	sdelay $0x1  }
0x2c: {  	[sflag:s28] =	ssyncset.done $0x0  }
0x2d: {  	[sflag:s28] =	ssyncadd.s32 $0xFFFFD880  }
.LBB2_1:
0x2e: {  	s16 =	simm.s32 $0x0;
	s20 =	simm.s32 $0x200  }
.LBB2_2:
0x2f: {  	p0 =	sne.s32 s20, $0x7E00;
	[tilespmem:s16+$0x1E70] =	vst v0  }
0x30: {  	[tilespmem:s16+$0x1E00] =	vst v0  }
0x31: {  	[tilespmem:s16+$0x1E10] =	vst v0  }
.Ltmp2:
0x32: {  	[tilespmem:s16+$0x1E20] =	vst v0;
	(pc) =	sbr.rel @p0 .LBB2_2-.Ltmp2, $4  }
0x33: {  	[tilespmem:s16+$0x1E30] =	vst v0  }
0x34: {  	[tilespmem:s16+$0x1E40] =	vst v0  }
0x35: {  	[tilespmem:s16+$0x1E50] =	vst v0  }
0x36: {  	[tilespmem:s16+$0x1E60] =	vst v0;
	s16 =	sshra.s32 s20, $0x2;
	s20 =	sadd.s32 $0x200, s20  }
0x37: {  	[tilespmem:s16+$0x1E70] =	vst v0  }
0x38: {  	[tilespmem:s16+$0x1E00] =	vst v0  }
0x39: {  	[tilespmem:s16+$0x1E10] =	vst v0  }
0x3a: {  	[tilespmem:s16+$0x1E20] =	vst v0  }
0x3b: {  	[tilespmem:s16+$0x1E30] =	vst v0  }
0x3c: {  	[tilespmem:s16+$0x1E40] =	vst v0  }
0x3d: {  	[tilespmem:s16+$0x1E50] =	vst v0  }
0x3e: {  	[tilespmem:s16+$0x1E60] =	vst v0  }
0x3f: {  	[spmem:s6] =	stream.linear.scatter [tilespmem:s26], [sflag:$0x7], $0x2000, $0x38;
	[tilespmem:$0x1DA00] =	vst v63  }
0x40: {  	_ =	swait.ge [sflag:s28], $0x2000  }
0x41: {  	[sflag:s28] =	ssyncset.done $0x0  }
0x42: {  	s24 =	rddreg [dreg:$0x4];
	[sflag:s28] =	ssyncadd.s32 $0xFFFFE000  }
0x43: {  	[spmem:s24] =	stream.linear.scatter [tilespmem:s26], [sflag:$0x7], $0x2000, $0x38;
	[tilespmem:$0x1DA00] =	vst v63  }
0x44: {  	_ =	swait.ge [sflag:s28], $0x2000  }
0x45: {  	[sflag:s28] =	ssyncset.done $0x0  }
0x46: {  	s29 =	rddreg [dreg:$0x5];
	[sflag:s28] =	ssyncadd.s32 $0xFFFFE000  }
0x47: {  	[spmem:s29] =	stream.linear.scatter [tilespmem:s26], [sflag:$0x7], $0x2000, $0x38;
	[tilespmem:$0x1DA00] =	vst v63  }
0x48: {  	_ =	swait.ge [sflag:s28], $0x2000  }
0x49: {  	[sflag:s28] =	ssyncset.done $0x0  }
0x4a: {  	s20 =	rddreg [dreg:$0x6];
	[sflag:s28] =	ssyncadd.s32 $0xFFFFE000  }
0x4b: {  	[spmem:s20] =	stream.linear.scatter [tilespmem:s26], [sflag:$0x7], $0x2000, $0x38;
	[tilespmem:$0x1DA00] =	vst v63  }
0x4c: {  	_ =	swait.ge [sflag:s28], $0x2000  }
0x4d: {  	[sflag:s28] =	ssyncset.done $0x0  }
0x4e: {  	s22 =	rddreg [dreg:$0x7];
	[sflag:s28] =	ssyncadd.s32 $0xFFFFE000  }
0x4f: {  	[spmem:s22] =	stream.linear.scatter [tilespmem:s26], [sflag:$0x7], $0x2000, $0x38;
	[tilespmem:$0x1DA00] =	vst v63  }
0x50: {  	_ =	swait.ge [sflag:s28], $0x2000  }
0x51: {  	[sflag:s28] =	ssyncset.done $0x0  }
0x52: {  	s24 =	rddreg [dreg:$0x8];
	[sflag:s28] =	ssyncadd.s32 $0xFFFFE000  }
0x53: {  	[spmem:s24] =	stream.linear.scatter [tilespmem:s26], [sflag:$0x7], $0x2000, $0x38;
	[tilespmem:$0x1DA00] =	vst v63  }
0x54: {  	_ =	swait.ge [sflag:s28], $0x2000  }
0x55: {  	[sflag:s28] =	ssyncset.done $0x0  }
0x56: {  	s29 =	rddreg [dreg:$0x9];
	[sflag:s28] =	ssyncadd.s32 $0xFFFFE000  }
0x57: {  	[spmem:s29] =	stream.linear.scatter [tilespmem:s26], [sflag:$0x7], $0x2000, $0x38;
	[tilespmem:$0x1DA00] =	vst v63  }
0x58: {  	_ =	swait.ge [sflag:s28], $0x2000  }
0x59: {  	[sflag:s28] =	ssyncset.done $0x0  }
0x5a: {  	s20 =	rddreg [dreg:$0xa];
	[sflag:s28] =	ssyncadd.s32 $0xFFFFE000  }
0x5b: {  	[spmem:s20] =	stream.linear.scatter [tilespmem:s26], [sflag:$0x7], $0x2000, $0x38;
	[tilespmem:$0x1DA00] =	vst v63  }
0x5c: {  	_ =	swait.ge [sflag:s28], $0x2000  }
0x5d: {  	[sflag:s28] =	ssyncset.done $0x0  }
0x5e: {  	s22 =	rddreg [dreg:$0xb];
	[sflag:s28] =	ssyncadd.s32 $0xFFFFE000  }
0x5f: {  	[spmem:s22] =	stream.linear.scatter [tilespmem:s26], [sflag:$0x7], $0x2000, $0x38;
	[tilespmem:$0x1DA00] =	vst v63  }
0x60: {  	_ =	swait.ge [sflag:s28], $0x2000  }
0x61: {  	[sflag:s28] =	ssyncset.done $0x0  }
0x62: {  	s24 =	rddreg [dreg:$0xc];
	[sflag:s28] =	ssyncadd.s32 $0xFFFFE000  }
0x63: {  	[spmem:s24] =	stream.linear.scatter [tilespmem:s26], [sflag:$0x7], $0x1C00, $0x38;
	[tilespmem:$0x1DA00] =	vst v63  }
0x64: {  	_ =	swait.ge [sflag:s28], $0x1C00  }
0x65: {  	[sflag:s28] =	ssyncset.done $0x0  }
0x66: {  	[sflag:s28] =	ssyncadd.s32 $0xFFFFE400  }
0x67: {  	[bflag:$0x0] =	sbarrier.arrive $0xFFFF  }
0x68: {  	s16 =	simm.s32 $0x0;
	s20 =	rddreg [dreg:$0xd]  }
0x69: {  	[tilespmem:s16], [sflag:$0x7] =	stream.linear.gather [hbm4b:s20+s16], $0xA00, $0x38;
	[tilespmem:$0x1DA00] =	vst v63  }
0x6a: {  	_ =	swait.ge [sflag:s28], $0xA00  }
0x6b: {  	[sflag:s28] =	ssyncset.done $0x0  }
0x6c: {  	s29 =	simm.s32 $0xA00;
	[sflag:s28] =	ssyncadd.s32 $0xFFFFF600  }
0x6d: {  	[tilespmem:s29], [sflag:$0x7] =	stream.linear.gather [hbm4b:s17+s16], $0x1400, $0x38;
	[tilespmem:$0x1DA00] =	vst v63  }
0x6e: {  	_ =	swait.ge [sflag:s28], $0x1400  }
0x6f: {  	[sflag:s28] =	ssyncset.done $0x0  }
0x70: {  	[sflag:s28] =	ssyncadd.s32 $0xFFFFEC00  }
0x71: {  	[tilespmem:s26], [sflag:$0x1] =	stream.indirect.gather [hbm4b:s1+s30], $0x80, s16, s30, $0xb8;
	[tilespmem:$0x1DA00] =	vst v63  }
0x72: {  	_ = 	snop  }
0x73: {  	[tilespmem:s31], [sflag:$0x2] =	stream.indirect.gather [hbm4b:s1+s30], $0x80, s30, s30, $0xb8;
	[tilespmem:$0x1DA00] =	vst v63  }
0x74: {  	_ = 	snop  }
0x75: {  	[tilespmem:s0], [sflag:$0x3] =	stream.linear.gather [hbm4b:s18+s16], $0x2000, $0x38;
	[tilespmem:$0x1DA00] =	vst v63  }
.LBB2_4:
0x76: {  	_ =	swait.ge [sflag:s3], $0x2000  }
0x77: {  	[sflag:s3] =	ssyncset.done $0x0  }
0x78: {  	[sflag:s3] =	ssyncadd.s32 $0xFFFFE000  }
0x79: {  	_ =	swait.ge [sflag:s7], $0x2000  }
0x7a: {  	[sflag:s7] =	ssyncset.done $0x0  }
0x7b: {  	s29 =	simm.s32 $0x0;
	[sflag:s7] =	ssyncadd.s32 $0xFFFFE000  }
0x7c: {  	v8 =	vld [tilespmem:s29+$0x1E00]  }
0x7d: {  	v12 =	vld [tilespmem:s29+$0x1E10]  }
0x7e: {  	v6 =	vld [tilespmem:s29+$0x1E20]  }
0x7f: {  	v5 =	vld [tilespmem:s29+$0x1E30]  }
0x80: {  	v4 =	vld [tilespmem:s29+$0x1E40]  }
0x81: {  	v3 =	vld [tilespmem:s29+$0x1E50]  }
0x82: {  	v2 =	vld [tilespmem:s29+$0x1E60]  }
0x83: {  	v1 =	vld [tilespmem:s29+$0x1E70]  }
0x84: {  	v13 =	vld [tilespmem:s29+$0x5E00]  }
0x85: {  	v14 =	vld [tilespmem:s29+$0x5E10]  }
0x86: {  	v11 =	vld [tilespmem:s29+$0x5E20]  }
0x87: {  	v10 =	vld [tilespmem:s29+$0x5E30]  }
0x88: {  	v9 =	vld [tilespmem:s29+$0x5E40]  }
0x89: {  	v7 =	vld [tilespmem:s29+$0x5E50];
	v13 =	vmul.f32 v13, v8  }
0x8a: {  	s20 =	simm.s32 $0x200;
	v12 =	vmul.f32 v14, v12;
	v8 =	vld [tilespmem:s29+$0x5E60]  }
.LBB2_5:
0x8b: {  	s22 =	sshra.s32 s20, $0x2;
	p0 =	sne.s32 s20, $0x7E00;
	[tilespmem:s29+$0x5E00] =	vst v13;
	v6 =	vmul.f32 v11, v6;
	v11 =	vld [tilespmem:s29+$0x5E70]  }
0x8c: {  	v13 =	vld [tilespmem:s22+$0x1E00];
	[tilespmem:s29+$0x5E10] =	vst v12;
	v5 =	vmul.f32 v10, v5  }
0x8d: {  	v12 =	vld [tilespmem:s22+$0x1E10];
	[tilespmem:s29+$0x5E20] =	vst v6;
	v4 =	vmul.f32 v9, v4  }
0x8e: {  	v6 =	vld [tilespmem:s22+$0x1E20];
	[tilespmem:s29+$0x5E30] =	vst v5;
	v3 =	vmul.f32 v7, v3  }
0x8f: {  	v5 =	vld [tilespmem:s22+$0x1E30];
	[tilespmem:s29+$0x5E40] =	vst v4;
	v2 =	vmul.f32 v8, v2  }
0x90: {  	v4 =	vld [tilespmem:s22+$0x1E40];
	[tilespmem:s29+$0x5E50] =	vst v3;
	v1 =	vmul.f32 v11, v1  }
0x91: {  	v3 =	vld [tilespmem:s22+$0x1E50];
	[tilespmem:s29+$0x5E60] =	vst v2  }
0x92: {  	v2 =	vld [tilespmem:s22+$0x1E60];
	[tilespmem:s29+$0x5E70] =	vst v1;
	s29 =	smov.u32 s22  }
0x93: {  	v1 =	vld [tilespmem:s29+$0x1E70]  }
0x94: {  	v7 =	vld [tilespmem:s29+$0x5E00]  }
0x95: {  	v8 =	vld [tilespmem:s29+$0x5E10]  }
.Ltmp3:
0x96: {  	v11 =	vld [tilespmem:s29+$0x5E20];
	(pc) =	sbr.rel @p0 .LBB2_5-.Ltmp3, $4  }
0x97: {  	v10 =	vld [tilespmem:s29+$0x5E30]  }
0x98: {  	v9 =	vld [tilespmem:s29+$0x5E40]  }
0x99: {  	v13 =	vmul.f32 v7, v13;
	v7 =	vld [tilespmem:s29+$0x5E50]  }
0x9a: {  	s20 =	sadd.s32 $0x200, s20;
	v12 =	vmul.f32 v8, v12;
	v8 =	vld [tilespmem:s29+$0x5E60]  }
0x9b: {  	[tilespmem:s29+$0x5E00] =	vst v13;
	v6 =	vmul.f32 v11, v6;
	v63 =	vld [tilespmem:s29+$0x5E70]  }
0x9c: {  	[tilespmem:s29+$0x5E10] =	vst v12;
	v5 =	vmul.f32 v10, v5  }
0x9d: {  	p0 =	sne.s32 s16, $0x13;
	[tilespmem:s29+$0x5E20] =	vst v6;
	v4 =	vmul.f32 v9, v4  }
.Ltmp4:
0x9e: {  	[tilespmem:s29+$0x5E30] =	vst v5;
	v3 =	vmul.f32 v7, v3;
	(pc) =	sbr.rel @p0 .LBB2_8-.Ltmp4, $4  }
0x9f: {  	[tilespmem:s29+$0x5E40] =	vst v4;
	v2 =	vmul.f32 v8, v2  }
0xa0: {  	[tilespmem:s29+$0x5E50] =	vst v3;
	v1 =	vmul.f32 v63, v1  }
0xa1: {  	[tilespmem:s29+$0x5E60] =	vst v2  }
0xa2: {  	[tilespmem:s29+$0x5E70] =	vst v1  }
.Ltmp5:
0xa3: {  	(pc) =	sbr.rel .LBB2_9-.Ltmp5, $2  }
0xa4: {  	_ =	sdelay $0x2  }
0xa5: {  	[spmem:s2] =	stream.indirect.scatter.add.f32 [tilespmem:s0], [sflag:$0x5], $0x80, s8, s30, $0xb8;
	[tilespmem:$0x1DA00] =	vst v63  }
.LBB2_8:
0xa6: {  	s20 =	sshll.u32 s16, $0x7  }
0xa7: {  	p0 =	seq.s32 s16, $0x0;
	s20 =	sand.u32 $0x3FFFFF80, s20  }
.Ltmp6:
0xa8: {  	s29 =	sshll.u32 s16, $0x8;
	s20 =	sadd.s32 $0x80, s20;
	(pc) =	sbr.rel @p0 .LBB2_10-.Ltmp6, $4  }
0xa9: {  	[tilespmem:s26], [sflag:$0x1] =	stream.indirect.gather [hbm4b:s1+s30], $0x80, s20, s30, $0xb8;
	[tilespmem:$0x1DA00] =	vst v63  }
0xaa: {  	s20 =	sand.u32 $0x3FFFFF00, s29  }
0xab: {  	s20 =	sadd.s32 $0xA00, s20  }
0xac: {  	[spmem:s2] =	stream.indirect.scatter.add.f32 [tilespmem:s0], [sflag:$0x5], $0x80, s20, s30, $0xb8;
	[tilespmem:$0x1DA00] =	vst v63  }
.LBB2_9:
0xad: {  	_ =	swait.ge [sflag:s9], $0x2000  }
0xae: {  	[sflag:s9] =	ssyncset.done $0x0  }
0xaf: {  	[sflag:s9] =	ssyncadd.s32 $0xFFFFE000  }
.LBB2_10:
0xb0: {  	s20 =	sshll.u32 s16, $0x1  }
0xb1: {  	s29 =	sor.u32 $0x1, s20  }
0xb2: {  	s20 =	sshll.u32 s29, $0xD  }
0xb3: {  	s20 =	sadd.s32 s19, s20  }
0xb4: {  	s20 =	sshrl.u32 s20, $0x3  }
0xb5: {  	s22 =	simm.s32 $0x0;
	s20 =	sadd.s32 s5, s20  }
0xb6: {  	[tilespmem:s10], [sflag:$0x4] =	stream.linear.gather [hbm4b:s20+s22], $0x2000, $0x38;
	[tilespmem:$0x1DA00] =	vst v63  }
0xb7: {  	_ =	swait.ge [sflag:s11], $0x2000  }
0xb8: {  	[sflag:s11] =	ssyncset.done $0x0  }
0xb9: {  	[sflag:s11] =	ssyncadd.s32 $0xFFFFE000  }
0xba: {  	_ =	swait.ge [sflag:s12], $0x2000  }
0xbb: {  	[sflag:s12] =	ssyncset.done $0x0  }
0xbc: {  	s20 =	simm.s32 $0x0;
	[sflag:s12] =	ssyncadd.s32 $0xFFFFE000  }
0xbd: {  	v8 =	vld [tilespmem:s20+$0x3E00]  }
0xbe: {  	v12 =	vld [tilespmem:s20+$0x3E10]  }
0xbf: {  	v6 =	vld [tilespmem:s20+$0x3E20]  }
0xc0: {  	v5 =	vld [tilespmem:s20+$0x3E30]  }
0xc1: {  	v4 =	vld [tilespmem:s20+$0x3E40]  }
0xc2: {  	v3 =	vld [tilespmem:s20+$0x3E50]  }
0xc3: {  	v2 =	vld [tilespmem:s20+$0x3E60]  }
0xc4: {  	v1 =	vld [tilespmem:s20+$0x3E70]  }
0xc5: {  	v13 =	vld [tilespmem:s20+$0x7E00]  }
0xc6: {  	v14 =	vld [tilespmem:s20+$0x7E10]  }
0xc7: {  	v11 =	vld [tilespmem:s20+$0x7E20]  }
0xc8: {  	v10 =	vld [tilespmem:s20+$0x7E30]  }
0xc9: {  	v9 =	vld [tilespmem:s20+$0x7E40]  }
0xca: {  	v7 =	vld [tilespmem:s20+$0x7E50];
	v13 =	vmul.f32 v13, v8  }
0xcb: {  	s22 =	simm.s32 $0x200;
	v12 =	vmul.f32 v14, v12;
	v8 =	vld [tilespmem:s20+$0x7E60]  }
.LBB2_11:
0xcc: {  	s24 =	sshra.s32 s22, $0x2;
	p0 =	sne.s32 s22, $0x7E00;
	[tilespmem:s20+$0x7E00] =	vst v13;
	v6 =	vmul.f32 v11, v6;
	v11 =	vld [tilespmem:s20+$0x7E70]  }
0xcd: {  	v13 =	vld [tilespmem:s24+$0x3E00];
	[tilespmem:s20+$0x7E10] =	vst v12;
	v5 =	vmul.f32 v10, v5  }
0xce: {  	v12 =	vld [tilespmem:s24+$0x3E10];
	[tilespmem:s20+$0x7E20] =	vst v6;
	v4 =	vmul.f32 v9, v4  }
0xcf: {  	v6 =	vld [tilespmem:s24+$0x3E20];
	[tilespmem:s20+$0x7E30] =	vst v5;
	v3 =	vmul.f32 v7, v3  }
0xd0: {  	v5 =	vld [tilespmem:s24+$0x3E30];
	[tilespmem:s20+$0x7E40] =	vst v4;
	v2 =	vmul.f32 v8, v2  }
0xd1: {  	v4 =	vld [tilespmem:s24+$0x3E40];
	[tilespmem:s20+$0x7E50] =	vst v3;
	v1 =	vmul.f32 v11, v1  }
0xd2: {  	v3 =	vld [tilespmem:s24+$0x3E50];
	[tilespmem:s20+$0x7E60] =	vst v2  }
0xd3: {  	v2 =	vld [tilespmem:s24+$0x3E60];
	[tilespmem:s20+$0x7E70] =	vst v1;
	s20 =	smov.u32 s24  }
0xd4: {  	v1 =	vld [tilespmem:s20+$0x3E70]  }
0xd5: {  	v7 =	vld [tilespmem:s20+$0x7E00]  }
0xd6: {  	v8 =	vld [tilespmem:s20+$0x7E10]  }
.Ltmp7:
0xd7: {  	v11 =	vld [tilespmem:s20+$0x7E20];
	(pc) =	sbr.rel @p0 .LBB2_11-.Ltmp7, $4  }
0xd8: {  	v10 =	vld [tilespmem:s20+$0x7E30]  }
0xd9: {  	v9 =	vld [tilespmem:s20+$0x7E40]  }
0xda: {  	v13 =	vmul.f32 v7, v13;
	v7 =	vld [tilespmem:s20+$0x7E50]  }
0xdb: {  	s22 =	sadd.s32 $0x200, s22;
	v12 =	vmul.f32 v8, v12;
	v8 =	vld [tilespmem:s20+$0x7E60]  }
0xdc: {  	[tilespmem:s20+$0x7E00] =	vst v13;
	v6 =	vmul.f32 v11, v6;
	v63 =	vld [tilespmem:s20+$0x7E70]  }
0xdd: {  	[tilespmem:s20+$0x7E10] =	vst v12;
	v5 =	vmul.f32 v10, v5  }
0xde: {  	p0 =	seq.s32 s16, $0x13;
	[tilespmem:s20+$0x7E20] =	vst v6;
	v4 =	vmul.f32 v9, v4  }
.Ltmp8:
0xdf: {  	[tilespmem:s20+$0x7E30] =	vst v5;
	v3 =	vmul.f32 v7, v3;
	(pc) =	sbr.rel @p0 .LBB2_14-.Ltmp8, $4  }
0xe0: {  	[tilespmem:s20+$0x7E40] =	vst v4;
	v2 =	vmul.f32 v8, v2  }
0xe1: {  	[tilespmem:s20+$0x7E50] =	vst v3;
	v1 =	vmul.f32 v63, v1  }
0xe2: {  	[tilespmem:s20+$0x7E60] =	vst v2  }
0xe3: {  	[tilespmem:s20+$0x7E70] =	vst v1  }
0xe4: {  	s20 =	sshll.u32 s16, $0x7  }
0xe5: {  	s20 =	sand.u32 $0x3FFFFF80, s20  }
0xe6: {  	s24 =	sshll.u32 s29, $0x7;
	s20 =	sadd.s32 $0xC0, s20  }
0xe7: {  	[tilespmem:s31], [sflag:$0x2] =	stream.indirect.gather [hbm4b:s1+s30], $0x80, s20, s30, $0xb8;
	[tilespmem:$0x1DA00] =	vst v63  }
0xe8: {  	s20 =	sand.u32 $0x3FFFFF80, s24  }
0xe9: {  	s20 =	sadd.s32 $0xA00, s20  }
0xea: {  	[spmem:s2] =	stream.indirect.scatter.add.f32 [tilespmem:s10], [sflag:$0x6], $0x80, s20, s30, $0xb8;
	[tilespmem:$0x1DA00] =	vst v63  }
.Ltmp9:
0xeb: {  	_ = 	snop;
	(pc) =	sbr.rel .LBB2_4-.Ltmp9, $4  }
0xec: {  	_ =	swait.ge [sflag:s14], $0x2000  }
0xed: {  	s29 =	sshll.u32 s16, $0xB;
	[sflag:s14] =	ssyncset.done $0x0  }
0xee: {  	s16 =	sadd.s32 $0x1, s16;
	s20 =	sadd.s32 s23, s29;
	[sflag:s14] =	ssyncadd.s32 $0xFFFFE000  }
0xef: {  	[tilespmem:s0], [sflag:$0x3] =	stream.linear.gather [hbm4b:s20+s4], $0x2000, $0x38;
	[tilespmem:$0x1DA00] =	vst v63  }
.LBB2_14:
0xf0: {  	[spmem:s2] =	stream.indirect.scatter.add.f32 [tilespmem:s10], [sflag:$0x6], $0x80, s13, s30, $0xb8;
	[tilespmem:$0x1DA00] =	vst v63  }
0xf1: {  	_ =	swait.ge [sflag:s14], $0x2000  }
0xf2: {  	[sflag:s14] =	ssyncset.done $0x0  }
0xf3: {  	[sflag:s14] =	ssyncadd.s32 $0xFFFFE000  }
0xf4: {  	_ =	swait.ge [sflag:s9], $0x2000  }
0xf5: {  	[sflag:s9] =	ssyncset.done $0x0  }
0xf6: {  	s16 =	simm.s32 $0x0;
	s20 =	rddreg [dreg:$0xe];
	[sflag:s9] =	ssyncadd.s32 $0xFFFFE000  }
0xf7: {  	[tilespmem:s16], [sflag:$0x7] =	stream.linear.gather [hbm4b:s20+s16], $0xA00, $0x38;
	[tilespmem:$0x1DA00] =	vst v63  }
0xf8: {  	_ =	swait.ge [sflag:s28], $0xA00  }
0xf9: {  	[sflag:s28] =	ssyncset.done $0x0  }
0xfa: {  	s29 =	sadd.s32 $0x280, s17;
	s22 =	simm.s32 $0xA00;
	[sflag:s28] =	ssyncadd.s32 $0xFFFFF600  }
0xfb: {  	[tilespmem:s22], [sflag:$0x7] =	stream.linear.gather [hbm4b:s29+s16], $0x1400, $0x38;
	[tilespmem:$0x1DA00] =	vst v63  }
0xfc: {  	_ =	swait.ge [sflag:s28], $0x1400  }
0xfd: {  	[sflag:s28] =	ssyncset.done $0x0  }
0xfe: {  	[sflag:s28] =	ssyncadd.s32 $0xFFFFEC00  }
0xff: {  	[tilespmem:s26], [sflag:$0x1] =	stream.indirect.gather [hbm4b:s1+s30], $0x80, s16, s30, $0xb8;
	[tilespmem:$0x1DA00] =	vst v63  }
0x100: {  	_ = 	snop  }
0x101: {  	[tilespmem:s31], [sflag:$0x2] =	stream.indirect.gather [hbm4b:s1+s30], $0x80, s30, s30, $0xb8;
	[tilespmem:$0x1DA00] =	vst v63  }
0x102: {  	_ = 	snop  }
0x103: {  	[tilespmem:s0], [sflag:$0x3] =	stream.linear.gather [hbm4b:s21+s16], $0x2000, $0x38;
	[tilespmem:$0x1DA00] =	vst v63  }
.LBB2_15:
0x104: {  	_ =	swait.ge [sflag:s3], $0x2000  }
0x105: {  	[sflag:s3] =	ssyncset.done $0x0  }
0x106: {  	[sflag:s3] =	ssyncadd.s32 $0xFFFFE000  }
0x107: {  	_ =	swait.ge [sflag:s7], $0x2000  }
0x108: {  	[sflag:s7] =	ssyncset.done $0x0  }
0x109: {  	s20 =	simm.s32 $0x0;
	[sflag:s7] =	ssyncadd.s32 $0xFFFFE000  }
0x10a: {  	v8 =	vld [tilespmem:s20+$0x1E00]  }
0x10b: {  	v12 =	vld [tilespmem:s20+$0x1E10]  }
0x10c: {  	v6 =	vld [tilespmem:s20+$0x1E20]  }
0x10d: {  	v5 =	vld [tilespmem:s20+$0x1E30]  }
0x10e: {  	v4 =	vld [tilespmem:s20+$0x1E40]  }
0x10f: {  	v3 =	vld [tilespmem:s20+$0x1E50]  }
0x110: {  	v2 =	vld [tilespmem:s20+$0x1E60]  }
0x111: {  	v1 =	vld [tilespmem:s20+$0x1E70]  }
0x112: {  	v13 =	vld [tilespmem:s20+$0x5E00]  }
0x113: {  	v14 =	vld [tilespmem:s20+$0x5E10]  }
0x114: {  	v11 =	vld [tilespmem:s20+$0x5E20]  }
0x115: {  	v10 =	vld [tilespmem:s20+$0x5E30]  }
0x116: {  	v9 =	vld [tilespmem:s20+$0x5E40]  }
0x117: {  	v7 =	vld [tilespmem:s20+$0x5E50];
	v13 =	vmul.f32 v13, v8  }
0x118: {  	s22 =	simm.s32 $0x200;
	v12 =	vmul.f32 v14, v12;
	v8 =	vld [tilespmem:s20+$0x5E60]  }
.LBB2_16:
0x119: {  	s24 =	sshra.s32 s22, $0x2;
	p0 =	sne.s32 s22, $0x7E00;
	[tilespmem:s20+$0x5E00] =	vst v13;
	v6 =	vmul.f32 v11, v6;
	v11 =	vld [tilespmem:s20+$0x5E70]  }
0x11a: {  	v13 =	vld [tilespmem:s24+$0x1E00];
	[tilespmem:s20+$0x5E10] =	vst v12;
	v5 =	vmul.f32 v10, v5  }
0x11b: {  	v12 =	vld [tilespmem:s24+$0x1E10];
	[tilespmem:s20+$0x5E20] =	vst v6;
	v4 =	vmul.f32 v9, v4  }
0x11c: {  	v6 =	vld [tilespmem:s24+$0x1E20];
	[tilespmem:s20+$0x5E30] =	vst v5;
	v3 =	vmul.f32 v7, v3  }
0x11d: {  	v5 =	vld [tilespmem:s24+$0x1E30];
	[tilespmem:s20+$0x5E40] =	vst v4;
	v2 =	vmul.f32 v8, v2  }
0x11e: {  	v4 =	vld [tilespmem:s24+$0x1E40];
	[tilespmem:s20+$0x5E50] =	vst v3;
	v1 =	vmul.f32 v11, v1  }
0x11f: {  	v3 =	vld [tilespmem:s24+$0x1E50];
	[tilespmem:s20+$0x5E60] =	vst v2  }
0x120: {  	v2 =	vld [tilespmem:s24+$0x1E60];
	[tilespmem:s20+$0x5E70] =	vst v1;
	s20 =	smov.u32 s24  }
0x121: {  	v1 =	vld [tilespmem:s20+$0x1E70]  }
0x122: {  	v7 =	vld [tilespmem:s20+$0x5E00]  }
0x123: {  	v8 =	vld [tilespmem:s20+$0x5E10]  }
.Ltmp10:
0x124: {  	v11 =	vld [tilespmem:s20+$0x5E20];
	(pc) =	sbr.rel @p0 .LBB2_16-.Ltmp10, $4  }
0x125: {  	v10 =	vld [tilespmem:s20+$0x5E30]  }
0x126: {  	v9 =	vld [tilespmem:s20+$0x5E40]  }
0x127: {  	v13 =	vmul.f32 v7, v13;
	v7 =	vld [tilespmem:s20+$0x5E50]  }
0x128: {  	s22 =	sadd.s32 $0x200, s22;
	v12 =	vmul.f32 v8, v12;
	v8 =	vld [tilespmem:s20+$0x5E60]  }
0x129: {  	[tilespmem:s20+$0x5E00] =	vst v13;
	v6 =	vmul.f32 v11, v6;
	v63 =	vld [tilespmem:s20+$0x5E70]  }
0x12a: {  	[tilespmem:s20+$0x5E10] =	vst v12;
	v5 =	vmul.f32 v10, v5  }
0x12b: {  	p0 =	sne.s32 s16, $0x13;
	[tilespmem:s20+$0x5E20] =	vst v6;
	v4 =	vmul.f32 v9, v4  }
.Ltmp11:
0x12c: {  	[tilespmem:s20+$0x5E30] =	vst v5;
	v3 =	vmul.f32 v7, v3;
	(pc) =	sbr.rel @p0 .LBB2_19-.Ltmp11, $4  }
0x12d: {  	[tilespmem:s20+$0x5E40] =	vst v4;
	v2 =	vmul.f32 v8, v2  }
0x12e: {  	[tilespmem:s20+$0x5E50] =	vst v3;
	v1 =	vmul.f32 v63, v1  }
0x12f: {  	[tilespmem:s20+$0x5E60] =	vst v2  }
0x130: {  	[tilespmem:s20+$0x5E70] =	vst v1  }
.Ltmp12:
0x131: {  	(pc) =	sbr.rel .LBB2_20-.Ltmp12, $2  }
0x132: {  	_ =	sdelay $0x2  }
0x133: {  	[spmem:s2] =	stream.indirect.scatter.add.f32 [tilespmem:s0], [sflag:$0x5], $0x80, s8, s30, $0xb8;
	[tilespmem:$0x1DA00] =	vst v63  }
.LBB2_19:
0x134: {  	s20 =	sshll.u32 s16, $0x7  }
0x135: {  	p0 =	seq.s32 s16, $0x0;
	s20 =	sand.u32 $0x3FFFFF80, s20  }
.Ltmp13:
0x136: {  	s29 =	sshll.u32 s16, $0x8;
	s20 =	sadd.s32 $0x80, s20;
	(pc) =	sbr.rel @p0 .LBB2_21-.Ltmp13, $4  }
0x137: {  	[tilespmem:s26], [sflag:$0x1] =	stream.indirect.gather [hbm4b:s1+s30], $0x80, s20, s30, $0xb8;
	[tilespmem:$0x1DA00] =	vst v63  }
0x138: {  	s20 =	sand.u32 $0x3FFFFF00, s29  }
0x139: {  	s20 =	sadd.s32 $0xA00, s20  }
0x13a: {  	[spmem:s2] =	stream.indirect.scatter.add.f32 [tilespmem:s0], [sflag:$0x5], $0x80, s20, s30, $0xb8;
	[tilespmem:$0x1DA00] =	vst v63  }
.LBB2_20:
0x13b: {  	_ =	swait.ge [sflag:s9], $0x2000  }
0x13c: {  	[sflag:s9] =	ssyncset.done $0x0  }
0x13d: {  	[sflag:s9] =	ssyncadd.s32 $0xFFFFE000  }
.LBB2_21:
0x13e: {  	s20 =	sshll.u32 s16, $0x1  }
0x13f: {  	s29 =	sor.u32 $0x1, s20  }
0x140: {  	s20 =	sshll.u32 s29, $0xA  }
0x141: {  	s22 =	simm.s32 $0x0;
	s20 =	sadd.s32 s20, s21  }
0x142: {  	[tilespmem:s10], [sflag:$0x4] =	stream.linear.gather [hbm4b:s20+s22], $0x2000, $0x38;
	[tilespmem:$0x1DA00] =	vst v63  }
0x143: {  	_ =	swait.ge [sflag:s11], $0x2000  }
0x144: {  	[sflag:s11] =	ssyncset.done $0x0  }
0x145: {  	[sflag:s11] =	ssyncadd.s32 $0xFFFFE000  }
0x146: {  	_ =	swait.ge [sflag:s12], $0x2000  }
0x147: {  	[sflag:s12] =	ssyncset.done $0x0  }
0x148: {  	s20 =	simm.s32 $0x0;
	[sflag:s12] =	ssyncadd.s32 $0xFFFFE000  }
0x149: {  	v8 =	vld [tilespmem:s20+$0x3E00]  }
0x14a: {  	v12 =	vld [tilespmem:s20+$0x3E10]  }
0x14b: {  	v6 =	vld [tilespmem:s20+$0x3E20]  }
0x14c: {  	v5 =	vld [tilespmem:s20+$0x3E30]  }
0x14d: {  	v4 =	vld [tilespmem:s20+$0x3E40]  }
0x14e: {  	v3 =	vld [tilespmem:s20+$0x3E50]  }
0x14f: {  	v2 =	vld [tilespmem:s20+$0x3E60]  }
0x150: {  	v1 =	vld [tilespmem:s20+$0x3E70]  }
0x151: {  	v13 =	vld [tilespmem:s20+$0x7E00]  }
0x152: {  	v14 =	vld [tilespmem:s20+$0x7E10]  }
0x153: {  	v11 =	vld [tilespmem:s20+$0x7E20]  }
0x154: {  	v10 =	vld [tilespmem:s20+$0x7E30]  }
0x155: {  	v9 =	vld [tilespmem:s20+$0x7E40]  }
0x156: {  	v7 =	vld [tilespmem:s20+$0x7E50];
	v13 =	vmul.f32 v13, v8  }
0x157: {  	s22 =	simm.s32 $0x200;
	v12 =	vmul.f32 v14, v12;
	v8 =	vld [tilespmem:s20+$0x7E60]  }
.LBB2_22:
0x158: {  	s24 =	sshra.s32 s22, $0x2;
	p0 =	sne.s32 s22, $0x7E00;
	[tilespmem:s20+$0x7E00] =	vst v13;
	v6 =	vmul.f32 v11, v6;
	v11 =	vld [tilespmem:s20+$0x7E70]  }
0x159: {  	v13 =	vld [tilespmem:s24+$0x3E00];
	[tilespmem:s20+$0x7E10] =	vst v12;
	v5 =	vmul.f32 v10, v5  }
0x15a: {  	v12 =	vld [tilespmem:s24+$0x3E10];
	[tilespmem:s20+$0x7E20] =	vst v6;
	v4 =	vmul.f32 v9, v4  }
0x15b: {  	v6 =	vld [tilespmem:s24+$0x3E20];
	[tilespmem:s20+$0x7E30] =	vst v5;
	v3 =	vmul.f32 v7, v3  }
0x15c: {  	v5 =	vld [tilespmem:s24+$0x3E30];
	[tilespmem:s20+$0x7E40] =	vst v4;
	v2 =	vmul.f32 v8, v2  }
0x15d: {  	v4 =	vld [tilespmem:s24+$0x3E40];
	[tilespmem:s20+$0x7E50] =	vst v3;
	v1 =	vmul.f32 v11, v1  }
0x15e: {  	v3 =	vld [tilespmem:s24+$0x3E50];
	[tilespmem:s20+$0x7E60] =	vst v2  }
0x15f: {  	v2 =	vld [tilespmem:s24+$0x3E60];
	[tilespmem:s20+$0x7E70] =	vst v1;
	s20 =	smov.u32 s24  }
0x160: {  	v1 =	vld [tilespmem:s20+$0x3E70]  }
0x161: {  	v7 =	vld [tilespmem:s20+$0x7E00]  }
0x162: {  	v8 =	vld [tilespmem:s20+$0x7E10]  }
.Ltmp14:
0x163: {  	v11 =	vld [tilespmem:s20+$0x7E20];
	(pc) =	sbr.rel @p0 .LBB2_22-.Ltmp14, $4  }
0x164: {  	v10 =	vld [tilespmem:s20+$0x7E30]  }
0x165: {  	v9 =	vld [tilespmem:s20+$0x7E40]  }
0x166: {  	v13 =	vmul.f32 v7, v13;
	v7 =	vld [tilespmem:s20+$0x7E50]  }
0x167: {  	s22 =	sadd.s32 $0x200, s22;
	v12 =	vmul.f32 v8, v12;
	v8 =	vld [tilespmem:s20+$0x7E60]  }
0x168: {  	[tilespmem:s20+$0x7E00] =	vst v13;
	v6 =	vmul.f32 v11, v6;
	v63 =	vld [tilespmem:s20+$0x7E70]  }
0x169: {  	[tilespmem:s20+$0x7E10] =	vst v12;
	v5 =	vmul.f32 v10, v5  }
0x16a: {  	p0 =	seq.s32 s16, $0x13;
	[tilespmem:s20+$0x7E20] =	vst v6;
	v4 =	vmul.f32 v9, v4  }
.Ltmp15:
0x16b: {  	[tilespmem:s20+$0x7E30] =	vst v5;
	v3 =	vmul.f32 v7, v3;
	(pc) =	sbr.rel @p0 .LBB2_25-.Ltmp15, $4  }
0x16c: {  	[tilespmem:s20+$0x7E40] =	vst v4;
	v2 =	vmul.f32 v8, v2  }
0x16d: {  	[tilespmem:s20+$0x7E50] =	vst v3;
	v1 =	vmul.f32 v63, v1  }
0x16e: {  	[tilespmem:s20+$0x7E60] =	vst v2  }
0x16f: {  	[tilespmem:s20+$0x7E70] =	vst v1  }
0x170: {  	s20 =	sshll.u32 s16, $0x7  }
0x171: {  	s20 =	sand.u32 $0x3FFFFF80, s20  }
0x172: {  	s24 =	sshll.u32 s29, $0x7;
	s20 =	sadd.s32 $0xC0, s20  }
0x173: {  	[tilespmem:s31], [sflag:$0x2] =	stream.indirect.gather [hbm4b:s1+s30], $0x80, s20, s30, $0xb8;
	[tilespmem:$0x1DA00] =	vst v63  }
0x174: {  	s20 =	sand.u32 $0x3FFFFF80, s24  }
0x175: {  	s20 =	sadd.s32 $0xA00, s20  }
0x176: {  	[spmem:s2] =	stream.indirect.scatter.add.f32 [tilespmem:s10], [sflag:$0x6], $0x80, s20, s30, $0xb8;
	[tilespmem:$0x1DA00] =	vst v63  }
.Ltmp16:
0x177: {  	_ = 	snop;
	(pc) =	sbr.rel .LBB2_15-.Ltmp16, $4  }
0x178: {  	_ =	swait.ge [sflag:s14], $0x2000  }
0x179: {  	s29 =	sshll.u32 s16, $0xB;
	[sflag:s14] =	ssyncset.done $0x0  }
0x17a: {  	s16 =	sadd.s32 $0x1, s16;
	s20 =	sadd.s32 s25, s29;
	[sflag:s14] =	ssyncadd.s32 $0xFFFFE000  }
0x17b: {  	[tilespmem:s0], [sflag:$0x3] =	stream.linear.gather [hbm4b:s20+s4], $0x2000, $0x38;
	[tilespmem:$0x1DA00] =	vst v63  }
.LBB2_26:
0x17c: {  	_ =	sfence.sel $0x180000  }
0x17d: {  	[bflag:$0x0] =	sbarrier.arrive $0xFFFF  }
0x17e: {  	_ =	strace $0x9000004A  }
0x17f: {  	s0 =	stileid.u32;
	[bflag:$0x2] =	sbarrier.arrive $0xFFFF  }
0x180: {  	p0 =	sne.s32 s0, $0x0;
	s0 =	rddreg [dreg:$0x3]  }
0x181: {  	s0 =	sadd.s32 @!p0 $0x100000, s0  }
0x182: {  	[sflag:s0] =	ssyncadd.tile.s32 @!p0 $0x1;
	_ =	shalt  }
.Lfunc_end2:
_tile_overlayer_lowered:
.L_overlay_start_2:
0x183: {  	(tag) =	ssettag $0x2  }
0x184: {  	s0 =	rddreg [dreg:$0x0];
	s2 =	stileid.u32  }
0x185: {  	s1 =	rddreg [dreg:$0x1];
	p0 =	sne.s32 s2, $0x0  }
0x186: {  	s3 =	rddreg [dreg:$0x2];
	[bflag:$0x3] =	sbarrier.arrive $0xFFFF;
	s2 =	simm.s32 @!p0 $0x1C07  }
0x187: {  	[timem:s3], [sflag:s2] =	dma.local @!p0 [hbm:s0], s1  }
0x188: {  	s0 =	simm.s32 @!p0 $0x7  }
0x189: {  	_ =	swait.ge @!p0 [sflag:s0], s1  }
0x18a: {  	s1 =	ssub.s32 @!p0 $0x0, s1;
	[sflag:s0] =	ssyncset.done @!p0 $0x0  }
0x18b: {  	[sflag:s0] =	ssyncadd.s32 @!p0 s1  }
0x18c: {  	[bflag:$0x3] =	sbarrier.arrive $0xFFFF  }
0x18d: {  	_ =	shalt  }

// kernel: kernel.8.cloned.1.call-start
scs
__scs_entry_jumppad:
0x0: {  	(pc) =	sbr.rel $0x88, $3  }
0x1: {  	(tag) =	ssettag $0x0;
	lr =	simm.s32 $0x1  }
0x2: {  	[smem:$0x3F96] =	sst lr;
	_ =	strace $0xD0000000  }
0x3: {  	_ = 	snop  }
0x4: {  	_ = 	snop  }
0x5: {  	_ = 	snop  }
0x6: {  	_ = 	snop  }
0x7: {  	_ = 	snop  }
__scs_overlays_trampoline_lowered:
0x8: {  	[smem:$0x3FA5] =	sst s0  }
0x9: {  	[smem:$0x3FA6] =	sst s1  }
0xa: {  	[smem:$0x3FA7] =	sst s2  }
0xb: {  	[smem:$0x3FA8] =	sst s3  }
0xc: {  	[smem:$0x3FA9] =	sst s4  }
0xd: {  	[smem:$0x3FAA] =	sst s5  }
0xe: {  	[smem:$0x3FAB] =	sst s6  }
0xf: {  	[smem:$0x3FAC] =	sst s7  }
0x10: {  	[smem:$0x3FAD] =	sst s8  }
0x11: {  	[smem:$0x3FAE] =	sst s9;
	s0 =	simm.s32 @!p0 $0x0  }
0x12: {  	s1 =	sld [smem:$0x3F94];
	s0 =	simm.s32 @p0 $0x1  }
0x13: {  	[smem:$0x3FAF] =	sst s0;
	s0 =	simm.s32 @!p1 $0x0  }
0x14: {  	s2 =	sld [smem:$0x3F93];
	s0 =	simm.s32 @p1 $0x1  }
0x15: {  	[smem:$0x3FB0] =	sst s0;
	s0 =	simm.s32 @!p2 $0x0  }
0x16: {  	s3 =	sld [smem:$0x3FDB];
	s0 =	simm.s32 @p2 $0x1  }
0x17: {  	s4 =	simm.s32 $0x1BF5;
	[smem:$0x3FB2] =	sst s0  }
0x18: {  	s0 =	sld [smem:$0x3F95];
	_ =	swait.ge [sflag:s4], $0x0  }
0x19: {  	s7 =	sld [smem:$0x3F96]  }
0x1a: {  	s8 =	sadd.s32 $0xFFFFE003, lr  }
0x1b: {  	s9 =	sadd.s32 $0xFFFFFEF7, lr;
	s5 =	simm.s32 $0xFFFFFFFF;
	p2 =	slt.u32 s8, $0xFFFFF086  }
0x1c: {  	p1 =	slt.u32 s9, $0xF7A;
	s5 =	simm.s32 @!p2 $0x0  }
0x1d: {  	s5 =	simm.s32 @p1 $0x1;
	p0 =	seq.s32 s7, s2  }
0x1e: {  	s7 =	smul.u32 @!p0 $0xF7A, s2;
	p2 =	seq.s32 @!p0 s5, $0x0  }
0x1f: {  	s9 =	smul.u32 $0xF7A, s1;
	s8 =	simm.s32 @!p0 $0x1BF5;
	p2 =	por !p2, p0  }
0x20: {  	[sflag:s8] =	ssyncset.s32 @!p0 $0xFFFFF086;
	s6 =	sadd.s32 @!p0 s3, s7;
	s7 =	simm.s32 @!p0 $0x108  }
0x21: {  	s3 =	sadd.s32 s3, s9;
	s6 =	sadd.s32 @!p0 $0x88, s6;
	s7 =	simm.s32 @p2 $0x1082  }
0x22: {  	[simem:s7], [sflag:s8] =	dma.local @!p0 [hbm:s6], $0xF7A  }
0x23: {  	s9 =	sor.u32 $0xD0000000, s2;
	s6 =	simm.s32 $0x108;
	_ =	swait.ge @!p0 [sflag:s8], $0x0  }
0x24: {  	s3 =	sadd.s32 $0x88, s3;
	s6 =	simm.s32 @!p1 $0x1082;
	[sflag:s4] =	ssyncset.s32 $0xFFFFF086  }
0x25: {  	[simem:s6], [sflag:s4] =	dma.local [hbm:s3], $0xF7A  }
0x26: {  	[smem:$0x3F96] =	sst s1;
	(tag) =	ssettag s2;
	_ =	strace s9  }
0x27: {  	s1 =	sld [smem:$0x3FA6]  }
0x28: {  	s2 =	sld [smem:$0x3FA7]  }
0x29: {  	s4 =	sld [smem:$0x3FA9]  }
0x2a: {  	p0 =	seq.s32 s5, $0x0;
	s5 =	sld [smem:$0x3FAA]  }
0x2b: {  	s6 =	sld [smem:$0x3FAB]  }
0x2c: {  	s7 =	sld [smem:$0x3FAC]  }
0x2d: {  	s3 =	simm.s32 $0x108;
	s8 =	sld [smem:$0x3FAD]  }
0x2e: {  	s3 =	simm.s32 @!p0 $0x1082;
	s9 =	sld [smem:$0x3FAE]  }
0x2f: {  	lr =	sadd.s32 s0, s3;
	s0 =	sld [smem:$0x3FA5]  }
0x30: {  	s3 =	sld [smem:$0x3FA8]  }
0x31: {  	[smem:$0x3FB1] =	sst s10  }
0x32: {  	s10 =	sld [smem:$0x3FAF];
	_ =	sdelay $0x3  }
0x33: {  	p0 =	seq.s32 s10, $0x1;
	s10 =	sld [smem:$0x3FB1];
	_ =	sdelay $0x3  }
0x34: {  	[smem:$0x3FB1] =	sst s10  }
0x35: {  	s10 =	sld [smem:$0x3FB0];
	_ =	sdelay $0x3  }
0x36: {  	p1 =	seq.s32 s10, $0x1;
	s10 =	sld [smem:$0x3FB1];
	_ =	sdelay $0x3  }
0x37: {  	[smem:$0x3FB1] =	sst s10  }
0x38: {  	s10 =	sld [smem:$0x3FB2]  }
0x39: {  	_ = 	snop;
	(pc) =	sbr.ind lr, $3  }
0x3a: {  	_ = 	snop  }
0x3b: {  	_ = 	snop  }
0x3c: {  	p2 =	seq.s32 s10, $0x1;
	s10 =	sld [smem:$0x3FB1]  }
0x3d: {  	_ =	shalt  }
0x3e: {  	_ =	shalt  }
0x3f: {  	_ =	shalt  }
0x40: {  	_ =	shalt  }
0x41: {  	_ =	shalt  }
0x42: {  	_ =	shalt  }
0x43: {  	_ =	shalt  }
0x44: {  	_ =	shalt  }
0x45: {  	_ =	shalt  }
0x46: {  	_ =	shalt  }
0x47: {  	_ =	shalt  }
0x48: {  	_ =	shalt  }
0x49: {  	_ =	shalt  }
0x4a: {  	_ =	shalt  }
0x4b: {  	_ =	shalt  }
0x4c: {  	_ =	shalt  }
0x4d: {  	_ =	shalt  }
0x4e: {  	_ =	shalt  }
0x4f: {  	_ =	shalt  }
0x50: {  	_ =	shalt  }
0x51: {  	_ =	shalt  }
0x52: {  	_ =	shalt  }
0x53: {  	_ =	shalt  }
0x54: {  	_ =	shalt  }
0x55: {  	_ =	shalt  }
0x56: {  	_ =	shalt  }
0x57: {  	_ =	shalt  }
0x58: {  	_ =	shalt  }
0x59: {  	_ =	shalt  }
0x5a: {  	_ =	shalt  }
0x5b: {  	_ =	shalt  }
0x5c: {  	_ =	shalt  }
0x5d: {  	_ =	shalt  }
0x5e: {  	_ =	shalt  }
0x5f: {  	_ =	shalt  }
0x60: {  	_ =	shalt  }
0x61: {  	_ =	shalt  }
0x62: {  	_ =	shalt  }
0x63: {  	_ =	shalt  }
0x64: {  	_ =	shalt  }
0x65: {  	_ =	shalt  }
0x66: {  	_ =	shalt  }
0x67: {  	_ =	shalt  }
0x68: {  	_ =	shalt  }
0x69: {  	_ =	shalt  }
0x6a: {  	_ =	shalt  }
0x6b: {  	_ =	shalt  }
0x6c: {  	_ =	shalt  }
0x6d: {  	_ =	shalt  }
0x6e: {  	_ =	shalt  }
0x6f: {  	_ =	shalt  }
0x70: {  	_ =	shalt  }
0x71: {  	_ =	shalt  }
0x72: {  	_ =	shalt  }
0x73: {  	_ =	shalt  }
0x74: {  	_ =	shalt  }
0x75: {  	_ =	shalt  }
0x76: {  	_ =	shalt  }
0x77: {  	_ =	shalt  }
0x78: {  	_ =	shalt  }
0x79: {  	_ =	shalt  }
0x7a: {  	_ =	shalt  }
0x7b: {  	_ =	shalt  }
0x7c: {  	_ =	shalt  }
0x7d: {  	_ =	shalt  }
0x7e: {  	_ =	shalt  }
0x7f: {  	_ =	shalt  }
0x80: {  	_ =	shalt  }
0x81: {  	_ =	shalt  }
0x82: {  	_ =	shalt  }
0x83: {  	_ =	shalt  }
0x84: {  	_ =	shalt  }
0x85: {  	_ =	shalt  }
0x86: {  	_ =	shalt  }
0x87: {  	_ =	shalt  }
.Lfunc_end0:
.L_simem_size_0:
called_computation_lowered:
.L_overlay_start_0:
0x88: {  	s2 =	sld [smem:$0x3FD9]  }
0x89: {  	s3 =	sld [smem:$0x3FFE];
	_ =	sdelay $0x1  }
0x8a: {  	s1 =	srdreg.scid  }
0x8b: {  	s0 =	sand.u32 $0x1, s1  }
0x8c: {  	s17 =	sshll.u32 s0, $0xA;
	s2 =	sadd.s32 s3, s2  }
0x8d: {  	s2 =	sadd.s32 s2, s17  }
0x8e: {  	[smem:$0x3FBD] =	sst s2  }
0x8f: {  	_ = 	snop  }
0x90: {  	s2 =	sld [smem:$0x3FD0];
	(tm) =	ssettm $0x1  }
0x91: {  	s18 =	sld [smem:$0x3FFB];
	_ =	sdelay $0x3  }
0x92: {  	_ =	strace s18  }
0x93: {  	s3 =	sld [smem:$0x3FFC];
	_ =	sdelay $0x3  }
0x94: {  	_ =	strace s3  }
0x95: {  	s3 =	sld [smem:$0x3FFD];
	_ =	sdelay $0x3  }
0x96: {  	_ =	strace s3  }
0x97: {  	_ =	strace $0x8FFFFFFF  }
0x98: {  	s19 =	sld [smem:$0x3FDB];
	_ =	sdelay $0x1  }
0x99: {  	s4 =	simm.s32 $_scs_section_size  }
0x9a: {  	s5 =	simm.s32 $_size__tile_overlayer_lowered;
	s6 =	simm.s32 $_tile_overlayer_lowered  }
0x9b: {  	s22 =	simm.s32 $0x1BFF;
	s21 =	sshll.u32 s6, $0x1;
	s3 =	sadd.s32 s4, s19  }
0x9c: {  	s7 =	simm.s32 $0x0;
	s20 =	sshll.u32 s5, $0x1;
	s5 =	sadd.s32 s21, s3  }
0x9d: {  	[timem:s7], [sflag:s22] =	dma.local [hbm:s5], s20  }
0x9e: {  	_ =	swait.ge [sflag:s22], s20  }
0x9f: {  	s4 =	ssub.s32 $0x0, s20;
	[sflag:s22] =	ssyncset.done $0x0  }
0xa0: {  	[sflag:s22] =	ssyncadd.s32 s4;
	_ =	sdelay $0x1  }
0xa1: {  	s23 =	simm.s32 $0x1B8B  }
0xa2: {  	_ =	swait.ge [sflag:s23], $0x1  }
0xa3: {  	[sflag:s23] =	ssyncset.done $0x0  }
0xa4: {  	s25 =	simm.s32 $0x1B8E;
	s24 =	sld [smem:$0x3FFE];
	[sflag:s23] =	ssyncadd.s32 $0xFFFFFFFF  }
0xa5: {  	s26 =	simm.s32 $execute0_lowered;
	[smem:$0x3FD2] =	sst s25  }
0xa6: {  	s5 =	sshll.u32 s26, $0x1;
	_ =	strace $0x80000046;
	[dreg:$0x1] =	wrdreg $0xFFFFFFFF  }
0xa7: {  	s28 =	simm.s32 $_size_execute0_lowered;
	s3 =	sadd.s32 s3, s5;
	[dreg:$0x0] =	wrdreg $0x0  }
0xa8: {  	s5 =	sshll.u32 s28, $0x1;
	[dreg:$0x2] =	wrdreg s3  }
0xa9: {  	[dreg:$0x3] =	wrdreg s5  }
0xaa: {  	[dreg:$0x4] =	wrdreg $0xC0  }
0xab: {  	_ =	task [dreg:s7], $0x5FFFF  }
0xac: {  	[dreg:$0x1] =	wrdreg $0xFFFFFFFF  }
0xad: {  	[dreg:$0x0] =	wrdreg $0x60  }
0xae: {  	[dreg:$0x2] =	wrdreg s2  }
0xaf: {  	[dreg:$0x3] =	wrdreg s24  }
0xb0: {  	[dreg:$0x4] =	wrdreg $0x9E000  }
0xb1: {  	[dreg:$0x5] =	wrdreg $0x9  }
0xb2: {  	_ =	task.clear_ibuf [dreg:s7], $0x6FFFF;
	_ =	strace $0x90000046  }
0xb3: {  	s29 =	simm.s32 $0x9;
	_ =	strace $0x80000048  }
0xb4: {  	_ =	swait.ge [sflag:s29], $0x1  }
0xb5: {  	[sflag:s29] =	ssyncadd.s32 $0xFFFFFFFF  }
0xb6: {  	_ =	strace $0x90000048  }
0xb7: {  	_ =	sfence  }
0xb8: {  	s30 =	sld [smem:$0x0];
	_ =	sdelay $0x2  }
0xb9: {  	s31 =	sshll.u32 s1, $0xD;
	s1 =	sshrl.u32 s1, $0x2  }
0xba: {  	s3 =	sand.u32 $0x4000, s31;
	s1 =	sadd.s32 s1, s30  }
0xbb: {  	s0 =	sor.u32 s3, s0;
	s1 =	sshll.u32 s1, $0x11  }
0xbc: {  	s0 =	sor.u32 s1, s0  }
0xbd: {  	s0 =	sadd.s32 $0x8F2B, s0  }
0xbe: {  	[sflag:s0] =	ssyncadd.remote.s32 $0x1  }
0xbf: {  	_ =	sfence.sel $0xFFFF  }
0xc0: {  	[dreg:$0x0] =	wrdreg $0xFFFFFFFF;
	(pc) =	sbr.abs _section_cstart, $3  }
0xc1: {  	[dreg:$0x1] =	wrdreg $0xFFFFFFFF  }
0xc2: {  	_ =	task.clear_ibuf [dreg:s7], $0x2FFFF;
	_ =	strace $0x9FFFFFFF  }
0xc3: {  	(tm) =	ssettm $0x7FFFFFFF  }
tec
execute0_lowered:
.L_overlay_start_1:
0x0: {  	(tag) =	ssettag $0x1  }
0x1: {  	s1 =	rddreg [dreg:$0x0]  }
0x2: {  	s0 =	rddreg [dreg:$0x1]  }
0x3: {  	s2 =	rddreg [dreg:$0x2];
	s3 =	srdreg.scid  }
0x4: {  	s4 =	simm.s32 $0x0;
	s13 =	stileid.u32;
	s28 =	simm.s32 $0x7  }
0x5: {  	s30 =	simm.s32 $0x40;
	s31 =	simm.s32 $0x3E00;
	s3 =	sand.u32 $0x1, s3  }
0x6: {  	[smem:$0x7FF] =	sst s4;
	s6 =	smul.u32 $0x4F000, s13;
	s8 =	sadd.s32 $0x2000, s0  }
0x7: {  	s29 =	smul.u32 $0x2780, s13;
	s5 =	sshll.u32 s3, $0x4;
	_ =	strace $0x80000047  }
0x8: {  	s10 =	smul.u32 $0x27800, s3;
	s3 =	ssub.s32 $0x2, s3;
	s6 =	sshrl.u32 s6, $0x2  }
0x9: {  	s7 =	sor.u32 s13, s5;
	s5 =	sadd.s32 $0x39A000, s0;
	s6 =	sadd.s32 s6, s2  }
0xa: {  	s11 =	sshrl.u32 s3, $0x1;
	s13 =	simm.s32 $0x1D80;
	s12 =	sadd.s32 $0x2000, s6  }
0xb: {  	s9 =	smul.u32 $0x500, s7;
	s14 =	sadd.s32 $0x4000, s6;
	[dreg:$0x4] =	wrdreg s12  }
0xc: {  	s3 =	ssub.s32 s3, s11;
	s15 =	sadd.s32 $0x6000, s6;
	[dreg:$0x5] =	wrdreg s14  }
0xd: {  	s16 =	smul.u32 $0x1400, s7;
	s19 =	sadd.s32 $0x8000, s6;
	[dreg:$0x6] =	wrdreg s15  }
0xe: {  	s20 =	sadd.s32 $0xA000, s6;
	s21 =	sadd.s32 $0xC000, s6;
	[dreg:$0x7] =	wrdreg s19  }
0xf: {  	s22 =	sadd.s32 $0xE000, s6;
	s24 =	sadd.s32 $0x12000, s6;
	[dreg:$0x8] =	wrdreg s20  }
0x10: {  	s3 =	smax.u32 s3, $0x1;
	s9 =	sadd.s32 s9, s0;
	[dreg:$0x9] =	wrdreg s21  }
0x11: {  	s0 =	sadd.s32 s10, s0;
	[dreg:$0xa] =	wrdreg s22;
	s23 =	sshrl.u32 s16, $0x3  }
0x12: {  	s12 =	smul.u32 $0x14000, s7;
	s14 =	sadd.s32 $0x10000, s6;
	[dreg:$0xc] =	wrdreg s24  }
0x13: {  	s25 =	sadd.s32 $0xA00, s16;
	s19 =	smul.u32 $0xA0000, s7;
	[dreg:$0xf] =	wrdreg s3  }
0x14: {  	s3 =	simm.s32 $0x1;
	s10 =	simm.s32 $0x7E00;
	s15 =	simm.s32 $0x0  }
0x15: {  	[dreg:$0xb] =	wrdreg s14;
	s11 =	sadd.s32 s8, s23;
	s17 =	sadd.s32 $0x7000, s9  }
0x16: {  	s26 =	sshrl.u32 s25, $0x3;
	s9 =	sshll.u32 s25, $0x4;
	s0 =	sadd.s32 $0x11000, s0  }
0x17: {  	s14 =	simm.s32 $0x5;
	[dreg:$0xd] =	wrdreg s11;
	s18 =	sadd.s32 s5, s12  }
.Ltmp0:
0x18: {  	s7 =	sadd.s32 s8, s26;
	s21 =	sadd.s32 s5, s9;
	(pc) =	sbr.rel .LBB2_1-.Ltmp0, $4  }
0x19: {  	s0 =	sadd.s32 s29, s0;
	s26 =	simm.s32 $0x1E00;
	s8 =	simm.s32 $0x1D00  }
0x1a: {  	s9 =	simm.s32 $0x6;
	s11 =	simm.s32 $0x2;
	[dreg:$0xe] =	wrdreg s7  }
0x1b: {  	s12 =	simm.s32 $0x4;
	s23 =	sadd.s32 $0x800, s18;
	[dreg:$0x10] =	wrdreg s0  }
0x1c: {  	v0 =	vimm.f32 $0.0e+00;
	s25 =	sadd.s32 $0xA800, s18;
	s0 =	simm.s32 $0x5E00;
	s7 =	simm.s32 $0x3  }
.LBB2_25:
0x1d: {  	[spmem:s2] =	stream.indirect.scatter.add.f32 [tilespmem:s10], [sflag:$0x6], $0x80, s13, s30, $0xb8;
	[tilespmem:$0x1DA00] =	vst v63  }
0x1e: {  	_ =	swait.ge [sflag:s14], $0x2000  }
0x1f: {  	[sflag:s14] =	ssyncset.done $0x0  }
0x20: {  	[sflag:s14] =	ssyncadd.s32 $0xFFFFE000  }
0x21: {  	_ =	swait.ge [sflag:s9], $0x2000  }
0x22: {  	[sflag:s9] =	ssyncset.done $0x0  }
0x23: {  	s16 =	stileid.u32;
	[sflag:s9] =	ssyncadd.s32 $0xFFFFE000  }
0x24: {  	s16 =	sshll.u32 s16, $0x6;
	[bflag:$0x0] =	sbarrier.arrive $0xFFFF  }
0x25: {  	s20 =	sshrl.u32 s6, $0x3;
	s16 =	sor.u32 $0x1C07, s16;
	s22 =	rddreg [dreg:$0x10]  }
0x26: {  	[hbm:s22], [sflag:s16] =	dma.local [spmem:s20], $0x2780  }
0x27: {  	_ =	swait.ge [sflag:s28], $0x2780  }
0x28: {  	s15 =	sadd.s32 $0x1, s15;
	s29 =	rddreg [dreg:$0xf]  }
0x29: {  	p0 =	sne.s32 s15, s29  }
.Ltmp1:
0x2a: {  	_ = 	snop;
	(pc) =	sbr.rel @!p0 .LBB2_26-.Ltmp1, $3  }
0x2b: {  	_ =	sdelay $0x1  }
0x2c: {  	[sflag:s28] =	ssyncset.done $0x0  }
0x2d: {  	[sflag:s28] =	ssyncadd.s32 $0xFFFFD880  }
.LBB2_1:
0x2e: {  	s16 =	simm.s32 $0x0;
	s20 =	simm.s32 $0x200  }
.LBB2_2:
0x2f: {  	p0 =	sne.s32 s20, $0x7E00;
	[tilespmem:s16+$0x1E70] =	vst v0  }
0x30: {  	[tilespmem:s16+$0x1E00] =	vst v0  }
0x31: {  	[tilespmem:s16+$0x1E10] =	vst v0  }
.Ltmp2:
0x32: {  	[tilespmem:s16+$0x1E20] =	vst v0;
	(pc) =	sbr.rel @p0 .LBB2_2-.Ltmp2, $4  }
0x33: {  	[tilespmem:s16+$0x1E30] =	vst v0  }
0x34: {  	[tilespmem:s16+$0x1E40] =	vst v0  }
0x35: {  	[tilespmem:s16+$0x1E50] =	vst v0  }
0x36: {  	[tilespmem:s16+$0x1E60] =	vst v0;
	s16 =	sshra.s32 s20, $0x2;
	s20 =	sadd.s32 $0x200, s20  }
0x37: {  	[tilespmem:s16+$0x1E70] =	vst v0  }
0x38: {  	[tilespmem:s16+$0x1E00] =	vst v0  }
0x39: {  	[tilespmem:s16+$0x1E10] =	vst v0  }
0x3a: {  	[tilespmem:s16+$0x1E20] =	vst v0  }
0x3b: {  	[tilespmem:s16+$0x1E30] =	vst v0  }
0x3c: {  	[tilespmem:s16+$0x1E40] =	vst v0  }
0x3d: {  	[tilespmem:s16+$0x1E50] =	vst v0  }
0x3e: {  	[tilespmem:s16+$0x1E60] =	vst v0  }
0x3f: {  	[spmem:s6] =	stream.linear.scatter [tilespmem:s26], [sflag:$0x7], $0x2000, $0x38;
	[tilespmem:$0x1DA00] =	vst v63  }
0x40: {  	_ =	swait.ge [sflag:s28], $0x2000  }
0x41: {  	[sflag:s28] =	ssyncset.done $0x0  }
0x42: {  	s24 =	rddreg [dreg:$0x4];
	[sflag:s28] =	ssyncadd.s32 $0xFFFFE000  }
0x43: {  	[spmem:s24] =	stream.linear.scatter [tilespmem:s26], [sflag:$0x7], $0x2000, $0x38;
	[tilespmem:$0x1DA00] =	vst v63  }
0x44: {  	_ =	swait.ge [sflag:s28], $0x2000  }
0x45: {  	[sflag:s28] =	ssyncset.done $0x0  }
0x46: {  	s29 =	rddreg [dreg:$0x5];
	[sflag:s28] =	ssyncadd.s32 $0xFFFFE000  }
0x47: {  	[spmem:s29] =	stream.linear.scatter [tilespmem:s26], [sflag:$0x7], $0x2000, $0x38;
	[tilespmem:$0x1DA00] =	vst v63  }
0x48: {  	_ =	swait.ge [sflag:s28], $0x2000  }
0x49: {  	[sflag:s28] =	ssyncset.done $0x0  }
0x4a: {  	s20 =	rddreg [dreg:$0x6];
	[sflag:s28] =	ssyncadd.s32 $0xFFFFE000  }
0x4b: {  	[spmem:s20] =	stream.linear.scatter [tilespmem:s26], [sflag:$0x7], $0x2000, $0x38;
	[tilespmem:$0x1DA00] =	vst v63  }
0x4c: {  	_ =	swait.ge [sflag:s28], $0x2000  }
0x4d: {  	[sflag:s28] =	ssyncset.done $0x0  }
0x4e: {  	s22 =	rddreg [dreg:$0x7];
	[sflag:s28] =	ssyncadd.s32 $0xFFFFE000  }
0x4f: {  	[spmem:s22] =	stream.linear.scatter [tilespmem:s26], [sflag:$0x7], $0x2000, $0x38;
	[tilespmem:$0x1DA00] =	vst v63  }
0x50: {  	_ =	swait.ge [sflag:s28], $0x2000  }
0x51: {  	[sflag:s28] =	ssyncset.done $0x0  }
0x52: {  	s24 =	rddreg [dreg:$0x8];
	[sflag:s28] =	ssyncadd.s32 $0xFFFFE000  }
0x53: {  	[spmem:s24] =	stream.linear.scatter [tilespmem:s26], [sflag:$0x7], $0x2000, $0x38;
	[tilespmem:$0x1DA00] =	vst v63  }
0x54: {  	_ =	swait.ge [sflag:s28], $0x2000  }
0x55: {  	[sflag:s28] =	ssyncset.done $0x0  }
0x56: {  	s29 =	rddreg [dreg:$0x9];
	[sflag:s28] =	ssyncadd.s32 $0xFFFFE000  }
0x57: {  	[spmem:s29] =	stream.linear.scatter [tilespmem:s26], [sflag:$0x7], $0x2000, $0x38;
	[tilespmem:$0x1DA00] =	vst v63  }
0x58: {  	_ =	swait.ge [sflag:s28], $0x2000  }
0x59: {  	[sflag:s28] =	ssyncset.done $0x0  }
0x5a: {  	s20 =	rddreg [dreg:$0xa];
	[sflag:s28] =	ssyncadd.s32 $0xFFFFE000  }
0x5b: {  	[spmem:s20] =	stream.linear.scatter [tilespmem:s26], [sflag:$0x7], $0x2000, $0x38;
	[tilespmem:$0x1DA00] =	vst v63  }
0x5c: {  	_ =	swait.ge [sflag:s28], $0x2000  }
0x5d: {  	[sflag:s28] =	ssyncset.done $0x0  }
0x5e: {  	s22 =	rddreg [dreg:$0xb];
	[sflag:s28] =	ssyncadd.s32 $0xFFFFE000  }
0x5f: {  	[spmem:s22] =	stream.linear.scatter [tilespmem:s26], [sflag:$0x7], $0x2000, $0x38;
	[tilespmem:$0x1DA00] =	vst v63  }
0x60: {  	_ =	swait.ge [sflag:s28], $0x2000  }
0x61: {  	[sflag:s28] =	ssyncset.done $0x0  }
0x62: {  	s24 =	rddreg [dreg:$0xc];
	[sflag:s28] =	ssyncadd.s32 $0xFFFFE000  }
0x63: {  	[spmem:s24] =	stream.linear.scatter [tilespmem:s26], [sflag:$0x7], $0x1C00, $0x38;
	[tilespmem:$0x1DA00] =	vst v63  }
0x64: {  	_ =	swait.ge [sflag:s28], $0x1C00  }
0x65: {  	[sflag:s28] =	ssyncset.done $0x0  }
0x66: {  	[sflag:s28] =	ssyncadd.s32 $0xFFFFE400  }
0x67: {  	[bflag:$0x0] =	sbarrier.arrive $0xFFFF  }
0x68: {  	s16 =	simm.s32 $0x0;
	s20 =	rddreg [dreg:$0xd]  }
0x69: {  	[tilespmem:s16], [sflag:$0x7] =	stream.linear.gather [hbm4b:s20+s16], $0xA00, $0x38;
	[tilespmem:$0x1DA00] =	vst v63  }
0x6a: {  	_ =	swait.ge [sflag:s28], $0xA00  }
0x6b: {  	[sflag:s28] =	ssyncset.done $0x0  }
0x6c: {  	s29 =	simm.s32 $0xA00;
	[sflag:s28] =	ssyncadd.s32 $0xFFFFF600  }
0x6d: {  	[tilespmem:s29], [sflag:$0x7] =	stream.linear.gather [hbm4b:s17+s16], $0x1400, $0x38;
	[tilespmem:$0x1DA00] =	vst v63  }
0x6e: {  	_ =	swait.ge [sflag:s28], $0x1400  }
0x6f: {  	[sflag:s28] =	ssyncset.done $0x0  }
0x70: {  	[sflag:s28] =	ssyncadd.s32 $0xFFFFEC00  }
0x71: {  	[tilespmem:s26], [sflag:$0x1] =	stream.indirect.gather [hbm4b:s1+s30], $0x80, s16, s30, $0xb8;
	[tilespmem:$0x1DA00] =	vst v63  }
0x72: {  	_ = 	snop  }
0x73: {  	[tilespmem:s31], [sflag:$0x2] =	stream.indirect.gather [hbm4b:s1+s30], $0x80, s30, s30, $0xb8;
	[tilespmem:$0x1DA00] =	vst v63  }
0x74: {  	_ = 	snop  }
0x75: {  	[tilespmem:s0], [sflag:$0x3] =	stream.linear.gather [hbm4b:s18+s16], $0x2000, $0x38;
	[tilespmem:$0x1DA00] =	vst v63  }
.LBB2_4:
0x76: {  	_ =	swait.ge [sflag:s3], $0x2000  }
0x77: {  	[sflag:s3] =	ssyncset.done $0x0  }
0x78: {  	[sflag:s3] =	ssyncadd.s32 $0xFFFFE000  }
0x79: {  	_ =	swait.ge [sflag:s7], $0x2000  }
0x7a: {  	[sflag:s7] =	ssyncset.done $0x0  }
0x7b: {  	s29 =	simm.s32 $0x0;
	[sflag:s7] =	ssyncadd.s32 $0xFFFFE000  }
0x7c: {  	v8 =	vld [tilespmem:s29+$0x1E00]  }
0x7d: {  	v12 =	vld [tilespmem:s29+$0x1E10]  }
0x7e: {  	v6 =	vld [tilespmem:s29+$0x1E20]  }
0x7f: {  	v5 =	vld [tilespmem:s29+$0x1E30]  }
0x80: {  	v4 =	vld [tilespmem:s29+$0x1E40]  }
0x81: {  	v3 =	vld [tilespmem:s29+$0x1E50]  }
0x82: {  	v2 =	vld [tilespmem:s29+$0x1E60]  }
0x83: {  	v1 =	vld [tilespmem:s29+$0x1E70]  }
0x84: {  	v13 =	vld [tilespmem:s29+$0x5E00]  }
0x85: {  	v14 =	vld [tilespmem:s29+$0x5E10]  }
0x86: {  	v11 =	vld [tilespmem:s29+$0x5E20]  }
0x87: {  	v10 =	vld [tilespmem:s29+$0x5E30]  }
0x88: {  	v9 =	vld [tilespmem:s29+$0x5E40]  }
0x89: {  	v7 =	vld [tilespmem:s29+$0x5E50];
	v13 =	vmul.f32 v13, v8  }
0x8a: {  	s20 =	simm.s32 $0x200;
	v12 =	vmul.f32 v14, v12;
	v8 =	vld [tilespmem:s29+$0x5E60]  }
.LBB2_5:
0x8b: {  	s22 =	sshra.s32 s20, $0x2;
	p0 =	sne.s32 s20, $0x7E00;
	[tilespmem:s29+$0x5E00] =	vst v13;
	v6 =	vmul.f32 v11, v6;
	v11 =	vld [tilespmem:s29+$0x5E70]  }
0x8c: {  	v13 =	vld [tilespmem:s22+$0x1E00];
	[tilespmem:s29+$0x5E10] =	vst v12;
	v5 =	vmul.f32 v10, v5  }
0x8d: {  	v12 =	vld [tilespmem:s22+$0x1E10];
	[tilespmem:s29+$0x5E20] =	vst v6;
	v4 =	vmul.f32 v9, v4  }
0x8e: {  	v6 =	vld [tilespmem:s22+$0x1E20];
	[tilespmem:s29+$0x5E30] =	vst v5;
	v3 =	vmul.f32 v7, v3  }
0x8f: {  	v5 =	vld [tilespmem:s22+$0x1E30];
	[tilespmem:s29+$0x5E40] =	vst v4;
	v2 =	vmul.f32 v8, v2  }
0x90: {  	v4 =	vld [tilespmem:s22+$0x1E40];
	[tilespmem:s29+$0x5E50] =	vst v3;
	v1 =	vmul.f32 v11, v1  }
0x91: {  	v3 =	vld [tilespmem:s22+$0x1E50];
	[tilespmem:s29+$0x5E60] =	vst v2  }
0x92: {  	v2 =	vld [tilespmem:s22+$0x1E60];
	[tilespmem:s29+$0x5E70] =	vst v1;
	s29 =	smov.u32 s22  }
0x93: {  	v1 =	vld [tilespmem:s29+$0x1E70]  }
0x94: {  	v7 =	vld [tilespmem:s29+$0x5E00]  }
0x95: {  	v8 =	vld [tilespmem:s29+$0x5E10]  }
.Ltmp3:
0x96: {  	v11 =	vld [tilespmem:s29+$0x5E20];
	(pc) =	sbr.rel @p0 .LBB2_5-.Ltmp3, $4  }
0x97: {  	v10 =	vld [tilespmem:s29+$0x5E30]  }
0x98: {  	v9 =	vld [tilespmem:s29+$0x5E40]  }
0x99: {  	v13 =	vmul.f32 v7, v13;
	v7 =	vld [tilespmem:s29+$0x5E50]  }
0x9a: {  	s20 =	sadd.s32 $0x200, s20;
	v12 =	vmul.f32 v8, v12;
	v8 =	vld [tilespmem:s29+$0x5E60]  }
0x9b: {  	[tilespmem:s29+$0x5E00] =	vst v13;
	v6 =	vmul.f32 v11, v6;
	v63 =	vld [tilespmem:s29+$0x5E70]  }
0x9c: {  	[tilespmem:s29+$0x5E10] =	vst v12;
	v5 =	vmul.f32 v10, v5  }
0x9d: {  	p0 =	sne.s32 s16, $0x13;
	[tilespmem:s29+$0x5E20] =	vst v6;
	v4 =	vmul.f32 v9, v4  }
.Ltmp4:
0x9e: {  	[tilespmem:s29+$0x5E30] =	vst v5;
	v3 =	vmul.f32 v7, v3;
	(pc) =	sbr.rel @p0 .LBB2_8-.Ltmp4, $4  }
0x9f: {  	[tilespmem:s29+$0x5E40] =	vst v4;
	v2 =	vmul.f32 v8, v2  }
0xa0: {  	[tilespmem:s29+$0x5E50] =	vst v3;
	v1 =	vmul.f32 v63, v1  }
0xa1: {  	[tilespmem:s29+$0x5E60] =	vst v2  }
0xa2: {  	[tilespmem:s29+$0x5E70] =	vst v1  }
.Ltmp5:
0xa3: {  	(pc) =	sbr.rel .LBB2_9-.Ltmp5, $2  }
0xa4: {  	_ =	sdelay $0x2  }
0xa5: {  	[spmem:s2] =	stream.indirect.scatter.add.f32 [tilespmem:s0], [sflag:$0x5], $0x80, s8, s30, $0xb8;
	[tilespmem:$0x1DA00] =	vst v63  }
.LBB2_8:
0xa6: {  	s20 =	sshll.u32 s16, $0x7  }
0xa7: {  	p0 =	seq.s32 s16, $0x0;
	s20 =	sand.u32 $0x3FFFFF80, s20  }
.Ltmp6:
0xa8: {  	s29 =	sshll.u32 s16, $0x8;
	s20 =	sadd.s32 $0x80, s20;
	(pc) =	sbr.rel @p0 .LBB2_10-.Ltmp6, $4  }
0xa9: {  	[tilespmem:s26], [sflag:$0x1] =	stream.indirect.gather [hbm4b:s1+s30], $0x80, s20, s30, $0xb8;
	[tilespmem:$0x1DA00] =	vst v63  }
0xaa: {  	s20 =	sand.u32 $0x3FFFFF00, s29  }
0xab: {  	s20 =	sadd.s32 $0xA00, s20  }
0xac: {  	[spmem:s2] =	stream.indirect.scatter.add.f32 [tilespmem:s0], [sflag:$0x5], $0x80, s20, s30, $0xb8;
	[tilespmem:$0x1DA00] =	vst v63  }
.LBB2_9:
0xad: {  	_ =	swait.ge [sflag:s9], $0x2000  }
0xae: {  	[sflag:s9] =	ssyncset.done $0x0  }
0xaf: {  	[sflag:s9] =	ssyncadd.s32 $0xFFFFE000  }
.LBB2_10:
0xb0: {  	s20 =	sshll.u32 s16, $0x1  }
0xb1: {  	s29 =	sor.u32 $0x1, s20  }
0xb2: {  	s20 =	sshll.u32 s29, $0xD  }
0xb3: {  	s20 =	sadd.s32 s19, s20  }
0xb4: {  	s20 =	sshrl.u32 s20, $0x3  }
0xb5: {  	s22 =	simm.s32 $0x0;
	s20 =	sadd.s32 s5, s20  }
0xb6: {  	[tilespmem:s10], [sflag:$0x4] =	stream.linear.gather [hbm4b:s20+s22], $0x2000, $0x38;
	[tilespmem:$0x1DA00] =	vst v63  }
0xb7: {  	_ =	swait.ge [sflag:s11], $0x2000  }
0xb8: {  	[sflag:s11] =	ssyncset.done $0x0  }
0xb9: {  	[sflag:s11] =	ssyncadd.s32 $0xFFFFE000  }
0xba: {  	_ =	swait.ge [sflag:s12], $0x2000  }
0xbb: {  	[sflag:s12] =	ssyncset.done $0x0  }
0xbc: {  	s20 =	simm.s32 $0x0;
	[sflag:s12] =	ssyncadd.s32 $0xFFFFE000  }
0xbd: {  	v8 =	vld [tilespmem:s20+$0x3E00]  }
0xbe: {  	v12 =	vld [tilespmem:s20+$0x3E10]  }
0xbf: {  	v6 =	vld [tilespmem:s20+$0x3E20]  }
0xc0: {  	v5 =	vld [tilespmem:s20+$0x3E30]  }
0xc1: {  	v4 =	vld [tilespmem:s20+$0x3E40]  }
0xc2: {  	v3 =	vld [tilespmem:s20+$0x3E50]  }
0xc3: {  	v2 =	vld [tilespmem:s20+$0x3E60]  }
0xc4: {  	v1 =	vld [tilespmem:s20+$0x3E70]  }
0xc5: {  	v13 =	vld [tilespmem:s20+$0x7E00]  }
0xc6: {  	v14 =	vld [tilespmem:s20+$0x7E10]  }
0xc7: {  	v11 =	vld [tilespmem:s20+$0x7E20]  }
0xc8: {  	v10 =	vld [tilespmem:s20+$0x7E30]  }
0xc9: {  	v9 =	vld [tilespmem:s20+$0x7E40]  }
0xca: {  	v7 =	vld [tilespmem:s20+$0x7E50];
	v13 =	vmul.f32 v13, v8  }
0xcb: {  	s22 =	simm.s32 $0x200;
	v12 =	vmul.f32 v14, v12;
	v8 =	vld [tilespmem:s20+$0x7E60]  }
.LBB2_11:
0xcc: {  	s24 =	sshra.s32 s22, $0x2;
	p0 =	sne.s32 s22, $0x7E00;
	[tilespmem:s20+$0x7E00] =	vst v13;
	v6 =	vmul.f32 v11, v6;
	v11 =	vld [tilespmem:s20+$0x7E70]  }
0xcd: {  	v13 =	vld [tilespmem:s24+$0x3E00];
	[tilespmem:s20+$0x7E10] =	vst v12;
	v5 =	vmul.f32 v10, v5  }
0xce: {  	v12 =	vld [tilespmem:s24+$0x3E10];
	[tilespmem:s20+$0x7E20] =	vst v6;
	v4 =	vmul.f32 v9, v4  }
0xcf: {  	v6 =	vld [tilespmem:s24+$0x3E20];
	[tilespmem:s20+$0x7E30] =	vst v5;
	v3 =	vmul.f32 v7, v3  }
0xd0: {  	v5 =	vld [tilespmem:s24+$0x3E30];
	[tilespmem:s20+$0x7E40] =	vst v4;
	v2 =	vmul.f32 v8, v2  }
0xd1: {  	v4 =	vld [tilespmem:s24+$0x3E40];
	[tilespmem:s20+$0x7E50] =	vst v3;
	v1 =	vmul.f32 v11, v1  }
0xd2: {  	v3 =	vld [tilespmem:s24+$0x3E50];
	[tilespmem:s20+$0x7E60] =	vst v2  }
0xd3: {  	v2 =	vld [tilespmem:s24+$0x3E60];
	[tilespmem:s20+$0x7E70] =	vst v1;
	s20 =	smov.u32 s24  }
0xd4: {  	v1 =	vld [tilespmem:s20+$0x3E70]  }
0xd5: {  	v7 =	vld [tilespmem:s20+$0x7E00]  }
0xd6: {  	v8 =	vld [tilespmem:s20+$0x7E10]  }
.Ltmp7:
0xd7: {  	v11 =	vld [tilespmem:s20+$0x7E20];
	(pc) =	sbr.rel @p0 .LBB2_11-.Ltmp7, $4  }
0xd8: {  	v10 =	vld [tilespmem:s20+$0x7E30]  }
0xd9: {  	v9 =	vld [tilespmem:s20+$0x7E40]  }
0xda: {  	v13 =	vmul.f32 v7, v13;
	v7 =	vld [tilespmem:s20+$0x7E50]  }
0xdb: {  	s22 =	sadd.s32 $0x200, s22;
	v12 =	vmul.f32 v8, v12;
	v8 =	vld [tilespmem:s20+$0x7E60]  }
0xdc: {  	[tilespmem:s20+$0x7E00] =	vst v13;
	v6 =	vmul.f32 v11, v6;
	v63 =	vld [tilespmem:s20+$0x7E70]  }
0xdd: {  	[tilespmem:s20+$0x7E10] =	vst v12;
	v5 =	vmul.f32 v10, v5  }
0xde: {  	p0 =	seq.s32 s16, $0x13;
	[tilespmem:s20+$0x7E20] =	vst v6;
	v4 =	vmul.f32 v9, v4  }
.Ltmp8:
0xdf: {  	[tilespmem:s20+$0x7E30] =	vst v5;
	v3 =	vmul.f32 v7, v3;
	(pc) =	sbr.rel @p0 .LBB2_14-.Ltmp8, $4  }
0xe0: {  	[tilespmem:s20+$0x7E40] =	vst v4;
	v2 =	vmul.f32 v8, v2  }
0xe1: {  	[tilespmem:s20+$0x7E50] =	vst v3;
	v1 =	vmul.f32 v63, v1  }
0xe2: {  	[tilespmem:s20+$0x7E60] =	vst v2  }
0xe3: {  	[tilespmem:s20+$0x7E70] =	vst v1  }
0xe4: {  	s20 =	sshll.u32 s16, $0x7  }
0xe5: {  	s20 =	sand.u32 $0x3FFFFF80, s20  }
0xe6: {  	s24 =	sshll.u32 s29, $0x7;
	s20 =	sadd.s32 $0xC0, s20  }
0xe7: {  	[tilespmem:s31], [sflag:$0x2] =	stream.indirect.gather [hbm4b:s1+s30], $0x80, s20, s30, $0xb8;
	[tilespmem:$0x1DA00] =	vst v63  }
0xe8: {  	s20 =	sand.u32 $0x3FFFFF80, s24  }
0xe9: {  	s20 =	sadd.s32 $0xA00, s20  }
0xea: {  	[spmem:s2] =	stream.indirect.scatter.add.f32 [tilespmem:s10], [sflag:$0x6], $0x80, s20, s30, $0xb8;
	[tilespmem:$0x1DA00] =	vst v63  }
.Ltmp9:
0xeb: {  	_ = 	snop;
	(pc) =	sbr.rel .LBB2_4-.Ltmp9, $4  }
0xec: {  	_ =	swait.ge [sflag:s14], $0x2000  }
0xed: {  	s29 =	sshll.u32 s16, $0xB;
	[sflag:s14] =	ssyncset.done $0x0  }
0xee: {  	s16 =	sadd.s32 $0x1, s16;
	s20 =	sadd.s32 s23, s29;
	[sflag:s14] =	ssyncadd.s32 $0xFFFFE000  }
0xef: {  	[tilespmem:s0], [sflag:$0x3] =	stream.linear.gather [hbm4b:s20+s4], $0x2000, $0x38;
	[tilespmem:$0x1DA00] =	vst v63  }
.LBB2_14:
0xf0: {  	[spmem:s2] =	stream.indirect.scatter.add.f32 [tilespmem:s10], [sflag:$0x6], $0x80, s13, s30, $0xb8;
	[tilespmem:$0x1DA00] =	vst v63  }
0xf1: {  	_ =	swait.ge [sflag:s14], $0x2000  }
0xf2: {  	[sflag:s14] =	ssyncset.done $0x0  }
0xf3: {  	[sflag:s14] =	ssyncadd.s32 $0xFFFFE000  }
0xf4: {  	_ =	swait.ge [sflag:s9], $0x2000  }
0xf5: {  	[sflag:s9] =	ssyncset.done $0x0  }
0xf6: {  	s16 =	simm.s32 $0x0;
	s20 =	rddreg [dreg:$0xe];
	[sflag:s9] =	ssyncadd.s32 $0xFFFFE000  }
0xf7: {  	[tilespmem:s16], [sflag:$0x7] =	stream.linear.gather [hbm4b:s20+s16], $0xA00, $0x38;
	[tilespmem:$0x1DA00] =	vst v63  }
0xf8: {  	_ =	swait.ge [sflag:s28], $0xA00  }
0xf9: {  	[sflag:s28] =	ssyncset.done $0x0  }
0xfa: {  	s29 =	sadd.s32 $0x280, s17;
	s22 =	simm.s32 $0xA00;
	[sflag:s28] =	ssyncadd.s32 $0xFFFFF600  }
0xfb: {  	[tilespmem:s22], [sflag:$0x7] =	stream.linear.gather [hbm4b:s29+s16], $0x1400, $0x38;
	[tilespmem:$0x1DA00] =	vst v63  }
0xfc: {  	_ =	swait.ge [sflag:s28], $0x1400  }
0xfd: {  	[sflag:s28] =	ssyncset.done $0x0  }
0xfe: {  	[sflag:s28] =	ssyncadd.s32 $0xFFFFEC00  }
0xff: {  	[tilespmem:s26], [sflag:$0x1] =	stream.indirect.gather [hbm4b:s1+s30], $0x80, s16, s30, $0xb8;
	[tilespmem:$0x1DA00] =	vst v63  }
0x100: {  	_ = 	snop  }
0x101: {  	[tilespmem:s31], [sflag:$0x2] =	stream.indirect.gather [hbm4b:s1+s30], $0x80, s30, s30, $0xb8;
	[tilespmem:$0x1DA00] =	vst v63  }
0x102: {  	_ = 	snop  }
0x103: {  	[tilespmem:s0], [sflag:$0x3] =	stream.linear.gather [hbm4b:s21+s16], $0x2000, $0x38;
	[tilespmem:$0x1DA00] =	vst v63  }
.LBB2_15:
0x104: {  	_ =	swait.ge [sflag:s3], $0x2000  }
0x105: {  	[sflag:s3] =	ssyncset.done $0x0  }
0x106: {  	[sflag:s3] =	ssyncadd.s32 $0xFFFFE000  }
0x107: {  	_ =	swait.ge [sflag:s7], $0x2000  }
0x108: {  	[sflag:s7] =	ssyncset.done $0x0  }
0x109: {  	s20 =	simm.s32 $0x0;
	[sflag:s7] =	ssyncadd.s32 $0xFFFFE000  }
0x10a: {  	v8 =	vld [tilespmem:s20+$0x1E00]  }
0x10b: {  	v12 =	vld [tilespmem:s20+$0x1E10]  }
0x10c: {  	v6 =	vld [tilespmem:s20+$0x1E20]  }
0x10d: {  	v5 =	vld [tilespmem:s20+$0x1E30]  }
0x10e: {  	v4 =	vld [tilespmem:s20+$0x1E40]  }
0x10f: {  	v3 =	vld [tilespmem:s20+$0x1E50]  }
0x110: {  	v2 =	vld [tilespmem:s20+$0x1E60]  }
0x111: {  	v1 =	vld [tilespmem:s20+$0x1E70]  }
0x112: {  	v13 =	vld [tilespmem:s20+$0x5E00]  }
0x113: {  	v14 =	vld [tilespmem:s20+$0x5E10]  }
0x114: {  	v11 =	vld [tilespmem:s20+$0x5E20]  }
0x115: {  	v10 =	vld [tilespmem:s20+$0x5E30]  }
0x116: {  	v9 =	vld [tilespmem:s20+$0x5E40]  }
0x117: {  	v7 =	vld [tilespmem:s20+$0x5E50];
	v13 =	vmul.f32 v13, v8  }
0x118: {  	s22 =	simm.s32 $0x200;
	v12 =	vmul.f32 v14, v12;
	v8 =	vld [tilespmem:s20+$0x5E60]  }
.LBB2_16:
0x119: {  	s24 =	sshra.s32 s22, $0x2;
	p0 =	sne.s32 s22, $0x7E00;
	[tilespmem:s20+$0x5E00] =	vst v13;
	v6 =	vmul.f32 v11, v6;
	v11 =	vld [tilespmem:s20+$0x5E70]  }
0x11a: {  	v13 =	vld [tilespmem:s24+$0x1E00];
	[tilespmem:s20+$0x5E10] =	vst v12;
	v5 =	vmul.f32 v10, v5  }
0x11b: {  	v12 =	vld [tilespmem:s24+$0x1E10];
	[tilespmem:s20+$0x5E20] =	vst v6;
	v4 =	vmul.f32 v9, v4  }
0x11c: {  	v6 =	vld [tilespmem:s24+$0x1E20];
	[tilespmem:s20+$0x5E30] =	vst v5;
	v3 =	vmul.f32 v7, v3  }
0x11d: {  	v5 =	vld [tilespmem:s24+$0x1E30];
	[tilespmem:s20+$0x5E40] =	vst v4;
	v2 =	vmul.f32 v8, v2  }
0x11e: {  	v4 =	vld [tilespmem:s24+$0x1E40];
	[tilespmem:s20+$0x5E50] =	vst v3;
	v1 =	vmul.f32 v11, v1  }
0x11f: {  	v3 =	vld [tilespmem:s24+$0x1E50];
	[tilespmem:s20+$0x5E60] =	vst v2  }
0x120: {  	v2 =	vld [tilespmem:s24+$0x1E60];
	[tilespmem:s20+$0x5E70] =	vst v1;
	s20 =	smov.u32 s24  }
0x121: {  	v1 =	vld [tilespmem:s20+$0x1E70]  }
0x122: {  	v7 =	vld [tilespmem:s20+$0x5E00]  }
0x123: {  	v8 =	vld [tilespmem:s20+$0x5E10]  }
.Ltmp10:
0x124: {  	v11 =	vld [tilespmem:s20+$0x5E20];
	(pc) =	sbr.rel @p0 .LBB2_16-.Ltmp10, $4  }
0x125: {  	v10 =	vld [tilespmem:s20+$0x5E30]  }
0x126: {  	v9 =	vld [tilespmem:s20+$0x5E40]  }
0x127: {  	v13 =	vmul.f32 v7, v13;
	v7 =	vld [tilespmem:s20+$0x5E50]  }
0x128: {  	s22 =	sadd.s32 $0x200, s22;
	v12 =	vmul.f32 v8, v12;
	v8 =	vld [tilespmem:s20+$0x5E60]  }
0x129: {  	[tilespmem:s20+$0x5E00] =	vst v13;
	v6 =	vmul.f32 v11, v6;
	v63 =	vld [tilespmem:s20+$0x5E70]  }
0x12a: {  	[tilespmem:s20+$0x5E10] =	vst v12;
	v5 =	vmul.f32 v10, v5  }
0x12b: {  	p0 =	sne.s32 s16, $0x13;
	[tilespmem:s20+$0x5E20] =	vst v6;
	v4 =	vmul.f32 v9, v4  }
.Ltmp11:
0x12c: {  	[tilespmem:s20+$0x5E30] =	vst v5;
	v3 =	vmul.f32 v7, v3;
	(pc) =	sbr.rel @p0 .LBB2_19-.Ltmp11, $4  }
0x12d: {  	[tilespmem:s20+$0x5E40] =	vst v4;
	v2 =	vmul.f32 v8, v2  }
0x12e: {  	[tilespmem:s20+$0x5E50] =	vst v3;
	v1 =	vmul.f32 v63, v1  }
0x12f: {  	[tilespmem:s20+$0x5E60] =	vst v2  }
0x130: {  	[tilespmem:s20+$0x5E70] =	vst v1  }
.Ltmp12:
0x131: {  	(pc) =	sbr.rel .LBB2_20-.Ltmp12, $2  }
0x132: {  	_ =	sdelay $0x2  }
0x133: {  	[spmem:s2] =	stream.indirect.scatter.add.f32 [tilespmem:s0], [sflag:$0x5], $0x80, s8, s30, $0xb8;
	[tilespmem:$0x1DA00] =	vst v63  }
.LBB2_19:
0x134: {  	s20 =	sshll.u32 s16, $0x7  }
0x135: {  	p0 =	seq.s32 s16, $0x0;
	s20 =	sand.u32 $0x3FFFFF80, s20  }
.Ltmp13:
0x136: {  	s29 =	sshll.u32 s16, $0x8;
	s20 =	sadd.s32 $0x80, s20;
	(pc) =	sbr.rel @p0 .LBB2_21-.Ltmp13, $4  }
0x137: {  	[tilespmem:s26], [sflag:$0x1] =	stream.indirect.gather [hbm4b:s1+s30], $0x80, s20, s30, $0xb8;
	[tilespmem:$0x1DA00] =	vst v63  }
0x138: {  	s20 =	sand.u32 $0x3FFFFF00, s29  }
0x139: {  	s20 =	sadd.s32 $0xA00, s20  }
0x13a: {  	[spmem:s2] =	stream.indirect.scatter.add.f32 [tilespmem:s0], [sflag:$0x5], $0x80, s20, s30, $0xb8;
	[tilespmem:$0x1DA00] =	vst v63  }
.LBB2_20:
0x13b: {  	_ =	swait.ge [sflag:s9], $0x2000  }
0x13c: {  	[sflag:s9] =	ssyncset.done $0x0  }
0x13d: {  	[sflag:s9] =	ssyncadd.s32 $0xFFFFE000  }
.LBB2_21:
0x13e: {  	s20 =	sshll.u32 s16, $0x1  }
0x13f: {  	s29 =	sor.u32 $0x1, s20  }
0x140: {  	s20 =	sshll.u32 s29, $0xA  }
0x141: {  	s22 =	simm.s32 $0x0;
	s20 =	sadd.s32 s20, s21  }
0x142: {  	[tilespmem:s10], [sflag:$0x4] =	stream.linear.gather [hbm4b:s20+s22], $0x2000, $0x38;
	[tilespmem:$0x1DA00] =	vst v63  }
0x143: {  	_ =	swait.ge [sflag:s11], $0x2000  }
0x144: {  	[sflag:s11] =	ssyncset.done $0x0  }
0x145: {  	[sflag:s11] =	ssyncadd.s32 $0xFFFFE000  }
0x146: {  	_ =	swait.ge [sflag:s12], $0x2000  }
0x147: {  	[sflag:s12] =	ssyncset.done $0x0  }
0x148: {  	s20 =	simm.s32 $0x0;
	[sflag:s12] =	ssyncadd.s32 $0xFFFFE000  }
0x149: {  	v8 =	vld [tilespmem:s20+$0x3E00]  }
0x14a: {  	v12 =	vld [tilespmem:s20+$0x3E10]  }
0x14b: {  	v6 =	vld [tilespmem:s20+$0x3E20]  }
0x14c: {  	v5 =	vld [tilespmem:s20+$0x3E30]  }
0x14d: {  	v4 =	vld [tilespmem:s20+$0x3E40]  }
0x14e: {  	v3 =	vld [tilespmem:s20+$0x3E50]  }
0x14f: {  	v2 =	vld [tilespmem:s20+$0x3E60]  }
0x150: {  	v1 =	vld [tilespmem:s20+$0x3E70]  }
0x151: {  	v13 =	vld [tilespmem:s20+$0x7E00]  }
0x152: {  	v14 =	vld [tilespmem:s20+$0x7E10]  }
0x153: {  	v11 =	vld [tilespmem:s20+$0x7E20]  }
0x154: {  	v10 =	vld [tilespmem:s20+$0x7E30]  }
0x155: {  	v9 =	vld [tilespmem:s20+$0x7E40]  }
0x156: {  	v7 =	vld [tilespmem:s20+$0x7E50];
	v13 =	vmul.f32 v13, v8  }
0x157: {  	s22 =	simm.s32 $0x200;
	v12 =	vmul.f32 v14, v12;
	v8 =	vld [tilespmem:s20+$0x7E60]  }
.LBB2_22:
0x158: {  	s24 =	sshra.s32 s22, $0x2;
	p0 =	sne.s32 s22, $0x7E00;
	[tilespmem:s20+$0x7E00] =	vst v13;
	v6 =	vmul.f32 v11, v6;
	v11 =	vld [tilespmem:s20+$0x7E70]  }
0x159: {  	v13 =	vld [tilespmem:s24+$0x3E00];
	[tilespmem:s20+$0x7E10] =	vst v12;
	v5 =	vmul.f32 v10, v5  }
0x15a: {  	v12 =	vld [tilespmem:s24+$0x3E10];
	[tilespmem:s20+$0x7E20] =	vst v6;
	v4 =	vmul.f32 v9, v4  }
0x15b: {  	v6 =	vld [tilespmem:s24+$0x3E20];
	[tilespmem:s20+$0x7E30] =	vst v5;
	v3 =	vmul.f32 v7, v3  }
0x15c: {  	v5 =	vld [tilespmem:s24+$0x3E30];
	[tilespmem:s20+$0x7E40] =	vst v4;
	v2 =	vmul.f32 v8, v2  }
0x15d: {  	v4 =	vld [tilespmem:s24+$0x3E40];
	[tilespmem:s20+$0x7E50] =	vst v3;
	v1 =	vmul.f32 v11, v1  }
0x15e: {  	v3 =	vld [tilespmem:s24+$0x3E50];
	[tilespmem:s20+$0x7E60] =	vst v2  }
0x15f: {  	v2 =	vld [tilespmem:s24+$0x3E60];
	[tilespmem:s20+$0x7E70] =	vst v1;
	s20 =	smov.u32 s24  }
0x160: {  	v1 =	vld [tilespmem:s20+$0x3E70]  }
0x161: {  	v7 =	vld [tilespmem:s20+$0x7E00]  }
0x162: {  	v8 =	vld [tilespmem:s20+$0x7E10]  }
.Ltmp14:
0x163: {  	v11 =	vld [tilespmem:s20+$0x7E20];
	(pc) =	sbr.rel @p0 .LBB2_22-.Ltmp14, $4  }
0x164: {  	v10 =	vld [tilespmem:s20+$0x7E30]  }
0x165: {  	v9 =	vld [tilespmem:s20+$0x7E40]  }
0x166: {  	v13 =	vmul.f32 v7, v13;
	v7 =	vld [tilespmem:s20+$0x7E50]  }
0x167: {  	s22 =	sadd.s32 $0x200, s22;
	v12 =	vmul.f32 v8, v12;
	v8 =	vld [tilespmem:s20+$0x7E60]  }
0x168: {  	[tilespmem:s20+$0x7E00] =	vst v13;
	v6 =	vmul.f32 v11, v6;
	v63 =	vld [tilespmem:s20+$0x7E70]  }
0x169: {  	[tilespmem:s20+$0x7E10] =	vst v12;
	v5 =	vmul.f32 v10, v5  }
0x16a: {  	p0 =	seq.s32 s16, $0x13;
	[tilespmem:s20+$0x7E20] =	vst v6;
	v4 =	vmul.f32 v9, v4  }
.Ltmp15:
0x16b: {  	[tilespmem:s20+$0x7E30] =	vst v5;
	v3 =	vmul.f32 v7, v3;
	(pc) =	sbr.rel @p0 .LBB2_25-.Ltmp15, $4  }
0x16c: {  	[tilespmem:s20+$0x7E40] =	vst v4;
	v2 =	vmul.f32 v8, v2  }
0x16d: {  	[tilespmem:s20+$0x7E50] =	vst v3;
	v1 =	vmul.f32 v63, v1  }
0x16e: {  	[tilespmem:s20+$0x7E60] =	vst v2  }
0x16f: {  	[tilespmem:s20+$0x7E70] =	vst v1  }
0x170: {  	s20 =	sshll.u32 s16, $0x7  }
0x171: {  	s20 =	sand.u32 $0x3FFFFF80, s20  }
0x172: {  	s24 =	sshll.u32 s29, $0x7;
	s20 =	sadd.s32 $0xC0, s20  }
0x173: {  	[tilespmem:s31], [sflag:$0x2] =	stream.indirect.gather [hbm4b:s1+s30], $0x80, s20, s30, $0xb8;
	[tilespmem:$0x1DA00] =	vst v63  }
0x174: {  	s20 =	sand.u32 $0x3FFFFF80, s24  }
0x175: {  	s20 =	sadd.s32 $0xA00, s20  }
0x176: {  	[spmem:s2] =	stream.indirect.scatter.add.f32 [tilespmem:s10], [sflag:$0x6], $0x80, s20, s30, $0xb8;
	[tilespmem:$0x1DA00] =	vst v63  }
.Ltmp16:
0x177: {  	_ = 	snop;
	(pc) =	sbr.rel .LBB2_15-.Ltmp16, $4  }
0x178: {  	_ =	swait.ge [sflag:s14], $0x2000  }
0x179: {  	s29 =	sshll.u32 s16, $0xB;
	[sflag:s14] =	ssyncset.done $0x0  }
0x17a: {  	s16 =	sadd.s32 $0x1, s16;
	s20 =	sadd.s32 s25, s29;
	[sflag:s14] =	ssyncadd.s32 $0xFFFFE000  }
0x17b: {  	[tilespmem:s0], [sflag:$0x3] =	stream.linear.gather [hbm4b:s20+s4], $0x2000, $0x38;
	[tilespmem:$0x1DA00] =	vst v63  }
.LBB2_26:
0x17c: {  	_ =	sfence.sel $0x180000  }
0x17d: {  	[bflag:$0x0] =	sbarrier.arrive $0xFFFF  }
0x17e: {  	_ =	strace $0x90000047  }
0x17f: {  	s0 =	stileid.u32;
	[bflag:$0x2] =	sbarrier.arrive $0xFFFF  }
0x180: {  	p0 =	sne.s32 s0, $0x0;
	s0 =	rddreg [dreg:$0x3]  }
0x181: {  	s0 =	sadd.s32 @!p0 $0x100000, s0  }
0x182: {  	[sflag:s0] =	ssyncadd.tile.s32 @!p0 $0x1;
	_ =	shalt  }
.Lfunc_end2:
_tile_overlayer_lowered:
.L_overlay_start_2:
0x183: {  	(tag) =	ssettag $0x2  }
0x184: {  	s0 =	rddreg [dreg:$0x0];
	s2 =	stileid.u32  }
0x185: {  	s1 =	rddreg [dreg:$0x1];
	p0 =	sne.s32 s2, $0x0  }
0x186: {  	s3 =	rddreg [dreg:$0x2];
	[bflag:$0x3] =	sbarrier.arrive $0xFFFF;
	s2 =	simm.s32 @!p0 $0x1C07  }
0x187: {  	[timem:s3], [sflag:s2] =	dma.local @!p0 [hbm:s0], s1  }
0x188: {  	s0 =	simm.s32 @!p0 $0x7  }
0x189: {  	_ =	swait.ge @!p0 [sflag:s0], s1  }
0x18a: {  	s1 =	ssub.s32 @!p0 $0x0, s1;
	[sflag:s0] =	ssyncset.done @!p0 $0x0  }
0x18b: {  	[sflag:s0] =	ssyncadd.s32 @!p0 s1  }
0x18c: {  	[bflag:$0x3] =	sbarrier.arrive $0xFFFF  }
0x18d: {  	_ =	shalt  }

</sc_bundles>
